<compile_context>
chip_gen: v7x
topology: tpu7x:2x2x1
jax: 0.10.2.dev20260603
libtpu: 0.0.44.dev20260713+nightly
codegen_flags: <defaults>
</compile_context>

<pallas_src>
import jax
import jax.numpy as jnp
from jax import lax
from jax.experimental import pallas as pl
from jax.experimental.pallas import tpu as pltpu
from jax.experimental.pallas import tpu_sc as plsc

VOCAB = 100000
MAX_POSITION = 2048
EMBED = 1024
BATCH = 4
SEQ = 2048

NC, NS = 2, 16
NW = NC * NS
PPW = SEQ // NW
HALF = PPW // 2
QROWS = 8
NSTEP = (BATCH * SEQ) // NW // QROWS
LANES = 16
VECS = EMBED // LANES
NBUF = 4
NROUND = NSTEP // NBUF


def _embed_body(ids_hbm, tok_hbm, pos_hbm, out_hbm,
                idx_v, pos_v, b0, b1, b2, b3,
                gs0, gs1, gs2, gs3, ws0, ws1, ws2, ws3, psem):
    wid = lax.axis_index("s") * NC + lax.axis_index("c")
    pstart = wid * PPW
    bufs = (b0, b1, b2, b3)
    gsems = (gs0, gs1, gs2, gs3)
    wsems = (ws0, ws1, ws2, ws3)
    pltpu.sync_copy(ids_hbm.at[wid], idx_v)
    pltpu.async_copy(pos_hbm.at[pl.ds(pstart, HALF)], pos_v, psem)

    def sparams(s):
        h = s // 16
        b = (s % 16) // 4
        q = s % 4
        poff = h * HALF + q * QROWS
        return b, poff, q * QROWS

    def issue_gather(s, slot):
        b, poff, _ = sparams(s)
        return pltpu.async_copy(
            tok_hbm.at[idx_v.at[b, pl.ds(poff, QROWS)]],
            bufs[slot], gsems[slot])

    for s in range(NBUF - 1):
        issue_gather(s, s)

    def round_body(t, _):
        for j in range(NBUF):
            s = t * NBUF + j
            b, poff, prow = sparams(s)

            pltpu.make_async_copy(
                tok_hbm.at[pl.ds(0, QROWS)], bufs[j], gsems[j]).wait()

            @pl.when((s == 0) | (s == NSTEP // 2))
            def _():
                pltpu.make_async_copy(
                    pos_hbm.at[pl.ds(pstart, HALF)], pos_v, psem).wait()

            @plsc.parallel_loop(0, QROWS, 1)
            def add_row(r, j=j, prow=prow):
                for v in range(VECS):
                    col = v * LANES
                    plsc.addupdate(bufs[j].at[r, pl.ds(col, LANES)],
                                   pos_v[prow + r, pl.ds(col, LANES)])

            @pl.when(s == NSTEP // 2 - 1)
            def _():
                pltpu.async_copy(
                    pos_hbm.at[pl.ds(pstart + HALF, HALF)], pos_v, psem)

            pltpu.async_copy(
                bufs[j], out_hbm.at[pl.ds(b * SEQ + pstart + poff, QROWS)],
                wsems[j])

            nslot = (j + NBUF - 1) % NBUF
            @pl.when(s >= 1)
            def _():
                pltpu.make_async_copy(
                    bufs[nslot], out_hbm.at[pl.ds(0, QROWS)],
                    wsems[nslot]).wait()

            @pl.when(s + NBUF - 1 < NSTEP)
            def _():
                issue_gather(s + NBUF - 1, nslot)
        return 0

    lax.fori_loop(0, NROUND, round_body, 0)
    pltpu.make_async_copy(
        bufs[NBUF - 1], out_hbm.at[pl.ds(0, QROWS)], wsems[NBUF - 1]).wait()


@jax.jit
def _embed(ids3, token_table, position_table):
    mesh = plsc.VectorSubcoreMesh(core_axis_name="c", subcore_axis_name="s")
    k = pl.kernel(
        _embed_body,
        out_type=jax.ShapeDtypeStruct((BATCH * SEQ, EMBED), jnp.float32),
        mesh=mesh,
        scratch_types=[
            pltpu.VMEM((BATCH, PPW), jnp.int32),
            pltpu.VMEM((HALF, EMBED), jnp.float32),
            pltpu.VMEM((QROWS, EMBED), jnp.float32),
            pltpu.VMEM((QROWS, EMBED), jnp.float32),
            pltpu.VMEM((QROWS, EMBED), jnp.float32),
            pltpu.VMEM((QROWS, EMBED), jnp.float32),
            pltpu.SemaphoreType.DMA,
            pltpu.SemaphoreType.DMA,
            pltpu.SemaphoreType.DMA,
            pltpu.SemaphoreType.DMA,
            pltpu.SemaphoreType.DMA,
            pltpu.SemaphoreType.DMA,
            pltpu.SemaphoreType.DMA,
            pltpu.SemaphoreType.DMA,
            pltpu.SemaphoreType.DMA,
        ],
    )
    return k(ids3, token_table, position_table)


def kernel(input_ids, token_table, position_table):
    ids3 = jnp.transpose(
        input_ids.astype(jnp.int32).reshape(BATCH, NW, PPW), (1, 0, 2)
    )
    out = _embed(ids3, token_table, position_table)
    return out.reshape(BATCH, SEQ, EMBED)

# --- scband reference (transcript-rebuilt; emitter-appended) ---
"""Pipeline reference for scband-embedder-69363721831004 (READ-ONLY COPY).

The authoritative reference and input builder live on the scoring server;
editing this copy changes nothing except your own understanding.
"""

import jax, jax.numpy as jnp
import numpy as np

VOCAB = 100000
MAX_POSITION = 2048
EMBED = 1024
BATCH = 4
SEQ = 2048
TOKEN_RANGE = 0.02
POS_RANGE = 0.01


def setup_inputs(seed: int = 0) -> dict:
    key = jax.random.key(seed)
    k_ids, k_tok, k_pos = jax.random.split(key, 3)
    input_ids = jax.random.randint(k_ids, (BATCH, SEQ), 0, VOCAB, dtype=jnp.int64 if jax.config.jax_enable_x64 else jnp.int32)
    token_table = jax.random.normal(k_tok, (VOCAB, EMBED), dtype=jnp.float32) * TOKEN_RANGE
    position_table = jax.random.normal(k_pos, (MAX_POSITION, EMBED), dtype=jnp.float32) * POS_RANGE
    return {"input_ids": input_ids, "token_table": token_table, "position_table": position_table}


def reference(input_ids, token_table, position_table):
    # Embedder.embed: position axis is the last axis of input_ids, first_position=0
    seq_len = input_ids.shape[-1]
    positions = jnp.arange(seq_len)
    # token embedding lookup: gather rows from token table
    input_embeds = jnp.take(token_table, input_ids, axis=0)          # [B, S, E]
    # position embedding lookup, broadcast over batch
    position_embeds = jnp.take(position_table, positions, axis=0)     # [S, E]
    result = input_embeds + position_embeds[None, :, :]
    return result

if __name__ == "__main__":
    import jax
    _d = setup_inputs()
    print(jax.jit(kernel)(*tuple(_d.values())))

</pallas_src>

<mosaic_0001>
#map = affine_map<(d0, d1) -> (0, 0, 0)>
#map1 = affine_map<(d0, d1) -> (0, 0)>
module attributes {stable_mosaic.version = 14 : i64} {
  func.func @_embed_body(%arg0: i32, %arg1: i32, %arg2: memref<32x4x64xi32, #tpu.memory_space<hbm>>, %arg3: memref<100000x1024xf32, #tpu.memory_space<hbm>>, %arg4: memref<2048x1024xf32, #tpu.memory_space<hbm>>, %arg5: memref<8192x1024xf32, #tpu.memory_space<hbm>>, %arg6: memref<4x64xi32, #tpu.memory_space<vmem>>, %arg7: memref<32x1024xf32, #tpu.memory_space<vmem>>, %arg8: memref<8x1024xf32, #tpu.memory_space<vmem>>, %arg9: memref<8x1024xf32, #tpu.memory_space<vmem>>, %arg10: memref<8x1024xf32, #tpu.memory_space<vmem>>, %arg11: memref<8x1024xf32, #tpu.memory_space<vmem>>, %arg12: memref<!tpu.dma_semaphore, #tpu.memory_space<semaphore_mem>>, %arg13: memref<!tpu.dma_semaphore, #tpu.memory_space<semaphore_mem>>, %arg14: memref<!tpu.dma_semaphore, #tpu.memory_space<semaphore_mem>>, %arg15: memref<!tpu.dma_semaphore, #tpu.memory_space<semaphore_mem>>, %arg16: memref<!tpu.dma_semaphore, #tpu.memory_space<semaphore_mem>>, %arg17: memref<!tpu.dma_semaphore, #tpu.memory_space<semaphore_mem>>, %arg18: memref<!tpu.dma_semaphore, #tpu.memory_space<semaphore_mem>>, %arg19: memref<!tpu.dma_semaphore, #tpu.memory_space<semaphore_mem>>, %arg20: memref<!tpu.dma_semaphore, #tpu.memory_space<semaphore_mem>>) attributes {dimension_semantics = [#tpu.dimension_semantics<core_parallel>, #tpu.dimension_semantics<subcore_parallel>], iteration_bounds = array<i64: 2, 16>, scalar_prefetch = 0 : i64, scratch_operands = 15 : i64, tpu.core_type = #tpu.core_type<sc_vector_subcore>, window_params = [{transform_indices = #map}, {transform_indices = #map1}, {transform_indices = #map1}, {transform_indices = #map1}]} {
    %mul3A = arith.constant 2 : i32
    %mul3A_0 = arith.muli %arg1, %mul3A : i32
    %add3A = arith.addi %mul3A_0, %arg0 : i32
    %mul3A_1 = arith.constant 64 : i32
    %mul3A_2 = arith.muli %add3A, %mul3A_1 : i32
    "tpu.region"() ({
      %run_scoped3A = tpu.sem_alloc : memref<!tpu.dma_semaphore, #tpu.memory_space<semaphore_mem>>
      %dma_start3A_38 = arith.constant 0 : i32
      %dma_start3A_39 = arith.constant 0 : i32
      %dma_start3A_40 = tpu.memref_slice %arg2[%add3A, %dma_start3A_38, %dma_start3A_39] : memref<32x4x64xi32, #tpu.memory_space<hbm>> -> memref<1x4x64xi32, #tpu.memory_space<hbm>>
      %dma_start3A_41 = tpu.memref_squeeze %dma_start3A_40 : memref<1x4x64xi32, #tpu.memory_space<hbm>> -> memref<4x64xi32, #tpu.memory_space<hbm>>
      %dma_start3A_42 = arith.constant 0 : i32
      %dma_start3A_43 = arith.constant 0 : i32
      %dma_start3A_44 = tpu.memref_slice %arg2[%add3A, %dma_start3A_42, %dma_start3A_43] : memref<32x4x64xi32, #tpu.memory_space<hbm>> -> memref<1x4x64xi32, #tpu.memory_space<hbm>>
      %dma_start3A_45 = tpu.memref_squeeze %dma_start3A_44 : memref<1x4x64xi32, #tpu.memory_space<hbm>> -> memref<4x64xi32, #tpu.memory_space<hbm>>
      tpu.enqueue_dma source(%dma_start3A_45 : memref<4x64xi32, #tpu.memory_space<hbm>>) target(%arg6 : memref<4x64xi32, #tpu.memory_space<vmem>>) target_semaphore(%run_scoped3A : memref<!tpu.dma_semaphore, #tpu.memory_space<semaphore_mem>>)
      %dma_wait3A_46 = arith.constant 0 : i32
      %dma_wait3A_47 = arith.constant 0 : i32
      %dma_wait3A_48 = tpu.memref_slice %arg2[%add3A, %dma_wait3A_46, %dma_wait3A_47] : memref<32x4x64xi32, #tpu.memory_space<hbm>> -> memref<1x4x64xi32, #tpu.memory_space<hbm>>
      %dma_wait3A_49 = tpu.memref_squeeze %dma_wait3A_48 : memref<1x4x64xi32, #tpu.memory_space<hbm>> -> memref<4x64xi32, #tpu.memory_space<hbm>>
      %dma_wait3A_50 = arith.constant 0 : i32
      %dma_wait3A_51 = arith.constant 0 : i32
      %dma_wait3A_52 = tpu.memref_slice %arg2[%add3A, %dma_wait3A_50, %dma_wait3A_51] : memref<32x4x64xi32, #tpu.memory_space<hbm>> -> memref<1x4x64xi32, #tpu.memory_space<hbm>>
      %dma_wait3A_53 = tpu.memref_squeeze %dma_wait3A_52 : memref<1x4x64xi32, #tpu.memory_space<hbm>> -> memref<4x64xi32, #tpu.memory_space<hbm>>
      tpu.wait_dma2 semaphore(%run_scoped3A : memref<!tpu.dma_semaphore, #tpu.memory_space<semaphore_mem>>) src(%dma_wait3A_53 : memref<4x64xi32, #tpu.memory_space<hbm>>) dst(%arg6 : memref<4x64xi32, #tpu.memory_space<vmem>>)
      tpu.yield
    }) : () -> ()
    %dma_start3A = arith.constant 0 : i32
    %dma_start3A_3 = tpu.memref_slice %arg4[%mul3A_2, %dma_start3A] : memref<2048x1024xf32, #tpu.memory_space<hbm>> -> memref<32x1024xf32, #tpu.memory_space<hbm>>
    %dma_start3A_4 = arith.constant 0 : i32
    %dma_start3A_5 = tpu.memref_slice %arg4[%mul3A_2, %dma_start3A_4] : memref<2048x1024xf32, #tpu.memory_space<hbm>> -> memref<32x1024xf32, #tpu.memory_space<hbm>>
    tpu.enqueue_dma source(%dma_start3A_5 : memref<32x1024xf32, #tpu.memory_space<hbm>>) target(%arg7 : memref<32x1024xf32, #tpu.memory_space<vmem>>) target_semaphore(%arg20 : memref<!tpu.dma_semaphore, #tpu.memory_space<semaphore_mem>>)
    %dma_start3A_6 = arith.constant 0 : i32
    %dma_start3A_7 = arith.constant 0 : i32
    %dma_start3A_8 = tpu.memref_slice %arg6[%dma_start3A_6, %dma_start3A_7] : memref<4x64xi32, #tpu.memory_space<vmem>> -> memref<1x8xi32, #tpu.memory_space<vmem>>
    %dma_start3A_9 = tpu.memref_squeeze %dma_start3A_8 : memref<1x8xi32, #tpu.memory_space<vmem>> -> memref<8xi32, #tpu.memory_space<vmem>>
    %dma_start3A_10 = arith.constant 0 : i32
    %dma_start3A_11 = arith.constant 0 : i32
    %dma_start3A_12 = tpu.memref_slice %arg3[%dma_start3A_10, %dma_start3A_11] : memref<100000x1024xf32, #tpu.memory_space<hbm>> -> memref<100000x1024xf32, #tpu.memory_space<hbm>>
    tpu.enqueue_indirect_dma source(%dma_start3A_12 : memref<100000x1024xf32, #tpu.memory_space<hbm>>) target(%arg8 : memref<8x1024xf32, #tpu.memory_space<vmem>>) offsets(%dma_start3A_9 : memref<8xi32, #tpu.memory_space<vmem>>) semaphore(%arg12 : memref<!tpu.dma_semaphore, #tpu.memory_space<semaphore_mem>>)
    %dma_start3A_13 = arith.constant 0 : i32
    %dma_start3A_14 = arith.constant 8 : i32
    %dma_start3A_15 = tpu.memref_slice %arg6[%dma_start3A_13, %dma_start3A_14] : memref<4x64xi32, #tpu.memory_space<vmem>> -> memref<1x8xi32, #tpu.memory_space<vmem>>
    %dma_start3A_16 = tpu.memref_squeeze %dma_start3A_15 : memref<1x8xi32, #tpu.memory_space<vmem>> -> memref<8xi32, #tpu.memory_space<vmem>>
    %dma_start3A_17 = arith.constant 0 : i32
    %dma_start3A_18 = arith.constant 0 : i32
    %dma_start3A_19 = tpu.memref_slice %arg3[%dma_start3A_17, %dma_start3A_18] : memref<100000x1024xf32, #tpu.memory_space<hbm>> -> memref<100000x1024xf32, #tpu.memory_space<hbm>>
    tpu.enqueue_indirect_dma source(%dma_start3A_19 : memref<100000x1024xf32, #tpu.memory_space<hbm>>) target(%arg9 : memref<8x1024xf32, #tpu.memory_space<vmem>>) offsets(%dma_start3A_16 : memref<8xi32, #tpu.memory_space<vmem>>) semaphore(%arg13 : memref<!tpu.dma_semaphore, #tpu.memory_space<semaphore_mem>>)
    %dma_start3A_20 = arith.constant 0 : i32
    %dma_start3A_21 = arith.constant 16 : i32
    %dma_start3A_22 = tpu.memref_slice %arg6[%dma_start3A_20, %dma_start3A_21] : memref<4x64xi32, #tpu.memory_space<vmem>> -> memref<1x8xi32, #tpu.memory_space<vmem>>
    %dma_start3A_23 = tpu.memref_squeeze %dma_start3A_22 : memref<1x8xi32, #tpu.memory_space<vmem>> -> memref<8xi32, #tpu.memory_space<vmem>>
    %dma_start3A_24 = arith.constant 0 : i32
    %dma_start3A_25 = arith.constant 0 : i32
    %dma_start3A_26 = tpu.memref_slice %arg3[%dma_start3A_24, %dma_start3A_25] : memref<100000x1024xf32, #tpu.memory_space<hbm>> -> memref<100000x1024xf32, #tpu.memory_space<hbm>>
    tpu.enqueue_indirect_dma source(%dma_start3A_26 : memref<100000x1024xf32, #tpu.memory_space<hbm>>) target(%arg10 : memref<8x1024xf32, #tpu.memory_space<vmem>>) offsets(%dma_start3A_23 : memref<8xi32, #tpu.memory_space<vmem>>) semaphore(%arg14 : memref<!tpu.dma_semaphore, #tpu.memory_space<semaphore_mem>>)
    %scan3A = arith.constant 0 : i32
    %scan3A_27 = arith.constant 0 : i32
    %scan3A_28 = arith.constant 8 : i32
    %scan3A_29 = arith.addi %scan3A_27, %scan3A_28 : i32
    %scan3A_30 = arith.constant 1 : i32
    %scan3A_31 = scf.for %scan3A_38 = %scan3A_27 to %scan3A_29 step %scan3A_30 iter_args(%scan3A_39 = %scan3A) -> (i32)  : i32 {
      %mul3A_40 = arith.constant 4 : i32
      %mul3A_41 = arith.muli %scan3A_38, %mul3A_40 : i32
      %add3A_42 = arith.constant 0 : i32
      %add3A_43 = arith.addi %mul3A_41, %add3A_42 : i32
      %jit3A = arith.constant 16 : i32
      %div3A = arith.divsi %add3A_43, %jit3A : i32
      %sign3A = arith.constant 0 : i32
      %sign3A_44 = arith.cmpi sgt, %add3A_43, %sign3A : i32
      %sign3A_45 = arith.extui %sign3A_44 : i1 to i32
      %sign3A_46 = arith.constant 0 : i32
      %sign3A_47 = arith.cmpi slt, %add3A_43, %sign3A_46 : i32
      %sign3A_48 = arith.extui %sign3A_47 : i1 to i32
      %sign3A_49 = arith.subi %sign3A_45, %sign3A_48 : i32
      %sign3A_50 = arith.constant 0 : i32
      %sign3A_51 = arith.cmpi sgt, %jit3A, %sign3A_50 : i32
      %sign3A_52 = arith.extui %sign3A_51 : i1 to i32
      %sign3A_53 = arith.constant 0 : i32
      %sign3A_54 = arith.cmpi slt, %jit3A, %sign3A_53 : i32
      %sign3A_55 = arith.extui %sign3A_54 : i1 to i32
      %sign3A_56 = arith.subi %sign3A_52, %sign3A_55 : i32
      %ne3A = arith.cmpi ne, %sign3A_49, %sign3A_56 : i32
      %rem3A = arith.remsi %add3A_43, %jit3A : i32
      %ne3A_57 = arith.constant 0 : i32
      %ne3A_58 = arith.cmpi ne, %rem3A, %ne3A_57 : i32
      %and3A = arith.andi %ne3A, %ne3A_58 : i1
      %sub3A = arith.constant 1 : i32
      %sub3A_59 = arith.subi %div3A, %sub3A : i32
      %select_n3A = arith.select %and3A, %sub3A_59, %div3A : i32
      %jit3A_60 = arith.constant 16 : i32
      %eq3A = arith.constant 0 : i32
      %eq3A_61 = arith.cmpi eq, %jit3A_60, %eq3A : i32
      %jit3A_62 = arith.constant 1 : i32
      %select_n3A_63 = arith.select %eq3A_61, %jit3A_62, %jit3A_60 : i32
      %rem3A_64 = arith.remsi %add3A_43, %select_n3A_63 : i32
      %ne3A_65 = arith.constant 0 : i32
      %ne3A_66 = arith.cmpi ne, %rem3A_64, %ne3A_65 : i32
      %lt3A = arith.constant 0 : i32
      %lt3A_67 = arith.cmpi slt, %rem3A_64, %lt3A : i32
      %lt3A_68 = arith.constant 0 : i32
      %lt3A_69 = arith.cmpi slt, %select_n3A_63, %lt3A_68 : i32
      %ne3A_70 = arith.xori %lt3A_67, %lt3A_69 : i1
      %and3A_71 = arith.andi %ne3A_70, %ne3A_66 : i1
      %add3A_72 = arith.addi %rem3A_64, %select_n3A_63 : i32
      %select_n3A_73 = arith.select %and3A_71, %add3A_72, %rem3A_64 : i32
      %jit3A_74 = arith.constant 4 : i32
      %div3A_75 = arith.divsi %select_n3A_73, %jit3A_74 : i32
      %sign3A_76 = arith.constant 0 : i32
      %sign3A_77 = arith.cmpi sgt, %select_n3A_73, %sign3A_76 : i32
      %sign3A_78 = arith.extui %sign3A_77 : i1 to i32
      %sign3A_79 = arith.constant 0 : i32
      %sign3A_80 = arith.cmpi slt, %select_n3A_73, %sign3A_79 : i32
      %sign3A_81 = arith.extui %sign3A_80 : i1 to i32
      %sign3A_82 = arith.subi %sign3A_78, %sign3A_81 : i32
      %sign3A_83 = arith.constant 0 : i32
      %sign3A_84 = arith.cmpi sgt, %jit3A_74, %sign3A_83 : i32
      %sign3A_85 = arith.extui %sign3A_84 : i1 to i32
      %sign3A_86 = arith.constant 0 : i32
      %sign3A_87 = arith.cmpi slt, %jit3A_74, %sign3A_86 : i32
      %sign3A_88 = arith.extui %sign3A_87 : i1 to i32
      %sign3A_89 = arith.subi %sign3A_85, %sign3A_88 : i32
      %ne3A_90 = arith.cmpi ne, %sign3A_82, %sign3A_89 : i32
      %rem3A_91 = arith.remsi %select_n3A_73, %jit3A_74 : i32
      %ne3A_92 = arith.constant 0 : i32
      %ne3A_93 = arith.cmpi ne, %rem3A_91, %ne3A_92 : i32
      %and3A_94 = arith.andi %ne3A_90, %ne3A_93 : i1
      %sub3A_95 = arith.constant 1 : i32
      %sub3A_96 = arith.subi %div3A_75, %sub3A_95 : i32
      %select_n3A_97 = arith.select %and3A_94, %sub3A_96, %div3A_75 : i32
      %jit3A_98 = arith.constant 4 : i32
      %eq3A_99 = arith.constant 0 : i32
      %eq3A_100 = arith.cmpi eq, %jit3A_98, %eq3A_99 : i32
      %jit3A_101 = arith.constant 1 : i32
      %select_n3A_102 = arith.select %eq3A_100, %jit3A_101, %jit3A_98 : i32
      %rem3A_103 = arith.remsi %add3A_43, %select_n3A_102 : i32
      %ne3A_104 = arith.constant 0 : i32
      %ne3A_105 = arith.cmpi ne, %rem3A_103, %ne3A_104 : i32
      %lt3A_106 = arith.constant 0 : i32
      %lt3A_107 = arith.cmpi slt, %rem3A_103, %lt3A_106 : i32
      %lt3A_108 = arith.constant 0 : i32
      %lt3A_109 = arith.cmpi slt, %select_n3A_102, %lt3A_108 : i32
      %ne3A_110 = arith.xori %lt3A_107, %lt3A_109 : i1
      %and3A_111 = arith.andi %ne3A_110, %ne3A_105 : i1
      %add3A_112 = arith.addi %rem3A_103, %select_n3A_102 : i32
      %select_n3A_113 = arith.select %and3A_111, %add3A_112, %rem3A_103 : i32
      %mul3A_114 = arith.constant 32 : i32
      %mul3A_115 = arith.muli %select_n3A, %mul3A_114 : i32
      %mul3A_116 = arith.constant 8 : i32
      %mul3A_117 = arith.muli %select_n3A_113, %mul3A_116 : i32
      %add3A_118 = arith.addi %mul3A_115, %mul3A_117 : i32
      %mul3A_119 = arith.constant 8 : i32
      %mul3A_120 = arith.muli %select_n3A_113, %mul3A_119 : i32
      %dma_wait3A_121 = arith.constant 0 : i32
      %dma_wait3A_122 = arith.constant 0 : i32
      %dma_wait3A_123 = tpu.memref_slice %arg3[%dma_wait3A_121, %dma_wait3A_122] : memref<100000x1024xf32, #tpu.memory_space<hbm>> -> memref<8x1024xf32, #tpu.memory_space<hbm>>
      %dma_wait3A_124 = arith.constant 0 : i32
      %dma_wait3A_125 = arith.constant 0 : i32
      %dma_wait3A_126 = tpu.memref_slice %arg3[%dma_wait3A_124, %dma_wait3A_125] : memref<100000x1024xf32, #tpu.memory_space<hbm>> -> memref<8x1024xf32, #tpu.memory_space<hbm>>
      tpu.wait_dma2 semaphore(%arg12 : memref<!tpu.dma_semaphore, #tpu.memory_space<semaphore_mem>>) src(%dma_wait3A_126 : memref<8x1024xf32, #tpu.memory_space<hbm>>) dst(%arg8 : memref<8x1024xf32, #tpu.memory_space<vmem>>)
      %eq3A_127 = arith.constant 0 : i32
      %eq3A_128 = arith.cmpi eq, %add3A_43, %eq3A_127 : i32
      %eq3A_129 = arith.constant 16 : i32
      %eq3A_130 = arith.cmpi eq, %add3A_43, %eq3A_129 : i32
      %or3A = arith.ori %eq3A_128, %eq3A_130 : i1
      %convert_element_type3A = arith.extui %or3A : i1 to i32
      %cond3A = arith.constant 0 : i32
      %cond3A_131 = arith.cmpi ne, %convert_element_type3A, %cond3A : i32
      scf.if %cond3A_131 {
        %dma_wait3A_566 = arith.constant 0 : i32
        %dma_wait3A_567 = tpu.memref_slice %arg4[%mul3A_2, %dma_wait3A_566] : memref<2048x1024xf32, #tpu.memory_space<hbm>> -> memref<32x1024xf32, #tpu.memory_space<hbm>>
        %dma_wait3A_568 = arith.constant 0 : i32
        %dma_wait3A_569 = tpu.memref_slice %arg4[%mul3A_2, %dma_wait3A_568] : memref<2048x1024xf32, #tpu.memory_space<hbm>> -> memref<32x1024xf32, #tpu.memory_space<hbm>>
        tpu.wait_dma2 semaphore(%arg20 : memref<!tpu.dma_semaphore, #tpu.memory_space<semaphore_mem>>) src(%dma_wait3A_569 : memref<32x1024xf32, #tpu.memory_space<hbm>>) dst(%arg7 : memref<32x1024xf32, #tpu.memory_space<vmem>>)
      } else {
      }
      %parallel_loop3A = arith.constant 0 : i32
      %parallel_loop3A_132 = arith.constant 8 : i32
      %parallel_loop3A_133 = arith.constant 1 : i32
      scf.for %parallel_loop3A_566 = %parallel_loop3A to %parallel_loop3A_132 step %parallel_loop3A_133  : i32 {
        %parallel_loop3A_567 = arith.addi %mul3A_120, %parallel_loop3A_566 : i32
        %parallel_loop3A_568 = arith.index_cast %parallel_loop3A_567 : i32 to index
        %parallel_loop3A_569 = arith.constant 0 : index
        %parallel_loop3A_570 = tpu.vector_load %arg7[%parallel_loop3A_568, %parallel_loop3A_569] {strides = array<i32>} : memref<32x1024xf32, #tpu.memory_space<vmem>>, vector<1x16xf32>,
        %parallel_loop3A_571 = vector.shape_cast %parallel_loop3A_570 : vector<1x16xf32> to vector<16xf32>
        %parallel_loop3A_572 = arith.index_cast %parallel_loop3A_566 : i32 to index
        %parallel_loop3A_573 = arith.constant 0 : index
        %parallel_loop3A_574 = tpu.vector_load %arg8[%parallel_loop3A_572, %parallel_loop3A_573] {strides = array<i32>} : memref<8x1024xf32, #tpu.memory_space<vmem>>, vector<1x16xf32>,
        %parallel_loop3A_575 = vector.shape_cast %parallel_loop3A_574 : vector<1x16xf32> to vector<16xf32>
        %parallel_loop3A_576 = vector.shape_cast %parallel_loop3A_571 : vector<16xf32> to vector<1x16xf32>
        tpu.vector_store %arg8[%parallel_loop3A_572, %parallel_loop3A_573], %parallel_loop3A_576 {add = true, strides = array<i32>} : memref<8x1024xf32, #tpu.memory_space<vmem>>, vector<1x16xf32>,
        %parallel_loop3A_577 = arith.addi %mul3A_120, %parallel_loop3A_566 : i32
        %parallel_loop3A_578 = arith.index_cast %parallel_loop3A_577 : i32 to index
        %parallel_loop3A_579 = arith.constant 16 : index
        %parallel_loop3A_580 = tpu.vector_load %arg7[%parallel_loop3A_578, %parallel_loop3A_579] {strides = array<i32>} : memref<32x1024xf32, #tpu.memory_space<vmem>>, vector<1x16xf32>,
        %parallel_loop3A_581 = vector.shape_cast %parallel_loop3A_580 : vector<1x16xf32> to vector<16xf32>
        %parallel_loop3A_582 = arith.index_cast %parallel_loop3A_566 : i32 to index
        %parallel_loop3A_583 = arith.constant 16 : index
        %parallel_loop3A_584 = tpu.vector_load %arg8[%parallel_loop3A_582, %parallel_loop3A_583] {strides = array<i32>} : memref<8x1024xf32, #tpu.memory_space<vmem>>, vector<1x16xf32>,
        %parallel_loop3A_585 = vector.shape_cast %parallel_loop3A_584 : vector<1x16xf32> to vector<16xf32>
        %parallel_loop3A_586 = vector.shape_cast %parallel_loop3A_581 : vector<16xf32> to vector<1x16xf32>
        tpu.vector_store %arg8[%parallel_loop3A_582, %parallel_loop3A_583], %parallel_loop3A_586 {add = true, strides = array<i32>} : memref<8x1024xf32, #tpu.memory_space<vmem>>, vector<1x16xf32>,
        %parallel_loop3A_587 = arith.addi %mul3A_120, %parallel_loop3A_566 : i32
        %parallel_loop3A_588 = arith.index_cast %parallel_loop3A_587 : i32 to index
        %parallel_loop3A_589 = arith.constant 32 : index
        %parallel_loop3A_590 = tpu.vector_load %arg7[%parallel_loop3A_588, %parallel_loop3A_589] {strides = array<i32>} : memref<32x1024xf32, #tpu.memory_space<vmem>>, vector<1x16xf32>,
        %parallel_loop3A_591 = vector.shape_cast %parallel_loop3A_590 : vector<1x16xf32> to vector<16xf32>
        %parallel_loop3A_592 = arith.index_cast %parallel_loop3A_566 : i32 to index
        %parallel_loop3A_593 = arith.constant 32 : index
        %parallel_loop3A_594 = tpu.vector_load %arg8[%parallel_loop3A_592, %parallel_loop3A_593] {strides = array<i32>} : memref<8x1024xf32, #tpu.memory_space<vmem>>, vector<1x16xf32>,
        %parallel_loop3A_595 = vector.shape_cast %parallel_loop3A_594 : vector<1x16xf32> to vector<16xf32>
        %parallel_loop3A_596 = vector.shape_cast %parallel_loop3A_591 : vector<16xf32> to vector<1x16xf32>
        tpu.vector_store %arg8[%parallel_loop3A_592, %parallel_loop3A_593], %parallel_loop3A_596 {add = true, strides = array<i32>} : memref<8x1024xf32, #tpu.memory_space<vmem>>, vector<1x16xf32>,
        %parallel_loop3A_597 = arith.addi %mul3A_120, %parallel_loop3A_566 : i32
        %parallel_loop3A_598 = arith.index_cast %parallel_loop3A_597 : i32 to index
        %parallel_loop3A_599 = arith.constant 48 : index
        %parallel_loop3A_600 = tpu.vector_load %arg7[%parallel_loop3A_598, %parallel_loop3A_599] {strides = array<i32>} : memref<32x1024xf32, #tpu.memory_space<vmem>>, vector<1x16xf32>,
        %parallel_loop3A_601 = vector.shape_cast %parallel_loop3A_600 : vector<1x16xf32> to vector<16xf32>
        %parallel_loop3A_602 = arith.index_cast %parallel_loop3A_566 : i32 to index
        %parallel_loop3A_603 = arith.constant 48 : index
        %parallel_loop3A_604 = tpu.vector_load %arg8[%parallel_loop3A_602, %parallel_loop3A_603] {strides = array<i32>} : memref<8x1024xf32, #tpu.memory_space<vmem>>, vector<1x16xf32>,
        %parallel_loop3A_605 = vector.shape_cast %parallel_loop3A_604 : vector<1x16xf32> to vector<16xf32>
        %parallel_loop3A_606 = vector.shape_cast %parallel_loop3A_601 : vector<16xf32> to vector<1x16xf32>
        tpu.vector_store %arg8[%parallel_loop3A_602, %parallel_loop3A_603], %parallel_loop3A_606 {add = true, strides = array<i32>} : memref<8x1024xf32, #tpu.memory_space<vmem>>, vector<1x16xf32>,
        %parallel_loop3A_607 = arith.addi %mul3A_120, %parallel_loop3A_566 : i32
        %parallel_loop3A_608 = arith.index_cast %parallel_loop3A_607 : i32 to index
        %parallel_loop3A_609 = arith.constant 64 : index
        %parallel_loop3A_610 = tpu.vector_load %arg7[%parallel_loop3A_608, %parallel_loop3A_609] {strides = array<i32>} : memref<32x1024xf32, #tpu.memory_space<vmem>>, vector<1x16xf32>,
        %parallel_loop3A_611 = vector.shape_cast %parallel_loop3A_610 : vector<1x16xf32> to vector<16xf32>
        %parallel_loop3A_612 = arith.index_cast %parallel_loop3A_566 : i32 to index
        %parallel_loop3A_613 = arith.constant 64 : index
        %parallel_loop3A_614 = tpu.vector_load %arg8[%parallel_loop3A_612, %parallel_loop3A_613] {strides = array<i32>} : memref<8x1024xf32, #tpu.memory_space<vmem>>, vector<1x16xf32>,
        %parallel_loop3A_615 = vector.shape_cast %parallel_loop3A_614 : vector<1x16xf32> to vector<16xf32>
        %parallel_loop3A_616 = vector.shape_cast %parallel_loop3A_611 : vector<16xf32> to vector<1x16xf32>
        tpu.vector_store %arg8[%parallel_loop3A_612, %parallel_loop3A_613], %parallel_loop3A_616 {add = true, strides = array<i32>} : memref<8x1024xf32, #tpu.memory_space<vmem>>, vector<1x16xf32>,
        %parallel_loop3A_617 = arith.addi %mul3A_120, %parallel_loop3A_566 : i32
        %parallel_loop3A_618 = arith.index_cast %parallel_loop3A_617 : i32 to index
        %parallel_loop3A_619 = arith.constant 80 : index
        %parallel_loop3A_620 = tpu.vector_load %arg7[%parallel_loop3A_618, %parallel_loop3A_619] {strides = array<i32>} : memref<32x1024xf32, #tpu.memory_space<vmem>>, vector<1x16xf32>,
        %parallel_loop3A_621 = vector.shape_cast %parallel_loop3A_620 : vector<1x16xf32> to vector<16xf32>
        %parallel_loop3A_622 = arith.index_cast %parallel_loop3A_566 : i32 to index
        %parallel_loop3A_623 = arith.constant 80 : index
        %parallel_loop3A_624 = tpu.vector_load %arg8[%parallel_loop3A_622, %parallel_loop3A_623] {strides = array<i32>} : memref<8x1024xf32, #tpu.memory_space<vmem>>, vector<1x16xf32>,
        %parallel_loop3A_625 = vector.shape_cast %parallel_loop3A_624 : vector<1x16xf32> to vector<16xf32>
        %parallel_loop3A_626 = vector.shape_cast %parallel_loop3A_621 : vector<16xf32> to vector<1x16xf32>
        tpu.vector_store %arg8[%parallel_loop3A_622, %parallel_loop3A_623], %parallel_loop3A_626 {add = true, strides = array<i32>} : memref<8x1024xf32, #tpu.memory_space<vmem>>, vector<1x16xf32>,
        %parallel_loop3A_627 = arith.addi %mul3A_120, %parallel_loop3A_566 : i32
        %parallel_loop3A_628 = arith.index_cast %parallel_loop3A_627 : i32 to index
        %parallel_loop3A_629 = arith.constant 96 : index
        %parallel_loop3A_630 = tpu.vector_load %arg7[%parallel_loop3A_628, %parallel_loop3A_629] {strides = array<i32>} : memref<32x1024xf32, #tpu.memory_space<vmem>>, vector<1x16xf32>,
        %parallel_loop3A_631 = vector.shape_cast %parallel_loop3A_630 : vector<1x16xf32> to vector<16xf32>
        %parallel_loop3A_632 = arith.index_cast %parallel_loop3A_566 : i32 to index
        %parallel_loop3A_633 = arith.constant 96 : index
        %parallel_loop3A_634 = tpu.vector_load %arg8[%parallel_loop3A_632, %parallel_loop3A_633] {strides = array<i32>} : memref<8x1024xf32, #tpu.memory_space<vmem>>, vector<1x16xf32>,
        %parallel_loop3A_635 = vector.shape_cast %parallel_loop3A_634 : vector<1x16xf32> to vector<16xf32>
        %parallel_loop3A_636 = vector.shape_cast %parallel_loop3A_631 : vector<16xf32> to vector<1x16xf32>
        tpu.vector_store %arg8[%parallel_loop3A_632, %parallel_loop3A_633], %parallel_loop3A_636 {add = true, strides = array<i32>} : memref<8x1024xf32, #tpu.memory_space<vmem>>, vector<1x16xf32>,
        %parallel_loop3A_637 = arith.addi %mul3A_120, %parallel_loop3A_566 : i32
        %parallel_loop3A_638 = arith.index_cast %parallel_loop3A_637 : i32 to index
        %parallel_loop3A_639 = arith.constant 112 : index
        %parallel_loop3A_640 = tpu.vector_load %arg7[%parallel_loop3A_638, %parallel_loop3A_639] {strides = array<i32>} : memref<32x1024xf32, #tpu.memory_space<vmem>>, vector<1x16xf32>,
        %parallel_loop3A_641 = vector.shape_cast %parallel_loop3A_640 : vector<1x16xf32> to vector<16xf32>
        %parallel_loop3A_642 = arith.index_cast %parallel_loop3A_566 : i32 to index
        %parallel_loop3A_643 = arith.constant 112 : index
        %parallel_loop3A_644 = tpu.vector_load %arg8[%parallel_loop3A_642, %parallel_loop3A_643] {strides = array<i32>} : memref<8x1024xf32, #tpu.memory_space<vmem>>, vector<1x16xf32>,
        %parallel_loop3A_645 = vector.shape_cast %parallel_loop3A_644 : vector<1x16xf32> to vector<16xf32>
        %parallel_loop3A_646 = vector.shape_cast %parallel_loop3A_641 : vector<16xf32> to vector<1x16xf32>
        tpu.vector_store %arg8[%parallel_loop3A_642, %parallel_loop3A_643], %parallel_loop3A_646 {add = true, strides = array<i32>} : memref<8x1024xf32, #tpu.memory_space<vmem>>, vector<1x16xf32>,
        %parallel_loop3A_647 = arith.addi %mul3A_120, %parallel_loop3A_566 : i32
        %parallel_loop3A_648 = arith.index_cast %parallel_loop3A_647 : i32 to index
        %parallel_loop3A_649 = arith.constant 128 : index
        %parallel_loop3A_650 = tpu.vector_load %arg7[%parallel_loop3A_648, %parallel_loop3A_649] {strides = array<i32>} : memref<32x1024xf32, #tpu.memory_space<vmem>>, vector<1x16xf32>,
        %parallel_loop3A_651 = vector.shape_cast %parallel_loop3A_650 : vector<1x16xf32> to vector<16xf32>
        %parallel_loop3A_652 = arith.index_cast %parallel_loop3A_566 : i32 to index
        %parallel_loop3A_653 = arith.constant 128 : index
        %parallel_loop3A_654 = tpu.vector_load %arg8[%parallel_loop3A_652, %parallel_loop3A_653] {strides = array<i32>} : memref<8x1024xf32, #tpu.memory_space<vmem>>, vector<1x16xf32>,
        %parallel_loop3A_655 = vector.shape_cast %parallel_loop3A_654 : vector<1x16xf32> to vector<16xf32>
        %parallel_loop3A_656 = vector.shape_cast %parallel_loop3A_651 : vector<16xf32> to vector<1x16xf32>
        tpu.vector_store %arg8[%parallel_loop3A_652, %parallel_loop3A_653], %parallel_loop3A_656 {add = true, strides = array<i32>} : memref<8x1024xf32, #tpu.memory_space<vmem>>, vector<1x16xf32>,
        %parallel_loop3A_657 = arith.addi %mul3A_120, %parallel_loop3A_566 : i32
        %parallel_loop3A_658 = arith.index_cast %parallel_loop3A_657 : i32 to index
        %parallel_loop3A_659 = arith.constant 144 : index
        %parallel_loop3A_660 = tpu.vector_load %arg7[%parallel_loop3A_658, %parallel_loop3A_659] {strides = array<i32>} : memref<32x1024xf32, #tpu.memory_space<vmem>>, vector<1x16xf32>,
        %parallel_loop3A_661 = vector.shape_cast %parallel_loop3A_660 : vector<1x16xf32> to vector<16xf32>
        %parallel_loop3A_662 = arith.index_cast %parallel_loop3A_566 : i32 to index
        %parallel_loop3A_663 = arith.constant 144 : index
        %parallel_loop3A_664 = tpu.vector_load %arg8[%parallel_loop3A_662, %parallel_loop3A_663] {strides = array<i32>} : memref<8x1024xf32, #tpu.memory_space<vmem>>, vector<1x16xf32>,
        %parallel_loop3A_665 = vector.shape_cast %parallel_loop3A_664 : vector<1x16xf32> to vector<16xf32>
        %parallel_loop3A_666 = vector.shape_cast %parallel_loop3A_661 : vector<16xf32> to vector<1x16xf32>
        tpu.vector_store %arg8[%parallel_loop3A_662, %parallel_loop3A_663], %parallel_loop3A_666 {add = true, strides = array<i32>} : memref<8x1024xf32, #tpu.memory_space<vmem>>, vector<1x16xf32>,
        %parallel_loop3A_667 = arith.addi %mul3A_120, %parallel_loop3A_566 : i32
        %parallel_loop3A_668 = arith.index_cast %parallel_loop3A_667 : i32 to index
        %parallel_loop3A_669 = arith.constant 160 : index
        %parallel_loop3A_670 = tpu.vector_load %arg7[%parallel_loop3A_668, %parallel_loop3A_669] {strides = array<i32>} : memref<32x1024xf32, #tpu.memory_space<vmem>>, vector<1x16xf32>,
        %parallel_loop3A_671 = vector.shape_cast %parallel_loop3A_670 : vector<1x16xf32> to vector<16xf32>
        %parallel_loop3A_672 = arith.index_cast %parallel_loop3A_566 : i32 to index
        %parallel_loop3A_673 = arith.constant 160 : index
        %parallel_loop3A_674 = tpu.vector_load %arg8[%parallel_loop3A_672, %parallel_loop3A_673] {strides = array<i32>} : memref<8x1024xf32, #tpu.memory_space<vmem>>, vector<1x16xf32>,
        %parallel_loop3A_675 = vector.shape_cast %parallel_loop3A_674 : vector<1x16xf32> to vector<16xf32>
        %parallel_loop3A_676 = vector.shape_cast %parallel_loop3A_671 : vector<16xf32> to vector<1x16xf32>
        tpu.vector_store %arg8[%parallel_loop3A_672, %parallel_loop3A_673], %parallel_loop3A_676 {add = true, strides = array<i32>} : memref<8x1024xf32, #tpu.memory_space<vmem>>, vector<1x16xf32>,
        %parallel_loop3A_677 = arith.addi %mul3A_120, %parallel_loop3A_566 : i32
        %parallel_loop3A_678 = arith.index_cast %parallel_loop3A_677 : i32 to index
        %parallel_loop3A_679 = arith.constant 176 : index
        %parallel_loop3A_680 = tpu.vector_load %arg7[%parallel_loop3A_678, %parallel_loop3A_679] {strides = array<i32>} : memref<32x1024xf32, #tpu.memory_space<vmem>>, vector<1x16xf32>,
        %parallel_loop3A_681 = vector.shape_cast %parallel_loop3A_680 : vector<1x16xf32> to vector<16xf32>
        %parallel_loop3A_682 = arith.index_cast %parallel_loop3A_566 : i32 to index
        %parallel_loop3A_683 = arith.constant 176 : index
        %parallel_loop3A_684 = tpu.vector_load %arg8[%parallel_loop3A_682, %parallel_loop3A_683] {strides = array<i32>} : memref<8x1024xf32, #tpu.memory_space<vmem>>, vector<1x16xf32>,
        %parallel_loop3A_685 = vector.shape_cast %parallel_loop3A_684 : vector<1x16xf32> to vector<16xf32>
        %parallel_loop3A_686 = vector.shape_cast %parallel_loop3A_681 : vector<16xf32> to vector<1x16xf32>
        tpu.vector_store %arg8[%parallel_loop3A_682, %parallel_loop3A_683], %parallel_loop3A_686 {add = true, strides = array<i32>} : memref<8x1024xf32, #tpu.memory_space<vmem>>, vector<1x16xf32>,
        %parallel_loop3A_687 = arith.addi %mul3A_120, %parallel_loop3A_566 : i32
        %parallel_loop3A_688 = arith.index_cast %parallel_loop3A_687 : i32 to index
        %parallel_loop3A_689 = arith.constant 192 : index
        %parallel_loop3A_690 = tpu.vector_load %arg7[%parallel_loop3A_688, %parallel_loop3A_689] {strides = array<i32>} : memref<32x1024xf32, #tpu.memory_space<vmem>>, vector<1x16xf32>,
        %parallel_loop3A_691 = vector.shape_cast %parallel_loop3A_690 : vector<1x16xf32> to vector<16xf32>
        %parallel_loop3A_692 = arith.index_cast %parallel_loop3A_566 : i32 to index
        %parallel_loop3A_693 = arith.constant 192 : index
        %parallel_loop3A_694 = tpu.vector_load %arg8[%parallel_loop3A_692, %parallel_loop3A_693] {strides = array<i32>} : memref<8x1024xf32, #tpu.memory_space<vmem>>, vector<1x16xf32>,
        %parallel_loop3A_695 = vector.shape_cast %parallel_loop3A_694 : vector<1x16xf32> to vector<16xf32>
        %parallel_loop3A_696 = vector.shape_cast %parallel_loop3A_691 : vector<16xf32> to vector<1x16xf32>
        tpu.vector_store %arg8[%parallel_loop3A_692, %parallel_loop3A_693], %parallel_loop3A_696 {add = true, strides = array<i32>} : memref<8x1024xf32, #tpu.memory_space<vmem>>, vector<1x16xf32>,
        %parallel_loop3A_697 = arith.addi %mul3A_120, %parallel_loop3A_566 : i32
        %parallel_loop3A_698 = arith.index_cast %parallel_loop3A_697 : i32 to index
        %parallel_loop3A_699 = arith.constant 208 : index
        %parallel_loop3A_700 = tpu.vector_load %arg7[%parallel_loop3A_698, %parallel_loop3A_699] {strides = array<i32>} : memref<32x1024xf32, #tpu.memory_space<vmem>>, vector<1x16xf32>,
        %parallel_loop3A_701 = vector.shape_cast %parallel_loop3A_700 : vector<1x16xf32> to vector<16xf32>
        %parallel_loop3A_702 = arith.index_cast %parallel_loop3A_566 : i32 to index
        %parallel_loop3A_703 = arith.constant 208 : index
        %parallel_loop3A_704 = tpu.vector_load %arg8[%parallel_loop3A_702, %parallel_loop3A_703] {strides = array<i32>} : memref<8x1024xf32, #tpu.memory_space<vmem>>, vector<1x16xf32>,
        %parallel_loop3A_705 = vector.shape_cast %parallel_loop3A_704 : vector<1x16xf32> to vector<16xf32>
        %parallel_loop3A_706 = vector.shape_cast %parallel_loop3A_701 : vector<16xf32> to vector<1x16xf32>
        tpu.vector_store %arg8[%parallel_loop3A_702, %parallel_loop3A_703], %parallel_loop3A_706 {add = true, strides = array<i32>} : memref<8x1024xf32, #tpu.memory_space<vmem>>, vector<1x16xf32>,
        %parallel_loop3A_707 = arith.addi %mul3A_120, %parallel_loop3A_566 : i32
        %parallel_loop3A_708 = arith.index_cast %parallel_loop3A_707 : i32 to index
        %parallel_loop3A_709 = arith.constant 224 : index
        %parallel_loop3A_710 = tpu.vector_load %arg7[%parallel_loop3A_708, %parallel_loop3A_709] {strides = array<i32>} : memref<32x1024xf32, #tpu.memory_space<vmem>>, vector<1x16xf32>,
        %parallel_loop3A_711 = vector.shape_cast %parallel_loop3A_710 : vector<1x16xf32> to vector<16xf32>
        %parallel_loop3A_712 = arith.index_cast %parallel_loop3A_566 : i32 to index
        %parallel_loop3A_713 = arith.constant 224 : index
        %parallel_loop3A_714 = tpu.vector_load %arg8[%parallel_loop3A_712, %parallel_loop3A_713] {strides = array<i32>} : memref<8x1024xf32, #tpu.memory_space<vmem>>, vector<1x16xf32>,
        %parallel_loop3A_715 = vector.shape_cast %parallel_loop3A_714 : vector<1x16xf32> to vector<16xf32>
        %parallel_loop3A_716 = vector.shape_cast %parallel_loop3A_711 : vector<16xf32> to vector<1x16xf32>
        tpu.vector_store %arg8[%parallel_loop3A_712, %parallel_loop3A_713], %parallel_loop3A_716 {add = true, strides = array<i32>} : memref<8x1024xf32, #tpu.memory_space<vmem>>, vector<1x16xf32>,
        %parallel_loop3A_717 = arith.addi %mul3A_120, %parallel_loop3A_566 : i32
        %parallel_loop3A_718 = arith.index_cast %parallel_loop3A_717 : i32 to index
        %parallel_loop3A_719 = arith.constant 240 : index
        %parallel_loop3A_720 = tpu.vector_load %arg7[%parallel_loop3A_718, %parallel_loop3A_719] {strides = array<i32>} : memref<32x1024xf32, #tpu.memory_space<vmem>>, vector<1x16xf32>,
        %parallel_loop3A_721 = vector.shape_cast %parallel_loop3A_720 : vector<1x16xf32> to vector<16xf32>
        %parallel_loop3A_722 = arith.index_cast %parallel_loop3A_566 : i32 to index
        %parallel_loop3A_723 = arith.constant 240 : index
        %parallel_loop3A_724 = tpu.vector_load %arg8[%parallel_loop3A_722, %parallel_loop3A_723] {strides = array<i32>} : memref<8x1024xf32, #tpu.memory_space<vmem>>, vector<1x16xf32>,
        %parallel_loop3A_725 = vector.shape_cast %parallel_loop3A_724 : vector<1x16xf32> to vector<16xf32>
        %parallel_loop3A_726 = vector.shape_cast %parallel_loop3A_721 : vector<16xf32> to vector<1x16xf32>
        tpu.vector_store %arg8[%parallel_loop3A_722, %parallel_loop3A_723], %parallel_loop3A_726 {add = true, strides = array<i32>} : memref<8x1024xf32, #tpu.memory_space<vmem>>, vector<1x16xf32>,
        %parallel_loop3A_727 = arith.addi %mul3A_120, %parallel_loop3A_566 : i32
        %parallel_loop3A_728 = arith.index_cast %parallel_loop3A_727 : i32 to index
        %parallel_loop3A_729 = arith.constant 256 : index
        %parallel_loop3A_730 = tpu.vector_load %arg7[%parallel_loop3A_728, %parallel_loop3A_729] {strides = array<i32>} : memref<32x1024xf32, #tpu.memory_space<vmem>>, vector<1x16xf32>,
        %parallel_loop3A_731 = vector.shape_cast %parallel_loop3A_730 : vector<1x16xf32> to vector<16xf32>
        %parallel_loop3A_732 = arith.index_cast %parallel_loop3A_566 : i32 to index
        %parallel_loop3A_733 = arith.constant 256 : index
        %parallel_loop3A_734 = tpu.vector_load %arg8[%parallel_loop3A_732, %parallel_loop3A_733] {strides = array<i32>} : memref<8x1024xf32, #tpu.memory_space<vmem>>, vector<1x16xf32>,
        %parallel_loop3A_735 = vector.shape_cast %parallel_loop3A_734 : vector<1x16xf32> to vector<16xf32>
        %parallel_loop3A_736 = vector.shape_cast %parallel_loop3A_731 : vector<16xf32> to vector<1x16xf32>
        tpu.vector_store %arg8[%parallel_loop3A_732, %parallel_loop3A_733], %parallel_loop3A_736 {add = true, strides = array<i32>} : memref<8x1024xf32, #tpu.memory_space<vmem>>, vector<1x16xf32>,
        %parallel_loop3A_737 = arith.addi %mul3A_120, %parallel_loop3A_566 : i32
        %parallel_loop3A_738 = arith.index_cast %parallel_loop3A_737 : i32 to index
        %parallel_loop3A_739 = arith.constant 272 : index
        %parallel_loop3A_740 = tpu.vector_load %arg7[%parallel_loop3A_738, %parallel_loop3A_739] {strides = array<i32>} : memref<32x1024xf32, #tpu.memory_space<vmem>>, vector<1x16xf32>,
        %parallel_loop3A_741 = vector.shape_cast %parallel_loop3A_740 : vector<1x16xf32> to vector<16xf32>
        %parallel_loop3A_742 = arith.index_cast %parallel_loop3A_566 : i32 to index
        %parallel_loop3A_743 = arith.constant 272 : index
        %parallel_loop3A_744 = tpu.vector_load %arg8[%parallel_loop3A_742, %parallel_loop3A_743] {strides = array<i32>} : memref<8x1024xf32, #tpu.memory_space<vmem>>, vector<1x16xf32>,
        %parallel_loop3A_745 = vector.shape_cast %parallel_loop3A_744 : vector<1x16xf32> to vector<16xf32>
        %parallel_loop3A_746 = vector.shape_cast %parallel_loop3A_741 : vector<16xf32> to vector<1x16xf32>
        tpu.vector_store %arg8[%parallel_loop3A_742, %parallel_loop3A_743], %parallel_loop3A_746 {add = true, strides = array<i32>} : memref<8x1024xf32, #tpu.memory_space<vmem>>, vector<1x16xf32>,
        %parallel_loop3A_747 = arith.addi %mul3A_120, %parallel_loop3A_566 : i32
        %parallel_loop3A_748 = arith.index_cast %parallel_loop3A_747 : i32 to index
        %parallel_loop3A_749 = arith.constant 288 : index
        %parallel_loop3A_750 = tpu.vector_load %arg7[%parallel_loop3A_748, %parallel_loop3A_749] {strides = array<i32>} : memref<32x1024xf32, #tpu.memory_space<vmem>>, vector<1x16xf32>,
        %parallel_loop3A_751 = vector.shape_cast %parallel_loop3A_750 : vector<1x16xf32> to vector<16xf32>
        %parallel_loop3A_752 = arith.index_cast %parallel_loop3A_566 : i32 to index
        %parallel_loop3A_753 = arith.constant 288 : index
        %parallel_loop3A_754 = tpu.vector_load %arg8[%parallel_loop3A_752, %parallel_loop3A_753] {strides = array<i32>} : memref<8x1024xf32, #tpu.memory_space<vmem>>, vector<1x16xf32>,
        %parallel_loop3A_755 = vector.shape_cast %parallel_loop3A_754 : vector<1x16xf32> to vector<16xf32>
        %parallel_loop3A_756 = vector.shape_cast %parallel_loop3A_751 : vector<16xf32> to vector<1x16xf32>
        tpu.vector_store %arg8[%parallel_loop3A_752, %parallel_loop3A_753], %parallel_loop3A_756 {add = true, strides = array<i32>} : memref<8x1024xf32, #tpu.memory_space<vmem>>, vector<1x16xf32>,
        %parallel_loop3A_757 = arith.addi %mul3A_120, %parallel_loop3A_566 : i32
        %parallel_loop3A_758 = arith.index_cast %parallel_loop3A_757 : i32 to index
        %parallel_loop3A_759 = arith.constant 304 : index
        %parallel_loop3A_760 = tpu.vector_load %arg7[%parallel_loop3A_758, %parallel_loop3A_759] {strides = array<i32>} : memref<32x1024xf32, #tpu.memory_space<vmem>>, vector<1x16xf32>,
        %parallel_loop3A_761 = vector.shape_cast %parallel_loop3A_760 : vector<1x16xf32> to vector<16xf32>
        %parallel_loop3A_762 = arith.index_cast %parallel_loop3A_566 : i32 to index
        %parallel_loop3A_763 = arith.constant 304 : index
        %parallel_loop3A_764 = tpu.vector_load %arg8[%parallel_loop3A_762, %parallel_loop3A_763] {strides = array<i32>} : memref<8x1024xf32, #tpu.memory_space<vmem>>, vector<1x16xf32>,
        %parallel_loop3A_765 = vector.shape_cast %parallel_loop3A_764 : vector<1x16xf32> to vector<16xf32>
        %parallel_loop3A_766 = vector.shape_cast %parallel_loop3A_761 : vector<16xf32> to vector<1x16xf32>
        tpu.vector_store %arg8[%parallel_loop3A_762, %parallel_loop3A_763], %parallel_loop3A_766 {add = true, strides = array<i32>} : memref<8x1024xf32, #tpu.memory_space<vmem>>, vector<1x16xf32>,
        %parallel_loop3A_767 = arith.addi %mul3A_120, %parallel_loop3A_566 : i32
        %parallel_loop3A_768 = arith.index_cast %parallel_loop3A_767 : i32 to index
        %parallel_loop3A_769 = arith.constant 320 : index
        %parallel_loop3A_770 = tpu.vector_load %arg7[%parallel_loop3A_768, %parallel_loop3A_769] {strides = array<i32>} : memref<32x1024xf32, #tpu.memory_space<vmem>>, vector<1x16xf32>,
        %parallel_loop3A_771 = vector.shape_cast %parallel_loop3A_770 : vector<1x16xf32> to vector<16xf32>
        %parallel_loop3A_772 = arith.index_cast %parallel_loop3A_566 : i32 to index
        %parallel_loop3A_773 = arith.constant 320 : index
        %parallel_loop3A_774 = tpu.vector_load %arg8[%parallel_loop3A_772, %parallel_loop3A_773] {strides = array<i32>} : memref<8x1024xf32, #tpu.memory_space<vmem>>, vector<1x16xf32>,
        %parallel_loop3A_775 = vector.shape_cast %parallel_loop3A_774 : vector<1x16xf32> to vector<16xf32>
        %parallel_loop3A_776 = vector.shape_cast %parallel_loop3A_771 : vector<16xf32> to vector<1x16xf32>
        tpu.vector_store %arg8[%parallel_loop3A_772, %parallel_loop3A_773], %parallel_loop3A_776 {add = true, strides = array<i32>} : memref<8x1024xf32, #tpu.memory_space<vmem>>, vector<1x16xf32>,
        %parallel_loop3A_777 = arith.addi %mul3A_120, %parallel_loop3A_566 : i32
        %parallel_loop3A_778 = arith.index_cast %parallel_loop3A_777 : i32 to index
        %parallel_loop3A_779 = arith.constant 336 : index
        %parallel_loop3A_780 = tpu.vector_load %arg7[%parallel_loop3A_778, %parallel_loop3A_779] {strides = array<i32>} : memref<32x1024xf32, #tpu.memory_space<vmem>>, vector<1x16xf32>,
        %parallel_loop3A_781 = vector.shape_cast %parallel_loop3A_780 : vector<1x16xf32> to vector<16xf32>
        %parallel_loop3A_782 = arith.index_cast %parallel_loop3A_566 : i32 to index
        %parallel_loop3A_783 = arith.constant 336 : index
        %parallel_loop3A_784 = tpu.vector_load %arg8[%parallel_loop3A_782, %parallel_loop3A_783] {strides = array<i32>} : memref<8x1024xf32, #tpu.memory_space<vmem>>, vector<1x16xf32>,
        %parallel_loop3A_785 = vector.shape_cast %parallel_loop3A_784 : vector<1x16xf32> to vector<16xf32>
        %parallel_loop3A_786 = vector.shape_cast %parallel_loop3A_781 : vector<16xf32> to vector<1x16xf32>
        tpu.vector_store %arg8[%parallel_loop3A_782, %parallel_loop3A_783], %parallel_loop3A_786 {add = true, strides = array<i32>} : memref<8x1024xf32, #tpu.memory_space<vmem>>, vector<1x16xf32>,
        %parallel_loop3A_787 = arith.addi %mul3A_120, %parallel_loop3A_566 : i32
        %parallel_loop3A_788 = arith.index_cast %parallel_loop3A_787 : i32 to index
        %parallel_loop3A_789 = arith.constant 352 : index
        %parallel_loop3A_790 = tpu.vector_load %arg7[%parallel_loop3A_788, %parallel_loop3A_789] {strides = array<i32>} : memref<32x1024xf32, #tpu.memory_space<vmem>>, vector<1x16xf32>,
        %parallel_loop3A_791 = vector.shape_cast %parallel_loop3A_790 : vector<1x16xf32> to vector<16xf32>
        %parallel_loop3A_792 = arith.index_cast %parallel_loop3A_566 : i32 to index
        %parallel_loop3A_793 = arith.constant 352 : index
        %parallel_loop3A_794 = tpu.vector_load %arg8[%parallel_loop3A_792, %parallel_loop3A_793] {strides = array<i32>} : memref<8x1024xf32, #tpu.memory_space<vmem>>, vector<1x16xf32>,
        %parallel_loop3A_795 = vector.shape_cast %parallel_loop3A_794 : vector<1x16xf32> to vector<16xf32>
        %parallel_loop3A_796 = vector.shape_cast %parallel_loop3A_791 : vector<16xf32> to vector<1x16xf32>
        tpu.vector_store %arg8[%parallel_loop3A_792, %parallel_loop3A_793], %parallel_loop3A_796 {add = true, strides = array<i32>} : memref<8x1024xf32, #tpu.memory_space<vmem>>, vector<1x16xf32>,
        %parallel_loop3A_797 = arith.addi %mul3A_120, %parallel_loop3A_566 : i32
        %parallel_loop3A_798 = arith.index_cast %parallel_loop3A_797 : i32 to index
        %parallel_loop3A_799 = arith.constant 368 : index
        %parallel_loop3A_800 = tpu.vector_load %arg7[%parallel_loop3A_798, %parallel_loop3A_799] {strides = array<i32>} : memref<32x1024xf32, #tpu.memory_space<vmem>>, vector<1x16xf32>,
        %parallel_loop3A_801 = vector.shape_cast %parallel_loop3A_800 : vector<1x16xf32> to vector<16xf32>
        %parallel_loop3A_802 = arith.index_cast %parallel_loop3A_566 : i32 to index
        %parallel_loop3A_803 = arith.constant 368 : index
        %parallel_loop3A_804 = tpu.vector_load %arg8[%parallel_loop3A_802, %parallel_loop3A_803] {strides = array<i32>} : memref<8x1024xf32, #tpu.memory_space<vmem>>, vector<1x16xf32>,
        %parallel_loop3A_805 = vector.shape_cast %parallel_loop3A_804 : vector<1x16xf32> to vector<16xf32>
        %parallel_loop3A_806 = vector.shape_cast %parallel_loop3A_801 : vector<16xf32> to vector<1x16xf32>
        tpu.vector_store %arg8[%parallel_loop3A_802, %parallel_loop3A_803], %parallel_loop3A_806 {add = true, strides = array<i32>} : memref<8x1024xf32, #tpu.memory_space<vmem>>, vector<1x16xf32>,
        %parallel_loop3A_807 = arith.addi %mul3A_120, %parallel_loop3A_566 : i32
        %parallel_loop3A_808 = arith.index_cast %parallel_loop3A_807 : i32 to index
        %parallel_loop3A_809 = arith.constant 384 : index
        %parallel_loop3A_810 = tpu.vector_load %arg7[%parallel_loop3A_808, %parallel_loop3A_809] {strides = array<i32>} : memref<32x1024xf32, #tpu.memory_space<vmem>>, vector<1x16xf32>,
        %parallel_loop3A_811 = vector.shape_cast %parallel_loop3A_810 : vector<1x16xf32> to vector<16xf32>
        %parallel_loop3A_812 = arith.index_cast %parallel_loop3A_566 : i32 to index
        %parallel_loop3A_813 = arith.constant 384 : index
        %parallel_loop3A_814 = tpu.vector_load %arg8[%parallel_loop3A_812, %parallel_loop3A_813] {strides = array<i32>} : memref<8x1024xf32, #tpu.memory_space<vmem>>, vector<1x16xf32>,
        %parallel_loop3A_815 = vector.shape_cast %parallel_loop3A_814 : vector<1x16xf32> to vector<16xf32>
        %parallel_loop3A_816 = vector.shape_cast %parallel_loop3A_811 : vector<16xf32> to vector<1x16xf32>
        tpu.vector_store %arg8[%parallel_loop3A_812, %parallel_loop3A_813], %parallel_loop3A_816 {add = true, strides = array<i32>} : memref<8x1024xf32, #tpu.memory_space<vmem>>, vector<1x16xf32>,
        %parallel_loop3A_817 = arith.addi %mul3A_120, %parallel_loop3A_566 : i32
        %parallel_loop3A_818 = arith.index_cast %parallel_loop3A_817 : i32 to index
        %parallel_loop3A_819 = arith.constant 400 : index
        %parallel_loop3A_820 = tpu.vector_load %arg7[%parallel_loop3A_818, %parallel_loop3A_819] {strides = array<i32>} : memref<32x1024xf32, #tpu.memory_space<vmem>>, vector<1x16xf32>,
        %parallel_loop3A_821 = vector.shape_cast %parallel_loop3A_820 : vector<1x16xf32> to vector<16xf32>
        %parallel_loop3A_822 = arith.index_cast %parallel_loop3A_566 : i32 to index
        %parallel_loop3A_823 = arith.constant 400 : index
        %parallel_loop3A_824 = tpu.vector_load %arg8[%parallel_loop3A_822, %parallel_loop3A_823] {strides = array<i32>} : memref<8x1024xf32, #tpu.memory_space<vmem>>, vector<1x16xf32>,
        %parallel_loop3A_825 = vector.shape_cast %parallel_loop3A_824 : vector<1x16xf32> to vector<16xf32>
        %parallel_loop3A_826 = vector.shape_cast %parallel_loop3A_821 : vector<16xf32> to vector<1x16xf32>
        tpu.vector_store %arg8[%parallel_loop3A_822, %parallel_loop3A_823], %parallel_loop3A_826 {add = true, strides = array<i32>} : memref<8x1024xf32, #tpu.memory_space<vmem>>, vector<1x16xf32>,
        %parallel_loop3A_827 = arith.addi %mul3A_120, %parallel_loop3A_566 : i32
        %parallel_loop3A_828 = arith.index_cast %parallel_loop3A_827 : i32 to index
        %parallel_loop3A_829 = arith.constant 416 : index
        %parallel_loop3A_830 = tpu.vector_load %arg7[%parallel_loop3A_828, %parallel_loop3A_829] {strides = array<i32>} : memref<32x1024xf32, #tpu.memory_space<vmem>>, vector<1x16xf32>,
        %parallel_loop3A_831 = vector.shape_cast %parallel_loop3A_830 : vector<1x16xf32> to vector<16xf32>
        %parallel_loop3A_832 = arith.index_cast %parallel_loop3A_566 : i32 to index
        %parallel_loop3A_833 = arith.constant 416 : index
        %parallel_loop3A_834 = tpu.vector_load %arg8[%parallel_loop3A_832, %parallel_loop3A_833] {strides = array<i32>} : memref<8x1024xf32, #tpu.memory_space<vmem>>, vector<1x16xf32>,
        %parallel_loop3A_835 = vector.shape_cast %parallel_loop3A_834 : vector<1x16xf32> to vector<16xf32>
        %parallel_loop3A_836 = vector.shape_cast %parallel_loop3A_831 : vector<16xf32> to vector<1x16xf32>
        tpu.vector_store %arg8[%parallel_loop3A_832, %parallel_loop3A_833], %parallel_loop3A_836 {add = true, strides = array<i32>} : memref<8x1024xf32, #tpu.memory_space<vmem>>, vector<1x16xf32>,
        %parallel_loop3A_837 = arith.addi %mul3A_120, %parallel_loop3A_566 : i32
        %parallel_loop3A_838 = arith.index_cast %parallel_loop3A_837 : i32 to index
        %parallel_loop3A_839 = arith.constant 432 : index
        %parallel_loop3A_840 = tpu.vector_load %arg7[%parallel_loop3A_838, %parallel_loop3A_839] {strides = array<i32>} : memref<32x1024xf32, #tpu.memory_space<vmem>>, vector<1x16xf32>,
        %parallel_loop3A_841 = vector.shape_cast %parallel_loop3A_840 : vector<1x16xf32> to vector<16xf32>
        %parallel_loop3A_842 = arith.index_cast %parallel_loop3A_566 : i32 to index
        %parallel_loop3A_843 = arith.constant 432 : index
        %parallel_loop3A_844 = tpu.vector_load %arg8[%parallel_loop3A_842, %parallel_loop3A_843] {strides = array<i32>} : memref<8x1024xf32, #tpu.memory_space<vmem>>, vector<1x16xf32>,
        %parallel_loop3A_845 = vector.shape_cast %parallel_loop3A_844 : vector<1x16xf32> to vector<16xf32>
        %parallel_loop3A_846 = vector.shape_cast %parallel_loop3A_841 : vector<16xf32> to vector<1x16xf32>
        tpu.vector_store %arg8[%parallel_loop3A_842, %parallel_loop3A_843], %parallel_loop3A_846 {add = true, strides = array<i32>} : memref<8x1024xf32, #tpu.memory_space<vmem>>, vector<1x16xf32>,
        %parallel_loop3A_847 = arith.addi %mul3A_120, %parallel_loop3A_566 : i32
        %parallel_loop3A_848 = arith.index_cast %parallel_loop3A_847 : i32 to index
        %parallel_loop3A_849 = arith.constant 448 : index
        %parallel_loop3A_850 = tpu.vector_load %arg7[%parallel_loop3A_848, %parallel_loop3A_849] {strides = array<i32>} : memref<32x1024xf32, #tpu.memory_space<vmem>>, vector<1x16xf32>,
        %parallel_loop3A_851 = vector.shape_cast %parallel_loop3A_850 : vector<1x16xf32> to vector<16xf32>
        %parallel_loop3A_852 = arith.index_cast %parallel_loop3A_566 : i32 to index
        %parallel_loop3A_853 = arith.constant 448 : index
        %parallel_loop3A_854 = tpu.vector_load %arg8[%parallel_loop3A_852, %parallel_loop3A_853] {strides = array<i32>} : memref<8x1024xf32, #tpu.memory_space<vmem>>, vector<1x16xf32>,
        %parallel_loop3A_855 = vector.shape_cast %parallel_loop3A_854 : vector<1x16xf32> to vector<16xf32>
        %parallel_loop3A_856 = vector.shape_cast %parallel_loop3A_851 : vector<16xf32> to vector<1x16xf32>
        tpu.vector_store %arg8[%parallel_loop3A_852, %parallel_loop3A_853], %parallel_loop3A_856 {add = true, strides = array<i32>} : memref<8x1024xf32, #tpu.memory_space<vmem>>, vector<1x16xf32>,
        %parallel_loop3A_857 = arith.addi %mul3A_120, %parallel_loop3A_566 : i32
        %parallel_loop3A_858 = arith.index_cast %parallel_loop3A_857 : i32 to index
        %parallel_loop3A_859 = arith.constant 464 : index
        %parallel_loop3A_860 = tpu.vector_load %arg7[%parallel_loop3A_858, %parallel_loop3A_859] {strides = array<i32>} : memref<32x1024xf32, #tpu.memory_space<vmem>>, vector<1x16xf32>,
        %parallel_loop3A_861 = vector.shape_cast %parallel_loop3A_860 : vector<1x16xf32> to vector<16xf32>
        %parallel_loop3A_862 = arith.index_cast %parallel_loop3A_566 : i32 to index
        %parallel_loop3A_863 = arith.constant 464 : index
        %parallel_loop3A_864 = tpu.vector_load %arg8[%parallel_loop3A_862, %parallel_loop3A_863] {strides = array<i32>} : memref<8x1024xf32, #tpu.memory_space<vmem>>, vector<1x16xf32>,
        %parallel_loop3A_865 = vector.shape_cast %parallel_loop3A_864 : vector<1x16xf32> to vector<16xf32>
        %parallel_loop3A_866 = vector.shape_cast %parallel_loop3A_861 : vector<16xf32> to vector<1x16xf32>
        tpu.vector_store %arg8[%parallel_loop3A_862, %parallel_loop3A_863], %parallel_loop3A_866 {add = true, strides = array<i32>} : memref<8x1024xf32, #tpu.memory_space<vmem>>, vector<1x16xf32>,
        %parallel_loop3A_867 = arith.addi %mul3A_120, %parallel_loop3A_566 : i32
        %parallel_loop3A_868 = arith.index_cast %parallel_loop3A_867 : i32 to index
        %parallel_loop3A_869 = arith.constant 480 : index
        %parallel_loop3A_870 = tpu.vector_load %arg7[%parallel_loop3A_868, %parallel_loop3A_869] {strides = array<i32>} : memref<32x1024xf32, #tpu.memory_space<vmem>>, vector<1x16xf32>,
        %parallel_loop3A_871 = vector.shape_cast %parallel_loop3A_870 : vector<1x16xf32> to vector<16xf32>
        %parallel_loop3A_872 = arith.index_cast %parallel_loop3A_566 : i32 to index
        %parallel_loop3A_873 = arith.constant 480 : index
        %parallel_loop3A_874 = tpu.vector_load %arg8[%parallel_loop3A_872, %parallel_loop3A_873] {strides = array<i32>} : memref<8x1024xf32, #tpu.memory_space<vmem>>, vector<1x16xf32>,
        %parallel_loop3A_875 = vector.shape_cast %parallel_loop3A_874 : vector<1x16xf32> to vector<16xf32>
        %parallel_loop3A_876 = vector.shape_cast %parallel_loop3A_871 : vector<16xf32> to vector<1x16xf32>
        tpu.vector_store %arg8[%parallel_loop3A_872, %parallel_loop3A_873], %parallel_loop3A_876 {add = true, strides = array<i32>} : memref<8x1024xf32, #tpu.memory_space<vmem>>, vector<1x16xf32>,
        %parallel_loop3A_877 = arith.addi %mul3A_120, %parallel_loop3A_566 : i32
        %parallel_loop3A_878 = arith.index_cast %parallel_loop3A_877 : i32 to index
        %parallel_loop3A_879 = arith.constant 496 : index
        %parallel_loop3A_880 = tpu.vector_load %arg7[%parallel_loop3A_878, %parallel_loop3A_879] {strides = array<i32>} : memref<32x1024xf32, #tpu.memory_space<vmem>>, vector<1x16xf32>,
        %parallel_loop3A_881 = vector.shape_cast %parallel_loop3A_880 : vector<1x16xf32> to vector<16xf32>
        %parallel_loop3A_882 = arith.index_cast %parallel_loop3A_566 : i32 to index
        %parallel_loop3A_883 = arith.constant 496 : index
        %parallel_loop3A_884 = tpu.vector_load %arg8[%parallel_loop3A_882, %parallel_loop3A_883] {strides = array<i32>} : memref<8x1024xf32, #tpu.memory_space<vmem>>, vector<1x16xf32>,
        %parallel_loop3A_885 = vector.shape_cast %parallel_loop3A_884 : vector<1x16xf32> to vector<16xf32>
        %parallel_loop3A_886 = vector.shape_cast %parallel_loop3A_881 : vector<16xf32> to vector<1x16xf32>
        tpu.vector_store %arg8[%parallel_loop3A_882, %parallel_loop3A_883], %parallel_loop3A_886 {add = true, strides = array<i32>} : memref<8x1024xf32, #tpu.memory_space<vmem>>, vector<1x16xf32>,
        %parallel_loop3A_887 = arith.addi %mul3A_120, %parallel_loop3A_566 : i32
        %parallel_loop3A_888 = arith.index_cast %parallel_loop3A_887 : i32 to index
        %parallel_loop3A_889 = arith.constant 512 : index
        %parallel_loop3A_890 = tpu.vector_load %arg7[%parallel_loop3A_888, %parallel_loop3A_889] {strides = array<i32>} : memref<32x1024xf32, #tpu.memory_space<vmem>>, vector<1x16xf32>,
        %parallel_loop3A_891 = vector.shape_cast %parallel_loop3A_890 : vector<1x16xf32> to vector<16xf32>
        %parallel_loop3A_892 = arith.index_cast %parallel_loop3A_566 : i32 to index
        %parallel_loop3A_893 = arith.constant 512 : index
        %parallel_loop3A_894 = tpu.vector_load %arg8[%parallel_loop3A_892, %parallel_loop3A_893] {strides = array<i32>} : memref<8x1024xf32, #tpu.memory_space<vmem>>, vector<1x16xf32>,
        %parallel_loop3A_895 = vector.shape_cast %parallel_loop3A_894 : vector<1x16xf32> to vector<16xf32>
        %parallel_loop3A_896 = vector.shape_cast %parallel_loop3A_891 : vector<16xf32> to vector<1x16xf32>
        tpu.vector_store %arg8[%parallel_loop3A_892, %parallel_loop3A_893], %parallel_loop3A_896 {add = true, strides = array<i32>} : memref<8x1024xf32, #tpu.memory_space<vmem>>, vector<1x16xf32>,
        %parallel_loop3A_897 = arith.addi %mul3A_120, %parallel_loop3A_566 : i32
        %parallel_loop3A_898 = arith.index_cast %parallel_loop3A_897 : i32 to index
        %parallel_loop3A_899 = arith.constant 528 : index
        %parallel_loop3A_900 = tpu.vector_load %arg7[%parallel_loop3A_898, %parallel_loop3A_899] {strides = array<i32>} : memref<32x1024xf32, #tpu.memory_space<vmem>>, vector<1x16xf32>,
        %parallel_loop3A_901 = vector.shape_cast %parallel_loop3A_900 : vector<1x16xf32> to vector<16xf32>
        %parallel_loop3A_902 = arith.index_cast %parallel_loop3A_566 : i32 to index
        %parallel_loop3A_903 = arith.constant 528 : index
        %parallel_loop3A_904 = tpu.vector_load %arg8[%parallel_loop3A_902, %parallel_loop3A_903] {strides = array<i32>} : memref<8x1024xf32, #tpu.memory_space<vmem>>, vector<1x16xf32>,
        %parallel_loop3A_905 = vector.shape_cast %parallel_loop3A_904 : vector<1x16xf32> to vector<16xf32>
        %parallel_loop3A_906 = vector.shape_cast %parallel_loop3A_901 : vector<16xf32> to vector<1x16xf32>
        tpu.vector_store %arg8[%parallel_loop3A_902, %parallel_loop3A_903], %parallel_loop3A_906 {add = true, strides = array<i32>} : memref<8x1024xf32, #tpu.memory_space<vmem>>, vector<1x16xf32>,
        %parallel_loop3A_907 = arith.addi %mul3A_120, %parallel_loop3A_566 : i32
        %parallel_loop3A_908 = arith.index_cast %parallel_loop3A_907 : i32 to index
        %parallel_loop3A_909 = arith.constant 544 : index
        %parallel_loop3A_910 = tpu.vector_load %arg7[%parallel_loop3A_908, %parallel_loop3A_909] {strides = array<i32>} : memref<32x1024xf32, #tpu.memory_space<vmem>>, vector<1x16xf32>,
        %parallel_loop3A_911 = vector.shape_cast %parallel_loop3A_910 : vector<1x16xf32> to vector<16xf32>
        %parallel_loop3A_912 = arith.index_cast %parallel_loop3A_566 : i32 to index
        %parallel_loop3A_913 = arith.constant 544 : index
        %parallel_loop3A_914 = tpu.vector_load %arg8[%parallel_loop3A_912, %parallel_loop3A_913] {strides = array<i32>} : memref<8x1024xf32, #tpu.memory_space<vmem>>, vector<1x16xf32>,
        %parallel_loop3A_915 = vector.shape_cast %parallel_loop3A_914 : vector<1x16xf32> to vector<16xf32>
        %parallel_loop3A_916 = vector.shape_cast %parallel_loop3A_911 : vector<16xf32> to vector<1x16xf32>
        tpu.vector_store %arg8[%parallel_loop3A_912, %parallel_loop3A_913], %parallel_loop3A_916 {add = true, strides = array<i32>} : memref<8x1024xf32, #tpu.memory_space<vmem>>, vector<1x16xf32>,
        %parallel_loop3A_917 = arith.addi %mul3A_120, %parallel_loop3A_566 : i32
        %parallel_loop3A_918 = arith.index_cast %parallel_loop3A_917 : i32 to index
        %parallel_loop3A_919 = arith.constant 560 : index
        %parallel_loop3A_920 = tpu.vector_load %arg7[%parallel_loop3A_918, %parallel_loop3A_919] {strides = array<i32>} : memref<32x1024xf32, #tpu.memory_space<vmem>>, vector<1x16xf32>,
        %parallel_loop3A_921 = vector.shape_cast %parallel_loop3A_920 : vector<1x16xf32> to vector<16xf32>
        %parallel_loop3A_922 = arith.index_cast %parallel_loop3A_566 : i32 to index
        %parallel_loop3A_923 = arith.constant 560 : index
        %parallel_loop3A_924 = tpu.vector_load %arg8[%parallel_loop3A_922, %parallel_loop3A_923] {strides = array<i32>} : memref<8x1024xf32, #tpu.memory_space<vmem>>, vector<1x16xf32>,
        %parallel_loop3A_925 = vector.shape_cast %parallel_loop3A_924 : vector<1x16xf32> to vector<16xf32>
        %parallel_loop3A_926 = vector.shape_cast %parallel_loop3A_921 : vector<16xf32> to vector<1x16xf32>
        tpu.vector_store %arg8[%parallel_loop3A_922, %parallel_loop3A_923], %parallel_loop3A_926 {add = true, strides = array<i32>} : memref<8x1024xf32, #tpu.memory_space<vmem>>, vector<1x16xf32>,
        %parallel_loop3A_927 = arith.addi %mul3A_120, %parallel_loop3A_566 : i32
        %parallel_loop3A_928 = arith.index_cast %parallel_loop3A_927 : i32 to index
        %parallel_loop3A_929 = arith.constant 576 : index
        %parallel_loop3A_930 = tpu.vector_load %arg7[%parallel_loop3A_928, %parallel_loop3A_929] {strides = array<i32>} : memref<32x1024xf32, #tpu.memory_space<vmem>>, vector<1x16xf32>,
        %parallel_loop3A_931 = vector.shape_cast %parallel_loop3A_930 : vector<1x16xf32> to vector<16xf32>
        %parallel_loop3A_932 = arith.index_cast %parallel_loop3A_566 : i32 to index
        %parallel_loop3A_933 = arith.constant 576 : index
        %parallel_loop3A_934 = tpu.vector_load %arg8[%parallel_loop3A_932, %parallel_loop3A_933] {strides = array<i32>} : memref<8x1024xf32, #tpu.memory_space<vmem>>, vector<1x16xf32>,
        %parallel_loop3A_935 = vector.shape_cast %parallel_loop3A_934 : vector<1x16xf32> to vector<16xf32>
        %parallel_loop3A_936 = vector.shape_cast %parallel_loop3A_931 : vector<16xf32> to vector<1x16xf32>
        tpu.vector_store %arg8[%parallel_loop3A_932, %parallel_loop3A_933], %parallel_loop3A_936 {add = true, strides = array<i32>} : memref<8x1024xf32, #tpu.memory_space<vmem>>, vector<1x16xf32>,
        %parallel_loop3A_937 = arith.addi %mul3A_120, %parallel_loop3A_566 : i32
        %parallel_loop3A_938 = arith.index_cast %parallel_loop3A_937 : i32 to index
        %parallel_loop3A_939 = arith.constant 592 : index
        %parallel_loop3A_940 = tpu.vector_load %arg7[%parallel_loop3A_938, %parallel_loop3A_939] {strides = array<i32>} : memref<32x1024xf32, #tpu.memory_space<vmem>>, vector<1x16xf32>,
        %parallel_loop3A_941 = vector.shape_cast %parallel_loop3A_940 : vector<1x16xf32> to vector<16xf32>
        %parallel_loop3A_942 = arith.index_cast %parallel_loop3A_566 : i32 to index
        %parallel_loop3A_943 = arith.constant 592 : index
        %parallel_loop3A_944 = tpu.vector_load %arg8[%parallel_loop3A_942, %parallel_loop3A_943] {strides = array<i32>} : memref<8x1024xf32, #tpu.memory_space<vmem>>, vector<1x16xf32>,
        %parallel_loop3A_945 = vector.shape_cast %parallel_loop3A_944 : vector<1x16xf32> to vector<16xf32>
        %parallel_loop3A_946 = vector.shape_cast %parallel_loop3A_941 : vector<16xf32> to vector<1x16xf32>
        tpu.vector_store %arg8[%parallel_loop3A_942, %parallel_loop3A_943], %parallel_loop3A_946 {add = true, strides = array<i32>} : memref<8x1024xf32, #tpu.memory_space<vmem>>, vector<1x16xf32>,
        %parallel_loop3A_947 = arith.addi %mul3A_120, %parallel_loop3A_566 : i32
        %parallel_loop3A_948 = arith.index_cast %parallel_loop3A_947 : i32 to index
        %parallel_loop3A_949 = arith.constant 608 : index
        %parallel_loop3A_950 = tpu.vector_load %arg7[%parallel_loop3A_948, %parallel_loop3A_949] {strides = array<i32>} : memref<32x1024xf32, #tpu.memory_space<vmem>>, vector<1x16xf32>,
        %parallel_loop3A_951 = vector.shape_cast %parallel_loop3A_950 : vector<1x16xf32> to vector<16xf32>
        %parallel_loop3A_952 = arith.index_cast %parallel_loop3A_566 : i32 to index
        %parallel_loop3A_953 = arith.constant 608 : index
        %parallel_loop3A_954 = tpu.vector_load %arg8[%parallel_loop3A_952, %parallel_loop3A_953] {strides = array<i32>} : memref<8x1024xf32, #tpu.memory_space<vmem>>, vector<1x16xf32>,
        %parallel_loop3A_955 = vector.shape_cast %parallel_loop3A_954 : vector<1x16xf32> to vector<16xf32>
        %parallel_loop3A_956 = vector.shape_cast %parallel_loop3A_951 : vector<16xf32> to vector<1x16xf32>
        tpu.vector_store %arg8[%parallel_loop3A_952, %parallel_loop3A_953], %parallel_loop3A_956 {add = true, strides = array<i32>} : memref<8x1024xf32, #tpu.memory_space<vmem>>, vector<1x16xf32>,
        %parallel_loop3A_957 = arith.addi %mul3A_120, %parallel_loop3A_566 : i32
        %parallel_loop3A_958 = arith.index_cast %parallel_loop3A_957 : i32 to index
        %parallel_loop3A_959 = arith.constant 624 : index
        %parallel_loop3A_960 = tpu.vector_load %arg7[%parallel_loop3A_958, %parallel_loop3A_959] {strides = array<i32>} : memref<32x1024xf32, #tpu.memory_space<vmem>>, vector<1x16xf32>,
        %parallel_loop3A_961 = vector.shape_cast %parallel_loop3A_960 : vector<1x16xf32> to vector<16xf32>
        %parallel_loop3A_962 = arith.index_cast %parallel_loop3A_566 : i32 to index
        %parallel_loop3A_963 = arith.constant 624 : index
        %parallel_loop3A_964 = tpu.vector_load %arg8[%parallel_loop3A_962, %parallel_loop3A_963] {strides = array<i32>} : memref<8x1024xf32, #tpu.memory_space<vmem>>, vector<1x16xf32>,
        %parallel_loop3A_965 = vector.shape_cast %parallel_loop3A_964 : vector<1x16xf32> to vector<16xf32>
        %parallel_loop3A_966 = vector.shape_cast %parallel_loop3A_961 : vector<16xf32> to vector<1x16xf32>
        tpu.vector_store %arg8[%parallel_loop3A_962, %parallel_loop3A_963], %parallel_loop3A_966 {add = true, strides = array<i32>} : memref<8x1024xf32, #tpu.memory_space<vmem>>, vector<1x16xf32>,
        %parallel_loop3A_967 = arith.addi %mul3A_120, %parallel_loop3A_566 : i32
        %parallel_loop3A_968 = arith.index_cast %parallel_loop3A_967 : i32 to index
        %parallel_loop3A_969 = arith.constant 640 : index
        %parallel_loop3A_970 = tpu.vector_load %arg7[%parallel_loop3A_968, %parallel_loop3A_969] {strides = array<i32>} : memref<32x1024xf32, #tpu.memory_space<vmem>>, vector<1x16xf32>,
        %parallel_loop3A_971 = vector.shape_cast %parallel_loop3A_970 : vector<1x16xf32> to vector<16xf32>
        %parallel_loop3A_972 = arith.index_cast %parallel_loop3A_566 : i32 to index
        %parallel_loop3A_973 = arith.constant 640 : index
        %parallel_loop3A_974 = tpu.vector_load %arg8[%parallel_loop3A_972, %parallel_loop3A_973] {strides = array<i32>} : memref<8x1024xf32, #tpu.memory_space<vmem>>, vector<1x16xf32>,
        %parallel_loop3A_975 = vector.shape_cast %parallel_loop3A_974 : vector<1x16xf32> to vector<16xf32>
        %parallel_loop3A_976 = vector.shape_cast %parallel_loop3A_971 : vector<16xf32> to vector<1x16xf32>
        tpu.vector_store %arg8[%parallel_loop3A_972, %parallel_loop3A_973], %parallel_loop3A_976 {add = true, strides = array<i32>} : memref<8x1024xf32, #tpu.memory_space<vmem>>, vector<1x16xf32>,
        %parallel_loop3A_977 = arith.addi %mul3A_120, %parallel_loop3A_566 : i32
        %parallel_loop3A_978 = arith.index_cast %parallel_loop3A_977 : i32 to index
        %parallel_loop3A_979 = arith.constant 656 : index
        %parallel_loop3A_980 = tpu.vector_load %arg7[%parallel_loop3A_978, %parallel_loop3A_979] {strides = array<i32>} : memref<32x1024xf32, #tpu.memory_space<vmem>>, vector<1x16xf32>,
        %parallel_loop3A_981 = vector.shape_cast %parallel_loop3A_980 : vector<1x16xf32> to vector<16xf32>
        %parallel_loop3A_982 = arith.index_cast %parallel_loop3A_566 : i32 to index
        %parallel_loop3A_983 = arith.constant 656 : index
        %parallel_loop3A_984 = tpu.vector_load %arg8[%parallel_loop3A_982, %parallel_loop3A_983] {strides = array<i32>} : memref<8x1024xf32, #tpu.memory_space<vmem>>, vector<1x16xf32>,
        %parallel_loop3A_985 = vector.shape_cast %parallel_loop3A_984 : vector<1x16xf32> to vector<16xf32>
        %parallel_loop3A_986 = vector.shape_cast %parallel_loop3A_981 : vector<16xf32> to vector<1x16xf32>
        tpu.vector_store %arg8[%parallel_loop3A_982, %parallel_loop3A_983], %parallel_loop3A_986 {add = true, strides = array<i32>} : memref<8x1024xf32, #tpu.memory_space<vmem>>, vector<1x16xf32>,
        %parallel_loop3A_987 = arith.addi %mul3A_120, %parallel_loop3A_566 : i32
        %parallel_loop3A_988 = arith.index_cast %parallel_loop3A_987 : i32 to index
        %parallel_loop3A_989 = arith.constant 672 : index
        %parallel_loop3A_990 = tpu.vector_load %arg7[%parallel_loop3A_988, %parallel_loop3A_989] {strides = array<i32>} : memref<32x1024xf32, #tpu.memory_space<vmem>>, vector<1x16xf32>,
        %parallel_loop3A_991 = vector.shape_cast %parallel_loop3A_990 : vector<1x16xf32> to vector<16xf32>
        %parallel_loop3A_992 = arith.index_cast %parallel_loop3A_566 : i32 to index
        %parallel_loop3A_993 = arith.constant 672 : index
        %parallel_loop3A_994 = tpu.vector_load %arg8[%parallel_loop3A_992, %parallel_loop3A_993] {strides = array<i32>} : memref<8x1024xf32, #tpu.memory_space<vmem>>, vector<1x16xf32>,
        %parallel_loop3A_995 = vector.shape_cast %parallel_loop3A_994 : vector<1x16xf32> to vector<16xf32>
        %parallel_loop3A_996 = vector.shape_cast %parallel_loop3A_991 : vector<16xf32> to vector<1x16xf32>
        tpu.vector_store %arg8[%parallel_loop3A_992, %parallel_loop3A_993], %parallel_loop3A_996 {add = true, strides = array<i32>} : memref<8x1024xf32, #tpu.memory_space<vmem>>, vector<1x16xf32>,
        %parallel_loop3A_997 = arith.addi %mul3A_120, %parallel_loop3A_566 : i32
        %parallel_loop3A_998 = arith.index_cast %parallel_loop3A_997 : i32 to index
        %parallel_loop3A_999 = arith.constant 688 : index
        %parallel_loop3A_1000 = tpu.vector_load %arg7[%parallel_loop3A_998, %parallel_loop3A_999] {strides = array<i32>} : memref<32x1024xf32, #tpu.memory_space<vmem>>, vector<1x16xf32>,
        %parallel_loop3A_1001 = vector.shape_cast %parallel_loop3A_1000 : vector<1x16xf32> to vector<16xf32>
        %parallel_loop3A_1002 = arith.index_cast %parallel_loop3A_566 : i32 to index
        %parallel_loop3A_1003 = arith.constant 688 : index
        %parallel_loop3A_1004 = tpu.vector_load %arg8[%parallel_loop3A_1002, %parallel_loop3A_1003] {strides = array<i32>} : memref<8x1024xf32, #tpu.memory_space<vmem>>, vector<1x16xf32>,
        %parallel_loop3A_1005 = vector.shape_cast %parallel_loop3A_1004 : vector<1x16xf32> to vector<16xf32>
        %parallel_loop3A_1006 = vector.shape_cast %parallel_loop3A_1001 : vector<16xf32> to vector<1x16xf32>
        tpu.vector_store %arg8[%parallel_loop3A_1002, %parallel_loop3A_1003], %parallel_loop3A_1006 {add = true, strides = array<i32>} : memref<8x1024xf32, #tpu.memory_space<vmem>>, vector<1x16xf32>,
        %parallel_loop3A_1007 = arith.addi %mul3A_120, %parallel_loop3A_566 : i32
        %parallel_loop3A_1008 = arith.index_cast %parallel_loop3A_1007 : i32 to index
        %parallel_loop3A_1009 = arith.constant 704 : index
        %parallel_loop3A_1010 = tpu.vector_load %arg7[%parallel_loop3A_1008, %parallel_loop3A_1009] {strides = array<i32>} : memref<32x1024xf32, #tpu.memory_space<vmem>>, vector<1x16xf32>,
        %parallel_loop3A_1011 = vector.shape_cast %parallel_loop3A_1010 : vector<1x16xf32> to vector<16xf32>
        %parallel_loop3A_1012 = arith.index_cast %parallel_loop3A_566 : i32 to index
        %parallel_loop3A_1013 = arith.constant 704 : index
        %parallel_loop3A_1014 = tpu.vector_load %arg8[%parallel_loop3A_1012, %parallel_loop3A_1013] {strides = array<i32>} : memref<8x1024xf32, #tpu.memory_space<vmem>>, vector<1x16xf32>,
        %parallel_loop3A_1015 = vector.shape_cast %parallel_loop3A_1014 : vector<1x16xf32> to vector<16xf32>
        %parallel_loop3A_1016 = vector.shape_cast %parallel_loop3A_1011 : vector<16xf32> to vector<1x16xf32>
        tpu.vector_store %arg8[%parallel_loop3A_1012, %parallel_loop3A_1013], %parallel_loop3A_1016 {add = true, strides = array<i32>} : memref<8x1024xf32, #tpu.memory_space<vmem>>, vector<1x16xf32>,
        %parallel_loop3A_1017 = arith.addi %mul3A_120, %parallel_loop3A_566 : i32
        %parallel_loop3A_1018 = arith.index_cast %parallel_loop3A_1017 : i32 to index
        %parallel_loop3A_1019 = arith.constant 720 : index
        %parallel_loop3A_1020 = tpu.vector_load %arg7[%parallel_loop3A_1018, %parallel_loop3A_1019] {strides = array<i32>} : memref<32x1024xf32, #tpu.memory_space<vmem>>, vector<1x16xf32>,
        %parallel_loop3A_1021 = vector.shape_cast %parallel_loop3A_1020 : vector<1x16xf32> to vector<16xf32>
        %parallel_loop3A_1022 = arith.index_cast %parallel_loop3A_566 : i32 to index
        %parallel_loop3A_1023 = arith.constant 720 : index
        %parallel_loop3A_1024 = tpu.vector_load %arg8[%parallel_loop3A_1022, %parallel_loop3A_1023] {strides = array<i32>} : memref<8x1024xf32, #tpu.memory_space<vmem>>, vector<1x16xf32>,
        %parallel_loop3A_1025 = vector.shape_cast %parallel_loop3A_1024 : vector<1x16xf32> to vector<16xf32>
        %parallel_loop3A_1026 = vector.shape_cast %parallel_loop3A_1021 : vector<16xf32> to vector<1x16xf32>
        tpu.vector_store %arg8[%parallel_loop3A_1022, %parallel_loop3A_1023], %parallel_loop3A_1026 {add = true, strides = array<i32>} : memref<8x1024xf32, #tpu.memory_space<vmem>>, vector<1x16xf32>,
        %parallel_loop3A_1027 = arith.addi %mul3A_120, %parallel_loop3A_566 : i32
        %parallel_loop3A_1028 = arith.index_cast %parallel_loop3A_1027 : i32 to index
        %parallel_loop3A_1029 = arith.constant 736 : index
        %parallel_loop3A_1030 = tpu.vector_load %arg7[%parallel_loop3A_1028, %parallel_loop3A_1029] {strides = array<i32>} : memref<32x1024xf32, #tpu.memory_space<vmem>>, vector<1x16xf32>,
        %parallel_loop3A_1031 = vector.shape_cast %parallel_loop3A_1030 : vector<1x16xf32> to vector<16xf32>
        %parallel_loop3A_1032 = arith.index_cast %parallel_loop3A_566 : i32 to index
        %parallel_loop3A_1033 = arith.constant 736 : index
        %parallel_loop3A_1034 = tpu.vector_load %arg8[%parallel_loop3A_1032, %parallel_loop3A_1033] {strides = array<i32>} : memref<8x1024xf32, #tpu.memory_space<vmem>>, vector<1x16xf32>,
        %parallel_loop3A_1035 = vector.shape_cast %parallel_loop3A_1034 : vector<1x16xf32> to vector<16xf32>
        %parallel_loop3A_1036 = vector.shape_cast %parallel_loop3A_1031 : vector<16xf32> to vector<1x16xf32>
        tpu.vector_store %arg8[%parallel_loop3A_1032, %parallel_loop3A_1033], %parallel_loop3A_1036 {add = true, strides = array<i32>} : memref<8x1024xf32, #tpu.memory_space<vmem>>, vector<1x16xf32>,
        %parallel_loop3A_1037 = arith.addi %mul3A_120, %parallel_loop3A_566 : i32
        %parallel_loop3A_1038 = arith.index_cast %parallel_loop3A_1037 : i32 to index
        %parallel_loop3A_1039 = arith.constant 752 : index
        %parallel_loop3A_1040 = tpu.vector_load %arg7[%parallel_loop3A_1038, %parallel_loop3A_1039] {strides = array<i32>} : memref<32x1024xf32, #tpu.memory_space<vmem>>, vector<1x16xf32>,
        %parallel_loop3A_1041 = vector.shape_cast %parallel_loop3A_1040 : vector<1x16xf32> to vector<16xf32>
        %parallel_loop3A_1042 = arith.index_cast %parallel_loop3A_566 : i32 to index
        %parallel_loop3A_1043 = arith.constant 752 : index
        %parallel_loop3A_1044 = tpu.vector_load %arg8[%parallel_loop3A_1042, %parallel_loop3A_1043] {strides = array<i32>} : memref<8x1024xf32, #tpu.memory_space<vmem>>, vector<1x16xf32>,
        %parallel_loop3A_1045 = vector.shape_cast %parallel_loop3A_1044 : vector<1x16xf32> to vector<16xf32>
        %parallel_loop3A_1046 = vector.shape_cast %parallel_loop3A_1041 : vector<16xf32> to vector<1x16xf32>
        tpu.vector_store %arg8[%parallel_loop3A_1042, %parallel_loop3A_1043], %parallel_loop3A_1046 {add = true, strides = array<i32>} : memref<8x1024xf32, #tpu.memory_space<vmem>>, vector<1x16xf32>,
        %parallel_loop3A_1047 = arith.addi %mul3A_120, %parallel_loop3A_566 : i32
        %parallel_loop3A_1048 = arith.index_cast %parallel_loop3A_1047 : i32 to index
        %parallel_loop3A_1049 = arith.constant 768 : index
        %parallel_loop3A_1050 = tpu.vector_load %arg7[%parallel_loop3A_1048, %parallel_loop3A_1049] {strides = array<i32>} : memref<32x1024xf32, #tpu.memory_space<vmem>>, vector<1x16xf32>,
        %parallel_loop3A_1051 = vector.shape_cast %parallel_loop3A_1050 : vector<1x16xf32> to vector<16xf32>
        %parallel_loop3A_1052 = arith.index_cast %parallel_loop3A_566 : i32 to index
        %parallel_loop3A_1053 = arith.constant 768 : index
        %parallel_loop3A_1054 = tpu.vector_load %arg8[%parallel_loop3A_1052, %parallel_loop3A_1053] {strides = array<i32>} : memref<8x1024xf32, #tpu.memory_space<vmem>>, vector<1x16xf32>,
        %parallel_loop3A_1055 = vector.shape_cast %parallel_loop3A_1054 : vector<1x16xf32> to vector<16xf32>
        %parallel_loop3A_1056 = vector.shape_cast %parallel_loop3A_1051 : vector<16xf32> to vector<1x16xf32>
        tpu.vector_store %arg8[%parallel_loop3A_1052, %parallel_loop3A_1053], %parallel_loop3A_1056 {add = true, strides = array<i32>} : memref<8x1024xf32, #tpu.memory_space<vmem>>, vector<1x16xf32>,
        %parallel_loop3A_1057 = arith.addi %mul3A_120, %parallel_loop3A_566 : i32
        %parallel_loop3A_1058 = arith.index_cast %parallel_loop3A_1057 : i32 to index
        %parallel_loop3A_1059 = arith.constant 784 : index
        %parallel_loop3A_1060 = tpu.vector_load %arg7[%parallel_loop3A_1058, %parallel_loop3A_1059] {strides = array<i32>} : memref<32x1024xf32, #tpu.memory_space<vmem>>, vector<1x16xf32>,
        %parallel_loop3A_1061 = vector.shape_cast %parallel_loop3A_1060 : vector<1x16xf32> to vector<16xf32>
        %parallel_loop3A_1062 = arith.index_cast %parallel_loop3A_566 : i32 to index
        %parallel_loop3A_1063 = arith.constant 784 : index
        %parallel_loop3A_1064 = tpu.vector_load %arg8[%parallel_loop3A_1062, %parallel_loop3A_1063] {strides = array<i32>} : memref<8x1024xf32, #tpu.memory_space<vmem>>, vector<1x16xf32>,
        %parallel_loop3A_1065 = vector.shape_cast %parallel_loop3A_1064 : vector<1x16xf32> to vector<16xf32>
        %parallel_loop3A_1066 = vector.shape_cast %parallel_loop3A_1061 : vector<16xf32> to vector<1x16xf32>
        tpu.vector_store %arg8[%parallel_loop3A_1062, %parallel_loop3A_1063], %parallel_loop3A_1066 {add = true, strides = array<i32>} : memref<8x1024xf32, #tpu.memory_space<vmem>>, vector<1x16xf32>,
        %parallel_loop3A_1067 = arith.addi %mul3A_120, %parallel_loop3A_566 : i32
        %parallel_loop3A_1068 = arith.index_cast %parallel_loop3A_1067 : i32 to index
        %parallel_loop3A_1069 = arith.constant 800 : index
        %parallel_loop3A_1070 = tpu.vector_load %arg7[%parallel_loop3A_1068, %parallel_loop3A_1069] {strides = array<i32>} : memref<32x1024xf32, #tpu.memory_space<vmem>>, vector<1x16xf32>,
        %parallel_loop3A_1071 = vector.shape_cast %parallel_loop3A_1070 : vector<1x16xf32> to vector<16xf32>
        %parallel_loop3A_1072 = arith.index_cast %parallel_loop3A_566 : i32 to index
        %parallel_loop3A_1073 = arith.constant 800 : index
        %parallel_loop3A_1074 = tpu.vector_load %arg8[%parallel_loop3A_1072, %parallel_loop3A_1073] {strides = array<i32>} : memref<8x1024xf32, #tpu.memory_space<vmem>>, vector<1x16xf32>,
        %parallel_loop3A_1075 = vector.shape_cast %parallel_loop3A_1074 : vector<1x16xf32> to vector<16xf32>
        %parallel_loop3A_1076 = vector.shape_cast %parallel_loop3A_1071 : vector<16xf32> to vector<1x16xf32>
        tpu.vector_store %arg8[%parallel_loop3A_1072, %parallel_loop3A_1073], %parallel_loop3A_1076 {add = true, strides = array<i32>} : memref<8x1024xf32, #tpu.memory_space<vmem>>, vector<1x16xf32>,
        %parallel_loop3A_1077 = arith.addi %mul3A_120, %parallel_loop3A_566 : i32
        %parallel_loop3A_1078 = arith.index_cast %parallel_loop3A_1077 : i32 to index
        %parallel_loop3A_1079 = arith.constant 816 : index
        %parallel_loop3A_1080 = tpu.vector_load %arg7[%parallel_loop3A_1078, %parallel_loop3A_1079] {strides = array<i32>} : memref<32x1024xf32, #tpu.memory_space<vmem>>, vector<1x16xf32>,
        %parallel_loop3A_1081 = vector.shape_cast %parallel_loop3A_1080 : vector<1x16xf32> to vector<16xf32>
        %parallel_loop3A_1082 = arith.index_cast %parallel_loop3A_566 : i32 to index
        %parallel_loop3A_1083 = arith.constant 816 : index
        %parallel_loop3A_1084 = tpu.vector_load %arg8[%parallel_loop3A_1082, %parallel_loop3A_1083] {strides = array<i32>} : memref<8x1024xf32, #tpu.memory_space<vmem>>, vector<1x16xf32>,
        %parallel_loop3A_1085 = vector.shape_cast %parallel_loop3A_1084 : vector<1x16xf32> to vector<16xf32>
        %parallel_loop3A_1086 = vector.shape_cast %parallel_loop3A_1081 : vector<16xf32> to vector<1x16xf32>
        tpu.vector_store %arg8[%parallel_loop3A_1082, %parallel_loop3A_1083], %parallel_loop3A_1086 {add = true, strides = array<i32>} : memref<8x1024xf32, #tpu.memory_space<vmem>>, vector<1x16xf32>,
        %parallel_loop3A_1087 = arith.addi %mul3A_120, %parallel_loop3A_566 : i32
        %parallel_loop3A_1088 = arith.index_cast %parallel_loop3A_1087 : i32 to index
        %parallel_loop3A_1089 = arith.constant 832 : index
        %parallel_loop3A_1090 = tpu.vector_load %arg7[%parallel_loop3A_1088, %parallel_loop3A_1089] {strides = array<i32>} : memref<32x1024xf32, #tpu.memory_space<vmem>>, vector<1x16xf32>,
        %parallel_loop3A_1091 = vector.shape_cast %parallel_loop3A_1090 : vector<1x16xf32> to vector<16xf32>
        %parallel_loop3A_1092 = arith.index_cast %parallel_loop3A_566 : i32 to index
        %parallel_loop3A_1093 = arith.constant 832 : index
        %parallel_loop3A_1094 = tpu.vector_load %arg8[%parallel_loop3A_1092, %parallel_loop3A_1093] {strides = array<i32>} : memref<8x1024xf32, #tpu.memory_space<vmem>>, vector<1x16xf32>,
        %parallel_loop3A_1095 = vector.shape_cast %parallel_loop3A_1094 : vector<1x16xf32> to vector<16xf32>
        %parallel_loop3A_1096 = vector.shape_cast %parallel_loop3A_1091 : vector<16xf32> to vector<1x16xf32>
        tpu.vector_store %arg8[%parallel_loop3A_1092, %parallel_loop3A_1093], %parallel_loop3A_1096 {add = true, strides = array<i32>} : memref<8x1024xf32, #tpu.memory_space<vmem>>, vector<1x16xf32>,
        %parallel_loop3A_1097 = arith.addi %mul3A_120, %parallel_loop3A_566 : i32
        %parallel_loop3A_1098 = arith.index_cast %parallel_loop3A_1097 : i32 to index
        %parallel_loop3A_1099 = arith.constant 848 : index
        %parallel_loop3A_1100 = tpu.vector_load %arg7[%parallel_loop3A_1098, %parallel_loop3A_1099] {strides = array<i32>} : memref<32x1024xf32, #tpu.memory_space<vmem>>, vector<1x16xf32>,
        %parallel_loop3A_1101 = vector.shape_cast %parallel_loop3A_1100 : vector<1x16xf32> to vector<16xf32>
        %parallel_loop3A_1102 = arith.index_cast %parallel_loop3A_566 : i32 to index
        %parallel_loop3A_1103 = arith.constant 848 : index
        %parallel_loop3A_1104 = tpu.vector_load %arg8[%parallel_loop3A_1102, %parallel_loop3A_1103] {strides = array<i32>} : memref<8x1024xf32, #tpu.memory_space<vmem>>, vector<1x16xf32>,
        %parallel_loop3A_1105 = vector.shape_cast %parallel_loop3A_1104 : vector<1x16xf32> to vector<16xf32>
        %parallel_loop3A_1106 = vector.shape_cast %parallel_loop3A_1101 : vector<16xf32> to vector<1x16xf32>
        tpu.vector_store %arg8[%parallel_loop3A_1102, %parallel_loop3A_1103], %parallel_loop3A_1106 {add = true, strides = array<i32>} : memref<8x1024xf32, #tpu.memory_space<vmem>>, vector<1x16xf32>,
        %parallel_loop3A_1107 = arith.addi %mul3A_120, %parallel_loop3A_566 : i32
        %parallel_loop3A_1108 = arith.index_cast %parallel_loop3A_1107 : i32 to index
        %parallel_loop3A_1109 = arith.constant 864 : index
        %parallel_loop3A_1110 = tpu.vector_load %arg7[%parallel_loop3A_1108, %parallel_loop3A_1109] {strides = array<i32>} : memref<32x1024xf32, #tpu.memory_space<vmem>>, vector<1x16xf32>,
        %parallel_loop3A_1111 = vector.shape_cast %parallel_loop3A_1110 : vector<1x16xf32> to vector<16xf32>
        %parallel_loop3A_1112 = arith.index_cast %parallel_loop3A_566 : i32 to index
        %parallel_loop3A_1113 = arith.constant 864 : index
        %parallel_loop3A_1114 = tpu.vector_load %arg8[%parallel_loop3A_1112, %parallel_loop3A_1113] {strides = array<i32>} : memref<8x1024xf32, #tpu.memory_space<vmem>>, vector<1x16xf32>,
        %parallel_loop3A_1115 = vector.shape_cast %parallel_loop3A_1114 : vector<1x16xf32> to vector<16xf32>
        %parallel_loop3A_1116 = vector.shape_cast %parallel_loop3A_1111 : vector<16xf32> to vector<1x16xf32>
        tpu.vector_store %arg8[%parallel_loop3A_1112, %parallel_loop3A_1113], %parallel_loop3A_1116 {add = true, strides = array<i32>} : memref<8x1024xf32, #tpu.memory_space<vmem>>, vector<1x16xf32>,
        %parallel_loop3A_1117 = arith.addi %mul3A_120, %parallel_loop3A_566 : i32
        %parallel_loop3A_1118 = arith.index_cast %parallel_loop3A_1117 : i32 to index
        %parallel_loop3A_1119 = arith.constant 880 : index
        %parallel_loop3A_1120 = tpu.vector_load %arg7[%parallel_loop3A_1118, %parallel_loop3A_1119] {strides = array<i32>} : memref<32x1024xf32, #tpu.memory_space<vmem>>, vector<1x16xf32>,
        %parallel_loop3A_1121 = vector.shape_cast %parallel_loop3A_1120 : vector<1x16xf32> to vector<16xf32>
        %parallel_loop3A_1122 = arith.index_cast %parallel_loop3A_566 : i32 to index
        %parallel_loop3A_1123 = arith.constant 880 : index
        %parallel_loop3A_1124 = tpu.vector_load %arg8[%parallel_loop3A_1122, %parallel_loop3A_1123] {strides = array<i32>} : memref<8x1024xf32, #tpu.memory_space<vmem>>, vector<1x16xf32>,
        %parallel_loop3A_1125 = vector.shape_cast %parallel_loop3A_1124 : vector<1x16xf32> to vector<16xf32>
        %parallel_loop3A_1126 = vector.shape_cast %parallel_loop3A_1121 : vector<16xf32> to vector<1x16xf32>
        tpu.vector_store %arg8[%parallel_loop3A_1122, %parallel_loop3A_1123], %parallel_loop3A_1126 {add = true, strides = array<i32>} : memref<8x1024xf32, #tpu.memory_space<vmem>>, vector<1x16xf32>,
        %parallel_loop3A_1127 = arith.addi %mul3A_120, %parallel_loop3A_566 : i32
        %parallel_loop3A_1128 = arith.index_cast %parallel_loop3A_1127 : i32 to index
        %parallel_loop3A_1129 = arith.constant 896 : index
        %parallel_loop3A_1130 = tpu.vector_load %arg7[%parallel_loop3A_1128, %parallel_loop3A_1129] {strides = array<i32>} : memref<32x1024xf32, #tpu.memory_space<vmem>>, vector<1x16xf32>,
        %parallel_loop3A_1131 = vector.shape_cast %parallel_loop3A_1130 : vector<1x16xf32> to vector<16xf32>
        %parallel_loop3A_1132 = arith.index_cast %parallel_loop3A_566 : i32 to index
        %parallel_loop3A_1133 = arith.constant 896 : index
        %parallel_loop3A_1134 = tpu.vector_load %arg8[%parallel_loop3A_1132, %parallel_loop3A_1133] {strides = array<i32>} : memref<8x1024xf32, #tpu.memory_space<vmem>>, vector<1x16xf32>,
        %parallel_loop3A_1135 = vector.shape_cast %parallel_loop3A_1134 : vector<1x16xf32> to vector<16xf32>
        %parallel_loop3A_1136 = vector.shape_cast %parallel_loop3A_1131 : vector<16xf32> to vector<1x16xf32>
        tpu.vector_store %arg8[%parallel_loop3A_1132, %parallel_loop3A_1133], %parallel_loop3A_1136 {add = true, strides = array<i32>} : memref<8x1024xf32, #tpu.memory_space<vmem>>, vector<1x16xf32>,
        %parallel_loop3A_1137 = arith.addi %mul3A_120, %parallel_loop3A_566 : i32
        %parallel_loop3A_1138 = arith.index_cast %parallel_loop3A_1137 : i32 to index
        %parallel_loop3A_1139 = arith.constant 912 : index
        %parallel_loop3A_1140 = tpu.vector_load %arg7[%parallel_loop3A_1138, %parallel_loop3A_1139] {strides = array<i32>} : memref<32x1024xf32, #tpu.memory_space<vmem>>, vector<1x16xf32>,
        %parallel_loop3A_1141 = vector.shape_cast %parallel_loop3A_1140 : vector<1x16xf32> to vector<16xf32>
        %parallel_loop3A_1142 = arith.index_cast %parallel_loop3A_566 : i32 to index
        %parallel_loop3A_1143 = arith.constant 912 : index
        %parallel_loop3A_1144 = tpu.vector_load %arg8[%parallel_loop3A_1142, %parallel_loop3A_1143] {strides = array<i32>} : memref<8x1024xf32, #tpu.memory_space<vmem>>, vector<1x16xf32>,
        %parallel_loop3A_1145 = vector.shape_cast %parallel_loop3A_1144 : vector<1x16xf32> to vector<16xf32>
        %parallel_loop3A_1146 = vector.shape_cast %parallel_loop3A_1141 : vector<16xf32> to vector<1x16xf32>
        tpu.vector_store %arg8[%parallel_loop3A_1142, %parallel_loop3A_1143], %parallel_loop3A_1146 {add = true, strides = array<i32>} : memref<8x1024xf32, #tpu.memory_space<vmem>>, vector<1x16xf32>,
        %parallel_loop3A_1147 = arith.addi %mul3A_120, %parallel_loop3A_566 : i32
        %parallel_loop3A_1148 = arith.index_cast %parallel_loop3A_1147 : i32 to index
        %parallel_loop3A_1149 = arith.constant 928 : index
        %parallel_loop3A_1150 = tpu.vector_load %arg7[%parallel_loop3A_1148, %parallel_loop3A_1149] {strides = array<i32>} : memref<32x1024xf32, #tpu.memory_space<vmem>>, vector<1x16xf32>,
        %parallel_loop3A_1151 = vector.shape_cast %parallel_loop3A_1150 : vector<1x16xf32> to vector<16xf32>
        %parallel_loop3A_1152 = arith.index_cast %parallel_loop3A_566 : i32 to index
        %parallel_loop3A_1153 = arith.constant 928 : index
        %parallel_loop3A_1154 = tpu.vector_load %arg8[%parallel_loop3A_1152, %parallel_loop3A_1153] {strides = array<i32>} : memref<8x1024xf32, #tpu.memory_space<vmem>>, vector<1x16xf32>,
        %parallel_loop3A_1155 = vector.shape_cast %parallel_loop3A_1154 : vector<1x16xf32> to vector<16xf32>
        %parallel_loop3A_1156 = vector.shape_cast %parallel_loop3A_1151 : vector<16xf32> to vector<1x16xf32>
        tpu.vector_store %arg8[%parallel_loop3A_1152, %parallel_loop3A_1153], %parallel_loop3A_1156 {add = true, strides = array<i32>} : memref<8x1024xf32, #tpu.memory_space<vmem>>, vector<1x16xf32>,
        %parallel_loop3A_1157 = arith.addi %mul3A_120, %parallel_loop3A_566 : i32
        %parallel_loop3A_1158 = arith.index_cast %parallel_loop3A_1157 : i32 to index
        %parallel_loop3A_1159 = arith.constant 944 : index
        %parallel_loop3A_1160 = tpu.vector_load %arg7[%parallel_loop3A_1158, %parallel_loop3A_1159] {strides = array<i32>} : memref<32x1024xf32, #tpu.memory_space<vmem>>, vector<1x16xf32>,
        %parallel_loop3A_1161 = vector.shape_cast %parallel_loop3A_1160 : vector<1x16xf32> to vector<16xf32>
        %parallel_loop3A_1162 = arith.index_cast %parallel_loop3A_566 : i32 to index
        %parallel_loop3A_1163 = arith.constant 944 : index
        %parallel_loop3A_1164 = tpu.vector_load %arg8[%parallel_loop3A_1162, %parallel_loop3A_1163] {strides = array<i32>} : memref<8x1024xf32, #tpu.memory_space<vmem>>, vector<1x16xf32>,
        %parallel_loop3A_1165 = vector.shape_cast %parallel_loop3A_1164 : vector<1x16xf32> to vector<16xf32>
        %parallel_loop3A_1166 = vector.shape_cast %parallel_loop3A_1161 : vector<16xf32> to vector<1x16xf32>
        tpu.vector_store %arg8[%parallel_loop3A_1162, %parallel_loop3A_1163], %parallel_loop3A_1166 {add = true, strides = array<i32>} : memref<8x1024xf32, #tpu.memory_space<vmem>>, vector<1x16xf32>,
        %parallel_loop3A_1167 = arith.addi %mul3A_120, %parallel_loop3A_566 : i32
        %parallel_loop3A_1168 = arith.index_cast %parallel_loop3A_1167 : i32 to index
        %parallel_loop3A_1169 = arith.constant 960 : index
        %parallel_loop3A_1170 = tpu.vector_load %arg7[%parallel_loop3A_1168, %parallel_loop3A_1169] {strides = array<i32>} : memref<32x1024xf32, #tpu.memory_space<vmem>>, vector<1x16xf32>,
        %parallel_loop3A_1171 = vector.shape_cast %parallel_loop3A_1170 : vector<1x16xf32> to vector<16xf32>
        %parallel_loop3A_1172 = arith.index_cast %parallel_loop3A_566 : i32 to index
        %parallel_loop3A_1173 = arith.constant 960 : index
        %parallel_loop3A_1174 = tpu.vector_load %arg8[%parallel_loop3A_1172, %parallel_loop3A_1173] {strides = array<i32>} : memref<8x1024xf32, #tpu.memory_space<vmem>>, vector<1x16xf32>,
        %parallel_loop3A_1175 = vector.shape_cast %parallel_loop3A_1174 : vector<1x16xf32> to vector<16xf32>
        %parallel_loop3A_1176 = vector.shape_cast %parallel_loop3A_1171 : vector<16xf32> to vector<1x16xf32>
        tpu.vector_store %arg8[%parallel_loop3A_1172, %parallel_loop3A_1173], %parallel_loop3A_1176 {add = true, strides = array<i32>} : memref<8x1024xf32, #tpu.memory_space<vmem>>, vector<1x16xf32>,
        %parallel_loop3A_1177 = arith.addi %mul3A_120, %parallel_loop3A_566 : i32
        %parallel_loop3A_1178 = arith.index_cast %parallel_loop3A_1177 : i32 to index
        %parallel_loop3A_1179 = arith.constant 976 : index
        %parallel_loop3A_1180 = tpu.vector_load %arg7[%parallel_loop3A_1178, %parallel_loop3A_1179] {strides = array<i32>} : memref<32x1024xf32, #tpu.memory_space<vmem>>, vector<1x16xf32>,
        %parallel_loop3A_1181 = vector.shape_cast %parallel_loop3A_1180 : vector<1x16xf32> to vector<16xf32>
        %parallel_loop3A_1182 = arith.index_cast %parallel_loop3A_566 : i32 to index
        %parallel_loop3A_1183 = arith.constant 976 : index
        %parallel_loop3A_1184 = tpu.vector_load %arg8[%parallel_loop3A_1182, %parallel_loop3A_1183] {strides = array<i32>} : memref<8x1024xf32, #tpu.memory_space<vmem>>, vector<1x16xf32>,
        %parallel_loop3A_1185 = vector.shape_cast %parallel_loop3A_1184 : vector<1x16xf32> to vector<16xf32>
        %parallel_loop3A_1186 = vector.shape_cast %parallel_loop3A_1181 : vector<16xf32> to vector<1x16xf32>
        tpu.vector_store %arg8[%parallel_loop3A_1182, %parallel_loop3A_1183], %parallel_loop3A_1186 {add = true, strides = array<i32>} : memref<8x1024xf32, #tpu.memory_space<vmem>>, vector<1x16xf32>,
        %parallel_loop3A_1187 = arith.addi %mul3A_120, %parallel_loop3A_566 : i32
        %parallel_loop3A_1188 = arith.index_cast %parallel_loop3A_1187 : i32 to index
        %parallel_loop3A_1189 = arith.constant 992 : index
        %parallel_loop3A_1190 = tpu.vector_load %arg7[%parallel_loop3A_1188, %parallel_loop3A_1189] {strides = array<i32>} : memref<32x1024xf32, #tpu.memory_space<vmem>>, vector<1x16xf32>,
        %parallel_loop3A_1191 = vector.shape_cast %parallel_loop3A_1190 : vector<1x16xf32> to vector<16xf32>
        %parallel_loop3A_1192 = arith.index_cast %parallel_loop3A_566 : i32 to index
        %parallel_loop3A_1193 = arith.constant 992 : index
        %parallel_loop3A_1194 = tpu.vector_load %arg8[%parallel_loop3A_1192, %parallel_loop3A_1193] {strides = array<i32>} : memref<8x1024xf32, #tpu.memory_space<vmem>>, vector<1x16xf32>,
        %parallel_loop3A_1195 = vector.shape_cast %parallel_loop3A_1194 : vector<1x16xf32> to vector<16xf32>
        %parallel_loop3A_1196 = vector.shape_cast %parallel_loop3A_1191 : vector<16xf32> to vector<1x16xf32>
        tpu.vector_store %arg8[%parallel_loop3A_1192, %parallel_loop3A_1193], %parallel_loop3A_1196 {add = true, strides = array<i32>} : memref<8x1024xf32, #tpu.memory_space<vmem>>, vector<1x16xf32>,
        %parallel_loop3A_1197 = arith.addi %mul3A_120, %parallel_loop3A_566 : i32
        %parallel_loop3A_1198 = arith.index_cast %parallel_loop3A_1197 : i32 to index
        %parallel_loop3A_1199 = arith.constant 1008 : index
        %parallel_loop3A_1200 = tpu.vector_load %arg7[%parallel_loop3A_1198, %parallel_loop3A_1199] {strides = array<i32>} : memref<32x1024xf32, #tpu.memory_space<vmem>>, vector<1x16xf32>,
        %parallel_loop3A_1201 = vector.shape_cast %parallel_loop3A_1200 : vector<1x16xf32> to vector<16xf32>
        %parallel_loop3A_1202 = arith.index_cast %parallel_loop3A_566 : i32 to index
        %parallel_loop3A_1203 = arith.constant 1008 : index
        %parallel_loop3A_1204 = tpu.vector_load %arg8[%parallel_loop3A_1202, %parallel_loop3A_1203] {strides = array<i32>} : memref<8x1024xf32, #tpu.memory_space<vmem>>, vector<1x16xf32>,
        %parallel_loop3A_1205 = vector.shape_cast %parallel_loop3A_1204 : vector<1x16xf32> to vector<16xf32>
        %parallel_loop3A_1206 = vector.shape_cast %parallel_loop3A_1201 : vector<16xf32> to vector<1x16xf32>
        tpu.vector_store %arg8[%parallel_loop3A_1202, %parallel_loop3A_1203], %parallel_loop3A_1206 {add = true, strides = array<i32>} : memref<8x1024xf32, #tpu.memory_space<vmem>>, vector<1x16xf32>,
      } {sc.loop_unroll_factor = 1 : i64, sc.parallel_access}
      %eq3A_134 = arith.constant 15 : i32
      %eq3A_135 = arith.cmpi eq, %add3A_43, %eq3A_134 : i32
      %convert_element_type3A_136 = arith.extui %eq3A_135 : i1 to i32
      %cond3A_137 = arith.constant 0 : i32
      %cond3A_138 = arith.cmpi ne, %convert_element_type3A_136, %cond3A_137 : i32
      scf.if %cond3A_138 {
        %add3A_566 = arith.constant 32 : i32
        %add3A_567 = arith.addi %mul3A_2, %add3A_566 : i32
        %dma_start3A_568 = arith.constant 0 : i32
        %dma_start3A_569 = tpu.memref_slice %arg4[%add3A_567, %dma_start3A_568] : memref<2048x1024xf32, #tpu.memory_space<hbm>> -> memref<32x1024xf32, #tpu.memory_space<hbm>>
        %dma_start3A_570 = arith.constant 0 : i32
        %dma_start3A_571 = tpu.memref_slice %arg4[%add3A_567, %dma_start3A_570] : memref<2048x1024xf32, #tpu.memory_space<hbm>> -> memref<32x1024xf32, #tpu.memory_space<hbm>>
        tpu.enqueue_dma source(%dma_start3A_571 : memref<32x1024xf32, #tpu.memory_space<hbm>>) target(%arg7 : memref<32x1024xf32, #tpu.memory_space<vmem>>) target_semaphore(%arg20 : memref<!tpu.dma_semaphore, #tpu.memory_space<semaphore_mem>>)
      } else {
      }
      %mul3A_139 = arith.constant 2048 : i32
      %mul3A_140 = arith.muli %select_n3A_97, %mul3A_139 : i32
      %add3A_141 = arith.addi %mul3A_140, %mul3A_2 : i32
      %add3A_142 = arith.addi %add3A_141, %add3A_118 : i32
      %dma_start3A_143 = arith.constant 0 : i32
      %dma_start3A_144 = tpu.memref_slice %arg5[%add3A_142, %dma_start3A_143] : memref<8192x1024xf32, #tpu.memory_space<hbm>> -> memref<8x1024xf32, #tpu.memory_space<hbm>>
      %dma_start3A_145 = arith.constant 0 : i32
      %dma_start3A_146 = tpu.memref_slice %arg5[%add3A_142, %dma_start3A_145] : memref<8192x1024xf32, #tpu.memory_space<hbm>> -> memref<8x1024xf32, #tpu.memory_space<hbm>>
      tpu.enqueue_dma source(%arg8 : memref<8x1024xf32, #tpu.memory_space<vmem>>) target(%dma_start3A_146 : memref<8x1024xf32, #tpu.memory_space<hbm>>) target_semaphore(%arg16 : memref<!tpu.dma_semaphore, #tpu.memory_space<semaphore_mem>>)
      %ge3A = arith.constant 1 : i32
      %ge3A_147 = arith.cmpi sge, %add3A_43, %ge3A : i32
      %convert_element_type3A_148 = arith.extui %ge3A_147 : i1 to i32
      %cond3A_149 = arith.constant 0 : i32
      %cond3A_150 = arith.cmpi ne, %convert_element_type3A_148, %cond3A_149 : i32
      scf.if %cond3A_150 {
        %dma_wait3A_566 = arith.constant 0 : i32
        %dma_wait3A_567 = arith.constant 0 : i32
        %dma_wait3A_568 = tpu.memref_slice %arg5[%dma_wait3A_566, %dma_wait3A_567] : memref<8192x1024xf32, #tpu.memory_space<hbm>> -> memref<8x1024xf32, #tpu.memory_space<hbm>>
        %dma_wait3A_569 = arith.constant 0 : i32
        %dma_wait3A_570 = arith.constant 0 : i32
        %dma_wait3A_571 = tpu.memref_slice %arg5[%dma_wait3A_569, %dma_wait3A_570] : memref<8192x1024xf32, #tpu.memory_space<hbm>> -> memref<8x1024xf32, #tpu.memory_space<hbm>>
        tpu.wait_dma2 semaphore(%arg19 : memref<!tpu.dma_semaphore, #tpu.memory_space<semaphore_mem>>) src(%arg11 : memref<8x1024xf32, #tpu.memory_space<vmem>>) dst(%dma_wait3A_571 : memref<8x1024xf32, #tpu.memory_space<hbm>>)
      } else {
      }
      %add3A_151 = arith.constant 4 : i32
      %add3A_152 = arith.addi %add3A_43, %add3A_151 : i32
      %sub3A_153 = arith.constant 1 : i32
      %sub3A_154 = arith.subi %add3A_152, %sub3A_153 : i32
      %lt3A_155 = arith.constant 32 : i32
      %lt3A_156 = arith.cmpi slt, %sub3A_154, %lt3A_155 : i32
      %convert_element_type3A_157 = arith.extui %lt3A_156 : i1 to i32
      %cond3A_158 = arith.constant 0 : i32
      %cond3A_159 = arith.cmpi ne, %convert_element_type3A_157, %cond3A_158 : i32
      scf.if %cond3A_159 {
        %add3A_566 = arith.constant 4 : i32
        %add3A_567 = arith.addi %add3A_43, %add3A_566 : i32
        %sub3A_568 = arith.constant 1 : i32
        %sub3A_569 = arith.subi %add3A_567, %sub3A_568 : i32
        %jit3A_570 = arith.constant 16 : i32
        %div3A_571 = arith.divsi %sub3A_569, %jit3A_570 : i32
        %sign3A_572 = arith.constant 0 : i32
        %sign3A_573 = arith.cmpi sgt, %sub3A_569, %sign3A_572 : i32
        %sign3A_574 = arith.extui %sign3A_573 : i1 to i32
        %sign3A_575 = arith.constant 0 : i32
        %sign3A_576 = arith.cmpi slt, %sub3A_569, %sign3A_575 : i32
        %sign3A_577 = arith.extui %sign3A_576 : i1 to i32
        %sign3A_578 = arith.subi %sign3A_574, %sign3A_577 : i32
        %sign3A_579 = arith.constant 0 : i32
        %sign3A_580 = arith.cmpi sgt, %jit3A_570, %sign3A_579 : i32
        %sign3A_581 = arith.extui %sign3A_580 : i1 to i32
        %sign3A_582 = arith.constant 0 : i32
        %sign3A_583 = arith.cmpi slt, %jit3A_570, %sign3A_582 : i32
        %sign3A_584 = arith.extui %sign3A_583 : i1 to i32
        %sign3A_585 = arith.subi %sign3A_581, %sign3A_584 : i32
        %ne3A_586 = arith.cmpi ne, %sign3A_578, %sign3A_585 : i32
        %rem3A_587 = arith.remsi %sub3A_569, %jit3A_570 : i32
        %ne3A_588 = arith.constant 0 : i32
        %ne3A_589 = arith.cmpi ne, %rem3A_587, %ne3A_588 : i32
        %and3A_590 = arith.andi %ne3A_586, %ne3A_589 : i1
        %sub3A_591 = arith.constant 1 : i32
        %sub3A_592 = arith.subi %div3A_571, %sub3A_591 : i32
        %select_n3A_593 = arith.select %and3A_590, %sub3A_592, %div3A_571 : i32
        %jit3A_594 = arith.constant 16 : i32
        %eq3A_595 = arith.constant 0 : i32
        %eq3A_596 = arith.cmpi eq, %jit3A_594, %eq3A_595 : i32
        %jit3A_597 = arith.constant 1 : i32
        %select_n3A_598 = arith.select %eq3A_596, %jit3A_597, %jit3A_594 : i32
        %rem3A_599 = arith.remsi %sub3A_569, %select_n3A_598 : i32
        %ne3A_600 = arith.constant 0 : i32
        %ne3A_601 = arith.cmpi ne, %rem3A_599, %ne3A_600 : i32
        %lt3A_602 = arith.constant 0 : i32
        %lt3A_603 = arith.cmpi slt, %rem3A_599, %lt3A_602 : i32
        %lt3A_604 = arith.constant 0 : i32
        %lt3A_605 = arith.cmpi slt, %select_n3A_598, %lt3A_604 : i32
        %ne3A_606 = arith.xori %lt3A_603, %lt3A_605 : i1
        %and3A_607 = arith.andi %ne3A_606, %ne3A_601 : i1
        %add3A_608 = arith.addi %rem3A_599, %select_n3A_598 : i32
        %select_n3A_609 = arith.select %and3A_607, %add3A_608, %rem3A_599 : i32
        %jit3A_610 = arith.constant 4 : i32
        %div3A_611 = arith.divsi %select_n3A_609, %jit3A_610 : i32
        %sign3A_612 = arith.constant 0 : i32
        %sign3A_613 = arith.cmpi sgt, %select_n3A_609, %sign3A_612 : i32
        %sign3A_614 = arith.extui %sign3A_613 : i1 to i32
        %sign3A_615 = arith.constant 0 : i32
        %sign3A_616 = arith.cmpi slt, %select_n3A_609, %sign3A_615 : i32
        %sign3A_617 = arith.extui %sign3A_616 : i1 to i32
        %sign3A_618 = arith.subi %sign3A_614, %sign3A_617 : i32
        %sign3A_619 = arith.constant 0 : i32
        %sign3A_620 = arith.cmpi sgt, %jit3A_610, %sign3A_619 : i32
        %sign3A_621 = arith.extui %sign3A_620 : i1 to i32
        %sign3A_622 = arith.constant 0 : i32
        %sign3A_623 = arith.cmpi slt, %jit3A_610, %sign3A_622 : i32
        %sign3A_624 = arith.extui %sign3A_623 : i1 to i32
        %sign3A_625 = arith.subi %sign3A_621, %sign3A_624 : i32
        %ne3A_626 = arith.cmpi ne, %sign3A_618, %sign3A_625 : i32
        %rem3A_627 = arith.remsi %select_n3A_609, %jit3A_610 : i32
        %ne3A_628 = arith.constant 0 : i32
        %ne3A_629 = arith.cmpi ne, %rem3A_627, %ne3A_628 : i32
        %and3A_630 = arith.andi %ne3A_626, %ne3A_629 : i1
        %sub3A_631 = arith.constant 1 : i32
        %sub3A_632 = arith.subi %div3A_611, %sub3A_631 : i32
        %select_n3A_633 = arith.select %and3A_630, %sub3A_632, %div3A_611 : i32
        %jit3A_634 = arith.constant 4 : i32
        %eq3A_635 = arith.constant 0 : i32
        %eq3A_636 = arith.cmpi eq, %jit3A_634, %eq3A_635 : i32
        %jit3A_637 = arith.constant 1 : i32
        %select_n3A_638 = arith.select %eq3A_636, %jit3A_637, %jit3A_634 : i32
        %rem3A_639 = arith.remsi %sub3A_569, %select_n3A_638 : i32
        %ne3A_640 = arith.constant 0 : i32
        %ne3A_641 = arith.cmpi ne, %rem3A_639, %ne3A_640 : i32
        %lt3A_642 = arith.constant 0 : i32
        %lt3A_643 = arith.cmpi slt, %rem3A_639, %lt3A_642 : i32
        %lt3A_644 = arith.constant 0 : i32
        %lt3A_645 = arith.cmpi slt, %select_n3A_638, %lt3A_644 : i32
        %ne3A_646 = arith.xori %lt3A_643, %lt3A_645 : i1
        %and3A_647 = arith.andi %ne3A_646, %ne3A_641 : i1
        %add3A_648 = arith.addi %rem3A_639, %select_n3A_638 : i32
        %select_n3A_649 = arith.select %and3A_647, %add3A_648, %rem3A_639 : i32
        %mul3A_650 = arith.constant 32 : i32
        %mul3A_651 = arith.muli %select_n3A_593, %mul3A_650 : i32
        %mul3A_652 = arith.constant 8 : i32
        %mul3A_653 = arith.muli %select_n3A_649, %mul3A_652 : i32
        %add3A_654 = arith.addi %mul3A_651, %mul3A_653 : i32
        %mul3A_655 = arith.constant 8 : i32
        %mul3A_656 = arith.muli %select_n3A_649, %mul3A_655 : i32
        %dma_start3A_657 = tpu.memref_slice %arg6[%select_n3A_633, %add3A_654] : memref<4x64xi32, #tpu.memory_space<vmem>> -> memref<1x8xi32, #tpu.memory_space<vmem>>
        %dma_start3A_658 = tpu.memref_squeeze %dma_start3A_657 : memref<1x8xi32, #tpu.memory_space<vmem>> -> memref<8xi32, #tpu.memory_space<vmem>>
        %dma_start3A_659 = arith.constant 0 : i32
        %dma_start3A_660 = arith.constant 0 : i32
        %dma_start3A_661 = tpu.memref_slice %arg3[%dma_start3A_659, %dma_start3A_660] : memref<100000x1024xf32, #tpu.memory_space<hbm>> -> memref<100000x1024xf32, #tpu.memory_space<hbm>>
        tpu.enqueue_indirect_dma source(%dma_start3A_661 : memref<100000x1024xf32, #tpu.memory_space<hbm>>) target(%arg11 : memref<8x1024xf32, #tpu.memory_space<vmem>>) offsets(%dma_start3A_658 : memref<8xi32, #tpu.memory_space<vmem>>) semaphore(%arg15 : memref<!tpu.dma_semaphore, #tpu.memory_space<semaphore_mem>>)
      } else {
      }
      %mul3A_160 = arith.constant 4 : i32
      %mul3A_161 = arith.muli %scan3A_38, %mul3A_160 : i32
      %add3A_162 = arith.constant 1 : i32
      %add3A_163 = arith.addi %mul3A_161, %add3A_162 : i32
      %jit3A_164 = arith.constant 16 : i32
      %div3A_165 = arith.divsi %add3A_163, %jit3A_164 : i32
      %sign3A_166 = arith.constant 0 : i32
      %sign3A_167 = arith.cmpi sgt, %add3A_163, %sign3A_166 : i32
      %sign3A_168 = arith.extui %sign3A_167 : i1 to i32
      %sign3A_169 = arith.constant 0 : i32
      %sign3A_170 = arith.cmpi slt, %add3A_163, %sign3A_169 : i32
      %sign3A_171 = arith.extui %sign3A_170 : i1 to i32
      %sign3A_172 = arith.subi %sign3A_168, %sign3A_171 : i32
      %sign3A_173 = arith.constant 0 : i32
      %sign3A_174 = arith.cmpi sgt, %jit3A_164, %sign3A_173 : i32
      %sign3A_175 = arith.extui %sign3A_174 : i1 to i32
      %sign3A_176 = arith.constant 0 : i32
      %sign3A_177 = arith.cmpi slt, %jit3A_164, %sign3A_176 : i32
      %sign3A_178 = arith.extui %sign3A_177 : i1 to i32
      %sign3A_179 = arith.subi %sign3A_175, %sign3A_178 : i32
      %ne3A_180 = arith.cmpi ne, %sign3A_172, %sign3A_179 : i32
      %rem3A_181 = arith.remsi %add3A_163, %jit3A_164 : i32
      %ne3A_182 = arith.constant 0 : i32
      %ne3A_183 = arith.cmpi ne, %rem3A_181, %ne3A_182 : i32
      %and3A_184 = arith.andi %ne3A_180, %ne3A_183 : i1
      %sub3A_185 = arith.constant 1 : i32
      %sub3A_186 = arith.subi %div3A_165, %sub3A_185 : i32
      %select_n3A_187 = arith.select %and3A_184, %sub3A_186, %div3A_165 : i32
      %jit3A_188 = arith.constant 16 : i32
      %eq3A_189 = arith.constant 0 : i32
      %eq3A_190 = arith.cmpi eq, %jit3A_188, %eq3A_189 : i32
      %jit3A_191 = arith.constant 1 : i32
      %select_n3A_192 = arith.select %eq3A_190, %jit3A_191, %jit3A_188 : i32
      %rem3A_193 = arith.remsi %add3A_163, %select_n3A_192 : i32
      %ne3A_194 = arith.constant 0 : i32
      %ne3A_195 = arith.cmpi ne, %rem3A_193, %ne3A_194 : i32
      %lt3A_196 = arith.constant 0 : i32
      %lt3A_197 = arith.cmpi slt, %rem3A_193, %lt3A_196 : i32
      %lt3A_198 = arith.constant 0 : i32
      %lt3A_199 = arith.cmpi slt, %select_n3A_192, %lt3A_198 : i32
      %ne3A_200 = arith.xori %lt3A_197, %lt3A_199 : i1
      %and3A_201 = arith.andi %ne3A_200, %ne3A_195 : i1
      %add3A_202 = arith.addi %rem3A_193, %select_n3A_192 : i32
      %select_n3A_203 = arith.select %and3A_201, %add3A_202, %rem3A_193 : i32
      %jit3A_204 = arith.constant 4 : i32
      %div3A_205 = arith.divsi %select_n3A_203, %jit3A_204 : i32
      %sign3A_206 = arith.constant 0 : i32
      %sign3A_207 = arith.cmpi sgt, %select_n3A_203, %sign3A_206 : i32
      %sign3A_208 = arith.extui %sign3A_207 : i1 to i32
      %sign3A_209 = arith.constant 0 : i32
      %sign3A_210 = arith.cmpi slt, %select_n3A_203, %sign3A_209 : i32
      %sign3A_211 = arith.extui %sign3A_210 : i1 to i32
      %sign3A_212 = arith.subi %sign3A_208, %sign3A_211 : i32
      %sign3A_213 = arith.constant 0 : i32
      %sign3A_214 = arith.cmpi sgt, %jit3A_204, %sign3A_213 : i32
      %sign3A_215 = arith.extui %sign3A_214 : i1 to i32
      %sign3A_216 = arith.constant 0 : i32
      %sign3A_217 = arith.cmpi slt, %jit3A_204, %sign3A_216 : i32
      %sign3A_218 = arith.extui %sign3A_217 : i1 to i32
      %sign3A_219 = arith.subi %sign3A_215, %sign3A_218 : i32
      %ne3A_220 = arith.cmpi ne, %sign3A_212, %sign3A_219 : i32
      %rem3A_221 = arith.remsi %select_n3A_203, %jit3A_204 : i32
      %ne3A_222 = arith.constant 0 : i32
      %ne3A_223 = arith.cmpi ne, %rem3A_221, %ne3A_222 : i32
      %and3A_224 = arith.andi %ne3A_220, %ne3A_223 : i1
      %sub3A_225 = arith.constant 1 : i32
      %sub3A_226 = arith.subi %div3A_205, %sub3A_225 : i32
      %select_n3A_227 = arith.select %and3A_224, %sub3A_226, %div3A_205 : i32
      %jit3A_228 = arith.constant 4 : i32
      %eq3A_229 = arith.constant 0 : i32
      %eq3A_230 = arith.cmpi eq, %jit3A_228, %eq3A_229 : i32
      %jit3A_231 = arith.constant 1 : i32
      %select_n3A_232 = arith.select %eq3A_230, %jit3A_231, %jit3A_228 : i32
      %rem3A_233 = arith.remsi %add3A_163, %select_n3A_232 : i32
      %ne3A_234 = arith.constant 0 : i32
      %ne3A_235 = arith.cmpi ne, %rem3A_233, %ne3A_234 : i32
      %lt3A_236 = arith.constant 0 : i32
      %lt3A_237 = arith.cmpi slt, %rem3A_233, %lt3A_236 : i32
      %lt3A_238 = arith.constant 0 : i32
      %lt3A_239 = arith.cmpi slt, %select_n3A_232, %lt3A_238 : i32
      %ne3A_240 = arith.xori %lt3A_237, %lt3A_239 : i1
      %and3A_241 = arith.andi %ne3A_240, %ne3A_235 : i1
      %add3A_242 = arith.addi %rem3A_233, %select_n3A_232 : i32
      %select_n3A_243 = arith.select %and3A_241, %add3A_242, %rem3A_233 : i32
      %mul3A_244 = arith.constant 32 : i32
      %mul3A_245 = arith.muli %select_n3A_187, %mul3A_244 : i32
      %mul3A_246 = arith.constant 8 : i32
      %mul3A_247 = arith.muli %select_n3A_243, %mul3A_246 : i32
      %add3A_248 = arith.addi %mul3A_245, %mul3A_247 : i32
      %mul3A_249 = arith.constant 8 : i32
      %mul3A_250 = arith.muli %select_n3A_243, %mul3A_249 : i32
      %dma_wait3A_251 = arith.constant 0 : i32
      %dma_wait3A_252 = arith.constant 0 : i32
      %dma_wait3A_253 = tpu.memref_slice %arg3[%dma_wait3A_251, %dma_wait3A_252] : memref<100000x1024xf32, #tpu.memory_space<hbm>> -> memref<8x1024xf32, #tpu.memory_space<hbm>>
      %dma_wait3A_254 = arith.constant 0 : i32
      %dma_wait3A_255 = arith.constant 0 : i32
      %dma_wait3A_256 = tpu.memref_slice %arg3[%dma_wait3A_254, %dma_wait3A_255] : memref<100000x1024xf32, #tpu.memory_space<hbm>> -> memref<8x1024xf32, #tpu.memory_space<hbm>>
      tpu.wait_dma2 semaphore(%arg13 : memref<!tpu.dma_semaphore, #tpu.memory_space<semaphore_mem>>) src(%dma_wait3A_256 : memref<8x1024xf32, #tpu.memory_space<hbm>>) dst(%arg9 : memref<8x1024xf32, #tpu.memory_space<vmem>>)
      %eq3A_257 = arith.constant 0 : i32
      %eq3A_258 = arith.cmpi eq, %add3A_163, %eq3A_257 : i32
      %eq3A_259 = arith.constant 16 : i32
      %eq3A_260 = arith.cmpi eq, %add3A_163, %eq3A_259 : i32
      %or3A_261 = arith.ori %eq3A_258, %eq3A_260 : i1
      %convert_element_type3A_262 = arith.extui %or3A_261 : i1 to i32
      %cond3A_263 = arith.constant 0 : i32
      %cond3A_264 = arith.cmpi ne, %convert_element_type3A_262, %cond3A_263 : i32
      scf.if %cond3A_264 {
        %dma_wait3A_566 = arith.constant 0 : i32
        %dma_wait3A_567 = tpu.memref_slice %arg4[%mul3A_2, %dma_wait3A_566] : memref<2048x1024xf32, #tpu.memory_space<hbm>> -> memref<32x1024xf32, #tpu.memory_space<hbm>>
        %dma_wait3A_568 = arith.constant 0 : i32
        %dma_wait3A_569 = tpu.memref_slice %arg4[%mul3A_2, %dma_wait3A_568] : memref<2048x1024xf32, #tpu.memory_space<hbm>> -> memref<32x1024xf32, #tpu.memory_space<hbm>>
        tpu.wait_dma2 semaphore(%arg20 : memref<!tpu.dma_semaphore, #tpu.memory_space<semaphore_mem>>) src(%dma_wait3A_569 : memref<32x1024xf32, #tpu.memory_space<hbm>>) dst(%arg7 : memref<32x1024xf32, #tpu.memory_space<vmem>>)
      } else {
      }
      %parallel_loop3A_265 = arith.constant 0 : i32
      %parallel_loop3A_266 = arith.constant 8 : i32
      %parallel_loop3A_267 = arith.constant 1 : i32
      scf.for %parallel_loop3A_566 = %parallel_loop3A_265 to %parallel_loop3A_266 step %parallel_loop3A_267  : i32 {
        %parallel_loop3A_567 = arith.addi %mul3A_250, %parallel_loop3A_566 : i32
        %parallel_loop3A_568 = arith.index_cast %parallel_loop3A_567 : i32 to index
        %parallel_loop3A_569 = arith.constant 0 : index
        %parallel_loop3A_570 = tpu.vector_load %arg7[%parallel_loop3A_568, %parallel_loop3A_569] {strides = array<i32>} : memref<32x1024xf32, #tpu.memory_space<vmem>>, vector<1x16xf32>,
        %parallel_loop3A_571 = vector.shape_cast %parallel_loop3A_570 : vector<1x16xf32> to vector<16xf32>
        %parallel_loop3A_572 = arith.index_cast %parallel_loop3A_566 : i32 to index
        %parallel_loop3A_573 = arith.constant 0 : index
        %parallel_loop3A_574 = tpu.vector_load %arg9[%parallel_loop3A_572, %parallel_loop3A_573] {strides = array<i32>} : memref<8x1024xf32, #tpu.memory_space<vmem>>, vector<1x16xf32>,
        %parallel_loop3A_575 = vector.shape_cast %parallel_loop3A_574 : vector<1x16xf32> to vector<16xf32>
        %parallel_loop3A_576 = vector.shape_cast %parallel_loop3A_571 : vector<16xf32> to vector<1x16xf32>
        tpu.vector_store %arg9[%parallel_loop3A_572, %parallel_loop3A_573], %parallel_loop3A_576 {add = true, strides = array<i32>} : memref<8x1024xf32, #tpu.memory_space<vmem>>, vector<1x16xf32>,
        %parallel_loop3A_577 = arith.addi %mul3A_250, %parallel_loop3A_566 : i32
        %parallel_loop3A_578 = arith.index_cast %parallel_loop3A_577 : i32 to index
        %parallel_loop3A_579 = arith.constant 16 : index
        %parallel_loop3A_580 = tpu.vector_load %arg7[%parallel_loop3A_578, %parallel_loop3A_579] {strides = array<i32>} : memref<32x1024xf32, #tpu.memory_space<vmem>>, vector<1x16xf32>,
        %parallel_loop3A_581 = vector.shape_cast %parallel_loop3A_580 : vector<1x16xf32> to vector<16xf32>
        %parallel_loop3A_582 = arith.index_cast %parallel_loop3A_566 : i32 to index
        %parallel_loop3A_583 = arith.constant 16 : index
        %parallel_loop3A_584 = tpu.vector_load %arg9[%parallel_loop3A_582, %parallel_loop3A_583] {strides = array<i32>} : memref<8x1024xf32, #tpu.memory_space<vmem>>, vector<1x16xf32>,
        %parallel_loop3A_585 = vector.shape_cast %parallel_loop3A_584 : vector<1x16xf32> to vector<16xf32>
        %parallel_loop3A_586 = vector.shape_cast %parallel_loop3A_581 : vector<16xf32> to vector<1x16xf32>
        tpu.vector_store %arg9[%parallel_loop3A_582, %parallel_loop3A_583], %parallel_loop3A_586 {add = true, strides = array<i32>} : memref<8x1024xf32, #tpu.memory_space<vmem>>, vector<1x16xf32>,
        %parallel_loop3A_587 = arith.addi %mul3A_250, %parallel_loop3A_566 : i32
        %parallel_loop3A_588 = arith.index_cast %parallel_loop3A_587 : i32 to index
        %parallel_loop3A_589 = arith.constant 32 : index
        %parallel_loop3A_590 = tpu.vector_load %arg7[%parallel_loop3A_588, %parallel_loop3A_589] {strides = array<i32>} : memref<32x1024xf32, #tpu.memory_space<vmem>>, vector<1x16xf32>,
        %parallel_loop3A_591 = vector.shape_cast %parallel_loop3A_590 : vector<1x16xf32> to vector<16xf32>
        %parallel_loop3A_592 = arith.index_cast %parallel_loop3A_566 : i32 to index
        %parallel_loop3A_593 = arith.constant 32 : index
        %parallel_loop3A_594 = tpu.vector_load %arg9[%parallel_loop3A_592, %parallel_loop3A_593] {strides = array<i32>} : memref<8x1024xf32, #tpu.memory_space<vmem>>, vector<1x16xf32>,
        %parallel_loop3A_595 = vector.shape_cast %parallel_loop3A_594 : vector<1x16xf32> to vector<16xf32>
        %parallel_loop3A_596 = vector.shape_cast %parallel_loop3A_591 : vector<16xf32> to vector<1x16xf32>
        tpu.vector_store %arg9[%parallel_loop3A_592, %parallel_loop3A_593], %parallel_loop3A_596 {add = true, strides = array<i32>} : memref<8x1024xf32, #tpu.memory_space<vmem>>, vector<1x16xf32>,
        %parallel_loop3A_597 = arith.addi %mul3A_250, %parallel_loop3A_566 : i32
        %parallel_loop3A_598 = arith.index_cast %parallel_loop3A_597 : i32 to index
        %parallel_loop3A_599 = arith.constant 48 : index
        %parallel_loop3A_600 = tpu.vector_load %arg7[%parallel_loop3A_598, %parallel_loop3A_599] {strides = array<i32>} : memref<32x1024xf32, #tpu.memory_space<vmem>>, vector<1x16xf32>,
        %parallel_loop3A_601 = vector.shape_cast %parallel_loop3A_600 : vector<1x16xf32> to vector<16xf32>
        %parallel_loop3A_602 = arith.index_cast %parallel_loop3A_566 : i32 to index
        %parallel_loop3A_603 = arith.constant 48 : index
        %parallel_loop3A_604 = tpu.vector_load %arg9[%parallel_loop3A_602, %parallel_loop3A_603] {strides = array<i32>} : memref<8x1024xf32, #tpu.memory_space<vmem>>, vector<1x16xf32>,
        %parallel_loop3A_605 = vector.shape_cast %parallel_loop3A_604 : vector<1x16xf32> to vector<16xf32>
        %parallel_loop3A_606 = vector.shape_cast %parallel_loop3A_601 : vector<16xf32> to vector<1x16xf32>
        tpu.vector_store %arg9[%parallel_loop3A_602, %parallel_loop3A_603], %parallel_loop3A_606 {add = true, strides = array<i32>} : memref<8x1024xf32, #tpu.memory_space<vmem>>, vector<1x16xf32>,
        %parallel_loop3A_607 = arith.addi %mul3A_250, %parallel_loop3A_566 : i32
        %parallel_loop3A_608 = arith.index_cast %parallel_loop3A_607 : i32 to index
        %parallel_loop3A_609 = arith.constant 64 : index
        %parallel_loop3A_610 = tpu.vector_load %arg7[%parallel_loop3A_608, %parallel_loop3A_609] {strides = array<i32>} : memref<32x1024xf32, #tpu.memory_space<vmem>>, vector<1x16xf32>,
        %parallel_loop3A_611 = vector.shape_cast %parallel_loop3A_610 : vector<1x16xf32> to vector<16xf32>
        %parallel_loop3A_612 = arith.index_cast %parallel_loop3A_566 : i32 to index
        %parallel_loop3A_613 = arith.constant 64 : index
        %parallel_loop3A_614 = tpu.vector_load %arg9[%parallel_loop3A_612, %parallel_loop3A_613] {strides = array<i32>} : memref<8x1024xf32, #tpu.memory_space<vmem>>, vector<1x16xf32>,
        %parallel_loop3A_615 = vector.shape_cast %parallel_loop3A_614 : vector<1x16xf32> to vector<16xf32>
        %parallel_loop3A_616 = vector.shape_cast %parallel_loop3A_611 : vector<16xf32> to vector<1x16xf32>
        tpu.vector_store %arg9[%parallel_loop3A_612, %parallel_loop3A_613], %parallel_loop3A_616 {add = true, strides = array<i32>} : memref<8x1024xf32, #tpu.memory_space<vmem>>, vector<1x16xf32>,
        %parallel_loop3A_617 = arith.addi %mul3A_250, %parallel_loop3A_566 : i32
        %parallel_loop3A_618 = arith.index_cast %parallel_loop3A_617 : i32 to index
        %parallel_loop3A_619 = arith.constant 80 : index
        %parallel_loop3A_620 = tpu.vector_load %arg7[%parallel_loop3A_618, %parallel_loop3A_619] {strides = array<i32>} : memref<32x1024xf32, #tpu.memory_space<vmem>>, vector<1x16xf32>,
        %parallel_loop3A_621 = vector.shape_cast %parallel_loop3A_620 : vector<1x16xf32> to vector<16xf32>
        %parallel_loop3A_622 = arith.index_cast %parallel_loop3A_566 : i32 to index
        %parallel_loop3A_623 = arith.constant 80 : index
        %parallel_loop3A_624 = tpu.vector_load %arg9[%parallel_loop3A_622, %parallel_loop3A_623] {strides = array<i32>} : memref<8x1024xf32, #tpu.memory_space<vmem>>, vector<1x16xf32>,
        %parallel_loop3A_625 = vector.shape_cast %parallel_loop3A_624 : vector<1x16xf32> to vector<16xf32>
        %parallel_loop3A_626 = vector.shape_cast %parallel_loop3A_621 : vector<16xf32> to vector<1x16xf32>
        tpu.vector_store %arg9[%parallel_loop3A_622, %parallel_loop3A_623], %parallel_loop3A_626 {add = true, strides = array<i32>} : memref<8x1024xf32, #tpu.memory_space<vmem>>, vector<1x16xf32>,
        %parallel_loop3A_627 = arith.addi %mul3A_250, %parallel_loop3A_566 : i32
        %parallel_loop3A_628 = arith.index_cast %parallel_loop3A_627 : i32 to index
        %parallel_loop3A_629 = arith.constant 96 : index
        %parallel_loop3A_630 = tpu.vector_load %arg7[%parallel_loop3A_628, %parallel_loop3A_629] {strides = array<i32>} : memref<32x1024xf32, #tpu.memory_space<vmem>>, vector<1x16xf32>,
        %parallel_loop3A_631 = vector.shape_cast %parallel_loop3A_630 : vector<1x16xf32> to vector<16xf32>
        %parallel_loop3A_632 = arith.index_cast %parallel_loop3A_566 : i32 to index
        %parallel_loop3A_633 = arith.constant 96 : index
        %parallel_loop3A_634 = tpu.vector_load %arg9[%parallel_loop3A_632, %parallel_loop3A_633] {strides = array<i32>} : memref<8x1024xf32, #tpu.memory_space<vmem>>, vector<1x16xf32>,
        %parallel_loop3A_635 = vector.shape_cast %parallel_loop3A_634 : vector<1x16xf32> to vector<16xf32>
        %parallel_loop3A_636 = vector.shape_cast %parallel_loop3A_631 : vector<16xf32> to vector<1x16xf32>
        tpu.vector_store %arg9[%parallel_loop3A_632, %parallel_loop3A_633], %parallel_loop3A_636 {add = true, strides = array<i32>} : memref<8x1024xf32, #tpu.memory_space<vmem>>, vector<1x16xf32>,
        %parallel_loop3A_637 = arith.addi %mul3A_250, %parallel_loop3A_566 : i32
        %parallel_loop3A_638 = arith.index_cast %parallel_loop3A_637 : i32 to index
        %parallel_loop3A_639 = arith.constant 112 : index
        %parallel_loop3A_640 = tpu.vector_load %arg7[%parallel_loop3A_638, %parallel_loop3A_639] {strides = array<i32>} : memref<32x1024xf32, #tpu.memory_space<vmem>>, vector<1x16xf32>,
        %parallel_loop3A_641 = vector.shape_cast %parallel_loop3A_640 : vector<1x16xf32> to vector<16xf32>
        %parallel_loop3A_642 = arith.index_cast %parallel_loop3A_566 : i32 to index
        %parallel_loop3A_643 = arith.constant 112 : index
        %parallel_loop3A_644 = tpu.vector_load %arg9[%parallel_loop3A_642, %parallel_loop3A_643] {strides = array<i32>} : memref<8x1024xf32, #tpu.memory_space<vmem>>, vector<1x16xf32>,
        %parallel_loop3A_645 = vector.shape_cast %parallel_loop3A_644 : vector<1x16xf32> to vector<16xf32>
        %parallel_loop3A_646 = vector.shape_cast %parallel_loop3A_641 : vector<16xf32> to vector<1x16xf32>
        tpu.vector_store %arg9[%parallel_loop3A_642, %parallel_loop3A_643], %parallel_loop3A_646 {add = true, strides = array<i32>} : memref<8x1024xf32, #tpu.memory_space<vmem>>, vector<1x16xf32>,
        %parallel_loop3A_647 = arith.addi %mul3A_250, %parallel_loop3A_566 : i32
        %parallel_loop3A_648 = arith.index_cast %parallel_loop3A_647 : i32 to index
        %parallel_loop3A_649 = arith.constant 128 : index
        %parallel_loop3A_650 = tpu.vector_load %arg7[%parallel_loop3A_648, %parallel_loop3A_649] {strides = array<i32>} : memref<32x1024xf32, #tpu.memory_space<vmem>>, vector<1x16xf32>,
        %parallel_loop3A_651 = vector.shape_cast %parallel_loop3A_650 : vector<1x16xf32> to vector<16xf32>
        %parallel_loop3A_652 = arith.index_cast %parallel_loop3A_566 : i32 to index
        %parallel_loop3A_653 = arith.constant 128 : index
        %parallel_loop3A_654 = tpu.vector_load %arg9[%parallel_loop3A_652, %parallel_loop3A_653] {strides = array<i32>} : memref<8x1024xf32, #tpu.memory_space<vmem>>, vector<1x16xf32>,
        %parallel_loop3A_655 = vector.shape_cast %parallel_loop3A_654 : vector<1x16xf32> to vector<16xf32>
        %parallel_loop3A_656 = vector.shape_cast %parallel_loop3A_651 : vector<16xf32> to vector<1x16xf32>
        tpu.vector_store %arg9[%parallel_loop3A_652, %parallel_loop3A_653], %parallel_loop3A_656 {add = true, strides = array<i32>} : memref<8x1024xf32, #tpu.memory_space<vmem>>, vector<1x16xf32>,
        %parallel_loop3A_657 = arith.addi %mul3A_250, %parallel_loop3A_566 : i32
        %parallel_loop3A_658 = arith.index_cast %parallel_loop3A_657 : i32 to index
        %parallel_loop3A_659 = arith.constant 144 : index
        %parallel_loop3A_660 = tpu.vector_load %arg7[%parallel_loop3A_658, %parallel_loop3A_659] {strides = array<i32>} : memref<32x1024xf32, #tpu.memory_space<vmem>>, vector<1x16xf32>,
        %parallel_loop3A_661 = vector.shape_cast %parallel_loop3A_660 : vector<1x16xf32> to vector<16xf32>
        %parallel_loop3A_662 = arith.index_cast %parallel_loop3A_566 : i32 to index
        %parallel_loop3A_663 = arith.constant 144 : index
        %parallel_loop3A_664 = tpu.vector_load %arg9[%parallel_loop3A_662, %parallel_loop3A_663] {strides = array<i32>} : memref<8x1024xf32, #tpu.memory_space<vmem>>, vector<1x16xf32>,
        %parallel_loop3A_665 = vector.shape_cast %parallel_loop3A_664 : vector<1x16xf32> to vector<16xf32>
        %parallel_loop3A_666 = vector.shape_cast %parallel_loop3A_661 : vector<16xf32> to vector<1x16xf32>
        tpu.vector_store %arg9[%parallel_loop3A_662, %parallel_loop3A_663], %parallel_loop3A_666 {add = true, strides = array<i32>} : memref<8x1024xf32, #tpu.memory_space<vmem>>, vector<1x16xf32>,
        %parallel_loop3A_667 = arith.addi %mul3A_250, %parallel_loop3A_566 : i32
        %parallel_loop3A_668 = arith.index_cast %parallel_loop3A_667 : i32 to index
        %parallel_loop3A_669 = arith.constant 160 : index
        %parallel_loop3A_670 = tpu.vector_load %arg7[%parallel_loop3A_668, %parallel_loop3A_669] {strides = array<i32>} : memref<32x1024xf32, #tpu.memory_space<vmem>>, vector<1x16xf32>,
        %parallel_loop3A_671 = vector.shape_cast %parallel_loop3A_670 : vector<1x16xf32> to vector<16xf32>
        %parallel_loop3A_672 = arith.index_cast %parallel_loop3A_566 : i32 to index
        %parallel_loop3A_673 = arith.constant 160 : index
        %parallel_loop3A_674 = tpu.vector_load %arg9[%parallel_loop3A_672, %parallel_loop3A_673] {strides = array<i32>} : memref<8x1024xf32, #tpu.memory_space<vmem>>, vector<1x16xf32>,
        %parallel_loop3A_675 = vector.shape_cast %parallel_loop3A_674 : vector<1x16xf32> to vector<16xf32>
        %parallel_loop3A_676 = vector.shape_cast %parallel_loop3A_671 : vector<16xf32> to vector<1x16xf32>
        tpu.vector_store %arg9[%parallel_loop3A_672, %parallel_loop3A_673], %parallel_loop3A_676 {add = true, strides = array<i32>} : memref<8x1024xf32, #tpu.memory_space<vmem>>, vector<1x16xf32>,
        %parallel_loop3A_677 = arith.addi %mul3A_250, %parallel_loop3A_566 : i32
        %parallel_loop3A_678 = arith.index_cast %parallel_loop3A_677 : i32 to index
        %parallel_loop3A_679 = arith.constant 176 : index
        %parallel_loop3A_680 = tpu.vector_load %arg7[%parallel_loop3A_678, %parallel_loop3A_679] {strides = array<i32>} : memref<32x1024xf32, #tpu.memory_space<vmem>>, vector<1x16xf32>,
        %parallel_loop3A_681 = vector.shape_cast %parallel_loop3A_680 : vector<1x16xf32> to vector<16xf32>
        %parallel_loop3A_682 = arith.index_cast %parallel_loop3A_566 : i32 to index
        %parallel_loop3A_683 = arith.constant 176 : index
        %parallel_loop3A_684 = tpu.vector_load %arg9[%parallel_loop3A_682, %parallel_loop3A_683] {strides = array<i32>} : memref<8x1024xf32, #tpu.memory_space<vmem>>, vector<1x16xf32>,
        %parallel_loop3A_685 = vector.shape_cast %parallel_loop3A_684 : vector<1x16xf32> to vector<16xf32>
        %parallel_loop3A_686 = vector.shape_cast %parallel_loop3A_681 : vector<16xf32> to vector<1x16xf32>
        tpu.vector_store %arg9[%parallel_loop3A_682, %parallel_loop3A_683], %parallel_loop3A_686 {add = true, strides = array<i32>} : memref<8x1024xf32, #tpu.memory_space<vmem>>, vector<1x16xf32>,
        %parallel_loop3A_687 = arith.addi %mul3A_250, %parallel_loop3A_566 : i32
        %parallel_loop3A_688 = arith.index_cast %parallel_loop3A_687 : i32 to index
        %parallel_loop3A_689 = arith.constant 192 : index
        %parallel_loop3A_690 = tpu.vector_load %arg7[%parallel_loop3A_688, %parallel_loop3A_689] {strides = array<i32>} : memref<32x1024xf32, #tpu.memory_space<vmem>>, vector<1x16xf32>,
        %parallel_loop3A_691 = vector.shape_cast %parallel_loop3A_690 : vector<1x16xf32> to vector<16xf32>
        %parallel_loop3A_692 = arith.index_cast %parallel_loop3A_566 : i32 to index
        %parallel_loop3A_693 = arith.constant 192 : index
        %parallel_loop3A_694 = tpu.vector_load %arg9[%parallel_loop3A_692, %parallel_loop3A_693] {strides = array<i32>} : memref<8x1024xf32, #tpu.memory_space<vmem>>, vector<1x16xf32>,
        %parallel_loop3A_695 = vector.shape_cast %parallel_loop3A_694 : vector<1x16xf32> to vector<16xf32>
        %parallel_loop3A_696 = vector.shape_cast %parallel_loop3A_691 : vector<16xf32> to vector<1x16xf32>
        tpu.vector_store %arg9[%parallel_loop3A_692, %parallel_loop3A_693], %parallel_loop3A_696 {add = true, strides = array<i32>} : memref<8x1024xf32, #tpu.memory_space<vmem>>, vector<1x16xf32>,
        %parallel_loop3A_697 = arith.addi %mul3A_250, %parallel_loop3A_566 : i32
        %parallel_loop3A_698 = arith.index_cast %parallel_loop3A_697 : i32 to index
        %parallel_loop3A_699 = arith.constant 208 : index
        %parallel_loop3A_700 = tpu.vector_load %arg7[%parallel_loop3A_698, %parallel_loop3A_699] {strides = array<i32>} : memref<32x1024xf32, #tpu.memory_space<vmem>>, vector<1x16xf32>,
        %parallel_loop3A_701 = vector.shape_cast %parallel_loop3A_700 : vector<1x16xf32> to vector<16xf32>
        %parallel_loop3A_702 = arith.index_cast %parallel_loop3A_566 : i32 to index
        %parallel_loop3A_703 = arith.constant 208 : index
        %parallel_loop3A_704 = tpu.vector_load %arg9[%parallel_loop3A_702, %parallel_loop3A_703] {strides = array<i32>} : memref<8x1024xf32, #tpu.memory_space<vmem>>, vector<1x16xf32>,
        %parallel_loop3A_705 = vector.shape_cast %parallel_loop3A_704 : vector<1x16xf32> to vector<16xf32>
        %parallel_loop3A_706 = vector.shape_cast %parallel_loop3A_701 : vector<16xf32> to vector<1x16xf32>
        tpu.vector_store %arg9[%parallel_loop3A_702, %parallel_loop3A_703], %parallel_loop3A_706 {add = true, strides = array<i32>} : memref<8x1024xf32, #tpu.memory_space<vmem>>, vector<1x16xf32>,
        %parallel_loop3A_707 = arith.addi %mul3A_250, %parallel_loop3A_566 : i32
        %parallel_loop3A_708 = arith.index_cast %parallel_loop3A_707 : i32 to index
        %parallel_loop3A_709 = arith.constant 224 : index
        %parallel_loop3A_710 = tpu.vector_load %arg7[%parallel_loop3A_708, %parallel_loop3A_709] {strides = array<i32>} : memref<32x1024xf32, #tpu.memory_space<vmem>>, vector<1x16xf32>,
        %parallel_loop3A_711 = vector.shape_cast %parallel_loop3A_710 : vector<1x16xf32> to vector<16xf32>
        %parallel_loop3A_712 = arith.index_cast %parallel_loop3A_566 : i32 to index
        %parallel_loop3A_713 = arith.constant 224 : index
        %parallel_loop3A_714 = tpu.vector_load %arg9[%parallel_loop3A_712, %parallel_loop3A_713] {strides = array<i32>} : memref<8x1024xf32, #tpu.memory_space<vmem>>, vector<1x16xf32>,
        %parallel_loop3A_715 = vector.shape_cast %parallel_loop3A_714 : vector<1x16xf32> to vector<16xf32>
        %parallel_loop3A_716 = vector.shape_cast %parallel_loop3A_711 : vector<16xf32> to vector<1x16xf32>
        tpu.vector_store %arg9[%parallel_loop3A_712, %parallel_loop3A_713], %parallel_loop3A_716 {add = true, strides = array<i32>} : memref<8x1024xf32, #tpu.memory_space<vmem>>, vector<1x16xf32>,
        %parallel_loop3A_717 = arith.addi %mul3A_250, %parallel_loop3A_566 : i32
        %parallel_loop3A_718 = arith.index_cast %parallel_loop3A_717 : i32 to index
        %parallel_loop3A_719 = arith.constant 240 : index
        %parallel_loop3A_720 = tpu.vector_load %arg7[%parallel_loop3A_718, %parallel_loop3A_719] {strides = array<i32>} : memref<32x1024xf32, #tpu.memory_space<vmem>>, vector<1x16xf32>,
        %parallel_loop3A_721 = vector.shape_cast %parallel_loop3A_720 : vector<1x16xf32> to vector<16xf32>
        %parallel_loop3A_722 = arith.index_cast %parallel_loop3A_566 : i32 to index
        %parallel_loop3A_723 = arith.constant 240 : index
        %parallel_loop3A_724 = tpu.vector_load %arg9[%parallel_loop3A_722, %parallel_loop3A_723] {strides = array<i32>} : memref<8x1024xf32, #tpu.memory_space<vmem>>, vector<1x16xf32>,
        %parallel_loop3A_725 = vector.shape_cast %parallel_loop3A_724 : vector<1x16xf32> to vector<16xf32>
        %parallel_loop3A_726 = vector.shape_cast %parallel_loop3A_721 : vector<16xf32> to vector<1x16xf32>
        tpu.vector_store %arg9[%parallel_loop3A_722, %parallel_loop3A_723], %parallel_loop3A_726 {add = true, strides = array<i32>} : memref<8x1024xf32, #tpu.memory_space<vmem>>, vector<1x16xf32>,
        %parallel_loop3A_727 = arith.addi %mul3A_250, %parallel_loop3A_566 : i32
        %parallel_loop3A_728 = arith.index_cast %parallel_loop3A_727 : i32 to index
        %parallel_loop3A_729 = arith.constant 256 : index
        %parallel_loop3A_730 = tpu.vector_load %arg7[%parallel_loop3A_728, %parallel_loop3A_729] {strides = array<i32>} : memref<32x1024xf32, #tpu.memory_space<vmem>>, vector<1x16xf32>,
        %parallel_loop3A_731 = vector.shape_cast %parallel_loop3A_730 : vector<1x16xf32> to vector<16xf32>
        %parallel_loop3A_732 = arith.index_cast %parallel_loop3A_566 : i32 to index
        %parallel_loop3A_733 = arith.constant 256 : index
        %parallel_loop3A_734 = tpu.vector_load %arg9[%parallel_loop3A_732, %parallel_loop3A_733] {strides = array<i32>} : memref<8x1024xf32, #tpu.memory_space<vmem>>, vector<1x16xf32>,
        %parallel_loop3A_735 = vector.shape_cast %parallel_loop3A_734 : vector<1x16xf32> to vector<16xf32>
        %parallel_loop3A_736 = vector.shape_cast %parallel_loop3A_731 : vector<16xf32> to vector<1x16xf32>
        tpu.vector_store %arg9[%parallel_loop3A_732, %parallel_loop3A_733], %parallel_loop3A_736 {add = true, strides = array<i32>} : memref<8x1024xf32, #tpu.memory_space<vmem>>, vector<1x16xf32>,
        %parallel_loop3A_737 = arith.addi %mul3A_250, %parallel_loop3A_566 : i32
        %parallel_loop3A_738 = arith.index_cast %parallel_loop3A_737 : i32 to index
        %parallel_loop3A_739 = arith.constant 272 : index
        %parallel_loop3A_740 = tpu.vector_load %arg7[%parallel_loop3A_738, %parallel_loop3A_739] {strides = array<i32>} : memref<32x1024xf32, #tpu.memory_space<vmem>>, vector<1x16xf32>,
        %parallel_loop3A_741 = vector.shape_cast %parallel_loop3A_740 : vector<1x16xf32> to vector<16xf32>
        %parallel_loop3A_742 = arith.index_cast %parallel_loop3A_566 : i32 to index
        %parallel_loop3A_743 = arith.constant 272 : index
        %parallel_loop3A_744 = tpu.vector_load %arg9[%parallel_loop3A_742, %parallel_loop3A_743] {strides = array<i32>} : memref<8x1024xf32, #tpu.memory_space<vmem>>, vector<1x16xf32>,
        %parallel_loop3A_745 = vector.shape_cast %parallel_loop3A_744 : vector<1x16xf32> to vector<16xf32>
        %parallel_loop3A_746 = vector.shape_cast %parallel_loop3A_741 : vector<16xf32> to vector<1x16xf32>
        tpu.vector_store %arg9[%parallel_loop3A_742, %parallel_loop3A_743], %parallel_loop3A_746 {add = true, strides = array<i32>} : memref<8x1024xf32, #tpu.memory_space<vmem>>, vector<1x16xf32>,
        %parallel_loop3A_747 = arith.addi %mul3A_250, %parallel_loop3A_566 : i32
        %parallel_loop3A_748 = arith.index_cast %parallel_loop3A_747 : i32 to index
        %parallel_loop3A_749 = arith.constant 288 : index
        %parallel_loop3A_750 = tpu.vector_load %arg7[%parallel_loop3A_748, %parallel_loop3A_749] {strides = array<i32>} : memref<32x1024xf32, #tpu.memory_space<vmem>>, vector<1x16xf32>,
        %parallel_loop3A_751 = vector.shape_cast %parallel_loop3A_750 : vector<1x16xf32> to vector<16xf32>
        %parallel_loop3A_752 = arith.index_cast %parallel_loop3A_566 : i32 to index
        %parallel_loop3A_753 = arith.constant 288 : index
        %parallel_loop3A_754 = tpu.vector_load %arg9[%parallel_loop3A_752, %parallel_loop3A_753] {strides = array<i32>} : memref<8x1024xf32, #tpu.memory_space<vmem>>, vector<1x16xf32>,
        %parallel_loop3A_755 = vector.shape_cast %parallel_loop3A_754 : vector<1x16xf32> to vector<16xf32>
        %parallel_loop3A_756 = vector.shape_cast %parallel_loop3A_751 : vector<16xf32> to vector<1x16xf32>
        tpu.vector_store %arg9[%parallel_loop3A_752, %parallel_loop3A_753], %parallel_loop3A_756 {add = true, strides = array<i32>} : memref<8x1024xf32, #tpu.memory_space<vmem>>, vector<1x16xf32>,
        %parallel_loop3A_757 = arith.addi %mul3A_250, %parallel_loop3A_566 : i32
        %parallel_loop3A_758 = arith.index_cast %parallel_loop3A_757 : i32 to index
        %parallel_loop3A_759 = arith.constant 304 : index
        %parallel_loop3A_760 = tpu.vector_load %arg7[%parallel_loop3A_758, %parallel_loop3A_759] {strides = array<i32>} : memref<32x1024xf32, #tpu.memory_space<vmem>>, vector<1x16xf32>,
        %parallel_loop3A_761 = vector.shape_cast %parallel_loop3A_760 : vector<1x16xf32> to vector<16xf32>
        %parallel_loop3A_762 = arith.index_cast %parallel_loop3A_566 : i32 to index
        %parallel_loop3A_763 = arith.constant 304 : index
        %parallel_loop3A_764 = tpu.vector_load %arg9[%parallel_loop3A_762, %parallel_loop3A_763] {strides = array<i32>} : memref<8x1024xf32, #tpu.memory_space<vmem>>, vector<1x16xf32>,
        %parallel_loop3A_765 = vector.shape_cast %parallel_loop3A_764 : vector<1x16xf32> to vector<16xf32>
        %parallel_loop3A_766 = vector.shape_cast %parallel_loop3A_761 : vector<16xf32> to vector<1x16xf32>
        tpu.vector_store %arg9[%parallel_loop3A_762, %parallel_loop3A_763], %parallel_loop3A_766 {add = true, strides = array<i32>} : memref<8x1024xf32, #tpu.memory_space<vmem>>, vector<1x16xf32>,
        %parallel_loop3A_767 = arith.addi %mul3A_250, %parallel_loop3A_566 : i32
        %parallel_loop3A_768 = arith.index_cast %parallel_loop3A_767 : i32 to index
        %parallel_loop3A_769 = arith.constant 320 : index
        %parallel_loop3A_770 = tpu.vector_load %arg7[%parallel_loop3A_768, %parallel_loop3A_769] {strides = array<i32>} : memref<32x1024xf32, #tpu.memory_space<vmem>>, vector<1x16xf32>,
        %parallel_loop3A_771 = vector.shape_cast %parallel_loop3A_770 : vector<1x16xf32> to vector<16xf32>
        %parallel_loop3A_772 = arith.index_cast %parallel_loop3A_566 : i32 to index
        %parallel_loop3A_773 = arith.constant 320 : index
        %parallel_loop3A_774 = tpu.vector_load %arg9[%parallel_loop3A_772, %parallel_loop3A_773] {strides = array<i32>} : memref<8x1024xf32, #tpu.memory_space<vmem>>, vector<1x16xf32>,
        %parallel_loop3A_775 = vector.shape_cast %parallel_loop3A_774 : vector<1x16xf32> to vector<16xf32>
        %parallel_loop3A_776 = vector.shape_cast %parallel_loop3A_771 : vector<16xf32> to vector<1x16xf32>
        tpu.vector_store %arg9[%parallel_loop3A_772, %parallel_loop3A_773], %parallel_loop3A_776 {add = true, strides = array<i32>} : memref<8x1024xf32, #tpu.memory_space<vmem>>, vector<1x16xf32>,
        %parallel_loop3A_777 = arith.addi %mul3A_250, %parallel_loop3A_566 : i32
        %parallel_loop3A_778 = arith.index_cast %parallel_loop3A_777 : i32 to index
        %parallel_loop3A_779 = arith.constant 336 : index
        %parallel_loop3A_780 = tpu.vector_load %arg7[%parallel_loop3A_778, %parallel_loop3A_779] {strides = array<i32>} : memref<32x1024xf32, #tpu.memory_space<vmem>>, vector<1x16xf32>,
        %parallel_loop3A_781 = vector.shape_cast %parallel_loop3A_780 : vector<1x16xf32> to vector<16xf32>
        %parallel_loop3A_782 = arith.index_cast %parallel_loop3A_566 : i32 to index
        %parallel_loop3A_783 = arith.constant 336 : index
        %parallel_loop3A_784 = tpu.vector_load %arg9[%parallel_loop3A_782, %parallel_loop3A_783] {strides = array<i32>} : memref<8x1024xf32, #tpu.memory_space<vmem>>, vector<1x16xf32>,
        %parallel_loop3A_785 = vector.shape_cast %parallel_loop3A_784 : vector<1x16xf32> to vector<16xf32>
        %parallel_loop3A_786 = vector.shape_cast %parallel_loop3A_781 : vector<16xf32> to vector<1x16xf32>
        tpu.vector_store %arg9[%parallel_loop3A_782, %parallel_loop3A_783], %parallel_loop3A_786 {add = true, strides = array<i32>} : memref<8x1024xf32, #tpu.memory_space<vmem>>, vector<1x16xf32>,
        %parallel_loop3A_787 = arith.addi %mul3A_250, %parallel_loop3A_566 : i32
        %parallel_loop3A_788 = arith.index_cast %parallel_loop3A_787 : i32 to index
        %parallel_loop3A_789 = arith.constant 352 : index
        %parallel_loop3A_790 = tpu.vector_load %arg7[%parallel_loop3A_788, %parallel_loop3A_789] {strides = array<i32>} : memref<32x1024xf32, #tpu.memory_space<vmem>>, vector<1x16xf32>,
        %parallel_loop3A_791 = vector.shape_cast %parallel_loop3A_790 : vector<1x16xf32> to vector<16xf32>
        %parallel_loop3A_792 = arith.index_cast %parallel_loop3A_566 : i32 to index
        %parallel_loop3A_793 = arith.constant 352 : index
        %parallel_loop3A_794 = tpu.vector_load %arg9[%parallel_loop3A_792, %parallel_loop3A_793] {strides = array<i32>} : memref<8x1024xf32, #tpu.memory_space<vmem>>, vector<1x16xf32>,
        %parallel_loop3A_795 = vector.shape_cast %parallel_loop3A_794 : vector<1x16xf32> to vector<16xf32>
        %parallel_loop3A_796 = vector.shape_cast %parallel_loop3A_791 : vector<16xf32> to vector<1x16xf32>
        tpu.vector_store %arg9[%parallel_loop3A_792, %parallel_loop3A_793], %parallel_loop3A_796 {add = true, strides = array<i32>} : memref<8x1024xf32, #tpu.memory_space<vmem>>, vector<1x16xf32>,
        %parallel_loop3A_797 = arith.addi %mul3A_250, %parallel_loop3A_566 : i32
        %parallel_loop3A_798 = arith.index_cast %parallel_loop3A_797 : i32 to index
        %parallel_loop3A_799 = arith.constant 368 : index
        %parallel_loop3A_800 = tpu.vector_load %arg7[%parallel_loop3A_798, %parallel_loop3A_799] {strides = array<i32>} : memref<32x1024xf32, #tpu.memory_space<vmem>>, vector<1x16xf32>,
        %parallel_loop3A_801 = vector.shape_cast %parallel_loop3A_800 : vector<1x16xf32> to vector<16xf32>
        %parallel_loop3A_802 = arith.index_cast %parallel_loop3A_566 : i32 to index
        %parallel_loop3A_803 = arith.constant 368 : index
        %parallel_loop3A_804 = tpu.vector_load %arg9[%parallel_loop3A_802, %parallel_loop3A_803] {strides = array<i32>} : memref<8x1024xf32, #tpu.memory_space<vmem>>, vector<1x16xf32>,
        %parallel_loop3A_805 = vector.shape_cast %parallel_loop3A_804 : vector<1x16xf32> to vector<16xf32>
        %parallel_loop3A_806 = vector.shape_cast %parallel_loop3A_801 : vector<16xf32> to vector<1x16xf32>
        tpu.vector_store %arg9[%parallel_loop3A_802, %parallel_loop3A_803], %parallel_loop3A_806 {add = true, strides = array<i32>} : memref<8x1024xf32, #tpu.memory_space<vmem>>, vector<1x16xf32>,
        %parallel_loop3A_807 = arith.addi %mul3A_250, %parallel_loop3A_566 : i32
        %parallel_loop3A_808 = arith.index_cast %parallel_loop3A_807 : i32 to index
        %parallel_loop3A_809 = arith.constant 384 : index
        %parallel_loop3A_810 = tpu.vector_load %arg7[%parallel_loop3A_808, %parallel_loop3A_809] {strides = array<i32>} : memref<32x1024xf32, #tpu.memory_space<vmem>>, vector<1x16xf32>,
        %parallel_loop3A_811 = vector.shape_cast %parallel_loop3A_810 : vector<1x16xf32> to vector<16xf32>
        %parallel_loop3A_812 = arith.index_cast %parallel_loop3A_566 : i32 to index
        %parallel_loop3A_813 = arith.constant 384 : index
        %parallel_loop3A_814 = tpu.vector_load %arg9[%parallel_loop3A_812, %parallel_loop3A_813] {strides = array<i32>} : memref<8x1024xf32, #tpu.memory_space<vmem>>, vector<1x16xf32>,
        %parallel_loop3A_815 = vector.shape_cast %parallel_loop3A_814 : vector<1x16xf32> to vector<16xf32>
        %parallel_loop3A_816 = vector.shape_cast %parallel_loop3A_811 : vector<16xf32> to vector<1x16xf32>
        tpu.vector_store %arg9[%parallel_loop3A_812, %parallel_loop3A_813], %parallel_loop3A_816 {add = true, strides = array<i32>} : memref<8x1024xf32, #tpu.memory_space<vmem>>, vector<1x16xf32>,
        %parallel_loop3A_817 = arith.addi %mul3A_250, %parallel_loop3A_566 : i32
        %parallel_loop3A_818 = arith.index_cast %parallel_loop3A_817 : i32 to index
        %parallel_loop3A_819 = arith.constant 400 : index
        %parallel_loop3A_820 = tpu.vector_load %arg7[%parallel_loop3A_818, %parallel_loop3A_819] {strides = array<i32>} : memref<32x1024xf32, #tpu.memory_space<vmem>>, vector<1x16xf32>,
        %parallel_loop3A_821 = vector.shape_cast %parallel_loop3A_820 : vector<1x16xf32> to vector<16xf32>
        %parallel_loop3A_822 = arith.index_cast %parallel_loop3A_566 : i32 to index
        %parallel_loop3A_823 = arith.constant 400 : index
        %parallel_loop3A_824 = tpu.vector_load %arg9[%parallel_loop3A_822, %parallel_loop3A_823] {strides = array<i32>} : memref<8x1024xf32, #tpu.memory_space<vmem>>, vector<1x16xf32>,
        %parallel_loop3A_825 = vector.shape_cast %parallel_loop3A_824 : vector<1x16xf32> to vector<16xf32>
        %parallel_loop3A_826 = vector.shape_cast %parallel_loop3A_821 : vector<16xf32> to vector<1x16xf32>
        tpu.vector_store %arg9[%parallel_loop3A_822, %parallel_loop3A_823], %parallel_loop3A_826 {add = true, strides = array<i32>} : memref<8x1024xf32, #tpu.memory_space<vmem>>, vector<1x16xf32>,
        %parallel_loop3A_827 = arith.addi %mul3A_250, %parallel_loop3A_566 : i32
        %parallel_loop3A_828 = arith.index_cast %parallel_loop3A_827 : i32 to index
        %parallel_loop3A_829 = arith.constant 416 : index
        %parallel_loop3A_830 = tpu.vector_load %arg7[%parallel_loop3A_828, %parallel_loop3A_829] {strides = array<i32>} : memref<32x1024xf32, #tpu.memory_space<vmem>>, vector<1x16xf32>,
        %parallel_loop3A_831 = vector.shape_cast %parallel_loop3A_830 : vector<1x16xf32> to vector<16xf32>
        %parallel_loop3A_832 = arith.index_cast %parallel_loop3A_566 : i32 to index
        %parallel_loop3A_833 = arith.constant 416 : index
        %parallel_loop3A_834 = tpu.vector_load %arg9[%parallel_loop3A_832, %parallel_loop3A_833] {strides = array<i32>} : memref<8x1024xf32, #tpu.memory_space<vmem>>, vector<1x16xf32>,
        %parallel_loop3A_835 = vector.shape_cast %parallel_loop3A_834 : vector<1x16xf32> to vector<16xf32>
        %parallel_loop3A_836 = vector.shape_cast %parallel_loop3A_831 : vector<16xf32> to vector<1x16xf32>
        tpu.vector_store %arg9[%parallel_loop3A_832, %parallel_loop3A_833], %parallel_loop3A_836 {add = true, strides = array<i32>} : memref<8x1024xf32, #tpu.memory_space<vmem>>, vector<1x16xf32>,
        %parallel_loop3A_837 = arith.addi %mul3A_250, %parallel_loop3A_566 : i32
        %parallel_loop3A_838 = arith.index_cast %parallel_loop3A_837 : i32 to index
        %parallel_loop3A_839 = arith.constant 432 : index
        %parallel_loop3A_840 = tpu.vector_load %arg7[%parallel_loop3A_838, %parallel_loop3A_839] {strides = array<i32>} : memref<32x1024xf32, #tpu.memory_space<vmem>>, vector<1x16xf32>,
        %parallel_loop3A_841 = vector.shape_cast %parallel_loop3A_840 : vector<1x16xf32> to vector<16xf32>
        %parallel_loop3A_842 = arith.index_cast %parallel_loop3A_566 : i32 to index
        %parallel_loop3A_843 = arith.constant 432 : index
        %parallel_loop3A_844 = tpu.vector_load %arg9[%parallel_loop3A_842, %parallel_loop3A_843] {strides = array<i32>} : memref<8x1024xf32, #tpu.memory_space<vmem>>, vector<1x16xf32>,
        %parallel_loop3A_845 = vector.shape_cast %parallel_loop3A_844 : vector<1x16xf32> to vector<16xf32>
        %parallel_loop3A_846 = vector.shape_cast %parallel_loop3A_841 : vector<16xf32> to vector<1x16xf32>
        tpu.vector_store %arg9[%parallel_loop3A_842, %parallel_loop3A_843], %parallel_loop3A_846 {add = true, strides = array<i32>} : memref<8x1024xf32, #tpu.memory_space<vmem>>, vector<1x16xf32>,
        %parallel_loop3A_847 = arith.addi %mul3A_250, %parallel_loop3A_566 : i32
        %parallel_loop3A_848 = arith.index_cast %parallel_loop3A_847 : i32 to index
        %parallel_loop3A_849 = arith.constant 448 : index
        %parallel_loop3A_850 = tpu.vector_load %arg7[%parallel_loop3A_848, %parallel_loop3A_849] {strides = array<i32>} : memref<32x1024xf32, #tpu.memory_space<vmem>>, vector<1x16xf32>,
        %parallel_loop3A_851 = vector.shape_cast %parallel_loop3A_850 : vector<1x16xf32> to vector<16xf32>
        %parallel_loop3A_852 = arith.index_cast %parallel_loop3A_566 : i32 to index
        %parallel_loop3A_853 = arith.constant 448 : index
        %parallel_loop3A_854 = tpu.vector_load %arg9[%parallel_loop3A_852, %parallel_loop3A_853] {strides = array<i32>} : memref<8x1024xf32, #tpu.memory_space<vmem>>, vector<1x16xf32>,
        %parallel_loop3A_855 = vector.shape_cast %parallel_loop3A_854 : vector<1x16xf32> to vector<16xf32>
        %parallel_loop3A_856 = vector.shape_cast %parallel_loop3A_851 : vector<16xf32> to vector<1x16xf32>
        tpu.vector_store %arg9[%parallel_loop3A_852, %parallel_loop3A_853], %parallel_loop3A_856 {add = true, strides = array<i32>} : memref<8x1024xf32, #tpu.memory_space<vmem>>, vector<1x16xf32>,
        %parallel_loop3A_857 = arith.addi %mul3A_250, %parallel_loop3A_566 : i32
        %parallel_loop3A_858 = arith.index_cast %parallel_loop3A_857 : i32 to index
        %parallel_loop3A_859 = arith.constant 464 : index
        %parallel_loop3A_860 = tpu.vector_load %arg7[%parallel_loop3A_858, %parallel_loop3A_859] {strides = array<i32>} : memref<32x1024xf32, #tpu.memory_space<vmem>>, vector<1x16xf32>,
        %parallel_loop3A_861 = vector.shape_cast %parallel_loop3A_860 : vector<1x16xf32> to vector<16xf32>
        %parallel_loop3A_862 = arith.index_cast %parallel_loop3A_566 : i32 to index
        %parallel_loop3A_863 = arith.constant 464 : index
        %parallel_loop3A_864 = tpu.vector_load %arg9[%parallel_loop3A_862, %parallel_loop3A_863] {strides = array<i32>} : memref<8x1024xf32, #tpu.memory_space<vmem>>, vector<1x16xf32>,
        %parallel_loop3A_865 = vector.shape_cast %parallel_loop3A_864 : vector<1x16xf32> to vector<16xf32>
        %parallel_loop3A_866 = vector.shape_cast %parallel_loop3A_861 : vector<16xf32> to vector<1x16xf32>
        tpu.vector_store %arg9[%parallel_loop3A_862, %parallel_loop3A_863], %parallel_loop3A_866 {add = true, strides = array<i32>} : memref<8x1024xf32, #tpu.memory_space<vmem>>, vector<1x16xf32>,
        %parallel_loop3A_867 = arith.addi %mul3A_250, %parallel_loop3A_566 : i32
        %parallel_loop3A_868 = arith.index_cast %parallel_loop3A_867 : i32 to index
        %parallel_loop3A_869 = arith.constant 480 : index
        %parallel_loop3A_870 = tpu.vector_load %arg7[%parallel_loop3A_868, %parallel_loop3A_869] {strides = array<i32>} : memref<32x1024xf32, #tpu.memory_space<vmem>>, vector<1x16xf32>,
        %parallel_loop3A_871 = vector.shape_cast %parallel_loop3A_870 : vector<1x16xf32> to vector<16xf32>
        %parallel_loop3A_872 = arith.index_cast %parallel_loop3A_566 : i32 to index
        %parallel_loop3A_873 = arith.constant 480 : index
        %parallel_loop3A_874 = tpu.vector_load %arg9[%parallel_loop3A_872, %parallel_loop3A_873] {strides = array<i32>} : memref<8x1024xf32, #tpu.memory_space<vmem>>, vector<1x16xf32>,
        %parallel_loop3A_875 = vector.shape_cast %parallel_loop3A_874 : vector<1x16xf32> to vector<16xf32>
        %parallel_loop3A_876 = vector.shape_cast %parallel_loop3A_871 : vector<16xf32> to vector<1x16xf32>
        tpu.vector_store %arg9[%parallel_loop3A_872, %parallel_loop3A_873], %parallel_loop3A_876 {add = true, strides = array<i32>} : memref<8x1024xf32, #tpu.memory_space<vmem>>, vector<1x16xf32>,
        %parallel_loop3A_877 = arith.addi %mul3A_250, %parallel_loop3A_566 : i32
        %parallel_loop3A_878 = arith.index_cast %parallel_loop3A_877 : i32 to index
        %parallel_loop3A_879 = arith.constant 496 : index
        %parallel_loop3A_880 = tpu.vector_load %arg7[%parallel_loop3A_878, %parallel_loop3A_879] {strides = array<i32>} : memref<32x1024xf32, #tpu.memory_space<vmem>>, vector<1x16xf32>,
        %parallel_loop3A_881 = vector.shape_cast %parallel_loop3A_880 : vector<1x16xf32> to vector<16xf32>
        %parallel_loop3A_882 = arith.index_cast %parallel_loop3A_566 : i32 to index
        %parallel_loop3A_883 = arith.constant 496 : index
        %parallel_loop3A_884 = tpu.vector_load %arg9[%parallel_loop3A_882, %parallel_loop3A_883] {strides = array<i32>} : memref<8x1024xf32, #tpu.memory_space<vmem>>, vector<1x16xf32>,
        %parallel_loop3A_885 = vector.shape_cast %parallel_loop3A_884 : vector<1x16xf32> to vector<16xf32>
        %parallel_loop3A_886 = vector.shape_cast %parallel_loop3A_881 : vector<16xf32> to vector<1x16xf32>
        tpu.vector_store %arg9[%parallel_loop3A_882, %parallel_loop3A_883], %parallel_loop3A_886 {add = true, strides = array<i32>} : memref<8x1024xf32, #tpu.memory_space<vmem>>, vector<1x16xf32>,
        %parallel_loop3A_887 = arith.addi %mul3A_250, %parallel_loop3A_566 : i32
        %parallel_loop3A_888 = arith.index_cast %parallel_loop3A_887 : i32 to index
        %parallel_loop3A_889 = arith.constant 512 : index
        %parallel_loop3A_890 = tpu.vector_load %arg7[%parallel_loop3A_888, %parallel_loop3A_889] {strides = array<i32>} : memref<32x1024xf32, #tpu.memory_space<vmem>>, vector<1x16xf32>,
        %parallel_loop3A_891 = vector.shape_cast %parallel_loop3A_890 : vector<1x16xf32> to vector<16xf32>
        %parallel_loop3A_892 = arith.index_cast %parallel_loop3A_566 : i32 to index
        %parallel_loop3A_893 = arith.constant 512 : index
        %parallel_loop3A_894 = tpu.vector_load %arg9[%parallel_loop3A_892, %parallel_loop3A_893] {strides = array<i32>} : memref<8x1024xf32, #tpu.memory_space<vmem>>, vector<1x16xf32>,
        %parallel_loop3A_895 = vector.shape_cast %parallel_loop3A_894 : vector<1x16xf32> to vector<16xf32>
        %parallel_loop3A_896 = vector.shape_cast %parallel_loop3A_891 : vector<16xf32> to vector<1x16xf32>
        tpu.vector_store %arg9[%parallel_loop3A_892, %parallel_loop3A_893], %parallel_loop3A_896 {add = true, strides = array<i32>} : memref<8x1024xf32, #tpu.memory_space<vmem>>, vector<1x16xf32>,
        %parallel_loop3A_897 = arith.addi %mul3A_250, %parallel_loop3A_566 : i32
        %parallel_loop3A_898 = arith.index_cast %parallel_loop3A_897 : i32 to index
        %parallel_loop3A_899 = arith.constant 528 : index
        %parallel_loop3A_900 = tpu.vector_load %arg7[%parallel_loop3A_898, %parallel_loop3A_899] {strides = array<i32>} : memref<32x1024xf32, #tpu.memory_space<vmem>>, vector<1x16xf32>,
        %parallel_loop3A_901 = vector.shape_cast %parallel_loop3A_900 : vector<1x16xf32> to vector<16xf32>
        %parallel_loop3A_902 = arith.index_cast %parallel_loop3A_566 : i32 to index
        %parallel_loop3A_903 = arith.constant 528 : index
        %parallel_loop3A_904 = tpu.vector_load %arg9[%parallel_loop3A_902, %parallel_loop3A_903] {strides = array<i32>} : memref<8x1024xf32, #tpu.memory_space<vmem>>, vector<1x16xf32>,
        %parallel_loop3A_905 = vector.shape_cast %parallel_loop3A_904 : vector<1x16xf32> to vector<16xf32>
        %parallel_loop3A_906 = vector.shape_cast %parallel_loop3A_901 : vector<16xf32> to vector<1x16xf32>
        tpu.vector_store %arg9[%parallel_loop3A_902, %parallel_loop3A_903], %parallel_loop3A_906 {add = true, strides = array<i32>} : memref<8x1024xf32, #tpu.memory_space<vmem>>, vector<1x16xf32>,
        %parallel_loop3A_907 = arith.addi %mul3A_250, %parallel_loop3A_566 : i32
        %parallel_loop3A_908 = arith.index_cast %parallel_loop3A_907 : i32 to index
        %parallel_loop3A_909 = arith.constant 544 : index
        %parallel_loop3A_910 = tpu.vector_load %arg7[%parallel_loop3A_908, %parallel_loop3A_909] {strides = array<i32>} : memref<32x1024xf32, #tpu.memory_space<vmem>>, vector<1x16xf32>,
        %parallel_loop3A_911 = vector.shape_cast %parallel_loop3A_910 : vector<1x16xf32> to vector<16xf32>
        %parallel_loop3A_912 = arith.index_cast %parallel_loop3A_566 : i32 to index
        %parallel_loop3A_913 = arith.constant 544 : index
        %parallel_loop3A_914 = tpu.vector_load %arg9[%parallel_loop3A_912, %parallel_loop3A_913] {strides = array<i32>} : memref<8x1024xf32, #tpu.memory_space<vmem>>, vector<1x16xf32>,
        %parallel_loop3A_915 = vector.shape_cast %parallel_loop3A_914 : vector<1x16xf32> to vector<16xf32>
        %parallel_loop3A_916 = vector.shape_cast %parallel_loop3A_911 : vector<16xf32> to vector<1x16xf32>
        tpu.vector_store %arg9[%parallel_loop3A_912, %parallel_loop3A_913], %parallel_loop3A_916 {add = true, strides = array<i32>} : memref<8x1024xf32, #tpu.memory_space<vmem>>, vector<1x16xf32>,
        %parallel_loop3A_917 = arith.addi %mul3A_250, %parallel_loop3A_566 : i32
        %parallel_loop3A_918 = arith.index_cast %parallel_loop3A_917 : i32 to index
        %parallel_loop3A_919 = arith.constant 560 : index
        %parallel_loop3A_920 = tpu.vector_load %arg7[%parallel_loop3A_918, %parallel_loop3A_919] {strides = array<i32>} : memref<32x1024xf32, #tpu.memory_space<vmem>>, vector<1x16xf32>,
        %parallel_loop3A_921 = vector.shape_cast %parallel_loop3A_920 : vector<1x16xf32> to vector<16xf32>
        %parallel_loop3A_922 = arith.index_cast %parallel_loop3A_566 : i32 to index
        %parallel_loop3A_923 = arith.constant 560 : index
        %parallel_loop3A_924 = tpu.vector_load %arg9[%parallel_loop3A_922, %parallel_loop3A_923] {strides = array<i32>} : memref<8x1024xf32, #tpu.memory_space<vmem>>, vector<1x16xf32>,
        %parallel_loop3A_925 = vector.shape_cast %parallel_loop3A_924 : vector<1x16xf32> to vector<16xf32>
        %parallel_loop3A_926 = vector.shape_cast %parallel_loop3A_921 : vector<16xf32> to vector<1x16xf32>
        tpu.vector_store %arg9[%parallel_loop3A_922, %parallel_loop3A_923], %parallel_loop3A_926 {add = true, strides = array<i32>} : memref<8x1024xf32, #tpu.memory_space<vmem>>, vector<1x16xf32>,
        %parallel_loop3A_927 = arith.addi %mul3A_250, %parallel_loop3A_566 : i32
        %parallel_loop3A_928 = arith.index_cast %parallel_loop3A_927 : i32 to index
        %parallel_loop3A_929 = arith.constant 576 : index
        %parallel_loop3A_930 = tpu.vector_load %arg7[%parallel_loop3A_928, %parallel_loop3A_929] {strides = array<i32>} : memref<32x1024xf32, #tpu.memory_space<vmem>>, vector<1x16xf32>,
        %parallel_loop3A_931 = vector.shape_cast %parallel_loop3A_930 : vector<1x16xf32> to vector<16xf32>
        %parallel_loop3A_932 = arith.index_cast %parallel_loop3A_566 : i32 to index
        %parallel_loop3A_933 = arith.constant 576 : index
        %parallel_loop3A_934 = tpu.vector_load %arg9[%parallel_loop3A_932, %parallel_loop3A_933] {strides = array<i32>} : memref<8x1024xf32, #tpu.memory_space<vmem>>, vector<1x16xf32>,
        %parallel_loop3A_935 = vector.shape_cast %parallel_loop3A_934 : vector<1x16xf32> to vector<16xf32>
        %parallel_loop3A_936 = vector.shape_cast %parallel_loop3A_931 : vector<16xf32> to vector<1x16xf32>
        tpu.vector_store %arg9[%parallel_loop3A_932, %parallel_loop3A_933], %parallel_loop3A_936 {add = true, strides = array<i32>} : memref<8x1024xf32, #tpu.memory_space<vmem>>, vector<1x16xf32>,
        %parallel_loop3A_937 = arith.addi %mul3A_250, %parallel_loop3A_566 : i32
        %parallel_loop3A_938 = arith.index_cast %parallel_loop3A_937 : i32 to index
        %parallel_loop3A_939 = arith.constant 592 : index
        %parallel_loop3A_940 = tpu.vector_load %arg7[%parallel_loop3A_938, %parallel_loop3A_939] {strides = array<i32>} : memref<32x1024xf32, #tpu.memory_space<vmem>>, vector<1x16xf32>,
        %parallel_loop3A_941 = vector.shape_cast %parallel_loop3A_940 : vector<1x16xf32> to vector<16xf32>
        %parallel_loop3A_942 = arith.index_cast %parallel_loop3A_566 : i32 to index
        %parallel_loop3A_943 = arith.constant 592 : index
        %parallel_loop3A_944 = tpu.vector_load %arg9[%parallel_loop3A_942, %parallel_loop3A_943] {strides = array<i32>} : memref<8x1024xf32, #tpu.memory_space<vmem>>, vector<1x16xf32>,
        %parallel_loop3A_945 = vector.shape_cast %parallel_loop3A_944 : vector<1x16xf32> to vector<16xf32>
        %parallel_loop3A_946 = vector.shape_cast %parallel_loop3A_941 : vector<16xf32> to vector<1x16xf32>
        tpu.vector_store %arg9[%parallel_loop3A_942, %parallel_loop3A_943], %parallel_loop3A_946 {add = true, strides = array<i32>} : memref<8x1024xf32, #tpu.memory_space<vmem>>, vector<1x16xf32>,
        %parallel_loop3A_947 = arith.addi %mul3A_250, %parallel_loop3A_566 : i32
        %parallel_loop3A_948 = arith.index_cast %parallel_loop3A_947 : i32 to index
        %parallel_loop3A_949 = arith.constant 608 : index
        %parallel_loop3A_950 = tpu.vector_load %arg7[%parallel_loop3A_948, %parallel_loop3A_949] {strides = array<i32>} : memref<32x1024xf32, #tpu.memory_space<vmem>>, vector<1x16xf32>,
        %parallel_loop3A_951 = vector.shape_cast %parallel_loop3A_950 : vector<1x16xf32> to vector<16xf32>
        %parallel_loop3A_952 = arith.index_cast %parallel_loop3A_566 : i32 to index
        %parallel_loop3A_953 = arith.constant 608 : index
        %parallel_loop3A_954 = tpu.vector_load %arg9[%parallel_loop3A_952, %parallel_loop3A_953] {strides = array<i32>} : memref<8x1024xf32, #tpu.memory_space<vmem>>, vector<1x16xf32>,
        %parallel_loop3A_955 = vector.shape_cast %parallel_loop3A_954 : vector<1x16xf32> to vector<16xf32>
        %parallel_loop3A_956 = vector.shape_cast %parallel_loop3A_951 : vector<16xf32> to vector<1x16xf32>
        tpu.vector_store %arg9[%parallel_loop3A_952, %parallel_loop3A_953], %parallel_loop3A_956 {add = true, strides = array<i32>} : memref<8x1024xf32, #tpu.memory_space<vmem>>, vector<1x16xf32>,
        %parallel_loop3A_957 = arith.addi %mul3A_250, %parallel_loop3A_566 : i32
        %parallel_loop3A_958 = arith.index_cast %parallel_loop3A_957 : i32 to index
        %parallel_loop3A_959 = arith.constant 624 : index
        %parallel_loop3A_960 = tpu.vector_load %arg7[%parallel_loop3A_958, %parallel_loop3A_959] {strides = array<i32>} : memref<32x1024xf32, #tpu.memory_space<vmem>>, vector<1x16xf32>,
        %parallel_loop3A_961 = vector.shape_cast %parallel_loop3A_960 : vector<1x16xf32> to vector<16xf32>
        %parallel_loop3A_962 = arith.index_cast %parallel_loop3A_566 : i32 to index
        %parallel_loop3A_963 = arith.constant 624 : index
        %parallel_loop3A_964 = tpu.vector_load %arg9[%parallel_loop3A_962, %parallel_loop3A_963] {strides = array<i32>} : memref<8x1024xf32, #tpu.memory_space<vmem>>, vector<1x16xf32>,
        %parallel_loop3A_965 = vector.shape_cast %parallel_loop3A_964 : vector<1x16xf32> to vector<16xf32>
        %parallel_loop3A_966 = vector.shape_cast %parallel_loop3A_961 : vector<16xf32> to vector<1x16xf32>
        tpu.vector_store %arg9[%parallel_loop3A_962, %parallel_loop3A_963], %parallel_loop3A_966 {add = true, strides = array<i32>} : memref<8x1024xf32, #tpu.memory_space<vmem>>, vector<1x16xf32>,
        %parallel_loop3A_967 = arith.addi %mul3A_250, %parallel_loop3A_566 : i32
        %parallel_loop3A_968 = arith.index_cast %parallel_loop3A_967 : i32 to index
        %parallel_loop3A_969 = arith.constant 640 : index
        %parallel_loop3A_970 = tpu.vector_load %arg7[%parallel_loop3A_968, %parallel_loop3A_969] {strides = array<i32>} : memref<32x1024xf32, #tpu.memory_space<vmem>>, vector<1x16xf32>,
        %parallel_loop3A_971 = vector.shape_cast %parallel_loop3A_970 : vector<1x16xf32> to vector<16xf32>
        %parallel_loop3A_972 = arith.index_cast %parallel_loop3A_566 : i32 to index
        %parallel_loop3A_973 = arith.constant 640 : index
        %parallel_loop3A_974 = tpu.vector_load %arg9[%parallel_loop3A_972, %parallel_loop3A_973] {strides = array<i32>} : memref<8x1024xf32, #tpu.memory_space<vmem>>, vector<1x16xf32>,
        %parallel_loop3A_975 = vector.shape_cast %parallel_loop3A_974 : vector<1x16xf32> to vector<16xf32>
        %parallel_loop3A_976 = vector.shape_cast %parallel_loop3A_971 : vector<16xf32> to vector<1x16xf32>
        tpu.vector_store %arg9[%parallel_loop3A_972, %parallel_loop3A_973], %parallel_loop3A_976 {add = true, strides = array<i32>} : memref<8x1024xf32, #tpu.memory_space<vmem>>, vector<1x16xf32>,
        %parallel_loop3A_977 = arith.addi %mul3A_250, %parallel_loop3A_566 : i32
        %parallel_loop3A_978 = arith.index_cast %parallel_loop3A_977 : i32 to index
        %parallel_loop3A_979 = arith.constant 656 : index
        %parallel_loop3A_980 = tpu.vector_load %arg7[%parallel_loop3A_978, %parallel_loop3A_979] {strides = array<i32>} : memref<32x1024xf32, #tpu.memory_space<vmem>>, vector<1x16xf32>,
        %parallel_loop3A_981 = vector.shape_cast %parallel_loop3A_980 : vector<1x16xf32> to vector<16xf32>
        %parallel_loop3A_982 = arith.index_cast %parallel_loop3A_566 : i32 to index
        %parallel_loop3A_983 = arith.constant 656 : index
        %parallel_loop3A_984 = tpu.vector_load %arg9[%parallel_loop3A_982, %parallel_loop3A_983] {strides = array<i32>} : memref<8x1024xf32, #tpu.memory_space<vmem>>, vector<1x16xf32>,
        %parallel_loop3A_985 = vector.shape_cast %parallel_loop3A_984 : vector<1x16xf32> to vector<16xf32>
        %parallel_loop3A_986 = vector.shape_cast %parallel_loop3A_981 : vector<16xf32> to vector<1x16xf32>
        tpu.vector_store %arg9[%parallel_loop3A_982, %parallel_loop3A_983], %parallel_loop3A_986 {add = true, strides = array<i32>} : memref<8x1024xf32, #tpu.memory_space<vmem>>, vector<1x16xf32>,
        %parallel_loop3A_987 = arith.addi %mul3A_250, %parallel_loop3A_566 : i32
        %parallel_loop3A_988 = arith.index_cast %parallel_loop3A_987 : i32 to index
        %parallel_loop3A_989 = arith.constant 672 : index
        %parallel_loop3A_990 = tpu.vector_load %arg7[%parallel_loop3A_988, %parallel_loop3A_989] {strides = array<i32>} : memref<32x1024xf32, #tpu.memory_space<vmem>>, vector<1x16xf32>,
        %parallel_loop3A_991 = vector.shape_cast %parallel_loop3A_990 : vector<1x16xf32> to vector<16xf32>
        %parallel_loop3A_992 = arith.index_cast %parallel_loop3A_566 : i32 to index
        %parallel_loop3A_993 = arith.constant 672 : index
        %parallel_loop3A_994 = tpu.vector_load %arg9[%parallel_loop3A_992, %parallel_loop3A_993] {strides = array<i32>} : memref<8x1024xf32, #tpu.memory_space<vmem>>, vector<1x16xf32>,
        %parallel_loop3A_995 = vector.shape_cast %parallel_loop3A_994 : vector<1x16xf32> to vector<16xf32>
        %parallel_loop3A_996 = vector.shape_cast %parallel_loop3A_991 : vector<16xf32> to vector<1x16xf32>
        tpu.vector_store %arg9[%parallel_loop3A_992, %parallel_loop3A_993], %parallel_loop3A_996 {add = true, strides = array<i32>} : memref<8x1024xf32, #tpu.memory_space<vmem>>, vector<1x16xf32>,
        %parallel_loop3A_997 = arith.addi %mul3A_250, %parallel_loop3A_566 : i32
        %parallel_loop3A_998 = arith.index_cast %parallel_loop3A_997 : i32 to index
        %parallel_loop3A_999 = arith.constant 688 : index
        %parallel_loop3A_1000 = tpu.vector_load %arg7[%parallel_loop3A_998, %parallel_loop3A_999] {strides = array<i32>} : memref<32x1024xf32, #tpu.memory_space<vmem>>, vector<1x16xf32>,
        %parallel_loop3A_1001 = vector.shape_cast %parallel_loop3A_1000 : vector<1x16xf32> to vector<16xf32>
        %parallel_loop3A_1002 = arith.index_cast %parallel_loop3A_566 : i32 to index
        %parallel_loop3A_1003 = arith.constant 688 : index
        %parallel_loop3A_1004 = tpu.vector_load %arg9[%parallel_loop3A_1002, %parallel_loop3A_1003] {strides = array<i32>} : memref<8x1024xf32, #tpu.memory_space<vmem>>, vector<1x16xf32>,
        %parallel_loop3A_1005 = vector.shape_cast %parallel_loop3A_1004 : vector<1x16xf32> to vector<16xf32>
        %parallel_loop3A_1006 = vector.shape_cast %parallel_loop3A_1001 : vector<16xf32> to vector<1x16xf32>
        tpu.vector_store %arg9[%parallel_loop3A_1002, %parallel_loop3A_1003], %parallel_loop3A_1006 {add = true, strides = array<i32>} : memref<8x1024xf32, #tpu.memory_space<vmem>>, vector<1x16xf32>,
        %parallel_loop3A_1007 = arith.addi %mul3A_250, %parallel_loop3A_566 : i32
        %parallel_loop3A_1008 = arith.index_cast %parallel_loop3A_1007 : i32 to index
        %parallel_loop3A_1009 = arith.constant 704 : index
        %parallel_loop3A_1010 = tpu.vector_load %arg7[%parallel_loop3A_1008, %parallel_loop3A_1009] {strides = array<i32>} : memref<32x1024xf32, #tpu.memory_space<vmem>>, vector<1x16xf32>,
        %parallel_loop3A_1011 = vector.shape_cast %parallel_loop3A_1010 : vector<1x16xf32> to vector<16xf32>
        %parallel_loop3A_1012 = arith.index_cast %parallel_loop3A_566 : i32 to index
        %parallel_loop3A_1013 = arith.constant 704 : index
        %parallel_loop3A_1014 = tpu.vector_load %arg9[%parallel_loop3A_1012, %parallel_loop3A_1013] {strides = array<i32>} : memref<8x1024xf32, #tpu.memory_space<vmem>>, vector<1x16xf32>,
        %parallel_loop3A_1015 = vector.shape_cast %parallel_loop3A_1014 : vector<1x16xf32> to vector<16xf32>
        %parallel_loop3A_1016 = vector.shape_cast %parallel_loop3A_1011 : vector<16xf32> to vector<1x16xf32>
        tpu.vector_store %arg9[%parallel_loop3A_1012, %parallel_loop3A_1013], %parallel_loop3A_1016 {add = true, strides = array<i32>} : memref<8x1024xf32, #tpu.memory_space<vmem>>, vector<1x16xf32>,
        %parallel_loop3A_1017 = arith.addi %mul3A_250, %parallel_loop3A_566 : i32
        %parallel_loop3A_1018 = arith.index_cast %parallel_loop3A_1017 : i32 to index
        %parallel_loop3A_1019 = arith.constant 720 : index
        %parallel_loop3A_1020 = tpu.vector_load %arg7[%parallel_loop3A_1018, %parallel_loop3A_1019] {strides = array<i32>} : memref<32x1024xf32, #tpu.memory_space<vmem>>, vector<1x16xf32>,
        %parallel_loop3A_1021 = vector.shape_cast %parallel_loop3A_1020 : vector<1x16xf32> to vector<16xf32>
        %parallel_loop3A_1022 = arith.index_cast %parallel_loop3A_566 : i32 to index
        %parallel_loop3A_1023 = arith.constant 720 : index
        %parallel_loop3A_1024 = tpu.vector_load %arg9[%parallel_loop3A_1022, %parallel_loop3A_1023] {strides = array<i32>} : memref<8x1024xf32, #tpu.memory_space<vmem>>, vector<1x16xf32>,
        %parallel_loop3A_1025 = vector.shape_cast %parallel_loop3A_1024 : vector<1x16xf32> to vector<16xf32>
        %parallel_loop3A_1026 = vector.shape_cast %parallel_loop3A_1021 : vector<16xf32> to vector<1x16xf32>
        tpu.vector_store %arg9[%parallel_loop3A_1022, %parallel_loop3A_1023], %parallel_loop3A_1026 {add = true, strides = array<i32>} : memref<8x1024xf32, #tpu.memory_space<vmem>>, vector<1x16xf32>,
        %parallel_loop3A_1027 = arith.addi %mul3A_250, %parallel_loop3A_566 : i32
        %parallel_loop3A_1028 = arith.index_cast %parallel_loop3A_1027 : i32 to index
        %parallel_loop3A_1029 = arith.constant 736 : index
        %parallel_loop3A_1030 = tpu.vector_load %arg7[%parallel_loop3A_1028, %parallel_loop3A_1029] {strides = array<i32>} : memref<32x1024xf32, #tpu.memory_space<vmem>>, vector<1x16xf32>,
        %parallel_loop3A_1031 = vector.shape_cast %parallel_loop3A_1030 : vector<1x16xf32> to vector<16xf32>
        %parallel_loop3A_1032 = arith.index_cast %parallel_loop3A_566 : i32 to index
        %parallel_loop3A_1033 = arith.constant 736 : index
        %parallel_loop3A_1034 = tpu.vector_load %arg9[%parallel_loop3A_1032, %parallel_loop3A_1033] {strides = array<i32>} : memref<8x1024xf32, #tpu.memory_space<vmem>>, vector<1x16xf32>,
        %parallel_loop3A_1035 = vector.shape_cast %parallel_loop3A_1034 : vector<1x16xf32> to vector<16xf32>
        %parallel_loop3A_1036 = vector.shape_cast %parallel_loop3A_1031 : vector<16xf32> to vector<1x16xf32>
        tpu.vector_store %arg9[%parallel_loop3A_1032, %parallel_loop3A_1033], %parallel_loop3A_1036 {add = true, strides = array<i32>} : memref<8x1024xf32, #tpu.memory_space<vmem>>, vector<1x16xf32>,
        %parallel_loop3A_1037 = arith.addi %mul3A_250, %parallel_loop3A_566 : i32
        %parallel_loop3A_1038 = arith.index_cast %parallel_loop3A_1037 : i32 to index
        %parallel_loop3A_1039 = arith.constant 752 : index
        %parallel_loop3A_1040 = tpu.vector_load %arg7[%parallel_loop3A_1038, %parallel_loop3A_1039] {strides = array<i32>} : memref<32x1024xf32, #tpu.memory_space<vmem>>, vector<1x16xf32>,
        %parallel_loop3A_1041 = vector.shape_cast %parallel_loop3A_1040 : vector<1x16xf32> to vector<16xf32>
        %parallel_loop3A_1042 = arith.index_cast %parallel_loop3A_566 : i32 to index
        %parallel_loop3A_1043 = arith.constant 752 : index
        %parallel_loop3A_1044 = tpu.vector_load %arg9[%parallel_loop3A_1042, %parallel_loop3A_1043] {strides = array<i32>} : memref<8x1024xf32, #tpu.memory_space<vmem>>, vector<1x16xf32>,
        %parallel_loop3A_1045 = vector.shape_cast %parallel_loop3A_1044 : vector<1x16xf32> to vector<16xf32>
        %parallel_loop3A_1046 = vector.shape_cast %parallel_loop3A_1041 : vector<16xf32> to vector<1x16xf32>
        tpu.vector_store %arg9[%parallel_loop3A_1042, %parallel_loop3A_1043], %parallel_loop3A_1046 {add = true, strides = array<i32>} : memref<8x1024xf32, #tpu.memory_space<vmem>>, vector<1x16xf32>,
        %parallel_loop3A_1047 = arith.addi %mul3A_250, %parallel_loop3A_566 : i32
        %parallel_loop3A_1048 = arith.index_cast %parallel_loop3A_1047 : i32 to index
        %parallel_loop3A_1049 = arith.constant 768 : index
        %parallel_loop3A_1050 = tpu.vector_load %arg7[%parallel_loop3A_1048, %parallel_loop3A_1049] {strides = array<i32>} : memref<32x1024xf32, #tpu.memory_space<vmem>>, vector<1x16xf32>,
        %parallel_loop3A_1051 = vector.shape_cast %parallel_loop3A_1050 : vector<1x16xf32> to vector<16xf32>
        %parallel_loop3A_1052 = arith.index_cast %parallel_loop3A_566 : i32 to index
        %parallel_loop3A_1053 = arith.constant 768 : index
        %parallel_loop3A_1054 = tpu.vector_load %arg9[%parallel_loop3A_1052, %parallel_loop3A_1053] {strides = array<i32>} : memref<8x1024xf32, #tpu.memory_space<vmem>>, vector<1x16xf32>,
        %parallel_loop3A_1055 = vector.shape_cast %parallel_loop3A_1054 : vector<1x16xf32> to vector<16xf32>
        %parallel_loop3A_1056 = vector.shape_cast %parallel_loop3A_1051 : vector<16xf32> to vector<1x16xf32>
        tpu.vector_store %arg9[%parallel_loop3A_1052, %parallel_loop3A_1053], %parallel_loop3A_1056 {add = true, strides = array<i32>} : memref<8x1024xf32, #tpu.memory_space<vmem>>, vector<1x16xf32>,
        %parallel_loop3A_1057 = arith.addi %mul3A_250, %parallel_loop3A_566 : i32
        %parallel_loop3A_1058 = arith.index_cast %parallel_loop3A_1057 : i32 to index
        %parallel_loop3A_1059 = arith.constant 784 : index
        %parallel_loop3A_1060 = tpu.vector_load %arg7[%parallel_loop3A_1058, %parallel_loop3A_1059] {strides = array<i32>} : memref<32x1024xf32, #tpu.memory_space<vmem>>, vector<1x16xf32>,
        %parallel_loop3A_1061 = vector.shape_cast %parallel_loop3A_1060 : vector<1x16xf32> to vector<16xf32>
        %parallel_loop3A_1062 = arith.index_cast %parallel_loop3A_566 : i32 to index
        %parallel_loop3A_1063 = arith.constant 784 : index
        %parallel_loop3A_1064 = tpu.vector_load %arg9[%parallel_loop3A_1062, %parallel_loop3A_1063] {strides = array<i32>} : memref<8x1024xf32, #tpu.memory_space<vmem>>, vector<1x16xf32>,
        %parallel_loop3A_1065 = vector.shape_cast %parallel_loop3A_1064 : vector<1x16xf32> to vector<16xf32>
        %parallel_loop3A_1066 = vector.shape_cast %parallel_loop3A_1061 : vector<16xf32> to vector<1x16xf32>
        tpu.vector_store %arg9[%parallel_loop3A_1062, %parallel_loop3A_1063], %parallel_loop3A_1066 {add = true, strides = array<i32>} : memref<8x1024xf32, #tpu.memory_space<vmem>>, vector<1x16xf32>,
        %parallel_loop3A_1067 = arith.addi %mul3A_250, %parallel_loop3A_566 : i32
        %parallel_loop3A_1068 = arith.index_cast %parallel_loop3A_1067 : i32 to index
        %parallel_loop3A_1069 = arith.constant 800 : index
        %parallel_loop3A_1070 = tpu.vector_load %arg7[%parallel_loop3A_1068, %parallel_loop3A_1069] {strides = array<i32>} : memref<32x1024xf32, #tpu.memory_space<vmem>>, vector<1x16xf32>,
        %parallel_loop3A_1071 = vector.shape_cast %parallel_loop3A_1070 : vector<1x16xf32> to vector<16xf32>
        %parallel_loop3A_1072 = arith.index_cast %parallel_loop3A_566 : i32 to index
        %parallel_loop3A_1073 = arith.constant 800 : index
        %parallel_loop3A_1074 = tpu.vector_load %arg9[%parallel_loop3A_1072, %parallel_loop3A_1073] {strides = array<i32>} : memref<8x1024xf32, #tpu.memory_space<vmem>>, vector<1x16xf32>,
        %parallel_loop3A_1075 = vector.shape_cast %parallel_loop3A_1074 : vector<1x16xf32> to vector<16xf32>
        %parallel_loop3A_1076 = vector.shape_cast %parallel_loop3A_1071 : vector<16xf32> to vector<1x16xf32>
        tpu.vector_store %arg9[%parallel_loop3A_1072, %parallel_loop3A_1073], %parallel_loop3A_1076 {add = true, strides = array<i32>} : memref<8x1024xf32, #tpu.memory_space<vmem>>, vector<1x16xf32>,
        %parallel_loop3A_1077 = arith.addi %mul3A_250, %parallel_loop3A_566 : i32
        %parallel_loop3A_1078 = arith.index_cast %parallel_loop3A_1077 : i32 to index
        %parallel_loop3A_1079 = arith.constant 816 : index
        %parallel_loop3A_1080 = tpu.vector_load %arg7[%parallel_loop3A_1078, %parallel_loop3A_1079] {strides = array<i32>} : memref<32x1024xf32, #tpu.memory_space<vmem>>, vector<1x16xf32>,
        %parallel_loop3A_1081 = vector.shape_cast %parallel_loop3A_1080 : vector<1x16xf32> to vector<16xf32>
        %parallel_loop3A_1082 = arith.index_cast %parallel_loop3A_566 : i32 to index
        %parallel_loop3A_1083 = arith.constant 816 : index
        %parallel_loop3A_1084 = tpu.vector_load %arg9[%parallel_loop3A_1082, %parallel_loop3A_1083] {strides = array<i32>} : memref<8x1024xf32, #tpu.memory_space<vmem>>, vector<1x16xf32>,
        %parallel_loop3A_1085 = vector.shape_cast %parallel_loop3A_1084 : vector<1x16xf32> to vector<16xf32>
        %parallel_loop3A_1086 = vector.shape_cast %parallel_loop3A_1081 : vector<16xf32> to vector<1x16xf32>
        tpu.vector_store %arg9[%parallel_loop3A_1082, %parallel_loop3A_1083], %parallel_loop3A_1086 {add = true, strides = array<i32>} : memref<8x1024xf32, #tpu.memory_space<vmem>>, vector<1x16xf32>,
        %parallel_loop3A_1087 = arith.addi %mul3A_250, %parallel_loop3A_566 : i32
        %parallel_loop3A_1088 = arith.index_cast %parallel_loop3A_1087 : i32 to index
        %parallel_loop3A_1089 = arith.constant 832 : index
        %parallel_loop3A_1090 = tpu.vector_load %arg7[%parallel_loop3A_1088, %parallel_loop3A_1089] {strides = array<i32>} : memref<32x1024xf32, #tpu.memory_space<vmem>>, vector<1x16xf32>,
        %parallel_loop3A_1091 = vector.shape_cast %parallel_loop3A_1090 : vector<1x16xf32> to vector<16xf32>
        %parallel_loop3A_1092 = arith.index_cast %parallel_loop3A_566 : i32 to index
        %parallel_loop3A_1093 = arith.constant 832 : index
        %parallel_loop3A_1094 = tpu.vector_load %arg9[%parallel_loop3A_1092, %parallel_loop3A_1093] {strides = array<i32>} : memref<8x1024xf32, #tpu.memory_space<vmem>>, vector<1x16xf32>,
        %parallel_loop3A_1095 = vector.shape_cast %parallel_loop3A_1094 : vector<1x16xf32> to vector<16xf32>
        %parallel_loop3A_1096 = vector.shape_cast %parallel_loop3A_1091 : vector<16xf32> to vector<1x16xf32>
        tpu.vector_store %arg9[%parallel_loop3A_1092, %parallel_loop3A_1093], %parallel_loop3A_1096 {add = true, strides = array<i32>} : memref<8x1024xf32, #tpu.memory_space<vmem>>, vector<1x16xf32>,
        %parallel_loop3A_1097 = arith.addi %mul3A_250, %parallel_loop3A_566 : i32
        %parallel_loop3A_1098 = arith.index_cast %parallel_loop3A_1097 : i32 to index
        %parallel_loop3A_1099 = arith.constant 848 : index
        %parallel_loop3A_1100 = tpu.vector_load %arg7[%parallel_loop3A_1098, %parallel_loop3A_1099] {strides = array<i32>} : memref<32x1024xf32, #tpu.memory_space<vmem>>, vector<1x16xf32>,
        %parallel_loop3A_1101 = vector.shape_cast %parallel_loop3A_1100 : vector<1x16xf32> to vector<16xf32>
        %parallel_loop3A_1102 = arith.index_cast %parallel_loop3A_566 : i32 to index
        %parallel_loop3A_1103 = arith.constant 848 : index
        %parallel_loop3A_1104 = tpu.vector_load %arg9[%parallel_loop3A_1102, %parallel_loop3A_1103] {strides = array<i32>} : memref<8x1024xf32, #tpu.memory_space<vmem>>, vector<1x16xf32>,
        %parallel_loop3A_1105 = vector.shape_cast %parallel_loop3A_1104 : vector<1x16xf32> to vector<16xf32>
        %parallel_loop3A_1106 = vector.shape_cast %parallel_loop3A_1101 : vector<16xf32> to vector<1x16xf32>
        tpu.vector_store %arg9[%parallel_loop3A_1102, %parallel_loop3A_1103], %parallel_loop3A_1106 {add = true, strides = array<i32>} : memref<8x1024xf32, #tpu.memory_space<vmem>>, vector<1x16xf32>,
        %parallel_loop3A_1107 = arith.addi %mul3A_250, %parallel_loop3A_566 : i32
        %parallel_loop3A_1108 = arith.index_cast %parallel_loop3A_1107 : i32 to index
        %parallel_loop3A_1109 = arith.constant 864 : index
        %parallel_loop3A_1110 = tpu.vector_load %arg7[%parallel_loop3A_1108, %parallel_loop3A_1109] {strides = array<i32>} : memref<32x1024xf32, #tpu.memory_space<vmem>>, vector<1x16xf32>,
        %parallel_loop3A_1111 = vector.shape_cast %parallel_loop3A_1110 : vector<1x16xf32> to vector<16xf32>
        %parallel_loop3A_1112 = arith.index_cast %parallel_loop3A_566 : i32 to index
        %parallel_loop3A_1113 = arith.constant 864 : index
        %parallel_loop3A_1114 = tpu.vector_load %arg9[%parallel_loop3A_1112, %parallel_loop3A_1113] {strides = array<i32>} : memref<8x1024xf32, #tpu.memory_space<vmem>>, vector<1x16xf32>,
        %parallel_loop3A_1115 = vector.shape_cast %parallel_loop3A_1114 : vector<1x16xf32> to vector<16xf32>
        %parallel_loop3A_1116 = vector.shape_cast %parallel_loop3A_1111 : vector<16xf32> to vector<1x16xf32>
        tpu.vector_store %arg9[%parallel_loop3A_1112, %parallel_loop3A_1113], %parallel_loop3A_1116 {add = true, strides = array<i32>} : memref<8x1024xf32, #tpu.memory_space<vmem>>, vector<1x16xf32>,
        %parallel_loop3A_1117 = arith.addi %mul3A_250, %parallel_loop3A_566 : i32
        %parallel_loop3A_1118 = arith.index_cast %parallel_loop3A_1117 : i32 to index
        %parallel_loop3A_1119 = arith.constant 880 : index
        %parallel_loop3A_1120 = tpu.vector_load %arg7[%parallel_loop3A_1118, %parallel_loop3A_1119] {strides = array<i32>} : memref<32x1024xf32, #tpu.memory_space<vmem>>, vector<1x16xf32>,
        %parallel_loop3A_1121 = vector.shape_cast %parallel_loop3A_1120 : vector<1x16xf32> to vector<16xf32>
        %parallel_loop3A_1122 = arith.index_cast %parallel_loop3A_566 : i32 to index
        %parallel_loop3A_1123 = arith.constant 880 : index
        %parallel_loop3A_1124 = tpu.vector_load %arg9[%parallel_loop3A_1122, %parallel_loop3A_1123] {strides = array<i32>} : memref<8x1024xf32, #tpu.memory_space<vmem>>, vector<1x16xf32>,
        %parallel_loop3A_1125 = vector.shape_cast %parallel_loop3A_1124 : vector<1x16xf32> to vector<16xf32>
        %parallel_loop3A_1126 = vector.shape_cast %parallel_loop3A_1121 : vector<16xf32> to vector<1x16xf32>
        tpu.vector_store %arg9[%parallel_loop3A_1122, %parallel_loop3A_1123], %parallel_loop3A_1126 {add = true, strides = array<i32>} : memref<8x1024xf32, #tpu.memory_space<vmem>>, vector<1x16xf32>,
        %parallel_loop3A_1127 = arith.addi %mul3A_250, %parallel_loop3A_566 : i32
        %parallel_loop3A_1128 = arith.index_cast %parallel_loop3A_1127 : i32 to index
        %parallel_loop3A_1129 = arith.constant 896 : index
        %parallel_loop3A_1130 = tpu.vector_load %arg7[%parallel_loop3A_1128, %parallel_loop3A_1129] {strides = array<i32>} : memref<32x1024xf32, #tpu.memory_space<vmem>>, vector<1x16xf32>,
        %parallel_loop3A_1131 = vector.shape_cast %parallel_loop3A_1130 : vector<1x16xf32> to vector<16xf32>
        %parallel_loop3A_1132 = arith.index_cast %parallel_loop3A_566 : i32 to index
        %parallel_loop3A_1133 = arith.constant 896 : index
        %parallel_loop3A_1134 = tpu.vector_load %arg9[%parallel_loop3A_1132, %parallel_loop3A_1133] {strides = array<i32>} : memref<8x1024xf32, #tpu.memory_space<vmem>>, vector<1x16xf32>,
        %parallel_loop3A_1135 = vector.shape_cast %parallel_loop3A_1134 : vector<1x16xf32> to vector<16xf32>
        %parallel_loop3A_1136 = vector.shape_cast %parallel_loop3A_1131 : vector<16xf32> to vector<1x16xf32>
        tpu.vector_store %arg9[%parallel_loop3A_1132, %parallel_loop3A_1133], %parallel_loop3A_1136 {add = true, strides = array<i32>} : memref<8x1024xf32, #tpu.memory_space<vmem>>, vector<1x16xf32>,
        %parallel_loop3A_1137 = arith.addi %mul3A_250, %parallel_loop3A_566 : i32
        %parallel_loop3A_1138 = arith.index_cast %parallel_loop3A_1137 : i32 to index
        %parallel_loop3A_1139 = arith.constant 912 : index
        %parallel_loop3A_1140 = tpu.vector_load %arg7[%parallel_loop3A_1138, %parallel_loop3A_1139] {strides = array<i32>} : memref<32x1024xf32, #tpu.memory_space<vmem>>, vector<1x16xf32>,
        %parallel_loop3A_1141 = vector.shape_cast %parallel_loop3A_1140 : vector<1x16xf32> to vector<16xf32>
        %parallel_loop3A_1142 = arith.index_cast %parallel_loop3A_566 : i32 to index
        %parallel_loop3A_1143 = arith.constant 912 : index
        %parallel_loop3A_1144 = tpu.vector_load %arg9[%parallel_loop3A_1142, %parallel_loop3A_1143] {strides = array<i32>} : memref<8x1024xf32, #tpu.memory_space<vmem>>, vector<1x16xf32>,
        %parallel_loop3A_1145 = vector.shape_cast %parallel_loop3A_1144 : vector<1x16xf32> to vector<16xf32>
        %parallel_loop3A_1146 = vector.shape_cast %parallel_loop3A_1141 : vector<16xf32> to vector<1x16xf32>
        tpu.vector_store %arg9[%parallel_loop3A_1142, %parallel_loop3A_1143], %parallel_loop3A_1146 {add = true, strides = array<i32>} : memref<8x1024xf32, #tpu.memory_space<vmem>>, vector<1x16xf32>,
        %parallel_loop3A_1147 = arith.addi %mul3A_250, %parallel_loop3A_566 : i32
        %parallel_loop3A_1148 = arith.index_cast %parallel_loop3A_1147 : i32 to index
        %parallel_loop3A_1149 = arith.constant 928 : index
        %parallel_loop3A_1150 = tpu.vector_load %arg7[%parallel_loop3A_1148, %parallel_loop3A_1149] {strides = array<i32>} : memref<32x1024xf32, #tpu.memory_space<vmem>>, vector<1x16xf32>,
        %parallel_loop3A_1151 = vector.shape_cast %parallel_loop3A_1150 : vector<1x16xf32> to vector<16xf32>
        %parallel_loop3A_1152 = arith.index_cast %parallel_loop3A_566 : i32 to index
        %parallel_loop3A_1153 = arith.constant 928 : index
        %parallel_loop3A_1154 = tpu.vector_load %arg9[%parallel_loop3A_1152, %parallel_loop3A_1153] {strides = array<i32>} : memref<8x1024xf32, #tpu.memory_space<vmem>>, vector<1x16xf32>,
        %parallel_loop3A_1155 = vector.shape_cast %parallel_loop3A_1154 : vector<1x16xf32> to vector<16xf32>
        %parallel_loop3A_1156 = vector.shape_cast %parallel_loop3A_1151 : vector<16xf32> to vector<1x16xf32>
        tpu.vector_store %arg9[%parallel_loop3A_1152, %parallel_loop3A_1153], %parallel_loop3A_1156 {add = true, strides = array<i32>} : memref<8x1024xf32, #tpu.memory_space<vmem>>, vector<1x16xf32>,
        %parallel_loop3A_1157 = arith.addi %mul3A_250, %parallel_loop3A_566 : i32
        %parallel_loop3A_1158 = arith.index_cast %parallel_loop3A_1157 : i32 to index
        %parallel_loop3A_1159 = arith.constant 944 : index
        %parallel_loop3A_1160 = tpu.vector_load %arg7[%parallel_loop3A_1158, %parallel_loop3A_1159] {strides = array<i32>} : memref<32x1024xf32, #tpu.memory_space<vmem>>, vector<1x16xf32>,
        %parallel_loop3A_1161 = vector.shape_cast %parallel_loop3A_1160 : vector<1x16xf32> to vector<16xf32>
        %parallel_loop3A_1162 = arith.index_cast %parallel_loop3A_566 : i32 to index
        %parallel_loop3A_1163 = arith.constant 944 : index
        %parallel_loop3A_1164 = tpu.vector_load %arg9[%parallel_loop3A_1162, %parallel_loop3A_1163] {strides = array<i32>} : memref<8x1024xf32, #tpu.memory_space<vmem>>, vector<1x16xf32>,
        %parallel_loop3A_1165 = vector.shape_cast %parallel_loop3A_1164 : vector<1x16xf32> to vector<16xf32>
        %parallel_loop3A_1166 = vector.shape_cast %parallel_loop3A_1161 : vector<16xf32> to vector<1x16xf32>
        tpu.vector_store %arg9[%parallel_loop3A_1162, %parallel_loop3A_1163], %parallel_loop3A_1166 {add = true, strides = array<i32>} : memref<8x1024xf32, #tpu.memory_space<vmem>>, vector<1x16xf32>,
        %parallel_loop3A_1167 = arith.addi %mul3A_250, %parallel_loop3A_566 : i32
        %parallel_loop3A_1168 = arith.index_cast %parallel_loop3A_1167 : i32 to index
        %parallel_loop3A_1169 = arith.constant 960 : index
        %parallel_loop3A_1170 = tpu.vector_load %arg7[%parallel_loop3A_1168, %parallel_loop3A_1169] {strides = array<i32>} : memref<32x1024xf32, #tpu.memory_space<vmem>>, vector<1x16xf32>,
        %parallel_loop3A_1171 = vector.shape_cast %parallel_loop3A_1170 : vector<1x16xf32> to vector<16xf32>
        %parallel_loop3A_1172 = arith.index_cast %parallel_loop3A_566 : i32 to index
        %parallel_loop3A_1173 = arith.constant 960 : index
        %parallel_loop3A_1174 = tpu.vector_load %arg9[%parallel_loop3A_1172, %parallel_loop3A_1173] {strides = array<i32>} : memref<8x1024xf32, #tpu.memory_space<vmem>>, vector<1x16xf32>,
        %parallel_loop3A_1175 = vector.shape_cast %parallel_loop3A_1174 : vector<1x16xf32> to vector<16xf32>
        %parallel_loop3A_1176 = vector.shape_cast %parallel_loop3A_1171 : vector<16xf32> to vector<1x16xf32>
        tpu.vector_store %arg9[%parallel_loop3A_1172, %parallel_loop3A_1173], %parallel_loop3A_1176 {add = true, strides = array<i32>} : memref<8x1024xf32, #tpu.memory_space<vmem>>, vector<1x16xf32>,
        %parallel_loop3A_1177 = arith.addi %mul3A_250, %parallel_loop3A_566 : i32
        %parallel_loop3A_1178 = arith.index_cast %parallel_loop3A_1177 : i32 to index
        %parallel_loop3A_1179 = arith.constant 976 : index
        %parallel_loop3A_1180 = tpu.vector_load %arg7[%parallel_loop3A_1178, %parallel_loop3A_1179] {strides = array<i32>} : memref<32x1024xf32, #tpu.memory_space<vmem>>, vector<1x16xf32>,
        %parallel_loop3A_1181 = vector.shape_cast %parallel_loop3A_1180 : vector<1x16xf32> to vector<16xf32>
        %parallel_loop3A_1182 = arith.index_cast %parallel_loop3A_566 : i32 to index
        %parallel_loop3A_1183 = arith.constant 976 : index
        %parallel_loop3A_1184 = tpu.vector_load %arg9[%parallel_loop3A_1182, %parallel_loop3A_1183] {strides = array<i32>} : memref<8x1024xf32, #tpu.memory_space<vmem>>, vector<1x16xf32>,
        %parallel_loop3A_1185 = vector.shape_cast %parallel_loop3A_1184 : vector<1x16xf32> to vector<16xf32>
        %parallel_loop3A_1186 = vector.shape_cast %parallel_loop3A_1181 : vector<16xf32> to vector<1x16xf32>
        tpu.vector_store %arg9[%parallel_loop3A_1182, %parallel_loop3A_1183], %parallel_loop3A_1186 {add = true, strides = array<i32>} : memref<8x1024xf32, #tpu.memory_space<vmem>>, vector<1x16xf32>,
        %parallel_loop3A_1187 = arith.addi %mul3A_250, %parallel_loop3A_566 : i32
        %parallel_loop3A_1188 = arith.index_cast %parallel_loop3A_1187 : i32 to index
        %parallel_loop3A_1189 = arith.constant 992 : index
        %parallel_loop3A_1190 = tpu.vector_load %arg7[%parallel_loop3A_1188, %parallel_loop3A_1189] {strides = array<i32>} : memref<32x1024xf32, #tpu.memory_space<vmem>>, vector<1x16xf32>,
        %parallel_loop3A_1191 = vector.shape_cast %parallel_loop3A_1190 : vector<1x16xf32> to vector<16xf32>
        %parallel_loop3A_1192 = arith.index_cast %parallel_loop3A_566 : i32 to index
        %parallel_loop3A_1193 = arith.constant 992 : index
        %parallel_loop3A_1194 = tpu.vector_load %arg9[%parallel_loop3A_1192, %parallel_loop3A_1193] {strides = array<i32>} : memref<8x1024xf32, #tpu.memory_space<vmem>>, vector<1x16xf32>,
        %parallel_loop3A_1195 = vector.shape_cast %parallel_loop3A_1194 : vector<1x16xf32> to vector<16xf32>
        %parallel_loop3A_1196 = vector.shape_cast %parallel_loop3A_1191 : vector<16xf32> to vector<1x16xf32>
        tpu.vector_store %arg9[%parallel_loop3A_1192, %parallel_loop3A_1193], %parallel_loop3A_1196 {add = true, strides = array<i32>} : memref<8x1024xf32, #tpu.memory_space<vmem>>, vector<1x16xf32>,
        %parallel_loop3A_1197 = arith.addi %mul3A_250, %parallel_loop3A_566 : i32
        %parallel_loop3A_1198 = arith.index_cast %parallel_loop3A_1197 : i32 to index
        %parallel_loop3A_1199 = arith.constant 1008 : index
        %parallel_loop3A_1200 = tpu.vector_load %arg7[%parallel_loop3A_1198, %parallel_loop3A_1199] {strides = array<i32>} : memref<32x1024xf32, #tpu.memory_space<vmem>>, vector<1x16xf32>,
        %parallel_loop3A_1201 = vector.shape_cast %parallel_loop3A_1200 : vector<1x16xf32> to vector<16xf32>
        %parallel_loop3A_1202 = arith.index_cast %parallel_loop3A_566 : i32 to index
        %parallel_loop3A_1203 = arith.constant 1008 : index
        %parallel_loop3A_1204 = tpu.vector_load %arg9[%parallel_loop3A_1202, %parallel_loop3A_1203] {strides = array<i32>} : memref<8x1024xf32, #tpu.memory_space<vmem>>, vector<1x16xf32>,
        %parallel_loop3A_1205 = vector.shape_cast %parallel_loop3A_1204 : vector<1x16xf32> to vector<16xf32>
        %parallel_loop3A_1206 = vector.shape_cast %parallel_loop3A_1201 : vector<16xf32> to vector<1x16xf32>
        tpu.vector_store %arg9[%parallel_loop3A_1202, %parallel_loop3A_1203], %parallel_loop3A_1206 {add = true, strides = array<i32>} : memref<8x1024xf32, #tpu.memory_space<vmem>>, vector<1x16xf32>,
      } {sc.loop_unroll_factor = 1 : i64, sc.parallel_access}
      %eq3A_268 = arith.constant 15 : i32
      %eq3A_269 = arith.cmpi eq, %add3A_163, %eq3A_268 : i32
      %convert_element_type3A_270 = arith.extui %eq3A_269 : i1 to i32
      %cond3A_271 = arith.constant 0 : i32
      %cond3A_272 = arith.cmpi ne, %convert_element_type3A_270, %cond3A_271 : i32
      scf.if %cond3A_272 {
        %add3A_566 = arith.constant 32 : i32
        %add3A_567 = arith.addi %mul3A_2, %add3A_566 : i32
        %dma_start3A_568 = arith.constant 0 : i32
        %dma_start3A_569 = tpu.memref_slice %arg4[%add3A_567, %dma_start3A_568] : memref<2048x1024xf32, #tpu.memory_space<hbm>> -> memref<32x1024xf32, #tpu.memory_space<hbm>>
        %dma_start3A_570 = arith.constant 0 : i32
        %dma_start3A_571 = tpu.memref_slice %arg4[%add3A_567, %dma_start3A_570] : memref<2048x1024xf32, #tpu.memory_space<hbm>> -> memref<32x1024xf32, #tpu.memory_space<hbm>>
        tpu.enqueue_dma source(%dma_start3A_571 : memref<32x1024xf32, #tpu.memory_space<hbm>>) target(%arg7 : memref<32x1024xf32, #tpu.memory_space<vmem>>) target_semaphore(%arg20 : memref<!tpu.dma_semaphore, #tpu.memory_space<semaphore_mem>>)
      } else {
      }
      %mul3A_273 = arith.constant 2048 : i32
      %mul3A_274 = arith.muli %select_n3A_227, %mul3A_273 : i32
      %add3A_275 = arith.addi %mul3A_274, %mul3A_2 : i32
      %add3A_276 = arith.addi %add3A_275, %add3A_248 : i32
      %dma_start3A_277 = arith.constant 0 : i32
      %dma_start3A_278 = tpu.memref_slice %arg5[%add3A_276, %dma_start3A_277] : memref<8192x1024xf32, #tpu.memory_space<hbm>> -> memref<8x1024xf32, #tpu.memory_space<hbm>>
      %dma_start3A_279 = arith.constant 0 : i32
      %dma_start3A_280 = tpu.memref_slice %arg5[%add3A_276, %dma_start3A_279] : memref<8192x1024xf32, #tpu.memory_space<hbm>> -> memref<8x1024xf32, #tpu.memory_space<hbm>>
      tpu.enqueue_dma source(%arg9 : memref<8x1024xf32, #tpu.memory_space<vmem>>) target(%dma_start3A_280 : memref<8x1024xf32, #tpu.memory_space<hbm>>) target_semaphore(%arg17 : memref<!tpu.dma_semaphore, #tpu.memory_space<semaphore_mem>>)
      %ge3A_281 = arith.constant 1 : i32
      %ge3A_282 = arith.cmpi sge, %add3A_163, %ge3A_281 : i32
      %convert_element_type3A_283 = arith.extui %ge3A_282 : i1 to i32
      %cond3A_284 = arith.constant 0 : i32
      %cond3A_285 = arith.cmpi ne, %convert_element_type3A_283, %cond3A_284 : i32
      scf.if %cond3A_285 {
        %dma_wait3A_566 = arith.constant 0 : i32
        %dma_wait3A_567 = arith.constant 0 : i32
        %dma_wait3A_568 = tpu.memref_slice %arg5[%dma_wait3A_566, %dma_wait3A_567] : memref<8192x1024xf32, #tpu.memory_space<hbm>> -> memref<8x1024xf32, #tpu.memory_space<hbm>>
        %dma_wait3A_569 = arith.constant 0 : i32
        %dma_wait3A_570 = arith.constant 0 : i32
        %dma_wait3A_571 = tpu.memref_slice %arg5[%dma_wait3A_569, %dma_wait3A_570] : memref<8192x1024xf32, #tpu.memory_space<hbm>> -> memref<8x1024xf32, #tpu.memory_space<hbm>>
        tpu.wait_dma2 semaphore(%arg16 : memref<!tpu.dma_semaphore, #tpu.memory_space<semaphore_mem>>) src(%arg8 : memref<8x1024xf32, #tpu.memory_space<vmem>>) dst(%dma_wait3A_571 : memref<8x1024xf32, #tpu.memory_space<hbm>>)
      } else {
      }
      %add3A_286 = arith.constant 4 : i32
      %add3A_287 = arith.addi %add3A_163, %add3A_286 : i32
      %sub3A_288 = arith.constant 1 : i32
      %sub3A_289 = arith.subi %add3A_287, %sub3A_288 : i32
      %lt3A_290 = arith.constant 32 : i32
      %lt3A_291 = arith.cmpi slt, %sub3A_289, %lt3A_290 : i32
      %convert_element_type3A_292 = arith.extui %lt3A_291 : i1 to i32
      %cond3A_293 = arith.constant 0 : i32
      %cond3A_294 = arith.cmpi ne, %convert_element_type3A_292, %cond3A_293 : i32
      scf.if %cond3A_294 {
        %add3A_566 = arith.constant 4 : i32
        %add3A_567 = arith.addi %add3A_163, %add3A_566 : i32
        %sub3A_568 = arith.constant 1 : i32
        %sub3A_569 = arith.subi %add3A_567, %sub3A_568 : i32
        %jit3A_570 = arith.constant 16 : i32
        %div3A_571 = arith.divsi %sub3A_569, %jit3A_570 : i32
        %sign3A_572 = arith.constant 0 : i32
        %sign3A_573 = arith.cmpi sgt, %sub3A_569, %sign3A_572 : i32
        %sign3A_574 = arith.extui %sign3A_573 : i1 to i32
        %sign3A_575 = arith.constant 0 : i32
        %sign3A_576 = arith.cmpi slt, %sub3A_569, %sign3A_575 : i32
        %sign3A_577 = arith.extui %sign3A_576 : i1 to i32
        %sign3A_578 = arith.subi %sign3A_574, %sign3A_577 : i32
        %sign3A_579 = arith.constant 0 : i32
        %sign3A_580 = arith.cmpi sgt, %jit3A_570, %sign3A_579 : i32
        %sign3A_581 = arith.extui %sign3A_580 : i1 to i32
        %sign3A_582 = arith.constant 0 : i32
        %sign3A_583 = arith.cmpi slt, %jit3A_570, %sign3A_582 : i32
        %sign3A_584 = arith.extui %sign3A_583 : i1 to i32
        %sign3A_585 = arith.subi %sign3A_581, %sign3A_584 : i32
        %ne3A_586 = arith.cmpi ne, %sign3A_578, %sign3A_585 : i32
        %rem3A_587 = arith.remsi %sub3A_569, %jit3A_570 : i32
        %ne3A_588 = arith.constant 0 : i32
        %ne3A_589 = arith.cmpi ne, %rem3A_587, %ne3A_588 : i32
        %and3A_590 = arith.andi %ne3A_586, %ne3A_589 : i1
        %sub3A_591 = arith.constant 1 : i32
        %sub3A_592 = arith.subi %div3A_571, %sub3A_591 : i32
        %select_n3A_593 = arith.select %and3A_590, %sub3A_592, %div3A_571 : i32
        %jit3A_594 = arith.constant 16 : i32
        %eq3A_595 = arith.constant 0 : i32
        %eq3A_596 = arith.cmpi eq, %jit3A_594, %eq3A_595 : i32
        %jit3A_597 = arith.constant 1 : i32
        %select_n3A_598 = arith.select %eq3A_596, %jit3A_597, %jit3A_594 : i32
        %rem3A_599 = arith.remsi %sub3A_569, %select_n3A_598 : i32
        %ne3A_600 = arith.constant 0 : i32
        %ne3A_601 = arith.cmpi ne, %rem3A_599, %ne3A_600 : i32
        %lt3A_602 = arith.constant 0 : i32
        %lt3A_603 = arith.cmpi slt, %rem3A_599, %lt3A_602 : i32
        %lt3A_604 = arith.constant 0 : i32
        %lt3A_605 = arith.cmpi slt, %select_n3A_598, %lt3A_604 : i32
        %ne3A_606 = arith.xori %lt3A_603, %lt3A_605 : i1
        %and3A_607 = arith.andi %ne3A_606, %ne3A_601 : i1
        %add3A_608 = arith.addi %rem3A_599, %select_n3A_598 : i32
        %select_n3A_609 = arith.select %and3A_607, %add3A_608, %rem3A_599 : i32
        %jit3A_610 = arith.constant 4 : i32
        %div3A_611 = arith.divsi %select_n3A_609, %jit3A_610 : i32
        %sign3A_612 = arith.constant 0 : i32
        %sign3A_613 = arith.cmpi sgt, %select_n3A_609, %sign3A_612 : i32
        %sign3A_614 = arith.extui %sign3A_613 : i1 to i32
        %sign3A_615 = arith.constant 0 : i32
        %sign3A_616 = arith.cmpi slt, %select_n3A_609, %sign3A_615 : i32
        %sign3A_617 = arith.extui %sign3A_616 : i1 to i32
        %sign3A_618 = arith.subi %sign3A_614, %sign3A_617 : i32
        %sign3A_619 = arith.constant 0 : i32
        %sign3A_620 = arith.cmpi sgt, %jit3A_610, %sign3A_619 : i32
        %sign3A_621 = arith.extui %sign3A_620 : i1 to i32
        %sign3A_622 = arith.constant 0 : i32
        %sign3A_623 = arith.cmpi slt, %jit3A_610, %sign3A_622 : i32
        %sign3A_624 = arith.extui %sign3A_623 : i1 to i32
        %sign3A_625 = arith.subi %sign3A_621, %sign3A_624 : i32
        %ne3A_626 = arith.cmpi ne, %sign3A_618, %sign3A_625 : i32
        %rem3A_627 = arith.remsi %select_n3A_609, %jit3A_610 : i32
        %ne3A_628 = arith.constant 0 : i32
        %ne3A_629 = arith.cmpi ne, %rem3A_627, %ne3A_628 : i32
        %and3A_630 = arith.andi %ne3A_626, %ne3A_629 : i1
        %sub3A_631 = arith.constant 1 : i32
        %sub3A_632 = arith.subi %div3A_611, %sub3A_631 : i32
        %select_n3A_633 = arith.select %and3A_630, %sub3A_632, %div3A_611 : i32
        %jit3A_634 = arith.constant 4 : i32
        %eq3A_635 = arith.constant 0 : i32
        %eq3A_636 = arith.cmpi eq, %jit3A_634, %eq3A_635 : i32
        %jit3A_637 = arith.constant 1 : i32
        %select_n3A_638 = arith.select %eq3A_636, %jit3A_637, %jit3A_634 : i32
        %rem3A_639 = arith.remsi %sub3A_569, %select_n3A_638 : i32
        %ne3A_640 = arith.constant 0 : i32
        %ne3A_641 = arith.cmpi ne, %rem3A_639, %ne3A_640 : i32
        %lt3A_642 = arith.constant 0 : i32
        %lt3A_643 = arith.cmpi slt, %rem3A_639, %lt3A_642 : i32
        %lt3A_644 = arith.constant 0 : i32
        %lt3A_645 = arith.cmpi slt, %select_n3A_638, %lt3A_644 : i32
        %ne3A_646 = arith.xori %lt3A_643, %lt3A_645 : i1
        %and3A_647 = arith.andi %ne3A_646, %ne3A_641 : i1
        %add3A_648 = arith.addi %rem3A_639, %select_n3A_638 : i32
        %select_n3A_649 = arith.select %and3A_647, %add3A_648, %rem3A_639 : i32
        %mul3A_650 = arith.constant 32 : i32
        %mul3A_651 = arith.muli %select_n3A_593, %mul3A_650 : i32
        %mul3A_652 = arith.constant 8 : i32
        %mul3A_653 = arith.muli %select_n3A_649, %mul3A_652 : i32
        %add3A_654 = arith.addi %mul3A_651, %mul3A_653 : i32
        %mul3A_655 = arith.constant 8 : i32
        %mul3A_656 = arith.muli %select_n3A_649, %mul3A_655 : i32
        %dma_start3A_657 = tpu.memref_slice %arg6[%select_n3A_633, %add3A_654] : memref<4x64xi32, #tpu.memory_space<vmem>> -> memref<1x8xi32, #tpu.memory_space<vmem>>
        %dma_start3A_658 = tpu.memref_squeeze %dma_start3A_657 : memref<1x8xi32, #tpu.memory_space<vmem>> -> memref<8xi32, #tpu.memory_space<vmem>>
        %dma_start3A_659 = arith.constant 0 : i32
        %dma_start3A_660 = arith.constant 0 : i32
        %dma_start3A_661 = tpu.memref_slice %arg3[%dma_start3A_659, %dma_start3A_660] : memref<100000x1024xf32, #tpu.memory_space<hbm>> -> memref<100000x1024xf32, #tpu.memory_space<hbm>>
        tpu.enqueue_indirect_dma source(%dma_start3A_661 : memref<100000x1024xf32, #tpu.memory_space<hbm>>) target(%arg8 : memref<8x1024xf32, #tpu.memory_space<vmem>>) offsets(%dma_start3A_658 : memref<8xi32, #tpu.memory_space<vmem>>) semaphore(%arg12 : memref<!tpu.dma_semaphore, #tpu.memory_space<semaphore_mem>>)
      } else {
      }
      %mul3A_295 = arith.constant 4 : i32
      %mul3A_296 = arith.muli %scan3A_38, %mul3A_295 : i32
      %add3A_297 = arith.constant 2 : i32
      %add3A_298 = arith.addi %mul3A_296, %add3A_297 : i32
      %jit3A_299 = arith.constant 16 : i32
      %div3A_300 = arith.divsi %add3A_298, %jit3A_299 : i32
      %sign3A_301 = arith.constant 0 : i32
      %sign3A_302 = arith.cmpi sgt, %add3A_298, %sign3A_301 : i32
      %sign3A_303 = arith.extui %sign3A_302 : i1 to i32
      %sign3A_304 = arith.constant 0 : i32
      %sign3A_305 = arith.cmpi slt, %add3A_298, %sign3A_304 : i32
      %sign3A_306 = arith.extui %sign3A_305 : i1 to i32
      %sign3A_307 = arith.subi %sign3A_303, %sign3A_306 : i32
      %sign3A_308 = arith.constant 0 : i32
      %sign3A_309 = arith.cmpi sgt, %jit3A_299, %sign3A_308 : i32
      %sign3A_310 = arith.extui %sign3A_309 : i1 to i32
      %sign3A_311 = arith.constant 0 : i32
      %sign3A_312 = arith.cmpi slt, %jit3A_299, %sign3A_311 : i32
      %sign3A_313 = arith.extui %sign3A_312 : i1 to i32
      %sign3A_314 = arith.subi %sign3A_310, %sign3A_313 : i32
      %ne3A_315 = arith.cmpi ne, %sign3A_307, %sign3A_314 : i32
      %rem3A_316 = arith.remsi %add3A_298, %jit3A_299 : i32
      %ne3A_317 = arith.constant 0 : i32
      %ne3A_318 = arith.cmpi ne, %rem3A_316, %ne3A_317 : i32
      %and3A_319 = arith.andi %ne3A_315, %ne3A_318 : i1
      %sub3A_320 = arith.constant 1 : i32
      %sub3A_321 = arith.subi %div3A_300, %sub3A_320 : i32
      %select_n3A_322 = arith.select %and3A_319, %sub3A_321, %div3A_300 : i32
      %jit3A_323 = arith.constant 16 : i32
      %eq3A_324 = arith.constant 0 : i32
      %eq3A_325 = arith.cmpi eq, %jit3A_323, %eq3A_324 : i32
      %jit3A_326 = arith.constant 1 : i32
      %select_n3A_327 = arith.select %eq3A_325, %jit3A_326, %jit3A_323 : i32
      %rem3A_328 = arith.remsi %add3A_298, %select_n3A_327 : i32
      %ne3A_329 = arith.constant 0 : i32
      %ne3A_330 = arith.cmpi ne, %rem3A_328, %ne3A_329 : i32
      %lt3A_331 = arith.constant 0 : i32
      %lt3A_332 = arith.cmpi slt, %rem3A_328, %lt3A_331 : i32
      %lt3A_333 = arith.constant 0 : i32
      %lt3A_334 = arith.cmpi slt, %select_n3A_327, %lt3A_333 : i32
      %ne3A_335 = arith.xori %lt3A_332, %lt3A_334 : i1
      %and3A_336 = arith.andi %ne3A_335, %ne3A_330 : i1
      %add3A_337 = arith.addi %rem3A_328, %select_n3A_327 : i32
      %select_n3A_338 = arith.select %and3A_336, %add3A_337, %rem3A_328 : i32
      %jit3A_339 = arith.constant 4 : i32
      %div3A_340 = arith.divsi %select_n3A_338, %jit3A_339 : i32
      %sign3A_341 = arith.constant 0 : i32
      %sign3A_342 = arith.cmpi sgt, %select_n3A_338, %sign3A_341 : i32
      %sign3A_343 = arith.extui %sign3A_342 : i1 to i32
      %sign3A_344 = arith.constant 0 : i32
      %sign3A_345 = arith.cmpi slt, %select_n3A_338, %sign3A_344 : i32
      %sign3A_346 = arith.extui %sign3A_345 : i1 to i32
      %sign3A_347 = arith.subi %sign3A_343, %sign3A_346 : i32
      %sign3A_348 = arith.constant 0 : i32
      %sign3A_349 = arith.cmpi sgt, %jit3A_339, %sign3A_348 : i32
      %sign3A_350 = arith.extui %sign3A_349 : i1 to i32
      %sign3A_351 = arith.constant 0 : i32
      %sign3A_352 = arith.cmpi slt, %jit3A_339, %sign3A_351 : i32
      %sign3A_353 = arith.extui %sign3A_352 : i1 to i32
      %sign3A_354 = arith.subi %sign3A_350, %sign3A_353 : i32
      %ne3A_355 = arith.cmpi ne, %sign3A_347, %sign3A_354 : i32
      %rem3A_356 = arith.remsi %select_n3A_338, %jit3A_339 : i32
      %ne3A_357 = arith.constant 0 : i32
      %ne3A_358 = arith.cmpi ne, %rem3A_356, %ne3A_357 : i32
      %and3A_359 = arith.andi %ne3A_355, %ne3A_358 : i1
      %sub3A_360 = arith.constant 1 : i32
      %sub3A_361 = arith.subi %div3A_340, %sub3A_360 : i32
      %select_n3A_362 = arith.select %and3A_359, %sub3A_361, %div3A_340 : i32
      %jit3A_363 = arith.constant 4 : i32
      %eq3A_364 = arith.constant 0 : i32
      %eq3A_365 = arith.cmpi eq, %jit3A_363, %eq3A_364 : i32
      %jit3A_366 = arith.constant 1 : i32
      %select_n3A_367 = arith.select %eq3A_365, %jit3A_366, %jit3A_363 : i32
      %rem3A_368 = arith.remsi %add3A_298, %select_n3A_367 : i32
      %ne3A_369 = arith.constant 0 : i32
      %ne3A_370 = arith.cmpi ne, %rem3A_368, %ne3A_369 : i32
      %lt3A_371 = arith.constant 0 : i32
      %lt3A_372 = arith.cmpi slt, %rem3A_368, %lt3A_371 : i32
      %lt3A_373 = arith.constant 0 : i32
      %lt3A_374 = arith.cmpi slt, %select_n3A_367, %lt3A_373 : i32
      %ne3A_375 = arith.xori %lt3A_372, %lt3A_374 : i1
      %and3A_376 = arith.andi %ne3A_375, %ne3A_370 : i1
      %add3A_377 = arith.addi %rem3A_368, %select_n3A_367 : i32
      %select_n3A_378 = arith.select %and3A_376, %add3A_377, %rem3A_368 : i32
      %mul3A_379 = arith.constant 32 : i32
      %mul3A_380 = arith.muli %select_n3A_322, %mul3A_379 : i32
      %mul3A_381 = arith.constant 8 : i32
      %mul3A_382 = arith.muli %select_n3A_378, %mul3A_381 : i32
      %add3A_383 = arith.addi %mul3A_380, %mul3A_382 : i32
      %mul3A_384 = arith.constant 8 : i32
      %mul3A_385 = arith.muli %select_n3A_378, %mul3A_384 : i32
      %dma_wait3A_386 = arith.constant 0 : i32
      %dma_wait3A_387 = arith.constant 0 : i32
      %dma_wait3A_388 = tpu.memref_slice %arg3[%dma_wait3A_386, %dma_wait3A_387] : memref<100000x1024xf32, #tpu.memory_space<hbm>> -> memref<8x1024xf32, #tpu.memory_space<hbm>>
      %dma_wait3A_389 = arith.constant 0 : i32
      %dma_wait3A_390 = arith.constant 0 : i32
      %dma_wait3A_391 = tpu.memref_slice %arg3[%dma_wait3A_389, %dma_wait3A_390] : memref<100000x1024xf32, #tpu.memory_space<hbm>> -> memref<8x1024xf32, #tpu.memory_space<hbm>>
      tpu.wait_dma2 semaphore(%arg14 : memref<!tpu.dma_semaphore, #tpu.memory_space<semaphore_mem>>) src(%dma_wait3A_391 : memref<8x1024xf32, #tpu.memory_space<hbm>>) dst(%arg10 : memref<8x1024xf32, #tpu.memory_space<vmem>>)
      %eq3A_392 = arith.constant 0 : i32
      %eq3A_393 = arith.cmpi eq, %add3A_298, %eq3A_392 : i32
      %eq3A_394 = arith.constant 16 : i32
      %eq3A_395 = arith.cmpi eq, %add3A_298, %eq3A_394 : i32
      %or3A_396 = arith.ori %eq3A_393, %eq3A_395 : i1
      %convert_element_type3A_397 = arith.extui %or3A_396 : i1 to i32
      %cond3A_398 = arith.constant 0 : i32
      %cond3A_399 = arith.cmpi ne, %convert_element_type3A_397, %cond3A_398 : i32
      scf.if %cond3A_399 {
        %dma_wait3A_566 = arith.constant 0 : i32
        %dma_wait3A_567 = tpu.memref_slice %arg4[%mul3A_2, %dma_wait3A_566] : memref<2048x1024xf32, #tpu.memory_space<hbm>> -> memref<32x1024xf32, #tpu.memory_space<hbm>>
        %dma_wait3A_568 = arith.constant 0 : i32
        %dma_wait3A_569 = tpu.memref_slice %arg4[%mul3A_2, %dma_wait3A_568] : memref<2048x1024xf32, #tpu.memory_space<hbm>> -> memref<32x1024xf32, #tpu.memory_space<hbm>>
        tpu.wait_dma2 semaphore(%arg20 : memref<!tpu.dma_semaphore, #tpu.memory_space<semaphore_mem>>) src(%dma_wait3A_569 : memref<32x1024xf32, #tpu.memory_space<hbm>>) dst(%arg7 : memref<32x1024xf32, #tpu.memory_space<vmem>>)
      } else {
      }
      %parallel_loop3A_400 = arith.constant 0 : i32
      %parallel_loop3A_401 = arith.constant 8 : i32
      %parallel_loop3A_402 = arith.constant 1 : i32
      scf.for %parallel_loop3A_566 = %parallel_loop3A_400 to %parallel_loop3A_401 step %parallel_loop3A_402  : i32 {
        %parallel_loop3A_567 = arith.addi %mul3A_385, %parallel_loop3A_566 : i32
        %parallel_loop3A_568 = arith.index_cast %parallel_loop3A_567 : i32 to index
        %parallel_loop3A_569 = arith.constant 0 : index
        %parallel_loop3A_570 = tpu.vector_load %arg7[%parallel_loop3A_568, %parallel_loop3A_569] {strides = array<i32>} : memref<32x1024xf32, #tpu.memory_space<vmem>>, vector<1x16xf32>,
        %parallel_loop3A_571 = vector.shape_cast %parallel_loop3A_570 : vector<1x16xf32> to vector<16xf32>
        %parallel_loop3A_572 = arith.index_cast %parallel_loop3A_566 : i32 to index
        %parallel_loop3A_573 = arith.constant 0 : index
        %parallel_loop3A_574 = tpu.vector_load %arg10[%parallel_loop3A_572, %parallel_loop3A_573] {strides = array<i32>} : memref<8x1024xf32, #tpu.memory_space<vmem>>, vector<1x16xf32>,
        %parallel_loop3A_575 = vector.shape_cast %parallel_loop3A_574 : vector<1x16xf32> to vector<16xf32>
        %parallel_loop3A_576 = vector.shape_cast %parallel_loop3A_571 : vector<16xf32> to vector<1x16xf32>
        tpu.vector_store %arg10[%parallel_loop3A_572, %parallel_loop3A_573], %parallel_loop3A_576 {add = true, strides = array<i32>} : memref<8x1024xf32, #tpu.memory_space<vmem>>, vector<1x16xf32>,
        %parallel_loop3A_577 = arith.addi %mul3A_385, %parallel_loop3A_566 : i32
        %parallel_loop3A_578 = arith.index_cast %parallel_loop3A_577 : i32 to index
        %parallel_loop3A_579 = arith.constant 16 : index
        %parallel_loop3A_580 = tpu.vector_load %arg7[%parallel_loop3A_578, %parallel_loop3A_579] {strides = array<i32>} : memref<32x1024xf32, #tpu.memory_space<vmem>>, vector<1x16xf32>,
        %parallel_loop3A_581 = vector.shape_cast %parallel_loop3A_580 : vector<1x16xf32> to vector<16xf32>
        %parallel_loop3A_582 = arith.index_cast %parallel_loop3A_566 : i32 to index
        %parallel_loop3A_583 = arith.constant 16 : index
        %parallel_loop3A_584 = tpu.vector_load %arg10[%parallel_loop3A_582, %parallel_loop3A_583] {strides = array<i32>} : memref<8x1024xf32, #tpu.memory_space<vmem>>, vector<1x16xf32>,
        %parallel_loop3A_585 = vector.shape_cast %parallel_loop3A_584 : vector<1x16xf32> to vector<16xf32>
        %parallel_loop3A_586 = vector.shape_cast %parallel_loop3A_581 : vector<16xf32> to vector<1x16xf32>
        tpu.vector_store %arg10[%parallel_loop3A_582, %parallel_loop3A_583], %parallel_loop3A_586 {add = true, strides = array<i32>} : memref<8x1024xf32, #tpu.memory_space<vmem>>, vector<1x16xf32>,
        %parallel_loop3A_587 = arith.addi %mul3A_385, %parallel_loop3A_566 : i32
        %parallel_loop3A_588 = arith.index_cast %parallel_loop3A_587 : i32 to index
        %parallel_loop3A_589 = arith.constant 32 : index
        %parallel_loop3A_590 = tpu.vector_load %arg7[%parallel_loop3A_588, %parallel_loop3A_589] {strides = array<i32>} : memref<32x1024xf32, #tpu.memory_space<vmem>>, vector<1x16xf32>,
        %parallel_loop3A_591 = vector.shape_cast %parallel_loop3A_590 : vector<1x16xf32> to vector<16xf32>
        %parallel_loop3A_592 = arith.index_cast %parallel_loop3A_566 : i32 to index
        %parallel_loop3A_593 = arith.constant 32 : index
        %parallel_loop3A_594 = tpu.vector_load %arg10[%parallel_loop3A_592, %parallel_loop3A_593] {strides = array<i32>} : memref<8x1024xf32, #tpu.memory_space<vmem>>, vector<1x16xf32>,
        %parallel_loop3A_595 = vector.shape_cast %parallel_loop3A_594 : vector<1x16xf32> to vector<16xf32>
        %parallel_loop3A_596 = vector.shape_cast %parallel_loop3A_591 : vector<16xf32> to vector<1x16xf32>
        tpu.vector_store %arg10[%parallel_loop3A_592, %parallel_loop3A_593], %parallel_loop3A_596 {add = true, strides = array<i32>} : memref<8x1024xf32, #tpu.memory_space<vmem>>, vector<1x16xf32>,
        %parallel_loop3A_597 = arith.addi %mul3A_385, %parallel_loop3A_566 : i32
        %parallel_loop3A_598 = arith.index_cast %parallel_loop3A_597 : i32 to index
        %parallel_loop3A_599 = arith.constant 48 : index
        %parallel_loop3A_600 = tpu.vector_load %arg7[%parallel_loop3A_598, %parallel_loop3A_599] {strides = array<i32>} : memref<32x1024xf32, #tpu.memory_space<vmem>>, vector<1x16xf32>,
        %parallel_loop3A_601 = vector.shape_cast %parallel_loop3A_600 : vector<1x16xf32> to vector<16xf32>
        %parallel_loop3A_602 = arith.index_cast %parallel_loop3A_566 : i32 to index
        %parallel_loop3A_603 = arith.constant 48 : index
        %parallel_loop3A_604 = tpu.vector_load %arg10[%parallel_loop3A_602, %parallel_loop3A_603] {strides = array<i32>} : memref<8x1024xf32, #tpu.memory_space<vmem>>, vector<1x16xf32>,
        %parallel_loop3A_605 = vector.shape_cast %parallel_loop3A_604 : vector<1x16xf32> to vector<16xf32>
        %parallel_loop3A_606 = vector.shape_cast %parallel_loop3A_601 : vector<16xf32> to vector<1x16xf32>
        tpu.vector_store %arg10[%parallel_loop3A_602, %parallel_loop3A_603], %parallel_loop3A_606 {add = true, strides = array<i32>} : memref<8x1024xf32, #tpu.memory_space<vmem>>, vector<1x16xf32>,
        %parallel_loop3A_607 = arith.addi %mul3A_385, %parallel_loop3A_566 : i32
        %parallel_loop3A_608 = arith.index_cast %parallel_loop3A_607 : i32 to index
        %parallel_loop3A_609 = arith.constant 64 : index
        %parallel_loop3A_610 = tpu.vector_load %arg7[%parallel_loop3A_608, %parallel_loop3A_609] {strides = array<i32>} : memref<32x1024xf32, #tpu.memory_space<vmem>>, vector<1x16xf32>,
        %parallel_loop3A_611 = vector.shape_cast %parallel_loop3A_610 : vector<1x16xf32> to vector<16xf32>
        %parallel_loop3A_612 = arith.index_cast %parallel_loop3A_566 : i32 to index
        %parallel_loop3A_613 = arith.constant 64 : index
        %parallel_loop3A_614 = tpu.vector_load %arg10[%parallel_loop3A_612, %parallel_loop3A_613] {strides = array<i32>} : memref<8x1024xf32, #tpu.memory_space<vmem>>, vector<1x16xf32>,
        %parallel_loop3A_615 = vector.shape_cast %parallel_loop3A_614 : vector<1x16xf32> to vector<16xf32>
        %parallel_loop3A_616 = vector.shape_cast %parallel_loop3A_611 : vector<16xf32> to vector<1x16xf32>
        tpu.vector_store %arg10[%parallel_loop3A_612, %parallel_loop3A_613], %parallel_loop3A_616 {add = true, strides = array<i32>} : memref<8x1024xf32, #tpu.memory_space<vmem>>, vector<1x16xf32>,
        %parallel_loop3A_617 = arith.addi %mul3A_385, %parallel_loop3A_566 : i32
        %parallel_loop3A_618 = arith.index_cast %parallel_loop3A_617 : i32 to index
        %parallel_loop3A_619 = arith.constant 80 : index
        %parallel_loop3A_620 = tpu.vector_load %arg7[%parallel_loop3A_618, %parallel_loop3A_619] {strides = array<i32>} : memref<32x1024xf32, #tpu.memory_space<vmem>>, vector<1x16xf32>,
        %parallel_loop3A_621 = vector.shape_cast %parallel_loop3A_620 : vector<1x16xf32> to vector<16xf32>
        %parallel_loop3A_622 = arith.index_cast %parallel_loop3A_566 : i32 to index
        %parallel_loop3A_623 = arith.constant 80 : index
        %parallel_loop3A_624 = tpu.vector_load %arg10[%parallel_loop3A_622, %parallel_loop3A_623] {strides = array<i32>} : memref<8x1024xf32, #tpu.memory_space<vmem>>, vector<1x16xf32>,
        %parallel_loop3A_625 = vector.shape_cast %parallel_loop3A_624 : vector<1x16xf32> to vector<16xf32>
        %parallel_loop3A_626 = vector.shape_cast %parallel_loop3A_621 : vector<16xf32> to vector<1x16xf32>
        tpu.vector_store %arg10[%parallel_loop3A_622, %parallel_loop3A_623], %parallel_loop3A_626 {add = true, strides = array<i32>} : memref<8x1024xf32, #tpu.memory_space<vmem>>, vector<1x16xf32>,
        %parallel_loop3A_627 = arith.addi %mul3A_385, %parallel_loop3A_566 : i32
        %parallel_loop3A_628 = arith.index_cast %parallel_loop3A_627 : i32 to index
        %parallel_loop3A_629 = arith.constant 96 : index
        %parallel_loop3A_630 = tpu.vector_load %arg7[%parallel_loop3A_628, %parallel_loop3A_629] {strides = array<i32>} : memref<32x1024xf32, #tpu.memory_space<vmem>>, vector<1x16xf32>,
        %parallel_loop3A_631 = vector.shape_cast %parallel_loop3A_630 : vector<1x16xf32> to vector<16xf32>
        %parallel_loop3A_632 = arith.index_cast %parallel_loop3A_566 : i32 to index
        %parallel_loop3A_633 = arith.constant 96 : index
        %parallel_loop3A_634 = tpu.vector_load %arg10[%parallel_loop3A_632, %parallel_loop3A_633] {strides = array<i32>} : memref<8x1024xf32, #tpu.memory_space<vmem>>, vector<1x16xf32>,
        %parallel_loop3A_635 = vector.shape_cast %parallel_loop3A_634 : vector<1x16xf32> to vector<16xf32>
        %parallel_loop3A_636 = vector.shape_cast %parallel_loop3A_631 : vector<16xf32> to vector<1x16xf32>
        tpu.vector_store %arg10[%parallel_loop3A_632, %parallel_loop3A_633], %parallel_loop3A_636 {add = true, strides = array<i32>} : memref<8x1024xf32, #tpu.memory_space<vmem>>, vector<1x16xf32>,
        %parallel_loop3A_637 = arith.addi %mul3A_385, %parallel_loop3A_566 : i32
        %parallel_loop3A_638 = arith.index_cast %parallel_loop3A_637 : i32 to index
        %parallel_loop3A_639 = arith.constant 112 : index
        %parallel_loop3A_640 = tpu.vector_load %arg7[%parallel_loop3A_638, %parallel_loop3A_639] {strides = array<i32>} : memref<32x1024xf32, #tpu.memory_space<vmem>>, vector<1x16xf32>,
        %parallel_loop3A_641 = vector.shape_cast %parallel_loop3A_640 : vector<1x16xf32> to vector<16xf32>
        %parallel_loop3A_642 = arith.index_cast %parallel_loop3A_566 : i32 to index
        %parallel_loop3A_643 = arith.constant 112 : index
        %parallel_loop3A_644 = tpu.vector_load %arg10[%parallel_loop3A_642, %parallel_loop3A_643] {strides = array<i32>} : memref<8x1024xf32, #tpu.memory_space<vmem>>, vector<1x16xf32>,
        %parallel_loop3A_645 = vector.shape_cast %parallel_loop3A_644 : vector<1x16xf32> to vector<16xf32>
        %parallel_loop3A_646 = vector.shape_cast %parallel_loop3A_641 : vector<16xf32> to vector<1x16xf32>
        tpu.vector_store %arg10[%parallel_loop3A_642, %parallel_loop3A_643], %parallel_loop3A_646 {add = true, strides = array<i32>} : memref<8x1024xf32, #tpu.memory_space<vmem>>, vector<1x16xf32>,
        %parallel_loop3A_647 = arith.addi %mul3A_385, %parallel_loop3A_566 : i32
        %parallel_loop3A_648 = arith.index_cast %parallel_loop3A_647 : i32 to index
        %parallel_loop3A_649 = arith.constant 128 : index
        %parallel_loop3A_650 = tpu.vector_load %arg7[%parallel_loop3A_648, %parallel_loop3A_649] {strides = array<i32>} : memref<32x1024xf32, #tpu.memory_space<vmem>>, vector<1x16xf32>,
        %parallel_loop3A_651 = vector.shape_cast %parallel_loop3A_650 : vector<1x16xf32> to vector<16xf32>
        %parallel_loop3A_652 = arith.index_cast %parallel_loop3A_566 : i32 to index
        %parallel_loop3A_653 = arith.constant 128 : index
        %parallel_loop3A_654 = tpu.vector_load %arg10[%parallel_loop3A_652, %parallel_loop3A_653] {strides = array<i32>} : memref<8x1024xf32, #tpu.memory_space<vmem>>, vector<1x16xf32>,
        %parallel_loop3A_655 = vector.shape_cast %parallel_loop3A_654 : vector<1x16xf32> to vector<16xf32>
        %parallel_loop3A_656 = vector.shape_cast %parallel_loop3A_651 : vector<16xf32> to vector<1x16xf32>
        tpu.vector_store %arg10[%parallel_loop3A_652, %parallel_loop3A_653], %parallel_loop3A_656 {add = true, strides = array<i32>} : memref<8x1024xf32, #tpu.memory_space<vmem>>, vector<1x16xf32>,
        %parallel_loop3A_657 = arith.addi %mul3A_385, %parallel_loop3A_566 : i32
        %parallel_loop3A_658 = arith.index_cast %parallel_loop3A_657 : i32 to index
        %parallel_loop3A_659 = arith.constant 144 : index
        %parallel_loop3A_660 = tpu.vector_load %arg7[%parallel_loop3A_658, %parallel_loop3A_659] {strides = array<i32>} : memref<32x1024xf32, #tpu.memory_space<vmem>>, vector<1x16xf32>,
        %parallel_loop3A_661 = vector.shape_cast %parallel_loop3A_660 : vector<1x16xf32> to vector<16xf32>
        %parallel_loop3A_662 = arith.index_cast %parallel_loop3A_566 : i32 to index
        %parallel_loop3A_663 = arith.constant 144 : index
        %parallel_loop3A_664 = tpu.vector_load %arg10[%parallel_loop3A_662, %parallel_loop3A_663] {strides = array<i32>} : memref<8x1024xf32, #tpu.memory_space<vmem>>, vector<1x16xf32>,
        %parallel_loop3A_665 = vector.shape_cast %parallel_loop3A_664 : vector<1x16xf32> to vector<16xf32>
        %parallel_loop3A_666 = vector.shape_cast %parallel_loop3A_661 : vector<16xf32> to vector<1x16xf32>
        tpu.vector_store %arg10[%parallel_loop3A_662, %parallel_loop3A_663], %parallel_loop3A_666 {add = true, strides = array<i32>} : memref<8x1024xf32, #tpu.memory_space<vmem>>, vector<1x16xf32>,
        %parallel_loop3A_667 = arith.addi %mul3A_385, %parallel_loop3A_566 : i32
        %parallel_loop3A_668 = arith.index_cast %parallel_loop3A_667 : i32 to index
        %parallel_loop3A_669 = arith.constant 160 : index
        %parallel_loop3A_670 = tpu.vector_load %arg7[%parallel_loop3A_668, %parallel_loop3A_669] {strides = array<i32>} : memref<32x1024xf32, #tpu.memory_space<vmem>>, vector<1x16xf32>,
        %parallel_loop3A_671 = vector.shape_cast %parallel_loop3A_670 : vector<1x16xf32> to vector<16xf32>
        %parallel_loop3A_672 = arith.index_cast %parallel_loop3A_566 : i32 to index
        %parallel_loop3A_673 = arith.constant 160 : index
        %parallel_loop3A_674 = tpu.vector_load %arg10[%parallel_loop3A_672, %parallel_loop3A_673] {strides = array<i32>} : memref<8x1024xf32, #tpu.memory_space<vmem>>, vector<1x16xf32>,
        %parallel_loop3A_675 = vector.shape_cast %parallel_loop3A_674 : vector<1x16xf32> to vector<16xf32>
        %parallel_loop3A_676 = vector.shape_cast %parallel_loop3A_671 : vector<16xf32> to vector<1x16xf32>
        tpu.vector_store %arg10[%parallel_loop3A_672, %parallel_loop3A_673], %parallel_loop3A_676 {add = true, strides = array<i32>} : memref<8x1024xf32, #tpu.memory_space<vmem>>, vector<1x16xf32>,
        %parallel_loop3A_677 = arith.addi %mul3A_385, %parallel_loop3A_566 : i32
        %parallel_loop3A_678 = arith.index_cast %parallel_loop3A_677 : i32 to index
        %parallel_loop3A_679 = arith.constant 176 : index
        %parallel_loop3A_680 = tpu.vector_load %arg7[%parallel_loop3A_678, %parallel_loop3A_679] {strides = array<i32>} : memref<32x1024xf32, #tpu.memory_space<vmem>>, vector<1x16xf32>,
        %parallel_loop3A_681 = vector.shape_cast %parallel_loop3A_680 : vector<1x16xf32> to vector<16xf32>
        %parallel_loop3A_682 = arith.index_cast %parallel_loop3A_566 : i32 to index
        %parallel_loop3A_683 = arith.constant 176 : index
        %parallel_loop3A_684 = tpu.vector_load %arg10[%parallel_loop3A_682, %parallel_loop3A_683] {strides = array<i32>} : memref<8x1024xf32, #tpu.memory_space<vmem>>, vector<1x16xf32>,
        %parallel_loop3A_685 = vector.shape_cast %parallel_loop3A_684 : vector<1x16xf32> to vector<16xf32>
        %parallel_loop3A_686 = vector.shape_cast %parallel_loop3A_681 : vector<16xf32> to vector<1x16xf32>
        tpu.vector_store %arg10[%parallel_loop3A_682, %parallel_loop3A_683], %parallel_loop3A_686 {add = true, strides = array<i32>} : memref<8x1024xf32, #tpu.memory_space<vmem>>, vector<1x16xf32>,
        %parallel_loop3A_687 = arith.addi %mul3A_385, %parallel_loop3A_566 : i32
        %parallel_loop3A_688 = arith.index_cast %parallel_loop3A_687 : i32 to index
        %parallel_loop3A_689 = arith.constant 192 : index
        %parallel_loop3A_690 = tpu.vector_load %arg7[%parallel_loop3A_688, %parallel_loop3A_689] {strides = array<i32>} : memref<32x1024xf32, #tpu.memory_space<vmem>>, vector<1x16xf32>,
        %parallel_loop3A_691 = vector.shape_cast %parallel_loop3A_690 : vector<1x16xf32> to vector<16xf32>
        %parallel_loop3A_692 = arith.index_cast %parallel_loop3A_566 : i32 to index
        %parallel_loop3A_693 = arith.constant 192 : index
        %parallel_loop3A_694 = tpu.vector_load %arg10[%parallel_loop3A_692, %parallel_loop3A_693] {strides = array<i32>} : memref<8x1024xf32, #tpu.memory_space<vmem>>, vector<1x16xf32>,
        %parallel_loop3A_695 = vector.shape_cast %parallel_loop3A_694 : vector<1x16xf32> to vector<16xf32>
        %parallel_loop3A_696 = vector.shape_cast %parallel_loop3A_691 : vector<16xf32> to vector<1x16xf32>
        tpu.vector_store %arg10[%parallel_loop3A_692, %parallel_loop3A_693], %parallel_loop3A_696 {add = true, strides = array<i32>} : memref<8x1024xf32, #tpu.memory_space<vmem>>, vector<1x16xf32>,
        %parallel_loop3A_697 = arith.addi %mul3A_385, %parallel_loop3A_566 : i32
        %parallel_loop3A_698 = arith.index_cast %parallel_loop3A_697 : i32 to index
        %parallel_loop3A_699 = arith.constant 208 : index
        %parallel_loop3A_700 = tpu.vector_load %arg7[%parallel_loop3A_698, %parallel_loop3A_699] {strides = array<i32>} : memref<32x1024xf32, #tpu.memory_space<vmem>>, vector<1x16xf32>,
        %parallel_loop3A_701 = vector.shape_cast %parallel_loop3A_700 : vector<1x16xf32> to vector<16xf32>
        %parallel_loop3A_702 = arith.index_cast %parallel_loop3A_566 : i32 to index
        %parallel_loop3A_703 = arith.constant 208 : index
        %parallel_loop3A_704 = tpu.vector_load %arg10[%parallel_loop3A_702, %parallel_loop3A_703] {strides = array<i32>} : memref<8x1024xf32, #tpu.memory_space<vmem>>, vector<1x16xf32>,
        %parallel_loop3A_705 = vector.shape_cast %parallel_loop3A_704 : vector<1x16xf32> to vector<16xf32>
        %parallel_loop3A_706 = vector.shape_cast %parallel_loop3A_701 : vector<16xf32> to vector<1x16xf32>
        tpu.vector_store %arg10[%parallel_loop3A_702, %parallel_loop3A_703], %parallel_loop3A_706 {add = true, strides = array<i32>} : memref<8x1024xf32, #tpu.memory_space<vmem>>, vector<1x16xf32>,
        %parallel_loop3A_707 = arith.addi %mul3A_385, %parallel_loop3A_566 : i32
        %parallel_loop3A_708 = arith.index_cast %parallel_loop3A_707 : i32 to index
        %parallel_loop3A_709 = arith.constant 224 : index
        %parallel_loop3A_710 = tpu.vector_load %arg7[%parallel_loop3A_708, %parallel_loop3A_709] {strides = array<i32>} : memref<32x1024xf32, #tpu.memory_space<vmem>>, vector<1x16xf32>,
        %parallel_loop3A_711 = vector.shape_cast %parallel_loop3A_710 : vector<1x16xf32> to vector<16xf32>
        %parallel_loop3A_712 = arith.index_cast %parallel_loop3A_566 : i32 to index
        %parallel_loop3A_713 = arith.constant 224 : index
        %parallel_loop3A_714 = tpu.vector_load %arg10[%parallel_loop3A_712, %parallel_loop3A_713] {strides = array<i32>} : memref<8x1024xf32, #tpu.memory_space<vmem>>, vector<1x16xf32>,
        %parallel_loop3A_715 = vector.shape_cast %parallel_loop3A_714 : vector<1x16xf32> to vector<16xf32>
        %parallel_loop3A_716 = vector.shape_cast %parallel_loop3A_711 : vector<16xf32> to vector<1x16xf32>
        tpu.vector_store %arg10[%parallel_loop3A_712, %parallel_loop3A_713], %parallel_loop3A_716 {add = true, strides = array<i32>} : memref<8x1024xf32, #tpu.memory_space<vmem>>, vector<1x16xf32>,
        %parallel_loop3A_717 = arith.addi %mul3A_385, %parallel_loop3A_566 : i32
        %parallel_loop3A_718 = arith.index_cast %parallel_loop3A_717 : i32 to index
        %parallel_loop3A_719 = arith.constant 240 : index
        %parallel_loop3A_720 = tpu.vector_load %arg7[%parallel_loop3A_718, %parallel_loop3A_719] {strides = array<i32>} : memref<32x1024xf32, #tpu.memory_space<vmem>>, vector<1x16xf32>,
        %parallel_loop3A_721 = vector.shape_cast %parallel_loop3A_720 : vector<1x16xf32> to vector<16xf32>
        %parallel_loop3A_722 = arith.index_cast %parallel_loop3A_566 : i32 to index
        %parallel_loop3A_723 = arith.constant 240 : index
        %parallel_loop3A_724 = tpu.vector_load %arg10[%parallel_loop3A_722, %parallel_loop3A_723] {strides = array<i32>} : memref<8x1024xf32, #tpu.memory_space<vmem>>, vector<1x16xf32>,
        %parallel_loop3A_725 = vector.shape_cast %parallel_loop3A_724 : vector<1x16xf32> to vector<16xf32>
        %parallel_loop3A_726 = vector.shape_cast %parallel_loop3A_721 : vector<16xf32> to vector<1x16xf32>
        tpu.vector_store %arg10[%parallel_loop3A_722, %parallel_loop3A_723], %parallel_loop3A_726 {add = true, strides = array<i32>} : memref<8x1024xf32, #tpu.memory_space<vmem>>, vector<1x16xf32>,
        %parallel_loop3A_727 = arith.addi %mul3A_385, %parallel_loop3A_566 : i32
        %parallel_loop3A_728 = arith.index_cast %parallel_loop3A_727 : i32 to index
        %parallel_loop3A_729 = arith.constant 256 : index
        %parallel_loop3A_730 = tpu.vector_load %arg7[%parallel_loop3A_728, %parallel_loop3A_729] {strides = array<i32>} : memref<32x1024xf32, #tpu.memory_space<vmem>>, vector<1x16xf32>,
        %parallel_loop3A_731 = vector.shape_cast %parallel_loop3A_730 : vector<1x16xf32> to vector<16xf32>
        %parallel_loop3A_732 = arith.index_cast %parallel_loop3A_566 : i32 to index
        %parallel_loop3A_733 = arith.constant 256 : index
        %parallel_loop3A_734 = tpu.vector_load %arg10[%parallel_loop3A_732, %parallel_loop3A_733] {strides = array<i32>} : memref<8x1024xf32, #tpu.memory_space<vmem>>, vector<1x16xf32>,
        %parallel_loop3A_735 = vector.shape_cast %parallel_loop3A_734 : vector<1x16xf32> to vector<16xf32>
        %parallel_loop3A_736 = vector.shape_cast %parallel_loop3A_731 : vector<16xf32> to vector<1x16xf32>
        tpu.vector_store %arg10[%parallel_loop3A_732, %parallel_loop3A_733], %parallel_loop3A_736 {add = true, strides = array<i32>} : memref<8x1024xf32, #tpu.memory_space<vmem>>, vector<1x16xf32>,
        %parallel_loop3A_737 = arith.addi %mul3A_385, %parallel_loop3A_566 : i32
        %parallel_loop3A_738 = arith.index_cast %parallel_loop3A_737 : i32 to index
        %parallel_loop3A_739 = arith.constant 272 : index
        %parallel_loop3A_740 = tpu.vector_load %arg7[%parallel_loop3A_738, %parallel_loop3A_739] {strides = array<i32>} : memref<32x1024xf32, #tpu.memory_space<vmem>>, vector<1x16xf32>,
        %parallel_loop3A_741 = vector.shape_cast %parallel_loop3A_740 : vector<1x16xf32> to vector<16xf32>
        %parallel_loop3A_742 = arith.index_cast %parallel_loop3A_566 : i32 to index
        %parallel_loop3A_743 = arith.constant 272 : index
        %parallel_loop3A_744 = tpu.vector_load %arg10[%parallel_loop3A_742, %parallel_loop3A_743] {strides = array<i32>} : memref<8x1024xf32, #tpu.memory_space<vmem>>, vector<1x16xf32>,
        %parallel_loop3A_745 = vector.shape_cast %parallel_loop3A_744 : vector<1x16xf32> to vector<16xf32>
        %parallel_loop3A_746 = vector.shape_cast %parallel_loop3A_741 : vector<16xf32> to vector<1x16xf32>
        tpu.vector_store %arg10[%parallel_loop3A_742, %parallel_loop3A_743], %parallel_loop3A_746 {add = true, strides = array<i32>} : memref<8x1024xf32, #tpu.memory_space<vmem>>, vector<1x16xf32>,
        %parallel_loop3A_747 = arith.addi %mul3A_385, %parallel_loop3A_566 : i32
        %parallel_loop3A_748 = arith.index_cast %parallel_loop3A_747 : i32 to index
        %parallel_loop3A_749 = arith.constant 288 : index
        %parallel_loop3A_750 = tpu.vector_load %arg7[%parallel_loop3A_748, %parallel_loop3A_749] {strides = array<i32>} : memref<32x1024xf32, #tpu.memory_space<vmem>>, vector<1x16xf32>,
        %parallel_loop3A_751 = vector.shape_cast %parallel_loop3A_750 : vector<1x16xf32> to vector<16xf32>
        %parallel_loop3A_752 = arith.index_cast %parallel_loop3A_566 : i32 to index
        %parallel_loop3A_753 = arith.constant 288 : index
        %parallel_loop3A_754 = tpu.vector_load %arg10[%parallel_loop3A_752, %parallel_loop3A_753] {strides = array<i32>} : memref<8x1024xf32, #tpu.memory_space<vmem>>, vector<1x16xf32>,
        %parallel_loop3A_755 = vector.shape_cast %parallel_loop3A_754 : vector<1x16xf32> to vector<16xf32>
        %parallel_loop3A_756 = vector.shape_cast %parallel_loop3A_751 : vector<16xf32> to vector<1x16xf32>
        tpu.vector_store %arg10[%parallel_loop3A_752, %parallel_loop3A_753], %parallel_loop3A_756 {add = true, strides = array<i32>} : memref<8x1024xf32, #tpu.memory_space<vmem>>, vector<1x16xf32>,
        %parallel_loop3A_757 = arith.addi %mul3A_385, %parallel_loop3A_566 : i32
        %parallel_loop3A_758 = arith.index_cast %parallel_loop3A_757 : i32 to index
        %parallel_loop3A_759 = arith.constant 304 : index
        %parallel_loop3A_760 = tpu.vector_load %arg7[%parallel_loop3A_758, %parallel_loop3A_759] {strides = array<i32>} : memref<32x1024xf32, #tpu.memory_space<vmem>>, vector<1x16xf32>,
        %parallel_loop3A_761 = vector.shape_cast %parallel_loop3A_760 : vector<1x16xf32> to vector<16xf32>
        %parallel_loop3A_762 = arith.index_cast %parallel_loop3A_566 : i32 to index
        %parallel_loop3A_763 = arith.constant 304 : index
        %parallel_loop3A_764 = tpu.vector_load %arg10[%parallel_loop3A_762, %parallel_loop3A_763] {strides = array<i32>} : memref<8x1024xf32, #tpu.memory_space<vmem>>, vector<1x16xf32>,
        %parallel_loop3A_765 = vector.shape_cast %parallel_loop3A_764 : vector<1x16xf32> to vector<16xf32>
        %parallel_loop3A_766 = vector.shape_cast %parallel_loop3A_761 : vector<16xf32> to vector<1x16xf32>
        tpu.vector_store %arg10[%parallel_loop3A_762, %parallel_loop3A_763], %parallel_loop3A_766 {add = true, strides = array<i32>} : memref<8x1024xf32, #tpu.memory_space<vmem>>, vector<1x16xf32>,
        %parallel_loop3A_767 = arith.addi %mul3A_385, %parallel_loop3A_566 : i32
        %parallel_loop3A_768 = arith.index_cast %parallel_loop3A_767 : i32 to index
        %parallel_loop3A_769 = arith.constant 320 : index
        %parallel_loop3A_770 = tpu.vector_load %arg7[%parallel_loop3A_768, %parallel_loop3A_769] {strides = array<i32>} : memref<32x1024xf32, #tpu.memory_space<vmem>>, vector<1x16xf32>,
        %parallel_loop3A_771 = vector.shape_cast %parallel_loop3A_770 : vector<1x16xf32> to vector<16xf32>
        %parallel_loop3A_772 = arith.index_cast %parallel_loop3A_566 : i32 to index
        %parallel_loop3A_773 = arith.constant 320 : index
        %parallel_loop3A_774 = tpu.vector_load %arg10[%parallel_loop3A_772, %parallel_loop3A_773] {strides = array<i32>} : memref<8x1024xf32, #tpu.memory_space<vmem>>, vector<1x16xf32>,
        %parallel_loop3A_775 = vector.shape_cast %parallel_loop3A_774 : vector<1x16xf32> to vector<16xf32>
        %parallel_loop3A_776 = vector.shape_cast %parallel_loop3A_771 : vector<16xf32> to vector<1x16xf32>
        tpu.vector_store %arg10[%parallel_loop3A_772, %parallel_loop3A_773], %parallel_loop3A_776 {add = true, strides = array<i32>} : memref<8x1024xf32, #tpu.memory_space<vmem>>, vector<1x16xf32>,
        %parallel_loop3A_777 = arith.addi %mul3A_385, %parallel_loop3A_566 : i32
        %parallel_loop3A_778 = arith.index_cast %parallel_loop3A_777 : i32 to index
        %parallel_loop3A_779 = arith.constant 336 : index
        %parallel_loop3A_780 = tpu.vector_load %arg7[%parallel_loop3A_778, %parallel_loop3A_779] {strides = array<i32>} : memref<32x1024xf32, #tpu.memory_space<vmem>>, vector<1x16xf32>,
        %parallel_loop3A_781 = vector.shape_cast %parallel_loop3A_780 : vector<1x16xf32> to vector<16xf32>
        %parallel_loop3A_782 = arith.index_cast %parallel_loop3A_566 : i32 to index
        %parallel_loop3A_783 = arith.constant 336 : index
        %parallel_loop3A_784 = tpu.vector_load %arg10[%parallel_loop3A_782, %parallel_loop3A_783] {strides = array<i32>} : memref<8x1024xf32, #tpu.memory_space<vmem>>, vector<1x16xf32>,
        %parallel_loop3A_785 = vector.shape_cast %parallel_loop3A_784 : vector<1x16xf32> to vector<16xf32>
        %parallel_loop3A_786 = vector.shape_cast %parallel_loop3A_781 : vector<16xf32> to vector<1x16xf32>
        tpu.vector_store %arg10[%parallel_loop3A_782, %parallel_loop3A_783], %parallel_loop3A_786 {add = true, strides = array<i32>} : memref<8x1024xf32, #tpu.memory_space<vmem>>, vector<1x16xf32>,
        %parallel_loop3A_787 = arith.addi %mul3A_385, %parallel_loop3A_566 : i32
        %parallel_loop3A_788 = arith.index_cast %parallel_loop3A_787 : i32 to index
        %parallel_loop3A_789 = arith.constant 352 : index
        %parallel_loop3A_790 = tpu.vector_load %arg7[%parallel_loop3A_788, %parallel_loop3A_789] {strides = array<i32>} : memref<32x1024xf32, #tpu.memory_space<vmem>>, vector<1x16xf32>,
        %parallel_loop3A_791 = vector.shape_cast %parallel_loop3A_790 : vector<1x16xf32> to vector<16xf32>
        %parallel_loop3A_792 = arith.index_cast %parallel_loop3A_566 : i32 to index
        %parallel_loop3A_793 = arith.constant 352 : index
        %parallel_loop3A_794 = tpu.vector_load %arg10[%parallel_loop3A_792, %parallel_loop3A_793] {strides = array<i32>} : memref<8x1024xf32, #tpu.memory_space<vmem>>, vector<1x16xf32>,
        %parallel_loop3A_795 = vector.shape_cast %parallel_loop3A_794 : vector<1x16xf32> to vector<16xf32>
        %parallel_loop3A_796 = vector.shape_cast %parallel_loop3A_791 : vector<16xf32> to vector<1x16xf32>
        tpu.vector_store %arg10[%parallel_loop3A_792, %parallel_loop3A_793], %parallel_loop3A_796 {add = true, strides = array<i32>} : memref<8x1024xf32, #tpu.memory_space<vmem>>, vector<1x16xf32>,
        %parallel_loop3A_797 = arith.addi %mul3A_385, %parallel_loop3A_566 : i32
        %parallel_loop3A_798 = arith.index_cast %parallel_loop3A_797 : i32 to index
        %parallel_loop3A_799 = arith.constant 368 : index
        %parallel_loop3A_800 = tpu.vector_load %arg7[%parallel_loop3A_798, %parallel_loop3A_799] {strides = array<i32>} : memref<32x1024xf32, #tpu.memory_space<vmem>>, vector<1x16xf32>,
        %parallel_loop3A_801 = vector.shape_cast %parallel_loop3A_800 : vector<1x16xf32> to vector<16xf32>
        %parallel_loop3A_802 = arith.index_cast %parallel_loop3A_566 : i32 to index
        %parallel_loop3A_803 = arith.constant 368 : index
        %parallel_loop3A_804 = tpu.vector_load %arg10[%parallel_loop3A_802, %parallel_loop3A_803] {strides = array<i32>} : memref<8x1024xf32, #tpu.memory_space<vmem>>, vector<1x16xf32>,
        %parallel_loop3A_805 = vector.shape_cast %parallel_loop3A_804 : vector<1x16xf32> to vector<16xf32>
        %parallel_loop3A_806 = vector.shape_cast %parallel_loop3A_801 : vector<16xf32> to vector<1x16xf32>
        tpu.vector_store %arg10[%parallel_loop3A_802, %parallel_loop3A_803], %parallel_loop3A_806 {add = true, strides = array<i32>} : memref<8x1024xf32, #tpu.memory_space<vmem>>, vector<1x16xf32>,
        %parallel_loop3A_807 = arith.addi %mul3A_385, %parallel_loop3A_566 : i32
        %parallel_loop3A_808 = arith.index_cast %parallel_loop3A_807 : i32 to index
        %parallel_loop3A_809 = arith.constant 384 : index
        %parallel_loop3A_810 = tpu.vector_load %arg7[%parallel_loop3A_808, %parallel_loop3A_809] {strides = array<i32>} : memref<32x1024xf32, #tpu.memory_space<vmem>>, vector<1x16xf32>,
        %parallel_loop3A_811 = vector.shape_cast %parallel_loop3A_810 : vector<1x16xf32> to vector<16xf32>
        %parallel_loop3A_812 = arith.index_cast %parallel_loop3A_566 : i32 to index
        %parallel_loop3A_813 = arith.constant 384 : index
        %parallel_loop3A_814 = tpu.vector_load %arg10[%parallel_loop3A_812, %parallel_loop3A_813] {strides = array<i32>} : memref<8x1024xf32, #tpu.memory_space<vmem>>, vector<1x16xf32>,
        %parallel_loop3A_815 = vector.shape_cast %parallel_loop3A_814 : vector<1x16xf32> to vector<16xf32>
        %parallel_loop3A_816 = vector.shape_cast %parallel_loop3A_811 : vector<16xf32> to vector<1x16xf32>
        tpu.vector_store %arg10[%parallel_loop3A_812, %parallel_loop3A_813], %parallel_loop3A_816 {add = true, strides = array<i32>} : memref<8x1024xf32, #tpu.memory_space<vmem>>, vector<1x16xf32>,
        %parallel_loop3A_817 = arith.addi %mul3A_385, %parallel_loop3A_566 : i32
        %parallel_loop3A_818 = arith.index_cast %parallel_loop3A_817 : i32 to index
        %parallel_loop3A_819 = arith.constant 400 : index
        %parallel_loop3A_820 = tpu.vector_load %arg7[%parallel_loop3A_818, %parallel_loop3A_819] {strides = array<i32>} : memref<32x1024xf32, #tpu.memory_space<vmem>>, vector<1x16xf32>,
        %parallel_loop3A_821 = vector.shape_cast %parallel_loop3A_820 : vector<1x16xf32> to vector<16xf32>
        %parallel_loop3A_822 = arith.index_cast %parallel_loop3A_566 : i32 to index
        %parallel_loop3A_823 = arith.constant 400 : index
        %parallel_loop3A_824 = tpu.vector_load %arg10[%parallel_loop3A_822, %parallel_loop3A_823] {strides = array<i32>} : memref<8x1024xf32, #tpu.memory_space<vmem>>, vector<1x16xf32>,
        %parallel_loop3A_825 = vector.shape_cast %parallel_loop3A_824 : vector<1x16xf32> to vector<16xf32>
        %parallel_loop3A_826 = vector.shape_cast %parallel_loop3A_821 : vector<16xf32> to vector<1x16xf32>
        tpu.vector_store %arg10[%parallel_loop3A_822, %parallel_loop3A_823], %parallel_loop3A_826 {add = true, strides = array<i32>} : memref<8x1024xf32, #tpu.memory_space<vmem>>, vector<1x16xf32>,
        %parallel_loop3A_827 = arith.addi %mul3A_385, %parallel_loop3A_566 : i32
        %parallel_loop3A_828 = arith.index_cast %parallel_loop3A_827 : i32 to index
        %parallel_loop3A_829 = arith.constant 416 : index
        %parallel_loop3A_830 = tpu.vector_load %arg7[%parallel_loop3A_828, %parallel_loop3A_829] {strides = array<i32>} : memref<32x1024xf32, #tpu.memory_space<vmem>>, vector<1x16xf32>,
        %parallel_loop3A_831 = vector.shape_cast %parallel_loop3A_830 : vector<1x16xf32> to vector<16xf32>
        %parallel_loop3A_832 = arith.index_cast %parallel_loop3A_566 : i32 to index
        %parallel_loop3A_833 = arith.constant 416 : index
        %parallel_loop3A_834 = tpu.vector_load %arg10[%parallel_loop3A_832, %parallel_loop3A_833] {strides = array<i32>} : memref<8x1024xf32, #tpu.memory_space<vmem>>, vector<1x16xf32>,
        %parallel_loop3A_835 = vector.shape_cast %parallel_loop3A_834 : vector<1x16xf32> to vector<16xf32>
        %parallel_loop3A_836 = vector.shape_cast %parallel_loop3A_831 : vector<16xf32> to vector<1x16xf32>
        tpu.vector_store %arg10[%parallel_loop3A_832, %parallel_loop3A_833], %parallel_loop3A_836 {add = true, strides = array<i32>} : memref<8x1024xf32, #tpu.memory_space<vmem>>, vector<1x16xf32>,
        %parallel_loop3A_837 = arith.addi %mul3A_385, %parallel_loop3A_566 : i32
        %parallel_loop3A_838 = arith.index_cast %parallel_loop3A_837 : i32 to index
        %parallel_loop3A_839 = arith.constant 432 : index
        %parallel_loop3A_840 = tpu.vector_load %arg7[%parallel_loop3A_838, %parallel_loop3A_839] {strides = array<i32>} : memref<32x1024xf32, #tpu.memory_space<vmem>>, vector<1x16xf32>,
        %parallel_loop3A_841 = vector.shape_cast %parallel_loop3A_840 : vector<1x16xf32> to vector<16xf32>
        %parallel_loop3A_842 = arith.index_cast %parallel_loop3A_566 : i32 to index
        %parallel_loop3A_843 = arith.constant 432 : index
        %parallel_loop3A_844 = tpu.vector_load %arg10[%parallel_loop3A_842, %parallel_loop3A_843] {strides = array<i32>} : memref<8x1024xf32, #tpu.memory_space<vmem>>, vector<1x16xf32>,
        %parallel_loop3A_845 = vector.shape_cast %parallel_loop3A_844 : vector<1x16xf32> to vector<16xf32>
        %parallel_loop3A_846 = vector.shape_cast %parallel_loop3A_841 : vector<16xf32> to vector<1x16xf32>
        tpu.vector_store %arg10[%parallel_loop3A_842, %parallel_loop3A_843], %parallel_loop3A_846 {add = true, strides = array<i32>} : memref<8x1024xf32, #tpu.memory_space<vmem>>, vector<1x16xf32>,
        %parallel_loop3A_847 = arith.addi %mul3A_385, %parallel_loop3A_566 : i32
        %parallel_loop3A_848 = arith.index_cast %parallel_loop3A_847 : i32 to index
        %parallel_loop3A_849 = arith.constant 448 : index
        %parallel_loop3A_850 = tpu.vector_load %arg7[%parallel_loop3A_848, %parallel_loop3A_849] {strides = array<i32>} : memref<32x1024xf32, #tpu.memory_space<vmem>>, vector<1x16xf32>,
        %parallel_loop3A_851 = vector.shape_cast %parallel_loop3A_850 : vector<1x16xf32> to vector<16xf32>
        %parallel_loop3A_852 = arith.index_cast %parallel_loop3A_566 : i32 to index
        %parallel_loop3A_853 = arith.constant 448 : index
        %parallel_loop3A_854 = tpu.vector_load %arg10[%parallel_loop3A_852, %parallel_loop3A_853] {strides = array<i32>} : memref<8x1024xf32, #tpu.memory_space<vmem>>, vector<1x16xf32>,
        %parallel_loop3A_855 = vector.shape_cast %parallel_loop3A_854 : vector<1x16xf32> to vector<16xf32>
        %parallel_loop3A_856 = vector.shape_cast %parallel_loop3A_851 : vector<16xf32> to vector<1x16xf32>
        tpu.vector_store %arg10[%parallel_loop3A_852, %parallel_loop3A_853], %parallel_loop3A_856 {add = true, strides = array<i32>} : memref<8x1024xf32, #tpu.memory_space<vmem>>, vector<1x16xf32>,
        %parallel_loop3A_857 = arith.addi %mul3A_385, %parallel_loop3A_566 : i32
        %parallel_loop3A_858 = arith.index_cast %parallel_loop3A_857 : i32 to index
        %parallel_loop3A_859 = arith.constant 464 : index
        %parallel_loop3A_860 = tpu.vector_load %arg7[%parallel_loop3A_858, %parallel_loop3A_859] {strides = array<i32>} : memref<32x1024xf32, #tpu.memory_space<vmem>>, vector<1x16xf32>,
        %parallel_loop3A_861 = vector.shape_cast %parallel_loop3A_860 : vector<1x16xf32> to vector<16xf32>
        %parallel_loop3A_862 = arith.index_cast %parallel_loop3A_566 : i32 to index
        %parallel_loop3A_863 = arith.constant 464 : index
        %parallel_loop3A_864 = tpu.vector_load %arg10[%parallel_loop3A_862, %parallel_loop3A_863] {strides = array<i32>} : memref<8x1024xf32, #tpu.memory_space<vmem>>, vector<1x16xf32>,
        %parallel_loop3A_865 = vector.shape_cast %parallel_loop3A_864 : vector<1x16xf32> to vector<16xf32>
        %parallel_loop3A_866 = vector.shape_cast %parallel_loop3A_861 : vector<16xf32> to vector<1x16xf32>
        tpu.vector_store %arg10[%parallel_loop3A_862, %parallel_loop3A_863], %parallel_loop3A_866 {add = true, strides = array<i32>} : memref<8x1024xf32, #tpu.memory_space<vmem>>, vector<1x16xf32>,
        %parallel_loop3A_867 = arith.addi %mul3A_385, %parallel_loop3A_566 : i32
        %parallel_loop3A_868 = arith.index_cast %parallel_loop3A_867 : i32 to index
        %parallel_loop3A_869 = arith.constant 480 : index
        %parallel_loop3A_870 = tpu.vector_load %arg7[%parallel_loop3A_868, %parallel_loop3A_869] {strides = array<i32>} : memref<32x1024xf32, #tpu.memory_space<vmem>>, vector<1x16xf32>,
        %parallel_loop3A_871 = vector.shape_cast %parallel_loop3A_870 : vector<1x16xf32> to vector<16xf32>
        %parallel_loop3A_872 = arith.index_cast %parallel_loop3A_566 : i32 to index
        %parallel_loop3A_873 = arith.constant 480 : index
        %parallel_loop3A_874 = tpu.vector_load %arg10[%parallel_loop3A_872, %parallel_loop3A_873] {strides = array<i32>} : memref<8x1024xf32, #tpu.memory_space<vmem>>, vector<1x16xf32>,
        %parallel_loop3A_875 = vector.shape_cast %parallel_loop3A_874 : vector<1x16xf32> to vector<16xf32>
        %parallel_loop3A_876 = vector.shape_cast %parallel_loop3A_871 : vector<16xf32> to vector<1x16xf32>
        tpu.vector_store %arg10[%parallel_loop3A_872, %parallel_loop3A_873], %parallel_loop3A_876 {add = true, strides = array<i32>} : memref<8x1024xf32, #tpu.memory_space<vmem>>, vector<1x16xf32>,
        %parallel_loop3A_877 = arith.addi %mul3A_385, %parallel_loop3A_566 : i32
        %parallel_loop3A_878 = arith.index_cast %parallel_loop3A_877 : i32 to index
        %parallel_loop3A_879 = arith.constant 496 : index
        %parallel_loop3A_880 = tpu.vector_load %arg7[%parallel_loop3A_878, %parallel_loop3A_879] {strides = array<i32>} : memref<32x1024xf32, #tpu.memory_space<vmem>>, vector<1x16xf32>,
        %parallel_loop3A_881 = vector.shape_cast %parallel_loop3A_880 : vector<1x16xf32> to vector<16xf32>
        %parallel_loop3A_882 = arith.index_cast %parallel_loop3A_566 : i32 to index
        %parallel_loop3A_883 = arith.constant 496 : index
        %parallel_loop3A_884 = tpu.vector_load %arg10[%parallel_loop3A_882, %parallel_loop3A_883] {strides = array<i32>} : memref<8x1024xf32, #tpu.memory_space<vmem>>, vector<1x16xf32>,
        %parallel_loop3A_885 = vector.shape_cast %parallel_loop3A_884 : vector<1x16xf32> to vector<16xf32>
        %parallel_loop3A_886 = vector.shape_cast %parallel_loop3A_881 : vector<16xf32> to vector<1x16xf32>
        tpu.vector_store %arg10[%parallel_loop3A_882, %parallel_loop3A_883], %parallel_loop3A_886 {add = true, strides = array<i32>} : memref<8x1024xf32, #tpu.memory_space<vmem>>, vector<1x16xf32>,
        %parallel_loop3A_887 = arith.addi %mul3A_385, %parallel_loop3A_566 : i32
        %parallel_loop3A_888 = arith.index_cast %parallel_loop3A_887 : i32 to index
        %parallel_loop3A_889 = arith.constant 512 : index
        %parallel_loop3A_890 = tpu.vector_load %arg7[%parallel_loop3A_888, %parallel_loop3A_889] {strides = array<i32>} : memref<32x1024xf32, #tpu.memory_space<vmem>>, vector<1x16xf32>,
        %parallel_loop3A_891 = vector.shape_cast %parallel_loop3A_890 : vector<1x16xf32> to vector<16xf32>
        %parallel_loop3A_892 = arith.index_cast %parallel_loop3A_566 : i32 to index
        %parallel_loop3A_893 = arith.constant 512 : index
        %parallel_loop3A_894 = tpu.vector_load %arg10[%parallel_loop3A_892, %parallel_loop3A_893] {strides = array<i32>} : memref<8x1024xf32, #tpu.memory_space<vmem>>, vector<1x16xf32>,
        %parallel_loop3A_895 = vector.shape_cast %parallel_loop3A_894 : vector<1x16xf32> to vector<16xf32>
        %parallel_loop3A_896 = vector.shape_cast %parallel_loop3A_891 : vector<16xf32> to vector<1x16xf32>
        tpu.vector_store %arg10[%parallel_loop3A_892, %parallel_loop3A_893], %parallel_loop3A_896 {add = true, strides = array<i32>} : memref<8x1024xf32, #tpu.memory_space<vmem>>, vector<1x16xf32>,
        %parallel_loop3A_897 = arith.addi %mul3A_385, %parallel_loop3A_566 : i32
        %parallel_loop3A_898 = arith.index_cast %parallel_loop3A_897 : i32 to index
        %parallel_loop3A_899 = arith.constant 528 : index
        %parallel_loop3A_900 = tpu.vector_load %arg7[%parallel_loop3A_898, %parallel_loop3A_899] {strides = array<i32>} : memref<32x1024xf32, #tpu.memory_space<vmem>>, vector<1x16xf32>,
        %parallel_loop3A_901 = vector.shape_cast %parallel_loop3A_900 : vector<1x16xf32> to vector<16xf32>
        %parallel_loop3A_902 = arith.index_cast %parallel_loop3A_566 : i32 to index
        %parallel_loop3A_903 = arith.constant 528 : index
        %parallel_loop3A_904 = tpu.vector_load %arg10[%parallel_loop3A_902, %parallel_loop3A_903] {strides = array<i32>} : memref<8x1024xf32, #tpu.memory_space<vmem>>, vector<1x16xf32>,
        %parallel_loop3A_905 = vector.shape_cast %parallel_loop3A_904 : vector<1x16xf32> to vector<16xf32>
        %parallel_loop3A_906 = vector.shape_cast %parallel_loop3A_901 : vector<16xf32> to vector<1x16xf32>
        tpu.vector_store %arg10[%parallel_loop3A_902, %parallel_loop3A_903], %parallel_loop3A_906 {add = true, strides = array<i32>} : memref<8x1024xf32, #tpu.memory_space<vmem>>, vector<1x16xf32>,
        %parallel_loop3A_907 = arith.addi %mul3A_385, %parallel_loop3A_566 : i32
        %parallel_loop3A_908 = arith.index_cast %parallel_loop3A_907 : i32 to index
        %parallel_loop3A_909 = arith.constant 544 : index
        %parallel_loop3A_910 = tpu.vector_load %arg7[%parallel_loop3A_908, %parallel_loop3A_909] {strides = array<i32>} : memref<32x1024xf32, #tpu.memory_space<vmem>>, vector<1x16xf32>,
        %parallel_loop3A_911 = vector.shape_cast %parallel_loop3A_910 : vector<1x16xf32> to vector<16xf32>
        %parallel_loop3A_912 = arith.index_cast %parallel_loop3A_566 : i32 to index
        %parallel_loop3A_913 = arith.constant 544 : index
        %parallel_loop3A_914 = tpu.vector_load %arg10[%parallel_loop3A_912, %parallel_loop3A_913] {strides = array<i32>} : memref<8x1024xf32, #tpu.memory_space<vmem>>, vector<1x16xf32>,
        %parallel_loop3A_915 = vector.shape_cast %parallel_loop3A_914 : vector<1x16xf32> to vector<16xf32>
        %parallel_loop3A_916 = vector.shape_cast %parallel_loop3A_911 : vector<16xf32> to vector<1x16xf32>
        tpu.vector_store %arg10[%parallel_loop3A_912, %parallel_loop3A_913], %parallel_loop3A_916 {add = true, strides = array<i32>} : memref<8x1024xf32, #tpu.memory_space<vmem>>, vector<1x16xf32>,
        %parallel_loop3A_917 = arith.addi %mul3A_385, %parallel_loop3A_566 : i32
        %parallel_loop3A_918 = arith.index_cast %parallel_loop3A_917 : i32 to index
        %parallel_loop3A_919 = arith.constant 560 : index
        %parallel_loop3A_920 = tpu.vector_load %arg7[%parallel_loop3A_918, %parallel_loop3A_919] {strides = array<i32>} : memref<32x1024xf32, #tpu.memory_space<vmem>>, vector<1x16xf32>,
        %parallel_loop3A_921 = vector.shape_cast %parallel_loop3A_920 : vector<1x16xf32> to vector<16xf32>
        %parallel_loop3A_922 = arith.index_cast %parallel_loop3A_566 : i32 to index
        %parallel_loop3A_923 = arith.constant 560 : index
        %parallel_loop3A_924 = tpu.vector_load %arg10[%parallel_loop3A_922, %parallel_loop3A_923] {strides = array<i32>} : memref<8x1024xf32, #tpu.memory_space<vmem>>, vector<1x16xf32>,
        %parallel_loop3A_925 = vector.shape_cast %parallel_loop3A_924 : vector<1x16xf32> to vector<16xf32>
        %parallel_loop3A_926 = vector.shape_cast %parallel_loop3A_921 : vector<16xf32> to vector<1x16xf32>
        tpu.vector_store %arg10[%parallel_loop3A_922, %parallel_loop3A_923], %parallel_loop3A_926 {add = true, strides = array<i32>} : memref<8x1024xf32, #tpu.memory_space<vmem>>, vector<1x16xf32>,
        %parallel_loop3A_927 = arith.addi %mul3A_385, %parallel_loop3A_566 : i32
        %parallel_loop3A_928 = arith.index_cast %parallel_loop3A_927 : i32 to index
        %parallel_loop3A_929 = arith.constant 576 : index
        %parallel_loop3A_930 = tpu.vector_load %arg7[%parallel_loop3A_928, %parallel_loop3A_929] {strides = array<i32>} : memref<32x1024xf32, #tpu.memory_space<vmem>>, vector<1x16xf32>,
        %parallel_loop3A_931 = vector.shape_cast %parallel_loop3A_930 : vector<1x16xf32> to vector<16xf32>
        %parallel_loop3A_932 = arith.index_cast %parallel_loop3A_566 : i32 to index
        %parallel_loop3A_933 = arith.constant 576 : index
        %parallel_loop3A_934 = tpu.vector_load %arg10[%parallel_loop3A_932, %parallel_loop3A_933] {strides = array<i32>} : memref<8x1024xf32, #tpu.memory_space<vmem>>, vector<1x16xf32>,
        %parallel_loop3A_935 = vector.shape_cast %parallel_loop3A_934 : vector<1x16xf32> to vector<16xf32>
        %parallel_loop3A_936 = vector.shape_cast %parallel_loop3A_931 : vector<16xf32> to vector<1x16xf32>
        tpu.vector_store %arg10[%parallel_loop3A_932, %parallel_loop3A_933], %parallel_loop3A_936 {add = true, strides = array<i32>} : memref<8x1024xf32, #tpu.memory_space<vmem>>, vector<1x16xf32>,
        %parallel_loop3A_937 = arith.addi %mul3A_385, %parallel_loop3A_566 : i32
        %parallel_loop3A_938 = arith.index_cast %parallel_loop3A_937 : i32 to index
        %parallel_loop3A_939 = arith.constant 592 : index
        %parallel_loop3A_940 = tpu.vector_load %arg7[%parallel_loop3A_938, %parallel_loop3A_939] {strides = array<i32>} : memref<32x1024xf32, #tpu.memory_space<vmem>>, vector<1x16xf32>,
        %parallel_loop3A_941 = vector.shape_cast %parallel_loop3A_940 : vector<1x16xf32> to vector<16xf32>
        %parallel_loop3A_942 = arith.index_cast %parallel_loop3A_566 : i32 to index
        %parallel_loop3A_943 = arith.constant 592 : index
        %parallel_loop3A_944 = tpu.vector_load %arg10[%parallel_loop3A_942, %parallel_loop3A_943] {strides = array<i32>} : memref<8x1024xf32, #tpu.memory_space<vmem>>, vector<1x16xf32>,
        %parallel_loop3A_945 = vector.shape_cast %parallel_loop3A_944 : vector<1x16xf32> to vector<16xf32>
        %parallel_loop3A_946 = vector.shape_cast %parallel_loop3A_941 : vector<16xf32> to vector<1x16xf32>
        tpu.vector_store %arg10[%parallel_loop3A_942, %parallel_loop3A_943], %parallel_loop3A_946 {add = true, strides = array<i32>} : memref<8x1024xf32, #tpu.memory_space<vmem>>, vector<1x16xf32>,
        %parallel_loop3A_947 = arith.addi %mul3A_385, %parallel_loop3A_566 : i32
        %parallel_loop3A_948 = arith.index_cast %parallel_loop3A_947 : i32 to index
        %parallel_loop3A_949 = arith.constant 608 : index
        %parallel_loop3A_950 = tpu.vector_load %arg7[%parallel_loop3A_948, %parallel_loop3A_949] {strides = array<i32>} : memref<32x1024xf32, #tpu.memory_space<vmem>>, vector<1x16xf32>,
        %parallel_loop3A_951 = vector.shape_cast %parallel_loop3A_950 : vector<1x16xf32> to vector<16xf32>
        %parallel_loop3A_952 = arith.index_cast %parallel_loop3A_566 : i32 to index
        %parallel_loop3A_953 = arith.constant 608 : index
        %parallel_loop3A_954 = tpu.vector_load %arg10[%parallel_loop3A_952, %parallel_loop3A_953] {strides = array<i32>} : memref<8x1024xf32, #tpu.memory_space<vmem>>, vector<1x16xf32>,
        %parallel_loop3A_955 = vector.shape_cast %parallel_loop3A_954 : vector<1x16xf32> to vector<16xf32>
        %parallel_loop3A_956 = vector.shape_cast %parallel_loop3A_951 : vector<16xf32> to vector<1x16xf32>
        tpu.vector_store %arg10[%parallel_loop3A_952, %parallel_loop3A_953], %parallel_loop3A_956 {add = true, strides = array<i32>} : memref<8x1024xf32, #tpu.memory_space<vmem>>, vector<1x16xf32>,
        %parallel_loop3A_957 = arith.addi %mul3A_385, %parallel_loop3A_566 : i32
        %parallel_loop3A_958 = arith.index_cast %parallel_loop3A_957 : i32 to index
        %parallel_loop3A_959 = arith.constant 624 : index
        %parallel_loop3A_960 = tpu.vector_load %arg7[%parallel_loop3A_958, %parallel_loop3A_959] {strides = array<i32>} : memref<32x1024xf32, #tpu.memory_space<vmem>>, vector<1x16xf32>,
        %parallel_loop3A_961 = vector.shape_cast %parallel_loop3A_960 : vector<1x16xf32> to vector<16xf32>
        %parallel_loop3A_962 = arith.index_cast %parallel_loop3A_566 : i32 to index
        %parallel_loop3A_963 = arith.constant 624 : index
        %parallel_loop3A_964 = tpu.vector_load %arg10[%parallel_loop3A_962, %parallel_loop3A_963] {strides = array<i32>} : memref<8x1024xf32, #tpu.memory_space<vmem>>, vector<1x16xf32>,
        %parallel_loop3A_965 = vector.shape_cast %parallel_loop3A_964 : vector<1x16xf32> to vector<16xf32>
        %parallel_loop3A_966 = vector.shape_cast %parallel_loop3A_961 : vector<16xf32> to vector<1x16xf32>
        tpu.vector_store %arg10[%parallel_loop3A_962, %parallel_loop3A_963], %parallel_loop3A_966 {add = true, strides = array<i32>} : memref<8x1024xf32, #tpu.memory_space<vmem>>, vector<1x16xf32>,
        %parallel_loop3A_967 = arith.addi %mul3A_385, %parallel_loop3A_566 : i32
        %parallel_loop3A_968 = arith.index_cast %parallel_loop3A_967 : i32 to index
        %parallel_loop3A_969 = arith.constant 640 : index
        %parallel_loop3A_970 = tpu.vector_load %arg7[%parallel_loop3A_968, %parallel_loop3A_969] {strides = array<i32>} : memref<32x1024xf32, #tpu.memory_space<vmem>>, vector<1x16xf32>,
        %parallel_loop3A_971 = vector.shape_cast %parallel_loop3A_970 : vector<1x16xf32> to vector<16xf32>
        %parallel_loop3A_972 = arith.index_cast %parallel_loop3A_566 : i32 to index
        %parallel_loop3A_973 = arith.constant 640 : index
        %parallel_loop3A_974 = tpu.vector_load %arg10[%parallel_loop3A_972, %parallel_loop3A_973] {strides = array<i32>} : memref<8x1024xf32, #tpu.memory_space<vmem>>, vector<1x16xf32>,
        %parallel_loop3A_975 = vector.shape_cast %parallel_loop3A_974 : vector<1x16xf32> to vector<16xf32>
        %parallel_loop3A_976 = vector.shape_cast %parallel_loop3A_971 : vector<16xf32> to vector<1x16xf32>
        tpu.vector_store %arg10[%parallel_loop3A_972, %parallel_loop3A_973], %parallel_loop3A_976 {add = true, strides = array<i32>} : memref<8x1024xf32, #tpu.memory_space<vmem>>, vector<1x16xf32>,
        %parallel_loop3A_977 = arith.addi %mul3A_385, %parallel_loop3A_566 : i32
        %parallel_loop3A_978 = arith.index_cast %parallel_loop3A_977 : i32 to index
        %parallel_loop3A_979 = arith.constant 656 : index
        %parallel_loop3A_980 = tpu.vector_load %arg7[%parallel_loop3A_978, %parallel_loop3A_979] {strides = array<i32>} : memref<32x1024xf32, #tpu.memory_space<vmem>>, vector<1x16xf32>,
        %parallel_loop3A_981 = vector.shape_cast %parallel_loop3A_980 : vector<1x16xf32> to vector<16xf32>
        %parallel_loop3A_982 = arith.index_cast %parallel_loop3A_566 : i32 to index
        %parallel_loop3A_983 = arith.constant 656 : index
        %parallel_loop3A_984 = tpu.vector_load %arg10[%parallel_loop3A_982, %parallel_loop3A_983] {strides = array<i32>} : memref<8x1024xf32, #tpu.memory_space<vmem>>, vector<1x16xf32>,
        %parallel_loop3A_985 = vector.shape_cast %parallel_loop3A_984 : vector<1x16xf32> to vector<16xf32>
        %parallel_loop3A_986 = vector.shape_cast %parallel_loop3A_981 : vector<16xf32> to vector<1x16xf32>
        tpu.vector_store %arg10[%parallel_loop3A_982, %parallel_loop3A_983], %parallel_loop3A_986 {add = true, strides = array<i32>} : memref<8x1024xf32, #tpu.memory_space<vmem>>, vector<1x16xf32>,
        %parallel_loop3A_987 = arith.addi %mul3A_385, %parallel_loop3A_566 : i32
        %parallel_loop3A_988 = arith.index_cast %parallel_loop3A_987 : i32 to index
        %parallel_loop3A_989 = arith.constant 672 : index
        %parallel_loop3A_990 = tpu.vector_load %arg7[%parallel_loop3A_988, %parallel_loop3A_989] {strides = array<i32>} : memref<32x1024xf32, #tpu.memory_space<vmem>>, vector<1x16xf32>,
        %parallel_loop3A_991 = vector.shape_cast %parallel_loop3A_990 : vector<1x16xf32> to vector<16xf32>
        %parallel_loop3A_992 = arith.index_cast %parallel_loop3A_566 : i32 to index
        %parallel_loop3A_993 = arith.constant 672 : index
        %parallel_loop3A_994 = tpu.vector_load %arg10[%parallel_loop3A_992, %parallel_loop3A_993] {strides = array<i32>} : memref<8x1024xf32, #tpu.memory_space<vmem>>, vector<1x16xf32>,
        %parallel_loop3A_995 = vector.shape_cast %parallel_loop3A_994 : vector<1x16xf32> to vector<16xf32>
        %parallel_loop3A_996 = vector.shape_cast %parallel_loop3A_991 : vector<16xf32> to vector<1x16xf32>
        tpu.vector_store %arg10[%parallel_loop3A_992, %parallel_loop3A_993], %parallel_loop3A_996 {add = true, strides = array<i32>} : memref<8x1024xf32, #tpu.memory_space<vmem>>, vector<1x16xf32>,
        %parallel_loop3A_997 = arith.addi %mul3A_385, %parallel_loop3A_566 : i32
        %parallel_loop3A_998 = arith.index_cast %parallel_loop3A_997 : i32 to index
        %parallel_loop3A_999 = arith.constant 688 : index
        %parallel_loop3A_1000 = tpu.vector_load %arg7[%parallel_loop3A_998, %parallel_loop3A_999] {strides = array<i32>} : memref<32x1024xf32, #tpu.memory_space<vmem>>, vector<1x16xf32>,
        %parallel_loop3A_1001 = vector.shape_cast %parallel_loop3A_1000 : vector<1x16xf32> to vector<16xf32>
        %parallel_loop3A_1002 = arith.index_cast %parallel_loop3A_566 : i32 to index
        %parallel_loop3A_1003 = arith.constant 688 : index
        %parallel_loop3A_1004 = tpu.vector_load %arg10[%parallel_loop3A_1002, %parallel_loop3A_1003] {strides = array<i32>} : memref<8x1024xf32, #tpu.memory_space<vmem>>, vector<1x16xf32>,
        %parallel_loop3A_1005 = vector.shape_cast %parallel_loop3A_1004 : vector<1x16xf32> to vector<16xf32>
        %parallel_loop3A_1006 = vector.shape_cast %parallel_loop3A_1001 : vector<16xf32> to vector<1x16xf32>
        tpu.vector_store %arg10[%parallel_loop3A_1002, %parallel_loop3A_1003], %parallel_loop3A_1006 {add = true, strides = array<i32>} : memref<8x1024xf32, #tpu.memory_space<vmem>>, vector<1x16xf32>,
        %parallel_loop3A_1007 = arith.addi %mul3A_385, %parallel_loop3A_566 : i32
        %parallel_loop3A_1008 = arith.index_cast %parallel_loop3A_1007 : i32 to index
        %parallel_loop3A_1009 = arith.constant 704 : index
        %parallel_loop3A_1010 = tpu.vector_load %arg7[%parallel_loop3A_1008, %parallel_loop3A_1009] {strides = array<i32>} : memref<32x1024xf32, #tpu.memory_space<vmem>>, vector<1x16xf32>,
        %parallel_loop3A_1011 = vector.shape_cast %parallel_loop3A_1010 : vector<1x16xf32> to vector<16xf32>
        %parallel_loop3A_1012 = arith.index_cast %parallel_loop3A_566 : i32 to index
        %parallel_loop3A_1013 = arith.constant 704 : index
        %parallel_loop3A_1014 = tpu.vector_load %arg10[%parallel_loop3A_1012, %parallel_loop3A_1013] {strides = array<i32>} : memref<8x1024xf32, #tpu.memory_space<vmem>>, vector<1x16xf32>,
        %parallel_loop3A_1015 = vector.shape_cast %parallel_loop3A_1014 : vector<1x16xf32> to vector<16xf32>
        %parallel_loop3A_1016 = vector.shape_cast %parallel_loop3A_1011 : vector<16xf32> to vector<1x16xf32>
        tpu.vector_store %arg10[%parallel_loop3A_1012, %parallel_loop3A_1013], %parallel_loop3A_1016 {add = true, strides = array<i32>} : memref<8x1024xf32, #tpu.memory_space<vmem>>, vector<1x16xf32>,
        %parallel_loop3A_1017 = arith.addi %mul3A_385, %parallel_loop3A_566 : i32
        %parallel_loop3A_1018 = arith.index_cast %parallel_loop3A_1017 : i32 to index
        %parallel_loop3A_1019 = arith.constant 720 : index
        %parallel_loop3A_1020 = tpu.vector_load %arg7[%parallel_loop3A_1018, %parallel_loop3A_1019] {strides = array<i32>} : memref<32x1024xf32, #tpu.memory_space<vmem>>, vector<1x16xf32>,
        %parallel_loop3A_1021 = vector.shape_cast %parallel_loop3A_1020 : vector<1x16xf32> to vector<16xf32>
        %parallel_loop3A_1022 = arith.index_cast %parallel_loop3A_566 : i32 to index
        %parallel_loop3A_1023 = arith.constant 720 : index
        %parallel_loop3A_1024 = tpu.vector_load %arg10[%parallel_loop3A_1022, %parallel_loop3A_1023] {strides = array<i32>} : memref<8x1024xf32, #tpu.memory_space<vmem>>, vector<1x16xf32>,
        %parallel_loop3A_1025 = vector.shape_cast %parallel_loop3A_1024 : vector<1x16xf32> to vector<16xf32>
        %parallel_loop3A_1026 = vector.shape_cast %parallel_loop3A_1021 : vector<16xf32> to vector<1x16xf32>
        tpu.vector_store %arg10[%parallel_loop3A_1022, %parallel_loop3A_1023], %parallel_loop3A_1026 {add = true, strides = array<i32>} : memref<8x1024xf32, #tpu.memory_space<vmem>>, vector<1x16xf32>,
        %parallel_loop3A_1027 = arith.addi %mul3A_385, %parallel_loop3A_566 : i32
        %parallel_loop3A_1028 = arith.index_cast %parallel_loop3A_1027 : i32 to index
        %parallel_loop3A_1029 = arith.constant 736 : index
        %parallel_loop3A_1030 = tpu.vector_load %arg7[%parallel_loop3A_1028, %parallel_loop3A_1029] {strides = array<i32>} : memref<32x1024xf32, #tpu.memory_space<vmem>>, vector<1x16xf32>,
        %parallel_loop3A_1031 = vector.shape_cast %parallel_loop3A_1030 : vector<1x16xf32> to vector<16xf32>
        %parallel_loop3A_1032 = arith.index_cast %parallel_loop3A_566 : i32 to index
        %parallel_loop3A_1033 = arith.constant 736 : index
        %parallel_loop3A_1034 = tpu.vector_load %arg10[%parallel_loop3A_1032, %parallel_loop3A_1033] {strides = array<i32>} : memref<8x1024xf32, #tpu.memory_space<vmem>>, vector<1x16xf32>,
        %parallel_loop3A_1035 = vector.shape_cast %parallel_loop3A_1034 : vector<1x16xf32> to vector<16xf32>
        %parallel_loop3A_1036 = vector.shape_cast %parallel_loop3A_1031 : vector<16xf32> to vector<1x16xf32>
        tpu.vector_store %arg10[%parallel_loop3A_1032, %parallel_loop3A_1033], %parallel_loop3A_1036 {add = true, strides = array<i32>} : memref<8x1024xf32, #tpu.memory_space<vmem>>, vector<1x16xf32>,
        %parallel_loop3A_1037 = arith.addi %mul3A_385, %parallel_loop3A_566 : i32
        %parallel_loop3A_1038 = arith.index_cast %parallel_loop3A_1037 : i32 to index
        %parallel_loop3A_1039 = arith.constant 752 : index
        %parallel_loop3A_1040 = tpu.vector_load %arg7[%parallel_loop3A_1038, %parallel_loop3A_1039] {strides = array<i32>} : memref<32x1024xf32, #tpu.memory_space<vmem>>, vector<1x16xf32>,
        %parallel_loop3A_1041 = vector.shape_cast %parallel_loop3A_1040 : vector<1x16xf32> to vector<16xf32>
        %parallel_loop3A_1042 = arith.index_cast %parallel_loop3A_566 : i32 to index
        %parallel_loop3A_1043 = arith.constant 752 : index
        %parallel_loop3A_1044 = tpu.vector_load %arg10[%parallel_loop3A_1042, %parallel_loop3A_1043] {strides = array<i32>} : memref<8x1024xf32, #tpu.memory_space<vmem>>, vector<1x16xf32>,
        %parallel_loop3A_1045 = vector.shape_cast %parallel_loop3A_1044 : vector<1x16xf32> to vector<16xf32>
        %parallel_loop3A_1046 = vector.shape_cast %parallel_loop3A_1041 : vector<16xf32> to vector<1x16xf32>
        tpu.vector_store %arg10[%parallel_loop3A_1042, %parallel_loop3A_1043], %parallel_loop3A_1046 {add = true, strides = array<i32>} : memref<8x1024xf32, #tpu.memory_space<vmem>>, vector<1x16xf32>,
        %parallel_loop3A_1047 = arith.addi %mul3A_385, %parallel_loop3A_566 : i32
        %parallel_loop3A_1048 = arith.index_cast %parallel_loop3A_1047 : i32 to index
        %parallel_loop3A_1049 = arith.constant 768 : index
        %parallel_loop3A_1050 = tpu.vector_load %arg7[%parallel_loop3A_1048, %parallel_loop3A_1049] {strides = array<i32>} : memref<32x1024xf32, #tpu.memory_space<vmem>>, vector<1x16xf32>,
        %parallel_loop3A_1051 = vector.shape_cast %parallel_loop3A_1050 : vector<1x16xf32> to vector<16xf32>
        %parallel_loop3A_1052 = arith.index_cast %parallel_loop3A_566 : i32 to index
        %parallel_loop3A_1053 = arith.constant 768 : index
        %parallel_loop3A_1054 = tpu.vector_load %arg10[%parallel_loop3A_1052, %parallel_loop3A_1053] {strides = array<i32>} : memref<8x1024xf32, #tpu.memory_space<vmem>>, vector<1x16xf32>,
        %parallel_loop3A_1055 = vector.shape_cast %parallel_loop3A_1054 : vector<1x16xf32> to vector<16xf32>
        %parallel_loop3A_1056 = vector.shape_cast %parallel_loop3A_1051 : vector<16xf32> to vector<1x16xf32>
        tpu.vector_store %arg10[%parallel_loop3A_1052, %parallel_loop3A_1053], %parallel_loop3A_1056 {add = true, strides = array<i32>} : memref<8x1024xf32, #tpu.memory_space<vmem>>, vector<1x16xf32>,
        %parallel_loop3A_1057 = arith.addi %mul3A_385, %parallel_loop3A_566 : i32
        %parallel_loop3A_1058 = arith.index_cast %parallel_loop3A_1057 : i32 to index
        %parallel_loop3A_1059 = arith.constant 784 : index
        %parallel_loop3A_1060 = tpu.vector_load %arg7[%parallel_loop3A_1058, %parallel_loop3A_1059] {strides = array<i32>} : memref<32x1024xf32, #tpu.memory_space<vmem>>, vector<1x16xf32>,
        %parallel_loop3A_1061 = vector.shape_cast %parallel_loop3A_1060 : vector<1x16xf32> to vector<16xf32>
        %parallel_loop3A_1062 = arith.index_cast %parallel_loop3A_566 : i32 to index
        %parallel_loop3A_1063 = arith.constant 784 : index
        %parallel_loop3A_1064 = tpu.vector_load %arg10[%parallel_loop3A_1062, %parallel_loop3A_1063] {strides = array<i32>} : memref<8x1024xf32, #tpu.memory_space<vmem>>, vector<1x16xf32>,
        %parallel_loop3A_1065 = vector.shape_cast %parallel_loop3A_1064 : vector<1x16xf32> to vector<16xf32>
        %parallel_loop3A_1066 = vector.shape_cast %parallel_loop3A_1061 : vector<16xf32> to vector<1x16xf32>
        tpu.vector_store %arg10[%parallel_loop3A_1062, %parallel_loop3A_1063], %parallel_loop3A_1066 {add = true, strides = array<i32>} : memref<8x1024xf32, #tpu.memory_space<vmem>>, vector<1x16xf32>,
        %parallel_loop3A_1067 = arith.addi %mul3A_385, %parallel_loop3A_566 : i32
        %parallel_loop3A_1068 = arith.index_cast %parallel_loop3A_1067 : i32 to index
        %parallel_loop3A_1069 = arith.constant 800 : index
        %parallel_loop3A_1070 = tpu.vector_load %arg7[%parallel_loop3A_1068, %parallel_loop3A_1069] {strides = array<i32>} : memref<32x1024xf32, #tpu.memory_space<vmem>>, vector<1x16xf32>,
        %parallel_loop3A_1071 = vector.shape_cast %parallel_loop3A_1070 : vector<1x16xf32> to vector<16xf32>
        %parallel_loop3A_1072 = arith.index_cast %parallel_loop3A_566 : i32 to index
        %parallel_loop3A_1073 = arith.constant 800 : index
        %parallel_loop3A_1074 = tpu.vector_load %arg10[%parallel_loop3A_1072, %parallel_loop3A_1073] {strides = array<i32>} : memref<8x1024xf32, #tpu.memory_space<vmem>>, vector<1x16xf32>,
        %parallel_loop3A_1075 = vector.shape_cast %parallel_loop3A_1074 : vector<1x16xf32> to vector<16xf32>
        %parallel_loop3A_1076 = vector.shape_cast %parallel_loop3A_1071 : vector<16xf32> to vector<1x16xf32>
        tpu.vector_store %arg10[%parallel_loop3A_1072, %parallel_loop3A_1073], %parallel_loop3A_1076 {add = true, strides = array<i32>} : memref<8x1024xf32, #tpu.memory_space<vmem>>, vector<1x16xf32>,
        %parallel_loop3A_1077 = arith.addi %mul3A_385, %parallel_loop3A_566 : i32
        %parallel_loop3A_1078 = arith.index_cast %parallel_loop3A_1077 : i32 to index
        %parallel_loop3A_1079 = arith.constant 816 : index
        %parallel_loop3A_1080 = tpu.vector_load %arg7[%parallel_loop3A_1078, %parallel_loop3A_1079] {strides = array<i32>} : memref<32x1024xf32, #tpu.memory_space<vmem>>, vector<1x16xf32>,
        %parallel_loop3A_1081 = vector.shape_cast %parallel_loop3A_1080 : vector<1x16xf32> to vector<16xf32>
        %parallel_loop3A_1082 = arith.index_cast %parallel_loop3A_566 : i32 to index
        %parallel_loop3A_1083 = arith.constant 816 : index
        %parallel_loop3A_1084 = tpu.vector_load %arg10[%parallel_loop3A_1082, %parallel_loop3A_1083] {strides = array<i32>} : memref<8x1024xf32, #tpu.memory_space<vmem>>, vector<1x16xf32>,
        %parallel_loop3A_1085 = vector.shape_cast %parallel_loop3A_1084 : vector<1x16xf32> to vector<16xf32>
        %parallel_loop3A_1086 = vector.shape_cast %parallel_loop3A_1081 : vector<16xf32> to vector<1x16xf32>
        tpu.vector_store %arg10[%parallel_loop3A_1082, %parallel_loop3A_1083], %parallel_loop3A_1086 {add = true, strides = array<i32>} : memref<8x1024xf32, #tpu.memory_space<vmem>>, vector<1x16xf32>,
        %parallel_loop3A_1087 = arith.addi %mul3A_385, %parallel_loop3A_566 : i32
        %parallel_loop3A_1088 = arith.index_cast %parallel_loop3A_1087 : i32 to index
        %parallel_loop3A_1089 = arith.constant 832 : index
        %parallel_loop3A_1090 = tpu.vector_load %arg7[%parallel_loop3A_1088, %parallel_loop3A_1089] {strides = array<i32>} : memref<32x1024xf32, #tpu.memory_space<vmem>>, vector<1x16xf32>,
        %parallel_loop3A_1091 = vector.shape_cast %parallel_loop3A_1090 : vector<1x16xf32> to vector<16xf32>
        %parallel_loop3A_1092 = arith.index_cast %parallel_loop3A_566 : i32 to index
        %parallel_loop3A_1093 = arith.constant 832 : index
        %parallel_loop3A_1094 = tpu.vector_load %arg10[%parallel_loop3A_1092, %parallel_loop3A_1093] {strides = array<i32>} : memref<8x1024xf32, #tpu.memory_space<vmem>>, vector<1x16xf32>,
        %parallel_loop3A_1095 = vector.shape_cast %parallel_loop3A_1094 : vector<1x16xf32> to vector<16xf32>
        %parallel_loop3A_1096 = vector.shape_cast %parallel_loop3A_1091 : vector<16xf32> to vector<1x16xf32>
        tpu.vector_store %arg10[%parallel_loop3A_1092, %parallel_loop3A_1093], %parallel_loop3A_1096 {add = true, strides = array<i32>} : memref<8x1024xf32, #tpu.memory_space<vmem>>, vector<1x16xf32>,
        %parallel_loop3A_1097 = arith.addi %mul3A_385, %parallel_loop3A_566 : i32
        %parallel_loop3A_1098 = arith.index_cast %parallel_loop3A_1097 : i32 to index
        %parallel_loop3A_1099 = arith.constant 848 : index
        %parallel_loop3A_1100 = tpu.vector_load %arg7[%parallel_loop3A_1098, %parallel_loop3A_1099] {strides = array<i32>} : memref<32x1024xf32, #tpu.memory_space<vmem>>, vector<1x16xf32>,
        %parallel_loop3A_1101 = vector.shape_cast %parallel_loop3A_1100 : vector<1x16xf32> to vector<16xf32>
        %parallel_loop3A_1102 = arith.index_cast %parallel_loop3A_566 : i32 to index
        %parallel_loop3A_1103 = arith.constant 848 : index
        %parallel_loop3A_1104 = tpu.vector_load %arg10[%parallel_loop3A_1102, %parallel_loop3A_1103] {strides = array<i32>} : memref<8x1024xf32, #tpu.memory_space<vmem>>, vector<1x16xf32>,
        %parallel_loop3A_1105 = vector.shape_cast %parallel_loop3A_1104 : vector<1x16xf32> to vector<16xf32>
        %parallel_loop3A_1106 = vector.shape_cast %parallel_loop3A_1101 : vector<16xf32> to vector<1x16xf32>
        tpu.vector_store %arg10[%parallel_loop3A_1102, %parallel_loop3A_1103], %parallel_loop3A_1106 {add = true, strides = array<i32>} : memref<8x1024xf32, #tpu.memory_space<vmem>>, vector<1x16xf32>,
        %parallel_loop3A_1107 = arith.addi %mul3A_385, %parallel_loop3A_566 : i32
        %parallel_loop3A_1108 = arith.index_cast %parallel_loop3A_1107 : i32 to index
        %parallel_loop3A_1109 = arith.constant 864 : index
        %parallel_loop3A_1110 = tpu.vector_load %arg7[%parallel_loop3A_1108, %parallel_loop3A_1109] {strides = array<i32>} : memref<32x1024xf32, #tpu.memory_space<vmem>>, vector<1x16xf32>,
        %parallel_loop3A_1111 = vector.shape_cast %parallel_loop3A_1110 : vector<1x16xf32> to vector<16xf32>
        %parallel_loop3A_1112 = arith.index_cast %parallel_loop3A_566 : i32 to index
        %parallel_loop3A_1113 = arith.constant 864 : index
        %parallel_loop3A_1114 = tpu.vector_load %arg10[%parallel_loop3A_1112, %parallel_loop3A_1113] {strides = array<i32>} : memref<8x1024xf32, #tpu.memory_space<vmem>>, vector<1x16xf32>,
        %parallel_loop3A_1115 = vector.shape_cast %parallel_loop3A_1114 : vector<1x16xf32> to vector<16xf32>
        %parallel_loop3A_1116 = vector.shape_cast %parallel_loop3A_1111 : vector<16xf32> to vector<1x16xf32>
        tpu.vector_store %arg10[%parallel_loop3A_1112, %parallel_loop3A_1113], %parallel_loop3A_1116 {add = true, strides = array<i32>} : memref<8x1024xf32, #tpu.memory_space<vmem>>, vector<1x16xf32>,
        %parallel_loop3A_1117 = arith.addi %mul3A_385, %parallel_loop3A_566 : i32
        %parallel_loop3A_1118 = arith.index_cast %parallel_loop3A_1117 : i32 to index
        %parallel_loop3A_1119 = arith.constant 880 : index
        %parallel_loop3A_1120 = tpu.vector_load %arg7[%parallel_loop3A_1118, %parallel_loop3A_1119] {strides = array<i32>} : memref<32x1024xf32, #tpu.memory_space<vmem>>, vector<1x16xf32>,
        %parallel_loop3A_1121 = vector.shape_cast %parallel_loop3A_1120 : vector<1x16xf32> to vector<16xf32>
        %parallel_loop3A_1122 = arith.index_cast %parallel_loop3A_566 : i32 to index
        %parallel_loop3A_1123 = arith.constant 880 : index
        %parallel_loop3A_1124 = tpu.vector_load %arg10[%parallel_loop3A_1122, %parallel_loop3A_1123] {strides = array<i32>} : memref<8x1024xf32, #tpu.memory_space<vmem>>, vector<1x16xf32>,
        %parallel_loop3A_1125 = vector.shape_cast %parallel_loop3A_1124 : vector<1x16xf32> to vector<16xf32>
        %parallel_loop3A_1126 = vector.shape_cast %parallel_loop3A_1121 : vector<16xf32> to vector<1x16xf32>
        tpu.vector_store %arg10[%parallel_loop3A_1122, %parallel_loop3A_1123], %parallel_loop3A_1126 {add = true, strides = array<i32>} : memref<8x1024xf32, #tpu.memory_space<vmem>>, vector<1x16xf32>,
        %parallel_loop3A_1127 = arith.addi %mul3A_385, %parallel_loop3A_566 : i32
        %parallel_loop3A_1128 = arith.index_cast %parallel_loop3A_1127 : i32 to index
        %parallel_loop3A_1129 = arith.constant 896 : index
        %parallel_loop3A_1130 = tpu.vector_load %arg7[%parallel_loop3A_1128, %parallel_loop3A_1129] {strides = array<i32>} : memref<32x1024xf32, #tpu.memory_space<vmem>>, vector<1x16xf32>,
        %parallel_loop3A_1131 = vector.shape_cast %parallel_loop3A_1130 : vector<1x16xf32> to vector<16xf32>
        %parallel_loop3A_1132 = arith.index_cast %parallel_loop3A_566 : i32 to index
        %parallel_loop3A_1133 = arith.constant 896 : index
        %parallel_loop3A_1134 = tpu.vector_load %arg10[%parallel_loop3A_1132, %parallel_loop3A_1133] {strides = array<i32>} : memref<8x1024xf32, #tpu.memory_space<vmem>>, vector<1x16xf32>,
        %parallel_loop3A_1135 = vector.shape_cast %parallel_loop3A_1134 : vector<1x16xf32> to vector<16xf32>
        %parallel_loop3A_1136 = vector.shape_cast %parallel_loop3A_1131 : vector<16xf32> to vector<1x16xf32>
        tpu.vector_store %arg10[%parallel_loop3A_1132, %parallel_loop3A_1133], %parallel_loop3A_1136 {add = true, strides = array<i32>} : memref<8x1024xf32, #tpu.memory_space<vmem>>, vector<1x16xf32>,
        %parallel_loop3A_1137 = arith.addi %mul3A_385, %parallel_loop3A_566 : i32
        %parallel_loop3A_1138 = arith.index_cast %parallel_loop3A_1137 : i32 to index
        %parallel_loop3A_1139 = arith.constant 912 : index
        %parallel_loop3A_1140 = tpu.vector_load %arg7[%parallel_loop3A_1138, %parallel_loop3A_1139] {strides = array<i32>} : memref<32x1024xf32, #tpu.memory_space<vmem>>, vector<1x16xf32>,
        %parallel_loop3A_1141 = vector.shape_cast %parallel_loop3A_1140 : vector<1x16xf32> to vector<16xf32>
        %parallel_loop3A_1142 = arith.index_cast %parallel_loop3A_566 : i32 to index
        %parallel_loop3A_1143 = arith.constant 912 : index
        %parallel_loop3A_1144 = tpu.vector_load %arg10[%parallel_loop3A_1142, %parallel_loop3A_1143] {strides = array<i32>} : memref<8x1024xf32, #tpu.memory_space<vmem>>, vector<1x16xf32>,
        %parallel_loop3A_1145 = vector.shape_cast %parallel_loop3A_1144 : vector<1x16xf32> to vector<16xf32>
        %parallel_loop3A_1146 = vector.shape_cast %parallel_loop3A_1141 : vector<16xf32> to vector<1x16xf32>
        tpu.vector_store %arg10[%parallel_loop3A_1142, %parallel_loop3A_1143], %parallel_loop3A_1146 {add = true, strides = array<i32>} : memref<8x1024xf32, #tpu.memory_space<vmem>>, vector<1x16xf32>,
        %parallel_loop3A_1147 = arith.addi %mul3A_385, %parallel_loop3A_566 : i32
        %parallel_loop3A_1148 = arith.index_cast %parallel_loop3A_1147 : i32 to index
        %parallel_loop3A_1149 = arith.constant 928 : index
        %parallel_loop3A_1150 = tpu.vector_load %arg7[%parallel_loop3A_1148, %parallel_loop3A_1149] {strides = array<i32>} : memref<32x1024xf32, #tpu.memory_space<vmem>>, vector<1x16xf32>,
        %parallel_loop3A_1151 = vector.shape_cast %parallel_loop3A_1150 : vector<1x16xf32> to vector<16xf32>
        %parallel_loop3A_1152 = arith.index_cast %parallel_loop3A_566 : i32 to index
        %parallel_loop3A_1153 = arith.constant 928 : index
        %parallel_loop3A_1154 = tpu.vector_load %arg10[%parallel_loop3A_1152, %parallel_loop3A_1153] {strides = array<i32>} : memref<8x1024xf32, #tpu.memory_space<vmem>>, vector<1x16xf32>,
        %parallel_loop3A_1155 = vector.shape_cast %parallel_loop3A_1154 : vector<1x16xf32> to vector<16xf32>
        %parallel_loop3A_1156 = vector.shape_cast %parallel_loop3A_1151 : vector<16xf32> to vector<1x16xf32>
        tpu.vector_store %arg10[%parallel_loop3A_1152, %parallel_loop3A_1153], %parallel_loop3A_1156 {add = true, strides = array<i32>} : memref<8x1024xf32, #tpu.memory_space<vmem>>, vector<1x16xf32>,
        %parallel_loop3A_1157 = arith.addi %mul3A_385, %parallel_loop3A_566 : i32
        %parallel_loop3A_1158 = arith.index_cast %parallel_loop3A_1157 : i32 to index
        %parallel_loop3A_1159 = arith.constant 944 : index
        %parallel_loop3A_1160 = tpu.vector_load %arg7[%parallel_loop3A_1158, %parallel_loop3A_1159] {strides = array<i32>} : memref<32x1024xf32, #tpu.memory_space<vmem>>, vector<1x16xf32>,
        %parallel_loop3A_1161 = vector.shape_cast %parallel_loop3A_1160 : vector<1x16xf32> to vector<16xf32>
        %parallel_loop3A_1162 = arith.index_cast %parallel_loop3A_566 : i32 to index
        %parallel_loop3A_1163 = arith.constant 944 : index
        %parallel_loop3A_1164 = tpu.vector_load %arg10[%parallel_loop3A_1162, %parallel_loop3A_1163] {strides = array<i32>} : memref<8x1024xf32, #tpu.memory_space<vmem>>, vector<1x16xf32>,
        %parallel_loop3A_1165 = vector.shape_cast %parallel_loop3A_1164 : vector<1x16xf32> to vector<16xf32>
        %parallel_loop3A_1166 = vector.shape_cast %parallel_loop3A_1161 : vector<16xf32> to vector<1x16xf32>
        tpu.vector_store %arg10[%parallel_loop3A_1162, %parallel_loop3A_1163], %parallel_loop3A_1166 {add = true, strides = array<i32>} : memref<8x1024xf32, #tpu.memory_space<vmem>>, vector<1x16xf32>,
        %parallel_loop3A_1167 = arith.addi %mul3A_385, %parallel_loop3A_566 : i32
        %parallel_loop3A_1168 = arith.index_cast %parallel_loop3A_1167 : i32 to index
        %parallel_loop3A_1169 = arith.constant 960 : index
        %parallel_loop3A_1170 = tpu.vector_load %arg7[%parallel_loop3A_1168, %parallel_loop3A_1169] {strides = array<i32>} : memref<32x1024xf32, #tpu.memory_space<vmem>>, vector<1x16xf32>,
        %parallel_loop3A_1171 = vector.shape_cast %parallel_loop3A_1170 : vector<1x16xf32> to vector<16xf32>
        %parallel_loop3A_1172 = arith.index_cast %parallel_loop3A_566 : i32 to index
        %parallel_loop3A_1173 = arith.constant 960 : index
        %parallel_loop3A_1174 = tpu.vector_load %arg10[%parallel_loop3A_1172, %parallel_loop3A_1173] {strides = array<i32>} : memref<8x1024xf32, #tpu.memory_space<vmem>>, vector<1x16xf32>,
        %parallel_loop3A_1175 = vector.shape_cast %parallel_loop3A_1174 : vector<1x16xf32> to vector<16xf32>
        %parallel_loop3A_1176 = vector.shape_cast %parallel_loop3A_1171 : vector<16xf32> to vector<1x16xf32>
        tpu.vector_store %arg10[%parallel_loop3A_1172, %parallel_loop3A_1173], %parallel_loop3A_1176 {add = true, strides = array<i32>} : memref<8x1024xf32, #tpu.memory_space<vmem>>, vector<1x16xf32>,
        %parallel_loop3A_1177 = arith.addi %mul3A_385, %parallel_loop3A_566 : i32
        %parallel_loop3A_1178 = arith.index_cast %parallel_loop3A_1177 : i32 to index
        %parallel_loop3A_1179 = arith.constant 976 : index
        %parallel_loop3A_1180 = tpu.vector_load %arg7[%parallel_loop3A_1178, %parallel_loop3A_1179] {strides = array<i32>} : memref<32x1024xf32, #tpu.memory_space<vmem>>, vector<1x16xf32>,
        %parallel_loop3A_1181 = vector.shape_cast %parallel_loop3A_1180 : vector<1x16xf32> to vector<16xf32>
        %parallel_loop3A_1182 = arith.index_cast %parallel_loop3A_566 : i32 to index
        %parallel_loop3A_1183 = arith.constant 976 : index
        %parallel_loop3A_1184 = tpu.vector_load %arg10[%parallel_loop3A_1182, %parallel_loop3A_1183] {strides = array<i32>} : memref<8x1024xf32, #tpu.memory_space<vmem>>, vector<1x16xf32>,
        %parallel_loop3A_1185 = vector.shape_cast %parallel_loop3A_1184 : vector<1x16xf32> to vector<16xf32>
        %parallel_loop3A_1186 = vector.shape_cast %parallel_loop3A_1181 : vector<16xf32> to vector<1x16xf32>
        tpu.vector_store %arg10[%parallel_loop3A_1182, %parallel_loop3A_1183], %parallel_loop3A_1186 {add = true, strides = array<i32>} : memref<8x1024xf32, #tpu.memory_space<vmem>>, vector<1x16xf32>,
        %parallel_loop3A_1187 = arith.addi %mul3A_385, %parallel_loop3A_566 : i32
        %parallel_loop3A_1188 = arith.index_cast %parallel_loop3A_1187 : i32 to index
        %parallel_loop3A_1189 = arith.constant 992 : index
        %parallel_loop3A_1190 = tpu.vector_load %arg7[%parallel_loop3A_1188, %parallel_loop3A_1189] {strides = array<i32>} : memref<32x1024xf32, #tpu.memory_space<vmem>>, vector<1x16xf32>,
        %parallel_loop3A_1191 = vector.shape_cast %parallel_loop3A_1190 : vector<1x16xf32> to vector<16xf32>
        %parallel_loop3A_1192 = arith.index_cast %parallel_loop3A_566 : i32 to index
        %parallel_loop3A_1193 = arith.constant 992 : index
        %parallel_loop3A_1194 = tpu.vector_load %arg10[%parallel_loop3A_1192, %parallel_loop3A_1193] {strides = array<i32>} : memref<8x1024xf32, #tpu.memory_space<vmem>>, vector<1x16xf32>,
        %parallel_loop3A_1195 = vector.shape_cast %parallel_loop3A_1194 : vector<1x16xf32> to vector<16xf32>
        %parallel_loop3A_1196 = vector.shape_cast %parallel_loop3A_1191 : vector<16xf32> to vector<1x16xf32>
        tpu.vector_store %arg10[%parallel_loop3A_1192, %parallel_loop3A_1193], %parallel_loop3A_1196 {add = true, strides = array<i32>} : memref<8x1024xf32, #tpu.memory_space<vmem>>, vector<1x16xf32>,
        %parallel_loop3A_1197 = arith.addi %mul3A_385, %parallel_loop3A_566 : i32
        %parallel_loop3A_1198 = arith.index_cast %parallel_loop3A_1197 : i32 to index
        %parallel_loop3A_1199 = arith.constant 1008 : index
        %parallel_loop3A_1200 = tpu.vector_load %arg7[%parallel_loop3A_1198, %parallel_loop3A_1199] {strides = array<i32>} : memref<32x1024xf32, #tpu.memory_space<vmem>>, vector<1x16xf32>,
        %parallel_loop3A_1201 = vector.shape_cast %parallel_loop3A_1200 : vector<1x16xf32> to vector<16xf32>
        %parallel_loop3A_1202 = arith.index_cast %parallel_loop3A_566 : i32 to index
        %parallel_loop3A_1203 = arith.constant 1008 : index
        %parallel_loop3A_1204 = tpu.vector_load %arg10[%parallel_loop3A_1202, %parallel_loop3A_1203] {strides = array<i32>} : memref<8x1024xf32, #tpu.memory_space<vmem>>, vector<1x16xf32>,
        %parallel_loop3A_1205 = vector.shape_cast %parallel_loop3A_1204 : vector<1x16xf32> to vector<16xf32>
        %parallel_loop3A_1206 = vector.shape_cast %parallel_loop3A_1201 : vector<16xf32> to vector<1x16xf32>
        tpu.vector_store %arg10[%parallel_loop3A_1202, %parallel_loop3A_1203], %parallel_loop3A_1206 {add = true, strides = array<i32>} : memref<8x1024xf32, #tpu.memory_space<vmem>>, vector<1x16xf32>,
      } {sc.loop_unroll_factor = 1 : i64, sc.parallel_access}
      %eq3A_403 = arith.constant 15 : i32
      %eq3A_404 = arith.cmpi eq, %add3A_298, %eq3A_403 : i32
      %convert_element_type3A_405 = arith.extui %eq3A_404 : i1 to i32
      %cond3A_406 = arith.constant 0 : i32
      %cond3A_407 = arith.cmpi ne, %convert_element_type3A_405, %cond3A_406 : i32
      scf.if %cond3A_407 {
        %add3A_566 = arith.constant 32 : i32
        %add3A_567 = arith.addi %mul3A_2, %add3A_566 : i32
        %dma_start3A_568 = arith.constant 0 : i32
        %dma_start3A_569 = tpu.memref_slice %arg4[%add3A_567, %dma_start3A_568] : memref<2048x1024xf32, #tpu.memory_space<hbm>> -> memref<32x1024xf32, #tpu.memory_space<hbm>>
        %dma_start3A_570 = arith.constant 0 : i32
        %dma_start3A_571 = tpu.memref_slice %arg4[%add3A_567, %dma_start3A_570] : memref<2048x1024xf32, #tpu.memory_space<hbm>> -> memref<32x1024xf32, #tpu.memory_space<hbm>>
        tpu.enqueue_dma source(%dma_start3A_571 : memref<32x1024xf32, #tpu.memory_space<hbm>>) target(%arg7 : memref<32x1024xf32, #tpu.memory_space<vmem>>) target_semaphore(%arg20 : memref<!tpu.dma_semaphore, #tpu.memory_space<semaphore_mem>>)
      } else {
      }
      %mul3A_408 = arith.constant 2048 : i32
      %mul3A_409 = arith.muli %select_n3A_362, %mul3A_408 : i32
      %add3A_410 = arith.addi %mul3A_409, %mul3A_2 : i32
      %add3A_411 = arith.addi %add3A_410, %add3A_383 : i32
      %dma_start3A_412 = arith.constant 0 : i32
      %dma_start3A_413 = tpu.memref_slice %arg5[%add3A_411, %dma_start3A_412] : memref<8192x1024xf32, #tpu.memory_space<hbm>> -> memref<8x1024xf32, #tpu.memory_space<hbm>>
      %dma_start3A_414 = arith.constant 0 : i32
      %dma_start3A_415 = tpu.memref_slice %arg5[%add3A_411, %dma_start3A_414] : memref<8192x1024xf32, #tpu.memory_space<hbm>> -> memref<8x1024xf32, #tpu.memory_space<hbm>>
      tpu.enqueue_dma source(%arg10 : memref<8x1024xf32, #tpu.memory_space<vmem>>) target(%dma_start3A_415 : memref<8x1024xf32, #tpu.memory_space<hbm>>) target_semaphore(%arg18 : memref<!tpu.dma_semaphore, #tpu.memory_space<semaphore_mem>>)
      %ge3A_416 = arith.constant 1 : i32
      %ge3A_417 = arith.cmpi sge, %add3A_298, %ge3A_416 : i32
      %convert_element_type3A_418 = arith.extui %ge3A_417 : i1 to i32
      %cond3A_419 = arith.constant 0 : i32
      %cond3A_420 = arith.cmpi ne, %convert_element_type3A_418, %cond3A_419 : i32
      scf.if %cond3A_420 {
        %dma_wait3A_566 = arith.constant 0 : i32
        %dma_wait3A_567 = arith.constant 0 : i32
        %dma_wait3A_568 = tpu.memref_slice %arg5[%dma_wait3A_566, %dma_wait3A_567] : memref<8192x1024xf32, #tpu.memory_space<hbm>> -> memref<8x1024xf32, #tpu.memory_space<hbm>>
        %dma_wait3A_569 = arith.constant 0 : i32
        %dma_wait3A_570 = arith.constant 0 : i32
        %dma_wait3A_571 = tpu.memref_slice %arg5[%dma_wait3A_569, %dma_wait3A_570] : memref<8192x1024xf32, #tpu.memory_space<hbm>> -> memref<8x1024xf32, #tpu.memory_space<hbm>>
        tpu.wait_dma2 semaphore(%arg17 : memref<!tpu.dma_semaphore, #tpu.memory_space<semaphore_mem>>) src(%arg9 : memref<8x1024xf32, #tpu.memory_space<vmem>>) dst(%dma_wait3A_571 : memref<8x1024xf32, #tpu.memory_space<hbm>>)
      } else {
      }
      %add3A_421 = arith.constant 4 : i32
      %add3A_422 = arith.addi %add3A_298, %add3A_421 : i32
      %sub3A_423 = arith.constant 1 : i32
      %sub3A_424 = arith.subi %add3A_422, %sub3A_423 : i32
      %lt3A_425 = arith.constant 32 : i32
      %lt3A_426 = arith.cmpi slt, %sub3A_424, %lt3A_425 : i32
      %convert_element_type3A_427 = arith.extui %lt3A_426 : i1 to i32
      %cond3A_428 = arith.constant 0 : i32
      %cond3A_429 = arith.cmpi ne, %convert_element_type3A_427, %cond3A_428 : i32
      scf.if %cond3A_429 {
        %add3A_566 = arith.constant 4 : i32
        %add3A_567 = arith.addi %add3A_298, %add3A_566 : i32
        %sub3A_568 = arith.constant 1 : i32
        %sub3A_569 = arith.subi %add3A_567, %sub3A_568 : i32
        %jit3A_570 = arith.constant 16 : i32
        %div3A_571 = arith.divsi %sub3A_569, %jit3A_570 : i32
        %sign3A_572 = arith.constant 0 : i32
        %sign3A_573 = arith.cmpi sgt, %sub3A_569, %sign3A_572 : i32
        %sign3A_574 = arith.extui %sign3A_573 : i1 to i32
        %sign3A_575 = arith.constant 0 : i32
        %sign3A_576 = arith.cmpi slt, %sub3A_569, %sign3A_575 : i32
        %sign3A_577 = arith.extui %sign3A_576 : i1 to i32
        %sign3A_578 = arith.subi %sign3A_574, %sign3A_577 : i32
        %sign3A_579 = arith.constant 0 : i32
        %sign3A_580 = arith.cmpi sgt, %jit3A_570, %sign3A_579 : i32
        %sign3A_581 = arith.extui %sign3A_580 : i1 to i32
        %sign3A_582 = arith.constant 0 : i32
        %sign3A_583 = arith.cmpi slt, %jit3A_570, %sign3A_582 : i32
        %sign3A_584 = arith.extui %sign3A_583 : i1 to i32
        %sign3A_585 = arith.subi %sign3A_581, %sign3A_584 : i32
        %ne3A_586 = arith.cmpi ne, %sign3A_578, %sign3A_585 : i32
        %rem3A_587 = arith.remsi %sub3A_569, %jit3A_570 : i32
        %ne3A_588 = arith.constant 0 : i32
        %ne3A_589 = arith.cmpi ne, %rem3A_587, %ne3A_588 : i32
        %and3A_590 = arith.andi %ne3A_586, %ne3A_589 : i1
        %sub3A_591 = arith.constant 1 : i32
        %sub3A_592 = arith.subi %div3A_571, %sub3A_591 : i32
        %select_n3A_593 = arith.select %and3A_590, %sub3A_592, %div3A_571 : i32
        %jit3A_594 = arith.constant 16 : i32
        %eq3A_595 = arith.constant 0 : i32
        %eq3A_596 = arith.cmpi eq, %jit3A_594, %eq3A_595 : i32
        %jit3A_597 = arith.constant 1 : i32
        %select_n3A_598 = arith.select %eq3A_596, %jit3A_597, %jit3A_594 : i32
        %rem3A_599 = arith.remsi %sub3A_569, %select_n3A_598 : i32
        %ne3A_600 = arith.constant 0 : i32
        %ne3A_601 = arith.cmpi ne, %rem3A_599, %ne3A_600 : i32
        %lt3A_602 = arith.constant 0 : i32
        %lt3A_603 = arith.cmpi slt, %rem3A_599, %lt3A_602 : i32
        %lt3A_604 = arith.constant 0 : i32
        %lt3A_605 = arith.cmpi slt, %select_n3A_598, %lt3A_604 : i32
        %ne3A_606 = arith.xori %lt3A_603, %lt3A_605 : i1
        %and3A_607 = arith.andi %ne3A_606, %ne3A_601 : i1
        %add3A_608 = arith.addi %rem3A_599, %select_n3A_598 : i32
        %select_n3A_609 = arith.select %and3A_607, %add3A_608, %rem3A_599 : i32
        %jit3A_610 = arith.constant 4 : i32
        %div3A_611 = arith.divsi %select_n3A_609, %jit3A_610 : i32
        %sign3A_612 = arith.constant 0 : i32
        %sign3A_613 = arith.cmpi sgt, %select_n3A_609, %sign3A_612 : i32
        %sign3A_614 = arith.extui %sign3A_613 : i1 to i32
        %sign3A_615 = arith.constant 0 : i32
        %sign3A_616 = arith.cmpi slt, %select_n3A_609, %sign3A_615 : i32
        %sign3A_617 = arith.extui %sign3A_616 : i1 to i32
        %sign3A_618 = arith.subi %sign3A_614, %sign3A_617 : i32
        %sign3A_619 = arith.constant 0 : i32
        %sign3A_620 = arith.cmpi sgt, %jit3A_610, %sign3A_619 : i32
        %sign3A_621 = arith.extui %sign3A_620 : i1 to i32
        %sign3A_622 = arith.constant 0 : i32
        %sign3A_623 = arith.cmpi slt, %jit3A_610, %sign3A_622 : i32
        %sign3A_624 = arith.extui %sign3A_623 : i1 to i32
        %sign3A_625 = arith.subi %sign3A_621, %sign3A_624 : i32
        %ne3A_626 = arith.cmpi ne, %sign3A_618, %sign3A_625 : i32
        %rem3A_627 = arith.remsi %select_n3A_609, %jit3A_610 : i32
        %ne3A_628 = arith.constant 0 : i32
        %ne3A_629 = arith.cmpi ne, %rem3A_627, %ne3A_628 : i32
        %and3A_630 = arith.andi %ne3A_626, %ne3A_629 : i1
        %sub3A_631 = arith.constant 1 : i32
        %sub3A_632 = arith.subi %div3A_611, %sub3A_631 : i32
        %select_n3A_633 = arith.select %and3A_630, %sub3A_632, %div3A_611 : i32
        %jit3A_634 = arith.constant 4 : i32
        %eq3A_635 = arith.constant 0 : i32
        %eq3A_636 = arith.cmpi eq, %jit3A_634, %eq3A_635 : i32
        %jit3A_637 = arith.constant 1 : i32
        %select_n3A_638 = arith.select %eq3A_636, %jit3A_637, %jit3A_634 : i32
        %rem3A_639 = arith.remsi %sub3A_569, %select_n3A_638 : i32
        %ne3A_640 = arith.constant 0 : i32
        %ne3A_641 = arith.cmpi ne, %rem3A_639, %ne3A_640 : i32
        %lt3A_642 = arith.constant 0 : i32
        %lt3A_643 = arith.cmpi slt, %rem3A_639, %lt3A_642 : i32
        %lt3A_644 = arith.constant 0 : i32
        %lt3A_645 = arith.cmpi slt, %select_n3A_638, %lt3A_644 : i32
        %ne3A_646 = arith.xori %lt3A_643, %lt3A_645 : i1
        %and3A_647 = arith.andi %ne3A_646, %ne3A_641 : i1
        %add3A_648 = arith.addi %rem3A_639, %select_n3A_638 : i32
        %select_n3A_649 = arith.select %and3A_647, %add3A_648, %rem3A_639 : i32
        %mul3A_650 = arith.constant 32 : i32
        %mul3A_651 = arith.muli %select_n3A_593, %mul3A_650 : i32
        %mul3A_652 = arith.constant 8 : i32
        %mul3A_653 = arith.muli %select_n3A_649, %mul3A_652 : i32
        %add3A_654 = arith.addi %mul3A_651, %mul3A_653 : i32
        %mul3A_655 = arith.constant 8 : i32
        %mul3A_656 = arith.muli %select_n3A_649, %mul3A_655 : i32
        %dma_start3A_657 = tpu.memref_slice %arg6[%select_n3A_633, %add3A_654] : memref<4x64xi32, #tpu.memory_space<vmem>> -> memref<1x8xi32, #tpu.memory_space<vmem>>
        %dma_start3A_658 = tpu.memref_squeeze %dma_start3A_657 : memref<1x8xi32, #tpu.memory_space<vmem>> -> memref<8xi32, #tpu.memory_space<vmem>>
        %dma_start3A_659 = arith.constant 0 : i32
        %dma_start3A_660 = arith.constant 0 : i32
        %dma_start3A_661 = tpu.memref_slice %arg3[%dma_start3A_659, %dma_start3A_660] : memref<100000x1024xf32, #tpu.memory_space<hbm>> -> memref<100000x1024xf32, #tpu.memory_space<hbm>>
        tpu.enqueue_indirect_dma source(%dma_start3A_661 : memref<100000x1024xf32, #tpu.memory_space<hbm>>) target(%arg9 : memref<8x1024xf32, #tpu.memory_space<vmem>>) offsets(%dma_start3A_658 : memref<8xi32, #tpu.memory_space<vmem>>) semaphore(%arg13 : memref<!tpu.dma_semaphore, #tpu.memory_space<semaphore_mem>>)
      } else {
      }
      %mul3A_430 = arith.constant 4 : i32
      %mul3A_431 = arith.muli %scan3A_38, %mul3A_430 : i32
      %add3A_432 = arith.constant 3 : i32
      %add3A_433 = arith.addi %mul3A_431, %add3A_432 : i32
      %jit3A_434 = arith.constant 16 : i32
      %div3A_435 = arith.divsi %add3A_433, %jit3A_434 : i32
      %sign3A_436 = arith.constant 0 : i32
      %sign3A_437 = arith.cmpi sgt, %add3A_433, %sign3A_436 : i32
      %sign3A_438 = arith.extui %sign3A_437 : i1 to i32
      %sign3A_439 = arith.constant 0 : i32
      %sign3A_440 = arith.cmpi slt, %add3A_433, %sign3A_439 : i32
      %sign3A_441 = arith.extui %sign3A_440 : i1 to i32
      %sign3A_442 = arith.subi %sign3A_438, %sign3A_441 : i32
      %sign3A_443 = arith.constant 0 : i32
      %sign3A_444 = arith.cmpi sgt, %jit3A_434, %sign3A_443 : i32
      %sign3A_445 = arith.extui %sign3A_444 : i1 to i32
      %sign3A_446 = arith.constant 0 : i32
      %sign3A_447 = arith.cmpi slt, %jit3A_434, %sign3A_446 : i32
      %sign3A_448 = arith.extui %sign3A_447 : i1 to i32
      %sign3A_449 = arith.subi %sign3A_445, %sign3A_448 : i32
      %ne3A_450 = arith.cmpi ne, %sign3A_442, %sign3A_449 : i32
      %rem3A_451 = arith.remsi %add3A_433, %jit3A_434 : i32
      %ne3A_452 = arith.constant 0 : i32
      %ne3A_453 = arith.cmpi ne, %rem3A_451, %ne3A_452 : i32
      %and3A_454 = arith.andi %ne3A_450, %ne3A_453 : i1
      %sub3A_455 = arith.constant 1 : i32
      %sub3A_456 = arith.subi %div3A_435, %sub3A_455 : i32
      %select_n3A_457 = arith.select %and3A_454, %sub3A_456, %div3A_435 : i32
      %jit3A_458 = arith.constant 16 : i32
      %eq3A_459 = arith.constant 0 : i32
      %eq3A_460 = arith.cmpi eq, %jit3A_458, %eq3A_459 : i32
      %jit3A_461 = arith.constant 1 : i32
      %select_n3A_462 = arith.select %eq3A_460, %jit3A_461, %jit3A_458 : i32
      %rem3A_463 = arith.remsi %add3A_433, %select_n3A_462 : i32
      %ne3A_464 = arith.constant 0 : i32
      %ne3A_465 = arith.cmpi ne, %rem3A_463, %ne3A_464 : i32
      %lt3A_466 = arith.constant 0 : i32
      %lt3A_467 = arith.cmpi slt, %rem3A_463, %lt3A_466 : i32
      %lt3A_468 = arith.constant 0 : i32
      %lt3A_469 = arith.cmpi slt, %select_n3A_462, %lt3A_468 : i32
      %ne3A_470 = arith.xori %lt3A_467, %lt3A_469 : i1
      %and3A_471 = arith.andi %ne3A_470, %ne3A_465 : i1
      %add3A_472 = arith.addi %rem3A_463, %select_n3A_462 : i32
      %select_n3A_473 = arith.select %and3A_471, %add3A_472, %rem3A_463 : i32
      %jit3A_474 = arith.constant 4 : i32
      %div3A_475 = arith.divsi %select_n3A_473, %jit3A_474 : i32
      %sign3A_476 = arith.constant 0 : i32
      %sign3A_477 = arith.cmpi sgt, %select_n3A_473, %sign3A_476 : i32
      %sign3A_478 = arith.extui %sign3A_477 : i1 to i32
      %sign3A_479 = arith.constant 0 : i32
      %sign3A_480 = arith.cmpi slt, %select_n3A_473, %sign3A_479 : i32
      %sign3A_481 = arith.extui %sign3A_480 : i1 to i32
      %sign3A_482 = arith.subi %sign3A_478, %sign3A_481 : i32
      %sign3A_483 = arith.constant 0 : i32
      %sign3A_484 = arith.cmpi sgt, %jit3A_474, %sign3A_483 : i32
      %sign3A_485 = arith.extui %sign3A_484 : i1 to i32
      %sign3A_486 = arith.constant 0 : i32
      %sign3A_487 = arith.cmpi slt, %jit3A_474, %sign3A_486 : i32
      %sign3A_488 = arith.extui %sign3A_487 : i1 to i32
      %sign3A_489 = arith.subi %sign3A_485, %sign3A_488 : i32
      %ne3A_490 = arith.cmpi ne, %sign3A_482, %sign3A_489 : i32
      %rem3A_491 = arith.remsi %select_n3A_473, %jit3A_474 : i32
      %ne3A_492 = arith.constant 0 : i32
      %ne3A_493 = arith.cmpi ne, %rem3A_491, %ne3A_492 : i32
      %and3A_494 = arith.andi %ne3A_490, %ne3A_493 : i1
      %sub3A_495 = arith.constant 1 : i32
      %sub3A_496 = arith.subi %div3A_475, %sub3A_495 : i32
      %select_n3A_497 = arith.select %and3A_494, %sub3A_496, %div3A_475 : i32
      %jit3A_498 = arith.constant 4 : i32
      %eq3A_499 = arith.constant 0 : i32
      %eq3A_500 = arith.cmpi eq, %jit3A_498, %eq3A_499 : i32
      %jit3A_501 = arith.constant 1 : i32
      %select_n3A_502 = arith.select %eq3A_500, %jit3A_501, %jit3A_498 : i32
      %rem3A_503 = arith.remsi %add3A_433, %select_n3A_502 : i32
      %ne3A_504 = arith.constant 0 : i32
      %ne3A_505 = arith.cmpi ne, %rem3A_503, %ne3A_504 : i32
      %lt3A_506 = arith.constant 0 : i32
      %lt3A_507 = arith.cmpi slt, %rem3A_503, %lt3A_506 : i32
      %lt3A_508 = arith.constant 0 : i32
      %lt3A_509 = arith.cmpi slt, %select_n3A_502, %lt3A_508 : i32
      %ne3A_510 = arith.xori %lt3A_507, %lt3A_509 : i1
      %and3A_511 = arith.andi %ne3A_510, %ne3A_505 : i1
      %add3A_512 = arith.addi %rem3A_503, %select_n3A_502 : i32
      %select_n3A_513 = arith.select %and3A_511, %add3A_512, %rem3A_503 : i32
      %mul3A_514 = arith.constant 32 : i32
      %mul3A_515 = arith.muli %select_n3A_457, %mul3A_514 : i32
      %mul3A_516 = arith.constant 8 : i32
      %mul3A_517 = arith.muli %select_n3A_513, %mul3A_516 : i32
      %add3A_518 = arith.addi %mul3A_515, %mul3A_517 : i32
      %mul3A_519 = arith.constant 8 : i32
      %mul3A_520 = arith.muli %select_n3A_513, %mul3A_519 : i32
      %dma_wait3A_521 = arith.constant 0 : i32
      %dma_wait3A_522 = arith.constant 0 : i32
      %dma_wait3A_523 = tpu.memref_slice %arg3[%dma_wait3A_521, %dma_wait3A_522] : memref<100000x1024xf32, #tpu.memory_space<hbm>> -> memref<8x1024xf32, #tpu.memory_space<hbm>>
      %dma_wait3A_524 = arith.constant 0 : i32
      %dma_wait3A_525 = arith.constant 0 : i32
      %dma_wait3A_526 = tpu.memref_slice %arg3[%dma_wait3A_524, %dma_wait3A_525] : memref<100000x1024xf32, #tpu.memory_space<hbm>> -> memref<8x1024xf32, #tpu.memory_space<hbm>>
      tpu.wait_dma2 semaphore(%arg15 : memref<!tpu.dma_semaphore, #tpu.memory_space<semaphore_mem>>) src(%dma_wait3A_526 : memref<8x1024xf32, #tpu.memory_space<hbm>>) dst(%arg11 : memref<8x1024xf32, #tpu.memory_space<vmem>>)
      %eq3A_527 = arith.constant 0 : i32
      %eq3A_528 = arith.cmpi eq, %add3A_433, %eq3A_527 : i32
      %eq3A_529 = arith.constant 16 : i32
      %eq3A_530 = arith.cmpi eq, %add3A_433, %eq3A_529 : i32
      %or3A_531 = arith.ori %eq3A_528, %eq3A_530 : i1
      %convert_element_type3A_532 = arith.extui %or3A_531 : i1 to i32
      %cond3A_533 = arith.constant 0 : i32
      %cond3A_534 = arith.cmpi ne, %convert_element_type3A_532, %cond3A_533 : i32
      scf.if %cond3A_534 {
        %dma_wait3A_566 = arith.constant 0 : i32
        %dma_wait3A_567 = tpu.memref_slice %arg4[%mul3A_2, %dma_wait3A_566] : memref<2048x1024xf32, #tpu.memory_space<hbm>> -> memref<32x1024xf32, #tpu.memory_space<hbm>>
        %dma_wait3A_568 = arith.constant 0 : i32
        %dma_wait3A_569 = tpu.memref_slice %arg4[%mul3A_2, %dma_wait3A_568] : memref<2048x1024xf32, #tpu.memory_space<hbm>> -> memref<32x1024xf32, #tpu.memory_space<hbm>>
        tpu.wait_dma2 semaphore(%arg20 : memref<!tpu.dma_semaphore, #tpu.memory_space<semaphore_mem>>) src(%dma_wait3A_569 : memref<32x1024xf32, #tpu.memory_space<hbm>>) dst(%arg7 : memref<32x1024xf32, #tpu.memory_space<vmem>>)
      } else {
      }
      %parallel_loop3A_535 = arith.constant 0 : i32
      %parallel_loop3A_536 = arith.constant 8 : i32
      %parallel_loop3A_537 = arith.constant 1 : i32
      scf.for %parallel_loop3A_566 = %parallel_loop3A_535 to %parallel_loop3A_536 step %parallel_loop3A_537  : i32 {
        %parallel_loop3A_567 = arith.addi %mul3A_520, %parallel_loop3A_566 : i32
        %parallel_loop3A_568 = arith.index_cast %parallel_loop3A_567 : i32 to index
        %parallel_loop3A_569 = arith.constant 0 : index
        %parallel_loop3A_570 = tpu.vector_load %arg7[%parallel_loop3A_568, %parallel_loop3A_569] {strides = array<i32>} : memref<32x1024xf32, #tpu.memory_space<vmem>>, vector<1x16xf32>,
        %parallel_loop3A_571 = vector.shape_cast %parallel_loop3A_570 : vector<1x16xf32> to vector<16xf32>
        %parallel_loop3A_572 = arith.index_cast %parallel_loop3A_566 : i32 to index
        %parallel_loop3A_573 = arith.constant 0 : index
        %parallel_loop3A_574 = tpu.vector_load %arg11[%parallel_loop3A_572, %parallel_loop3A_573] {strides = array<i32>} : memref<8x1024xf32, #tpu.memory_space<vmem>>, vector<1x16xf32>,
        %parallel_loop3A_575 = vector.shape_cast %parallel_loop3A_574 : vector<1x16xf32> to vector<16xf32>
        %parallel_loop3A_576 = vector.shape_cast %parallel_loop3A_571 : vector<16xf32> to vector<1x16xf32>
        tpu.vector_store %arg11[%parallel_loop3A_572, %parallel_loop3A_573], %parallel_loop3A_576 {add = true, strides = array<i32>} : memref<8x1024xf32, #tpu.memory_space<vmem>>, vector<1x16xf32>,
        %parallel_loop3A_577 = arith.addi %mul3A_520, %parallel_loop3A_566 : i32
        %parallel_loop3A_578 = arith.index_cast %parallel_loop3A_577 : i32 to index
        %parallel_loop3A_579 = arith.constant 16 : index
        %parallel_loop3A_580 = tpu.vector_load %arg7[%parallel_loop3A_578, %parallel_loop3A_579] {strides = array<i32>} : memref<32x1024xf32, #tpu.memory_space<vmem>>, vector<1x16xf32>,
        %parallel_loop3A_581 = vector.shape_cast %parallel_loop3A_580 : vector<1x16xf32> to vector<16xf32>
        %parallel_loop3A_582 = arith.index_cast %parallel_loop3A_566 : i32 to index
        %parallel_loop3A_583 = arith.constant 16 : index
        %parallel_loop3A_584 = tpu.vector_load %arg11[%parallel_loop3A_582, %parallel_loop3A_583] {strides = array<i32>} : memref<8x1024xf32, #tpu.memory_space<vmem>>, vector<1x16xf32>,
        %parallel_loop3A_585 = vector.shape_cast %parallel_loop3A_584 : vector<1x16xf32> to vector<16xf32>
        %parallel_loop3A_586 = vector.shape_cast %parallel_loop3A_581 : vector<16xf32> to vector<1x16xf32>
        tpu.vector_store %arg11[%parallel_loop3A_582, %parallel_loop3A_583], %parallel_loop3A_586 {add = true, strides = array<i32>} : memref<8x1024xf32, #tpu.memory_space<vmem>>, vector<1x16xf32>,
        %parallel_loop3A_587 = arith.addi %mul3A_520, %parallel_loop3A_566 : i32
        %parallel_loop3A_588 = arith.index_cast %parallel_loop3A_587 : i32 to index
        %parallel_loop3A_589 = arith.constant 32 : index
        %parallel_loop3A_590 = tpu.vector_load %arg7[%parallel_loop3A_588, %parallel_loop3A_589] {strides = array<i32>} : memref<32x1024xf32, #tpu.memory_space<vmem>>, vector<1x16xf32>,
        %parallel_loop3A_591 = vector.shape_cast %parallel_loop3A_590 : vector<1x16xf32> to vector<16xf32>
        %parallel_loop3A_592 = arith.index_cast %parallel_loop3A_566 : i32 to index
        %parallel_loop3A_593 = arith.constant 32 : index
        %parallel_loop3A_594 = tpu.vector_load %arg11[%parallel_loop3A_592, %parallel_loop3A_593] {strides = array<i32>} : memref<8x1024xf32, #tpu.memory_space<vmem>>, vector<1x16xf32>,
        %parallel_loop3A_595 = vector.shape_cast %parallel_loop3A_594 : vector<1x16xf32> to vector<16xf32>
        %parallel_loop3A_596 = vector.shape_cast %parallel_loop3A_591 : vector<16xf32> to vector<1x16xf32>
        tpu.vector_store %arg11[%parallel_loop3A_592, %parallel_loop3A_593], %parallel_loop3A_596 {add = true, strides = array<i32>} : memref<8x1024xf32, #tpu.memory_space<vmem>>, vector<1x16xf32>,
        %parallel_loop3A_597 = arith.addi %mul3A_520, %parallel_loop3A_566 : i32
        %parallel_loop3A_598 = arith.index_cast %parallel_loop3A_597 : i32 to index
        %parallel_loop3A_599 = arith.constant 48 : index
        %parallel_loop3A_600 = tpu.vector_load %arg7[%parallel_loop3A_598, %parallel_loop3A_599] {strides = array<i32>} : memref<32x1024xf32, #tpu.memory_space<vmem>>, vector<1x16xf32>,
        %parallel_loop3A_601 = vector.shape_cast %parallel_loop3A_600 : vector<1x16xf32> to vector<16xf32>
        %parallel_loop3A_602 = arith.index_cast %parallel_loop3A_566 : i32 to index
        %parallel_loop3A_603 = arith.constant 48 : index
        %parallel_loop3A_604 = tpu.vector_load %arg11[%parallel_loop3A_602, %parallel_loop3A_603] {strides = array<i32>} : memref<8x1024xf32, #tpu.memory_space<vmem>>, vector<1x16xf32>,
        %parallel_loop3A_605 = vector.shape_cast %parallel_loop3A_604 : vector<1x16xf32> to vector<16xf32>
        %parallel_loop3A_606 = vector.shape_cast %parallel_loop3A_601 : vector<16xf32> to vector<1x16xf32>
        tpu.vector_store %arg11[%parallel_loop3A_602, %parallel_loop3A_603], %parallel_loop3A_606 {add = true, strides = array<i32>} : memref<8x1024xf32, #tpu.memory_space<vmem>>, vector<1x16xf32>,
        %parallel_loop3A_607 = arith.addi %mul3A_520, %parallel_loop3A_566 : i32
        %parallel_loop3A_608 = arith.index_cast %parallel_loop3A_607 : i32 to index
        %parallel_loop3A_609 = arith.constant 64 : index
        %parallel_loop3A_610 = tpu.vector_load %arg7[%parallel_loop3A_608, %parallel_loop3A_609] {strides = array<i32>} : memref<32x1024xf32, #tpu.memory_space<vmem>>, vector<1x16xf32>,
        %parallel_loop3A_611 = vector.shape_cast %parallel_loop3A_610 : vector<1x16xf32> to vector<16xf32>
        %parallel_loop3A_612 = arith.index_cast %parallel_loop3A_566 : i32 to index
        %parallel_loop3A_613 = arith.constant 64 : index
        %parallel_loop3A_614 = tpu.vector_load %arg11[%parallel_loop3A_612, %parallel_loop3A_613] {strides = array<i32>} : memref<8x1024xf32, #tpu.memory_space<vmem>>, vector<1x16xf32>,
        %parallel_loop3A_615 = vector.shape_cast %parallel_loop3A_614 : vector<1x16xf32> to vector<16xf32>
        %parallel_loop3A_616 = vector.shape_cast %parallel_loop3A_611 : vector<16xf32> to vector<1x16xf32>
        tpu.vector_store %arg11[%parallel_loop3A_612, %parallel_loop3A_613], %parallel_loop3A_616 {add = true, strides = array<i32>} : memref<8x1024xf32, #tpu.memory_space<vmem>>, vector<1x16xf32>,
        %parallel_loop3A_617 = arith.addi %mul3A_520, %parallel_loop3A_566 : i32
        %parallel_loop3A_618 = arith.index_cast %parallel_loop3A_617 : i32 to index
        %parallel_loop3A_619 = arith.constant 80 : index
        %parallel_loop3A_620 = tpu.vector_load %arg7[%parallel_loop3A_618, %parallel_loop3A_619] {strides = array<i32>} : memref<32x1024xf32, #tpu.memory_space<vmem>>, vector<1x16xf32>,
        %parallel_loop3A_621 = vector.shape_cast %parallel_loop3A_620 : vector<1x16xf32> to vector<16xf32>
        %parallel_loop3A_622 = arith.index_cast %parallel_loop3A_566 : i32 to index
        %parallel_loop3A_623 = arith.constant 80 : index
        %parallel_loop3A_624 = tpu.vector_load %arg11[%parallel_loop3A_622, %parallel_loop3A_623] {strides = array<i32>} : memref<8x1024xf32, #tpu.memory_space<vmem>>, vector<1x16xf32>,
        %parallel_loop3A_625 = vector.shape_cast %parallel_loop3A_624 : vector<1x16xf32> to vector<16xf32>
        %parallel_loop3A_626 = vector.shape_cast %parallel_loop3A_621 : vector<16xf32> to vector<1x16xf32>
        tpu.vector_store %arg11[%parallel_loop3A_622, %parallel_loop3A_623], %parallel_loop3A_626 {add = true, strides = array<i32>} : memref<8x1024xf32, #tpu.memory_space<vmem>>, vector<1x16xf32>,
        %parallel_loop3A_627 = arith.addi %mul3A_520, %parallel_loop3A_566 : i32
        %parallel_loop3A_628 = arith.index_cast %parallel_loop3A_627 : i32 to index
        %parallel_loop3A_629 = arith.constant 96 : index
        %parallel_loop3A_630 = tpu.vector_load %arg7[%parallel_loop3A_628, %parallel_loop3A_629] {strides = array<i32>} : memref<32x1024xf32, #tpu.memory_space<vmem>>, vector<1x16xf32>,
        %parallel_loop3A_631 = vector.shape_cast %parallel_loop3A_630 : vector<1x16xf32> to vector<16xf32>
        %parallel_loop3A_632 = arith.index_cast %parallel_loop3A_566 : i32 to index
        %parallel_loop3A_633 = arith.constant 96 : index
        %parallel_loop3A_634 = tpu.vector_load %arg11[%parallel_loop3A_632, %parallel_loop3A_633] {strides = array<i32>} : memref<8x1024xf32, #tpu.memory_space<vmem>>, vector<1x16xf32>,
        %parallel_loop3A_635 = vector.shape_cast %parallel_loop3A_634 : vector<1x16xf32> to vector<16xf32>
        %parallel_loop3A_636 = vector.shape_cast %parallel_loop3A_631 : vector<16xf32> to vector<1x16xf32>
        tpu.vector_store %arg11[%parallel_loop3A_632, %parallel_loop3A_633], %parallel_loop3A_636 {add = true, strides = array<i32>} : memref<8x1024xf32, #tpu.memory_space<vmem>>, vector<1x16xf32>,
        %parallel_loop3A_637 = arith.addi %mul3A_520, %parallel_loop3A_566 : i32
        %parallel_loop3A_638 = arith.index_cast %parallel_loop3A_637 : i32 to index
        %parallel_loop3A_639 = arith.constant 112 : index
        %parallel_loop3A_640 = tpu.vector_load %arg7[%parallel_loop3A_638, %parallel_loop3A_639] {strides = array<i32>} : memref<32x1024xf32, #tpu.memory_space<vmem>>, vector<1x16xf32>,
        %parallel_loop3A_641 = vector.shape_cast %parallel_loop3A_640 : vector<1x16xf32> to vector<16xf32>
        %parallel_loop3A_642 = arith.index_cast %parallel_loop3A_566 : i32 to index
        %parallel_loop3A_643 = arith.constant 112 : index
        %parallel_loop3A_644 = tpu.vector_load %arg11[%parallel_loop3A_642, %parallel_loop3A_643] {strides = array<i32>} : memref<8x1024xf32, #tpu.memory_space<vmem>>, vector<1x16xf32>,
        %parallel_loop3A_645 = vector.shape_cast %parallel_loop3A_644 : vector<1x16xf32> to vector<16xf32>
        %parallel_loop3A_646 = vector.shape_cast %parallel_loop3A_641 : vector<16xf32> to vector<1x16xf32>
        tpu.vector_store %arg11[%parallel_loop3A_642, %parallel_loop3A_643], %parallel_loop3A_646 {add = true, strides = array<i32>} : memref<8x1024xf32, #tpu.memory_space<vmem>>, vector<1x16xf32>,
        %parallel_loop3A_647 = arith.addi %mul3A_520, %parallel_loop3A_566 : i32
        %parallel_loop3A_648 = arith.index_cast %parallel_loop3A_647 : i32 to index
        %parallel_loop3A_649 = arith.constant 128 : index
        %parallel_loop3A_650 = tpu.vector_load %arg7[%parallel_loop3A_648, %parallel_loop3A_649] {strides = array<i32>} : memref<32x1024xf32, #tpu.memory_space<vmem>>, vector<1x16xf32>,
        %parallel_loop3A_651 = vector.shape_cast %parallel_loop3A_650 : vector<1x16xf32> to vector<16xf32>
        %parallel_loop3A_652 = arith.index_cast %parallel_loop3A_566 : i32 to index
        %parallel_loop3A_653 = arith.constant 128 : index
        %parallel_loop3A_654 = tpu.vector_load %arg11[%parallel_loop3A_652, %parallel_loop3A_653] {strides = array<i32>} : memref<8x1024xf32, #tpu.memory_space<vmem>>, vector<1x16xf32>,
        %parallel_loop3A_655 = vector.shape_cast %parallel_loop3A_654 : vector<1x16xf32> to vector<16xf32>
        %parallel_loop3A_656 = vector.shape_cast %parallel_loop3A_651 : vector<16xf32> to vector<1x16xf32>
        tpu.vector_store %arg11[%parallel_loop3A_652, %parallel_loop3A_653], %parallel_loop3A_656 {add = true, strides = array<i32>} : memref<8x1024xf32, #tpu.memory_space<vmem>>, vector<1x16xf32>,
        %parallel_loop3A_657 = arith.addi %mul3A_520, %parallel_loop3A_566 : i32
        %parallel_loop3A_658 = arith.index_cast %parallel_loop3A_657 : i32 to index
        %parallel_loop3A_659 = arith.constant 144 : index
        %parallel_loop3A_660 = tpu.vector_load %arg7[%parallel_loop3A_658, %parallel_loop3A_659] {strides = array<i32>} : memref<32x1024xf32, #tpu.memory_space<vmem>>, vector<1x16xf32>,
        %parallel_loop3A_661 = vector.shape_cast %parallel_loop3A_660 : vector<1x16xf32> to vector<16xf32>
        %parallel_loop3A_662 = arith.index_cast %parallel_loop3A_566 : i32 to index
        %parallel_loop3A_663 = arith.constant 144 : index
        %parallel_loop3A_664 = tpu.vector_load %arg11[%parallel_loop3A_662, %parallel_loop3A_663] {strides = array<i32>} : memref<8x1024xf32, #tpu.memory_space<vmem>>, vector<1x16xf32>,
        %parallel_loop3A_665 = vector.shape_cast %parallel_loop3A_664 : vector<1x16xf32> to vector<16xf32>
        %parallel_loop3A_666 = vector.shape_cast %parallel_loop3A_661 : vector<16xf32> to vector<1x16xf32>
        tpu.vector_store %arg11[%parallel_loop3A_662, %parallel_loop3A_663], %parallel_loop3A_666 {add = true, strides = array<i32>} : memref<8x1024xf32, #tpu.memory_space<vmem>>, vector<1x16xf32>,
        %parallel_loop3A_667 = arith.addi %mul3A_520, %parallel_loop3A_566 : i32
        %parallel_loop3A_668 = arith.index_cast %parallel_loop3A_667 : i32 to index
        %parallel_loop3A_669 = arith.constant 160 : index
        %parallel_loop3A_670 = tpu.vector_load %arg7[%parallel_loop3A_668, %parallel_loop3A_669] {strides = array<i32>} : memref<32x1024xf32, #tpu.memory_space<vmem>>, vector<1x16xf32>,
        %parallel_loop3A_671 = vector.shape_cast %parallel_loop3A_670 : vector<1x16xf32> to vector<16xf32>
        %parallel_loop3A_672 = arith.index_cast %parallel_loop3A_566 : i32 to index
        %parallel_loop3A_673 = arith.constant 160 : index
        %parallel_loop3A_674 = tpu.vector_load %arg11[%parallel_loop3A_672, %parallel_loop3A_673] {strides = array<i32>} : memref<8x1024xf32, #tpu.memory_space<vmem>>, vector<1x16xf32>,
        %parallel_loop3A_675 = vector.shape_cast %parallel_loop3A_674 : vector<1x16xf32> to vector<16xf32>
        %parallel_loop3A_676 = vector.shape_cast %parallel_loop3A_671 : vector<16xf32> to vector<1x16xf32>
        tpu.vector_store %arg11[%parallel_loop3A_672, %parallel_loop3A_673], %parallel_loop3A_676 {add = true, strides = array<i32>} : memref<8x1024xf32, #tpu.memory_space<vmem>>, vector<1x16xf32>,
        %parallel_loop3A_677 = arith.addi %mul3A_520, %parallel_loop3A_566 : i32
        %parallel_loop3A_678 = arith.index_cast %parallel_loop3A_677 : i32 to index
        %parallel_loop3A_679 = arith.constant 176 : index
        %parallel_loop3A_680 = tpu.vector_load %arg7[%parallel_loop3A_678, %parallel_loop3A_679] {strides = array<i32>} : memref<32x1024xf32, #tpu.memory_space<vmem>>, vector<1x16xf32>,
        %parallel_loop3A_681 = vector.shape_cast %parallel_loop3A_680 : vector<1x16xf32> to vector<16xf32>
        %parallel_loop3A_682 = arith.index_cast %parallel_loop3A_566 : i32 to index
        %parallel_loop3A_683 = arith.constant 176 : index
        %parallel_loop3A_684 = tpu.vector_load %arg11[%parallel_loop3A_682, %parallel_loop3A_683] {strides = array<i32>} : memref<8x1024xf32, #tpu.memory_space<vmem>>, vector<1x16xf32>,
        %parallel_loop3A_685 = vector.shape_cast %parallel_loop3A_684 : vector<1x16xf32> to vector<16xf32>
        %parallel_loop3A_686 = vector.shape_cast %parallel_loop3A_681 : vector<16xf32> to vector<1x16xf32>
        tpu.vector_store %arg11[%parallel_loop3A_682, %parallel_loop3A_683], %parallel_loop3A_686 {add = true, strides = array<i32>} : memref<8x1024xf32, #tpu.memory_space<vmem>>, vector<1x16xf32>,
        %parallel_loop3A_687 = arith.addi %mul3A_520, %parallel_loop3A_566 : i32
        %parallel_loop3A_688 = arith.index_cast %parallel_loop3A_687 : i32 to index
        %parallel_loop3A_689 = arith.constant 192 : index
        %parallel_loop3A_690 = tpu.vector_load %arg7[%parallel_loop3A_688, %parallel_loop3A_689] {strides = array<i32>} : memref<32x1024xf32, #tpu.memory_space<vmem>>, vector<1x16xf32>,
        %parallel_loop3A_691 = vector.shape_cast %parallel_loop3A_690 : vector<1x16xf32> to vector<16xf32>
        %parallel_loop3A_692 = arith.index_cast %parallel_loop3A_566 : i32 to index
        %parallel_loop3A_693 = arith.constant 192 : index
        %parallel_loop3A_694 = tpu.vector_load %arg11[%parallel_loop3A_692, %parallel_loop3A_693] {strides = array<i32>} : memref<8x1024xf32, #tpu.memory_space<vmem>>, vector<1x16xf32>,
        %parallel_loop3A_695 = vector.shape_cast %parallel_loop3A_694 : vector<1x16xf32> to vector<16xf32>
        %parallel_loop3A_696 = vector.shape_cast %parallel_loop3A_691 : vector<16xf32> to vector<1x16xf32>
        tpu.vector_store %arg11[%parallel_loop3A_692, %parallel_loop3A_693], %parallel_loop3A_696 {add = true, strides = array<i32>} : memref<8x1024xf32, #tpu.memory_space<vmem>>, vector<1x16xf32>,
        %parallel_loop3A_697 = arith.addi %mul3A_520, %parallel_loop3A_566 : i32
        %parallel_loop3A_698 = arith.index_cast %parallel_loop3A_697 : i32 to index
        %parallel_loop3A_699 = arith.constant 208 : index
        %parallel_loop3A_700 = tpu.vector_load %arg7[%parallel_loop3A_698, %parallel_loop3A_699] {strides = array<i32>} : memref<32x1024xf32, #tpu.memory_space<vmem>>, vector<1x16xf32>,
        %parallel_loop3A_701 = vector.shape_cast %parallel_loop3A_700 : vector<1x16xf32> to vector<16xf32>
        %parallel_loop3A_702 = arith.index_cast %parallel_loop3A_566 : i32 to index
        %parallel_loop3A_703 = arith.constant 208 : index
        %parallel_loop3A_704 = tpu.vector_load %arg11[%parallel_loop3A_702, %parallel_loop3A_703] {strides = array<i32>} : memref<8x1024xf32, #tpu.memory_space<vmem>>, vector<1x16xf32>,
        %parallel_loop3A_705 = vector.shape_cast %parallel_loop3A_704 : vector<1x16xf32> to vector<16xf32>
        %parallel_loop3A_706 = vector.shape_cast %parallel_loop3A_701 : vector<16xf32> to vector<1x16xf32>
        tpu.vector_store %arg11[%parallel_loop3A_702, %parallel_loop3A_703], %parallel_loop3A_706 {add = true, strides = array<i32>} : memref<8x1024xf32, #tpu.memory_space<vmem>>, vector<1x16xf32>,
        %parallel_loop3A_707 = arith.addi %mul3A_520, %parallel_loop3A_566 : i32
        %parallel_loop3A_708 = arith.index_cast %parallel_loop3A_707 : i32 to index
        %parallel_loop3A_709 = arith.constant 224 : index
        %parallel_loop3A_710 = tpu.vector_load %arg7[%parallel_loop3A_708, %parallel_loop3A_709] {strides = array<i32>} : memref<32x1024xf32, #tpu.memory_space<vmem>>, vector<1x16xf32>,
        %parallel_loop3A_711 = vector.shape_cast %parallel_loop3A_710 : vector<1x16xf32> to vector<16xf32>
        %parallel_loop3A_712 = arith.index_cast %parallel_loop3A_566 : i32 to index
        %parallel_loop3A_713 = arith.constant 224 : index
        %parallel_loop3A_714 = tpu.vector_load %arg11[%parallel_loop3A_712, %parallel_loop3A_713] {strides = array<i32>} : memref<8x1024xf32, #tpu.memory_space<vmem>>, vector<1x16xf32>,
        %parallel_loop3A_715 = vector.shape_cast %parallel_loop3A_714 : vector<1x16xf32> to vector<16xf32>
        %parallel_loop3A_716 = vector.shape_cast %parallel_loop3A_711 : vector<16xf32> to vector<1x16xf32>
        tpu.vector_store %arg11[%parallel_loop3A_712, %parallel_loop3A_713], %parallel_loop3A_716 {add = true, strides = array<i32>} : memref<8x1024xf32, #tpu.memory_space<vmem>>, vector<1x16xf32>,
        %parallel_loop3A_717 = arith.addi %mul3A_520, %parallel_loop3A_566 : i32
        %parallel_loop3A_718 = arith.index_cast %parallel_loop3A_717 : i32 to index
        %parallel_loop3A_719 = arith.constant 240 : index
        %parallel_loop3A_720 = tpu.vector_load %arg7[%parallel_loop3A_718, %parallel_loop3A_719] {strides = array<i32>} : memref<32x1024xf32, #tpu.memory_space<vmem>>, vector<1x16xf32>,
        %parallel_loop3A_721 = vector.shape_cast %parallel_loop3A_720 : vector<1x16xf32> to vector<16xf32>
        %parallel_loop3A_722 = arith.index_cast %parallel_loop3A_566 : i32 to index
        %parallel_loop3A_723 = arith.constant 240 : index
        %parallel_loop3A_724 = tpu.vector_load %arg11[%parallel_loop3A_722, %parallel_loop3A_723] {strides = array<i32>} : memref<8x1024xf32, #tpu.memory_space<vmem>>, vector<1x16xf32>,
        %parallel_loop3A_725 = vector.shape_cast %parallel_loop3A_724 : vector<1x16xf32> to vector<16xf32>
        %parallel_loop3A_726 = vector.shape_cast %parallel_loop3A_721 : vector<16xf32> to vector<1x16xf32>
        tpu.vector_store %arg11[%parallel_loop3A_722, %parallel_loop3A_723], %parallel_loop3A_726 {add = true, strides = array<i32>} : memref<8x1024xf32, #tpu.memory_space<vmem>>, vector<1x16xf32>,
        %parallel_loop3A_727 = arith.addi %mul3A_520, %parallel_loop3A_566 : i32
        %parallel_loop3A_728 = arith.index_cast %parallel_loop3A_727 : i32 to index
        %parallel_loop3A_729 = arith.constant 256 : index
        %parallel_loop3A_730 = tpu.vector_load %arg7[%parallel_loop3A_728, %parallel_loop3A_729] {strides = array<i32>} : memref<32x1024xf32, #tpu.memory_space<vmem>>, vector<1x16xf32>,
        %parallel_loop3A_731 = vector.shape_cast %parallel_loop3A_730 : vector<1x16xf32> to vector<16xf32>
        %parallel_loop3A_732 = arith.index_cast %parallel_loop3A_566 : i32 to index
        %parallel_loop3A_733 = arith.constant 256 : index
        %parallel_loop3A_734 = tpu.vector_load %arg11[%parallel_loop3A_732, %parallel_loop3A_733] {strides = array<i32>} : memref<8x1024xf32, #tpu.memory_space<vmem>>, vector<1x16xf32>,
        %parallel_loop3A_735 = vector.shape_cast %parallel_loop3A_734 : vector<1x16xf32> to vector<16xf32>
        %parallel_loop3A_736 = vector.shape_cast %parallel_loop3A_731 : vector<16xf32> to vector<1x16xf32>
        tpu.vector_store %arg11[%parallel_loop3A_732, %parallel_loop3A_733], %parallel_loop3A_736 {add = true, strides = array<i32>} : memref<8x1024xf32, #tpu.memory_space<vmem>>, vector<1x16xf32>,
        %parallel_loop3A_737 = arith.addi %mul3A_520, %parallel_loop3A_566 : i32
        %parallel_loop3A_738 = arith.index_cast %parallel_loop3A_737 : i32 to index
        %parallel_loop3A_739 = arith.constant 272 : index
        %parallel_loop3A_740 = tpu.vector_load %arg7[%parallel_loop3A_738, %parallel_loop3A_739] {strides = array<i32>} : memref<32x1024xf32, #tpu.memory_space<vmem>>, vector<1x16xf32>,
        %parallel_loop3A_741 = vector.shape_cast %parallel_loop3A_740 : vector<1x16xf32> to vector<16xf32>
        %parallel_loop3A_742 = arith.index_cast %parallel_loop3A_566 : i32 to index
        %parallel_loop3A_743 = arith.constant 272 : index
        %parallel_loop3A_744 = tpu.vector_load %arg11[%parallel_loop3A_742, %parallel_loop3A_743] {strides = array<i32>} : memref<8x1024xf32, #tpu.memory_space<vmem>>, vector<1x16xf32>,
        %parallel_loop3A_745 = vector.shape_cast %parallel_loop3A_744 : vector<1x16xf32> to vector<16xf32>
        %parallel_loop3A_746 = vector.shape_cast %parallel_loop3A_741 : vector<16xf32> to vector<1x16xf32>
        tpu.vector_store %arg11[%parallel_loop3A_742, %parallel_loop3A_743], %parallel_loop3A_746 {add = true, strides = array<i32>} : memref<8x1024xf32, #tpu.memory_space<vmem>>, vector<1x16xf32>,
        %parallel_loop3A_747 = arith.addi %mul3A_520, %parallel_loop3A_566 : i32
        %parallel_loop3A_748 = arith.index_cast %parallel_loop3A_747 : i32 to index
        %parallel_loop3A_749 = arith.constant 288 : index
        %parallel_loop3A_750 = tpu.vector_load %arg7[%parallel_loop3A_748, %parallel_loop3A_749] {strides = array<i32>} : memref<32x1024xf32, #tpu.memory_space<vmem>>, vector<1x16xf32>,
        %parallel_loop3A_751 = vector.shape_cast %parallel_loop3A_750 : vector<1x16xf32> to vector<16xf32>
        %parallel_loop3A_752 = arith.index_cast %parallel_loop3A_566 : i32 to index
        %parallel_loop3A_753 = arith.constant 288 : index
        %parallel_loop3A_754 = tpu.vector_load %arg11[%parallel_loop3A_752, %parallel_loop3A_753] {strides = array<i32>} : memref<8x1024xf32, #tpu.memory_space<vmem>>, vector<1x16xf32>,
        %parallel_loop3A_755 = vector.shape_cast %parallel_loop3A_754 : vector<1x16xf32> to vector<16xf32>
        %parallel_loop3A_756 = vector.shape_cast %parallel_loop3A_751 : vector<16xf32> to vector<1x16xf32>
        tpu.vector_store %arg11[%parallel_loop3A_752, %parallel_loop3A_753], %parallel_loop3A_756 {add = true, strides = array<i32>} : memref<8x1024xf32, #tpu.memory_space<vmem>>, vector<1x16xf32>,
        %parallel_loop3A_757 = arith.addi %mul3A_520, %parallel_loop3A_566 : i32
        %parallel_loop3A_758 = arith.index_cast %parallel_loop3A_757 : i32 to index
        %parallel_loop3A_759 = arith.constant 304 : index
        %parallel_loop3A_760 = tpu.vector_load %arg7[%parallel_loop3A_758, %parallel_loop3A_759] {strides = array<i32>} : memref<32x1024xf32, #tpu.memory_space<vmem>>, vector<1x16xf32>,
        %parallel_loop3A_761 = vector.shape_cast %parallel_loop3A_760 : vector<1x16xf32> to vector<16xf32>
        %parallel_loop3A_762 = arith.index_cast %parallel_loop3A_566 : i32 to index
        %parallel_loop3A_763 = arith.constant 304 : index
        %parallel_loop3A_764 = tpu.vector_load %arg11[%parallel_loop3A_762, %parallel_loop3A_763] {strides = array<i32>} : memref<8x1024xf32, #tpu.memory_space<vmem>>, vector<1x16xf32>,
        %parallel_loop3A_765 = vector.shape_cast %parallel_loop3A_764 : vector<1x16xf32> to vector<16xf32>
        %parallel_loop3A_766 = vector.shape_cast %parallel_loop3A_761 : vector<16xf32> to vector<1x16xf32>
        tpu.vector_store %arg11[%parallel_loop3A_762, %parallel_loop3A_763], %parallel_loop3A_766 {add = true, strides = array<i32>} : memref<8x1024xf32, #tpu.memory_space<vmem>>, vector<1x16xf32>,
        %parallel_loop3A_767 = arith.addi %mul3A_520, %parallel_loop3A_566 : i32
        %parallel_loop3A_768 = arith.index_cast %parallel_loop3A_767 : i32 to index
        %parallel_loop3A_769 = arith.constant 320 : index
        %parallel_loop3A_770 = tpu.vector_load %arg7[%parallel_loop3A_768, %parallel_loop3A_769] {strides = array<i32>} : memref<32x1024xf32, #tpu.memory_space<vmem>>, vector<1x16xf32>,
        %parallel_loop3A_771 = vector.shape_cast %parallel_loop3A_770 : vector<1x16xf32> to vector<16xf32>
        %parallel_loop3A_772 = arith.index_cast %parallel_loop3A_566 : i32 to index
        %parallel_loop3A_773 = arith.constant 320 : index
        %parallel_loop3A_774 = tpu.vector_load %arg11[%parallel_loop3A_772, %parallel_loop3A_773] {strides = array<i32>} : memref<8x1024xf32, #tpu.memory_space<vmem>>, vector<1x16xf32>,
        %parallel_loop3A_775 = vector.shape_cast %parallel_loop3A_774 : vector<1x16xf32> to vector<16xf32>
        %parallel_loop3A_776 = vector.shape_cast %parallel_loop3A_771 : vector<16xf32> to vector<1x16xf32>
        tpu.vector_store %arg11[%parallel_loop3A_772, %parallel_loop3A_773], %parallel_loop3A_776 {add = true, strides = array<i32>} : memref<8x1024xf32, #tpu.memory_space<vmem>>, vector<1x16xf32>,
        %parallel_loop3A_777 = arith.addi %mul3A_520, %parallel_loop3A_566 : i32
        %parallel_loop3A_778 = arith.index_cast %parallel_loop3A_777 : i32 to index
        %parallel_loop3A_779 = arith.constant 336 : index
        %parallel_loop3A_780 = tpu.vector_load %arg7[%parallel_loop3A_778, %parallel_loop3A_779] {strides = array<i32>} : memref<32x1024xf32, #tpu.memory_space<vmem>>, vector<1x16xf32>,
        %parallel_loop3A_781 = vector.shape_cast %parallel_loop3A_780 : vector<1x16xf32> to vector<16xf32>
        %parallel_loop3A_782 = arith.index_cast %parallel_loop3A_566 : i32 to index
        %parallel_loop3A_783 = arith.constant 336 : index
        %parallel_loop3A_784 = tpu.vector_load %arg11[%parallel_loop3A_782, %parallel_loop3A_783] {strides = array<i32>} : memref<8x1024xf32, #tpu.memory_space<vmem>>, vector<1x16xf32>,
        %parallel_loop3A_785 = vector.shape_cast %parallel_loop3A_784 : vector<1x16xf32> to vector<16xf32>
        %parallel_loop3A_786 = vector.shape_cast %parallel_loop3A_781 : vector<16xf32> to vector<1x16xf32>
        tpu.vector_store %arg11[%parallel_loop3A_782, %parallel_loop3A_783], %parallel_loop3A_786 {add = true, strides = array<i32>} : memref<8x1024xf32, #tpu.memory_space<vmem>>, vector<1x16xf32>,
        %parallel_loop3A_787 = arith.addi %mul3A_520, %parallel_loop3A_566 : i32
        %parallel_loop3A_788 = arith.index_cast %parallel_loop3A_787 : i32 to index
        %parallel_loop3A_789 = arith.constant 352 : index
        %parallel_loop3A_790 = tpu.vector_load %arg7[%parallel_loop3A_788, %parallel_loop3A_789] {strides = array<i32>} : memref<32x1024xf32, #tpu.memory_space<vmem>>, vector<1x16xf32>,
        %parallel_loop3A_791 = vector.shape_cast %parallel_loop3A_790 : vector<1x16xf32> to vector<16xf32>
        %parallel_loop3A_792 = arith.index_cast %parallel_loop3A_566 : i32 to index
        %parallel_loop3A_793 = arith.constant 352 : index
        %parallel_loop3A_794 = tpu.vector_load %arg11[%parallel_loop3A_792, %parallel_loop3A_793] {strides = array<i32>} : memref<8x1024xf32, #tpu.memory_space<vmem>>, vector<1x16xf32>,
        %parallel_loop3A_795 = vector.shape_cast %parallel_loop3A_794 : vector<1x16xf32> to vector<16xf32>
        %parallel_loop3A_796 = vector.shape_cast %parallel_loop3A_791 : vector<16xf32> to vector<1x16xf32>
        tpu.vector_store %arg11[%parallel_loop3A_792, %parallel_loop3A_793], %parallel_loop3A_796 {add = true, strides = array<i32>} : memref<8x1024xf32, #tpu.memory_space<vmem>>, vector<1x16xf32>,
        %parallel_loop3A_797 = arith.addi %mul3A_520, %parallel_loop3A_566 : i32
        %parallel_loop3A_798 = arith.index_cast %parallel_loop3A_797 : i32 to index
        %parallel_loop3A_799 = arith.constant 368 : index
        %parallel_loop3A_800 = tpu.vector_load %arg7[%parallel_loop3A_798, %parallel_loop3A_799] {strides = array<i32>} : memref<32x1024xf32, #tpu.memory_space<vmem>>, vector<1x16xf32>,
        %parallel_loop3A_801 = vector.shape_cast %parallel_loop3A_800 : vector<1x16xf32> to vector<16xf32>
        %parallel_loop3A_802 = arith.index_cast %parallel_loop3A_566 : i32 to index
        %parallel_loop3A_803 = arith.constant 368 : index
        %parallel_loop3A_804 = tpu.vector_load %arg11[%parallel_loop3A_802, %parallel_loop3A_803] {strides = array<i32>} : memref<8x1024xf32, #tpu.memory_space<vmem>>, vector<1x16xf32>,
        %parallel_loop3A_805 = vector.shape_cast %parallel_loop3A_804 : vector<1x16xf32> to vector<16xf32>
        %parallel_loop3A_806 = vector.shape_cast %parallel_loop3A_801 : vector<16xf32> to vector<1x16xf32>
        tpu.vector_store %arg11[%parallel_loop3A_802, %parallel_loop3A_803], %parallel_loop3A_806 {add = true, strides = array<i32>} : memref<8x1024xf32, #tpu.memory_space<vmem>>, vector<1x16xf32>,
        %parallel_loop3A_807 = arith.addi %mul3A_520, %parallel_loop3A_566 : i32
        %parallel_loop3A_808 = arith.index_cast %parallel_loop3A_807 : i32 to index
        %parallel_loop3A_809 = arith.constant 384 : index
        %parallel_loop3A_810 = tpu.vector_load %arg7[%parallel_loop3A_808, %parallel_loop3A_809] {strides = array<i32>} : memref<32x1024xf32, #tpu.memory_space<vmem>>, vector<1x16xf32>,
        %parallel_loop3A_811 = vector.shape_cast %parallel_loop3A_810 : vector<1x16xf32> to vector<16xf32>
        %parallel_loop3A_812 = arith.index_cast %parallel_loop3A_566 : i32 to index
        %parallel_loop3A_813 = arith.constant 384 : index
        %parallel_loop3A_814 = tpu.vector_load %arg11[%parallel_loop3A_812, %parallel_loop3A_813] {strides = array<i32>} : memref<8x1024xf32, #tpu.memory_space<vmem>>, vector<1x16xf32>,
        %parallel_loop3A_815 = vector.shape_cast %parallel_loop3A_814 : vector<1x16xf32> to vector<16xf32>
        %parallel_loop3A_816 = vector.shape_cast %parallel_loop3A_811 : vector<16xf32> to vector<1x16xf32>
        tpu.vector_store %arg11[%parallel_loop3A_812, %parallel_loop3A_813], %parallel_loop3A_816 {add = true, strides = array<i32>} : memref<8x1024xf32, #tpu.memory_space<vmem>>, vector<1x16xf32>,
        %parallel_loop3A_817 = arith.addi %mul3A_520, %parallel_loop3A_566 : i32
        %parallel_loop3A_818 = arith.index_cast %parallel_loop3A_817 : i32 to index
        %parallel_loop3A_819 = arith.constant 400 : index
        %parallel_loop3A_820 = tpu.vector_load %arg7[%parallel_loop3A_818, %parallel_loop3A_819] {strides = array<i32>} : memref<32x1024xf32, #tpu.memory_space<vmem>>, vector<1x16xf32>,
        %parallel_loop3A_821 = vector.shape_cast %parallel_loop3A_820 : vector<1x16xf32> to vector<16xf32>
        %parallel_loop3A_822 = arith.index_cast %parallel_loop3A_566 : i32 to index
        %parallel_loop3A_823 = arith.constant 400 : index
        %parallel_loop3A_824 = tpu.vector_load %arg11[%parallel_loop3A_822, %parallel_loop3A_823] {strides = array<i32>} : memref<8x1024xf32, #tpu.memory_space<vmem>>, vector<1x16xf32>,
        %parallel_loop3A_825 = vector.shape_cast %parallel_loop3A_824 : vector<1x16xf32> to vector<16xf32>
        %parallel_loop3A_826 = vector.shape_cast %parallel_loop3A_821 : vector<16xf32> to vector<1x16xf32>
        tpu.vector_store %arg11[%parallel_loop3A_822, %parallel_loop3A_823], %parallel_loop3A_826 {add = true, strides = array<i32>} : memref<8x1024xf32, #tpu.memory_space<vmem>>, vector<1x16xf32>,
        %parallel_loop3A_827 = arith.addi %mul3A_520, %parallel_loop3A_566 : i32
        %parallel_loop3A_828 = arith.index_cast %parallel_loop3A_827 : i32 to index
        %parallel_loop3A_829 = arith.constant 416 : index
        %parallel_loop3A_830 = tpu.vector_load %arg7[%parallel_loop3A_828, %parallel_loop3A_829] {strides = array<i32>} : memref<32x1024xf32, #tpu.memory_space<vmem>>, vector<1x16xf32>,
        %parallel_loop3A_831 = vector.shape_cast %parallel_loop3A_830 : vector<1x16xf32> to vector<16xf32>
        %parallel_loop3A_832 = arith.index_cast %parallel_loop3A_566 : i32 to index
        %parallel_loop3A_833 = arith.constant 416 : index
        %parallel_loop3A_834 = tpu.vector_load %arg11[%parallel_loop3A_832, %parallel_loop3A_833] {strides = array<i32>} : memref<8x1024xf32, #tpu.memory_space<vmem>>, vector<1x16xf32>,
        %parallel_loop3A_835 = vector.shape_cast %parallel_loop3A_834 : vector<1x16xf32> to vector<16xf32>
        %parallel_loop3A_836 = vector.shape_cast %parallel_loop3A_831 : vector<16xf32> to vector<1x16xf32>
        tpu.vector_store %arg11[%parallel_loop3A_832, %parallel_loop3A_833], %parallel_loop3A_836 {add = true, strides = array<i32>} : memref<8x1024xf32, #tpu.memory_space<vmem>>, vector<1x16xf32>,
        %parallel_loop3A_837 = arith.addi %mul3A_520, %parallel_loop3A_566 : i32
        %parallel_loop3A_838 = arith.index_cast %parallel_loop3A_837 : i32 to index
        %parallel_loop3A_839 = arith.constant 432 : index
        %parallel_loop3A_840 = tpu.vector_load %arg7[%parallel_loop3A_838, %parallel_loop3A_839] {strides = array<i32>} : memref<32x1024xf32, #tpu.memory_space<vmem>>, vector<1x16xf32>,
        %parallel_loop3A_841 = vector.shape_cast %parallel_loop3A_840 : vector<1x16xf32> to vector<16xf32>
        %parallel_loop3A_842 = arith.index_cast %parallel_loop3A_566 : i32 to index
        %parallel_loop3A_843 = arith.constant 432 : index
        %parallel_loop3A_844 = tpu.vector_load %arg11[%parallel_loop3A_842, %parallel_loop3A_843] {strides = array<i32>} : memref<8x1024xf32, #tpu.memory_space<vmem>>, vector<1x16xf32>,
        %parallel_loop3A_845 = vector.shape_cast %parallel_loop3A_844 : vector<1x16xf32> to vector<16xf32>
        %parallel_loop3A_846 = vector.shape_cast %parallel_loop3A_841 : vector<16xf32> to vector<1x16xf32>
        tpu.vector_store %arg11[%parallel_loop3A_842, %parallel_loop3A_843], %parallel_loop3A_846 {add = true, strides = array<i32>} : memref<8x1024xf32, #tpu.memory_space<vmem>>, vector<1x16xf32>,
        %parallel_loop3A_847 = arith.addi %mul3A_520, %parallel_loop3A_566 : i32
        %parallel_loop3A_848 = arith.index_cast %parallel_loop3A_847 : i32 to index
        %parallel_loop3A_849 = arith.constant 448 : index
        %parallel_loop3A_850 = tpu.vector_load %arg7[%parallel_loop3A_848, %parallel_loop3A_849] {strides = array<i32>} : memref<32x1024xf32, #tpu.memory_space<vmem>>, vector<1x16xf32>,
        %parallel_loop3A_851 = vector.shape_cast %parallel_loop3A_850 : vector<1x16xf32> to vector<16xf32>
        %parallel_loop3A_852 = arith.index_cast %parallel_loop3A_566 : i32 to index
        %parallel_loop3A_853 = arith.constant 448 : index
        %parallel_loop3A_854 = tpu.vector_load %arg11[%parallel_loop3A_852, %parallel_loop3A_853] {strides = array<i32>} : memref<8x1024xf32, #tpu.memory_space<vmem>>, vector<1x16xf32>,
        %parallel_loop3A_855 = vector.shape_cast %parallel_loop3A_854 : vector<1x16xf32> to vector<16xf32>
        %parallel_loop3A_856 = vector.shape_cast %parallel_loop3A_851 : vector<16xf32> to vector<1x16xf32>
        tpu.vector_store %arg11[%parallel_loop3A_852, %parallel_loop3A_853], %parallel_loop3A_856 {add = true, strides = array<i32>} : memref<8x1024xf32, #tpu.memory_space<vmem>>, vector<1x16xf32>,
        %parallel_loop3A_857 = arith.addi %mul3A_520, %parallel_loop3A_566 : i32
        %parallel_loop3A_858 = arith.index_cast %parallel_loop3A_857 : i32 to index
        %parallel_loop3A_859 = arith.constant 464 : index
        %parallel_loop3A_860 = tpu.vector_load %arg7[%parallel_loop3A_858, %parallel_loop3A_859] {strides = array<i32>} : memref<32x1024xf32, #tpu.memory_space<vmem>>, vector<1x16xf32>,
        %parallel_loop3A_861 = vector.shape_cast %parallel_loop3A_860 : vector<1x16xf32> to vector<16xf32>
        %parallel_loop3A_862 = arith.index_cast %parallel_loop3A_566 : i32 to index
        %parallel_loop3A_863 = arith.constant 464 : index
        %parallel_loop3A_864 = tpu.vector_load %arg11[%parallel_loop3A_862, %parallel_loop3A_863] {strides = array<i32>} : memref<8x1024xf32, #tpu.memory_space<vmem>>, vector<1x16xf32>,
        %parallel_loop3A_865 = vector.shape_cast %parallel_loop3A_864 : vector<1x16xf32> to vector<16xf32>
        %parallel_loop3A_866 = vector.shape_cast %parallel_loop3A_861 : vector<16xf32> to vector<1x16xf32>
        tpu.vector_store %arg11[%parallel_loop3A_862, %parallel_loop3A_863], %parallel_loop3A_866 {add = true, strides = array<i32>} : memref<8x1024xf32, #tpu.memory_space<vmem>>, vector<1x16xf32>,
        %parallel_loop3A_867 = arith.addi %mul3A_520, %parallel_loop3A_566 : i32
        %parallel_loop3A_868 = arith.index_cast %parallel_loop3A_867 : i32 to index
        %parallel_loop3A_869 = arith.constant 480 : index
        %parallel_loop3A_870 = tpu.vector_load %arg7[%parallel_loop3A_868, %parallel_loop3A_869] {strides = array<i32>} : memref<32x1024xf32, #tpu.memory_space<vmem>>, vector<1x16xf32>,
        %parallel_loop3A_871 = vector.shape_cast %parallel_loop3A_870 : vector<1x16xf32> to vector<16xf32>
        %parallel_loop3A_872 = arith.index_cast %parallel_loop3A_566 : i32 to index
        %parallel_loop3A_873 = arith.constant 480 : index
        %parallel_loop3A_874 = tpu.vector_load %arg11[%parallel_loop3A_872, %parallel_loop3A_873] {strides = array<i32>} : memref<8x1024xf32, #tpu.memory_space<vmem>>, vector<1x16xf32>,
        %parallel_loop3A_875 = vector.shape_cast %parallel_loop3A_874 : vector<1x16xf32> to vector<16xf32>
        %parallel_loop3A_876 = vector.shape_cast %parallel_loop3A_871 : vector<16xf32> to vector<1x16xf32>
        tpu.vector_store %arg11[%parallel_loop3A_872, %parallel_loop3A_873], %parallel_loop3A_876 {add = true, strides = array<i32>} : memref<8x1024xf32, #tpu.memory_space<vmem>>, vector<1x16xf32>,
        %parallel_loop3A_877 = arith.addi %mul3A_520, %parallel_loop3A_566 : i32
        %parallel_loop3A_878 = arith.index_cast %parallel_loop3A_877 : i32 to index
        %parallel_loop3A_879 = arith.constant 496 : index
        %parallel_loop3A_880 = tpu.vector_load %arg7[%parallel_loop3A_878, %parallel_loop3A_879] {strides = array<i32>} : memref<32x1024xf32, #tpu.memory_space<vmem>>, vector<1x16xf32>,
        %parallel_loop3A_881 = vector.shape_cast %parallel_loop3A_880 : vector<1x16xf32> to vector<16xf32>
        %parallel_loop3A_882 = arith.index_cast %parallel_loop3A_566 : i32 to index
        %parallel_loop3A_883 = arith.constant 496 : index
        %parallel_loop3A_884 = tpu.vector_load %arg11[%parallel_loop3A_882, %parallel_loop3A_883] {strides = array<i32>} : memref<8x1024xf32, #tpu.memory_space<vmem>>, vector<1x16xf32>,
        %parallel_loop3A_885 = vector.shape_cast %parallel_loop3A_884 : vector<1x16xf32> to vector<16xf32>
        %parallel_loop3A_886 = vector.shape_cast %parallel_loop3A_881 : vector<16xf32> to vector<1x16xf32>
        tpu.vector_store %arg11[%parallel_loop3A_882, %parallel_loop3A_883], %parallel_loop3A_886 {add = true, strides = array<i32>} : memref<8x1024xf32, #tpu.memory_space<vmem>>, vector<1x16xf32>,
        %parallel_loop3A_887 = arith.addi %mul3A_520, %parallel_loop3A_566 : i32
        %parallel_loop3A_888 = arith.index_cast %parallel_loop3A_887 : i32 to index
        %parallel_loop3A_889 = arith.constant 512 : index
        %parallel_loop3A_890 = tpu.vector_load %arg7[%parallel_loop3A_888, %parallel_loop3A_889] {strides = array<i32>} : memref<32x1024xf32, #tpu.memory_space<vmem>>, vector<1x16xf32>,
        %parallel_loop3A_891 = vector.shape_cast %parallel_loop3A_890 : vector<1x16xf32> to vector<16xf32>
        %parallel_loop3A_892 = arith.index_cast %parallel_loop3A_566 : i32 to index
        %parallel_loop3A_893 = arith.constant 512 : index
        %parallel_loop3A_894 = tpu.vector_load %arg11[%parallel_loop3A_892, %parallel_loop3A_893] {strides = array<i32>} : memref<8x1024xf32, #tpu.memory_space<vmem>>, vector<1x16xf32>,
        %parallel_loop3A_895 = vector.shape_cast %parallel_loop3A_894 : vector<1x16xf32> to vector<16xf32>
        %parallel_loop3A_896 = vector.shape_cast %parallel_loop3A_891 : vector<16xf32> to vector<1x16xf32>
        tpu.vector_store %arg11[%parallel_loop3A_892, %parallel_loop3A_893], %parallel_loop3A_896 {add = true, strides = array<i32>} : memref<8x1024xf32, #tpu.memory_space<vmem>>, vector<1x16xf32>,
        %parallel_loop3A_897 = arith.addi %mul3A_520, %parallel_loop3A_566 : i32
        %parallel_loop3A_898 = arith.index_cast %parallel_loop3A_897 : i32 to index
        %parallel_loop3A_899 = arith.constant 528 : index
        %parallel_loop3A_900 = tpu.vector_load %arg7[%parallel_loop3A_898, %parallel_loop3A_899] {strides = array<i32>} : memref<32x1024xf32, #tpu.memory_space<vmem>>, vector<1x16xf32>,
        %parallel_loop3A_901 = vector.shape_cast %parallel_loop3A_900 : vector<1x16xf32> to vector<16xf32>
        %parallel_loop3A_902 = arith.index_cast %parallel_loop3A_566 : i32 to index
        %parallel_loop3A_903 = arith.constant 528 : index
        %parallel_loop3A_904 = tpu.vector_load %arg11[%parallel_loop3A_902, %parallel_loop3A_903] {strides = array<i32>} : memref<8x1024xf32, #tpu.memory_space<vmem>>, vector<1x16xf32>,
        %parallel_loop3A_905 = vector.shape_cast %parallel_loop3A_904 : vector<1x16xf32> to vector<16xf32>
        %parallel_loop3A_906 = vector.shape_cast %parallel_loop3A_901 : vector<16xf32> to vector<1x16xf32>
        tpu.vector_store %arg11[%parallel_loop3A_902, %parallel_loop3A_903], %parallel_loop3A_906 {add = true, strides = array<i32>} : memref<8x1024xf32, #tpu.memory_space<vmem>>, vector<1x16xf32>,
        %parallel_loop3A_907 = arith.addi %mul3A_520, %parallel_loop3A_566 : i32
        %parallel_loop3A_908 = arith.index_cast %parallel_loop3A_907 : i32 to index
        %parallel_loop3A_909 = arith.constant 544 : index
        %parallel_loop3A_910 = tpu.vector_load %arg7[%parallel_loop3A_908, %parallel_loop3A_909] {strides = array<i32>} : memref<32x1024xf32, #tpu.memory_space<vmem>>, vector<1x16xf32>,
        %parallel_loop3A_911 = vector.shape_cast %parallel_loop3A_910 : vector<1x16xf32> to vector<16xf32>
        %parallel_loop3A_912 = arith.index_cast %parallel_loop3A_566 : i32 to index
        %parallel_loop3A_913 = arith.constant 544 : index
        %parallel_loop3A_914 = tpu.vector_load %arg11[%parallel_loop3A_912, %parallel_loop3A_913] {strides = array<i32>} : memref<8x1024xf32, #tpu.memory_space<vmem>>, vector<1x16xf32>,
        %parallel_loop3A_915 = vector.shape_cast %parallel_loop3A_914 : vector<1x16xf32> to vector<16xf32>
        %parallel_loop3A_916 = vector.shape_cast %parallel_loop3A_911 : vector<16xf32> to vector<1x16xf32>
        tpu.vector_store %arg11[%parallel_loop3A_912, %parallel_loop3A_913], %parallel_loop3A_916 {add = true, strides = array<i32>} : memref<8x1024xf32, #tpu.memory_space<vmem>>, vector<1x16xf32>,
        %parallel_loop3A_917 = arith.addi %mul3A_520, %parallel_loop3A_566 : i32
        %parallel_loop3A_918 = arith.index_cast %parallel_loop3A_917 : i32 to index
        %parallel_loop3A_919 = arith.constant 560 : index
        %parallel_loop3A_920 = tpu.vector_load %arg7[%parallel_loop3A_918, %parallel_loop3A_919] {strides = array<i32>} : memref<32x1024xf32, #tpu.memory_space<vmem>>, vector<1x16xf32>,
        %parallel_loop3A_921 = vector.shape_cast %parallel_loop3A_920 : vector<1x16xf32> to vector<16xf32>
        %parallel_loop3A_922 = arith.index_cast %parallel_loop3A_566 : i32 to index
        %parallel_loop3A_923 = arith.constant 560 : index
        %parallel_loop3A_924 = tpu.vector_load %arg11[%parallel_loop3A_922, %parallel_loop3A_923] {strides = array<i32>} : memref<8x1024xf32, #tpu.memory_space<vmem>>, vector<1x16xf32>,
        %parallel_loop3A_925 = vector.shape_cast %parallel_loop3A_924 : vector<1x16xf32> to vector<16xf32>
        %parallel_loop3A_926 = vector.shape_cast %parallel_loop3A_921 : vector<16xf32> to vector<1x16xf32>
        tpu.vector_store %arg11[%parallel_loop3A_922, %parallel_loop3A_923], %parallel_loop3A_926 {add = true, strides = array<i32>} : memref<8x1024xf32, #tpu.memory_space<vmem>>, vector<1x16xf32>,
        %parallel_loop3A_927 = arith.addi %mul3A_520, %parallel_loop3A_566 : i32
        %parallel_loop3A_928 = arith.index_cast %parallel_loop3A_927 : i32 to index
        %parallel_loop3A_929 = arith.constant 576 : index
        %parallel_loop3A_930 = tpu.vector_load %arg7[%parallel_loop3A_928, %parallel_loop3A_929] {strides = array<i32>} : memref<32x1024xf32, #tpu.memory_space<vmem>>, vector<1x16xf32>,
        %parallel_loop3A_931 = vector.shape_cast %parallel_loop3A_930 : vector<1x16xf32> to vector<16xf32>
        %parallel_loop3A_932 = arith.index_cast %parallel_loop3A_566 : i32 to index
        %parallel_loop3A_933 = arith.constant 576 : index
        %parallel_loop3A_934 = tpu.vector_load %arg11[%parallel_loop3A_932, %parallel_loop3A_933] {strides = array<i32>} : memref<8x1024xf32, #tpu.memory_space<vmem>>, vector<1x16xf32>,
        %parallel_loop3A_935 = vector.shape_cast %parallel_loop3A_934 : vector<1x16xf32> to vector<16xf32>
        %parallel_loop3A_936 = vector.shape_cast %parallel_loop3A_931 : vector<16xf32> to vector<1x16xf32>
        tpu.vector_store %arg11[%parallel_loop3A_932, %parallel_loop3A_933], %parallel_loop3A_936 {add = true, strides = array<i32>} : memref<8x1024xf32, #tpu.memory_space<vmem>>, vector<1x16xf32>,
        %parallel_loop3A_937 = arith.addi %mul3A_520, %parallel_loop3A_566 : i32
        %parallel_loop3A_938 = arith.index_cast %parallel_loop3A_937 : i32 to index
        %parallel_loop3A_939 = arith.constant 592 : index
        %parallel_loop3A_940 = tpu.vector_load %arg7[%parallel_loop3A_938, %parallel_loop3A_939] {strides = array<i32>} : memref<32x1024xf32, #tpu.memory_space<vmem>>, vector<1x16xf32>,
        %parallel_loop3A_941 = vector.shape_cast %parallel_loop3A_940 : vector<1x16xf32> to vector<16xf32>
        %parallel_loop3A_942 = arith.index_cast %parallel_loop3A_566 : i32 to index
        %parallel_loop3A_943 = arith.constant 592 : index
        %parallel_loop3A_944 = tpu.vector_load %arg11[%parallel_loop3A_942, %parallel_loop3A_943] {strides = array<i32>} : memref<8x1024xf32, #tpu.memory_space<vmem>>, vector<1x16xf32>,
        %parallel_loop3A_945 = vector.shape_cast %parallel_loop3A_944 : vector<1x16xf32> to vector<16xf32>
        %parallel_loop3A_946 = vector.shape_cast %parallel_loop3A_941 : vector<16xf32> to vector<1x16xf32>
        tpu.vector_store %arg11[%parallel_loop3A_942, %parallel_loop3A_943], %parallel_loop3A_946 {add = true, strides = array<i32>} : memref<8x1024xf32, #tpu.memory_space<vmem>>, vector<1x16xf32>,
        %parallel_loop3A_947 = arith.addi %mul3A_520, %parallel_loop3A_566 : i32
        %parallel_loop3A_948 = arith.index_cast %parallel_loop3A_947 : i32 to index
        %parallel_loop3A_949 = arith.constant 608 : index
        %parallel_loop3A_950 = tpu.vector_load %arg7[%parallel_loop3A_948, %parallel_loop3A_949] {strides = array<i32>} : memref<32x1024xf32, #tpu.memory_space<vmem>>, vector<1x16xf32>,
        %parallel_loop3A_951 = vector.shape_cast %parallel_loop3A_950 : vector<1x16xf32> to vector<16xf32>
        %parallel_loop3A_952 = arith.index_cast %parallel_loop3A_566 : i32 to index
        %parallel_loop3A_953 = arith.constant 608 : index
        %parallel_loop3A_954 = tpu.vector_load %arg11[%parallel_loop3A_952, %parallel_loop3A_953] {strides = array<i32>} : memref<8x1024xf32, #tpu.memory_space<vmem>>, vector<1x16xf32>,
        %parallel_loop3A_955 = vector.shape_cast %parallel_loop3A_954 : vector<1x16xf32> to vector<16xf32>
        %parallel_loop3A_956 = vector.shape_cast %parallel_loop3A_951 : vector<16xf32> to vector<1x16xf32>
        tpu.vector_store %arg11[%parallel_loop3A_952, %parallel_loop3A_953], %parallel_loop3A_956 {add = true, strides = array<i32>} : memref<8x1024xf32, #tpu.memory_space<vmem>>, vector<1x16xf32>,
        %parallel_loop3A_957 = arith.addi %mul3A_520, %parallel_loop3A_566 : i32
        %parallel_loop3A_958 = arith.index_cast %parallel_loop3A_957 : i32 to index
        %parallel_loop3A_959 = arith.constant 624 : index
        %parallel_loop3A_960 = tpu.vector_load %arg7[%parallel_loop3A_958, %parallel_loop3A_959] {strides = array<i32>} : memref<32x1024xf32, #tpu.memory_space<vmem>>, vector<1x16xf32>,
        %parallel_loop3A_961 = vector.shape_cast %parallel_loop3A_960 : vector<1x16xf32> to vector<16xf32>
        %parallel_loop3A_962 = arith.index_cast %parallel_loop3A_566 : i32 to index
        %parallel_loop3A_963 = arith.constant 624 : index
        %parallel_loop3A_964 = tpu.vector_load %arg11[%parallel_loop3A_962, %parallel_loop3A_963] {strides = array<i32>} : memref<8x1024xf32, #tpu.memory_space<vmem>>, vector<1x16xf32>,
        %parallel_loop3A_965 = vector.shape_cast %parallel_loop3A_964 : vector<1x16xf32> to vector<16xf32>
        %parallel_loop3A_966 = vector.shape_cast %parallel_loop3A_961 : vector<16xf32> to vector<1x16xf32>
        tpu.vector_store %arg11[%parallel_loop3A_962, %parallel_loop3A_963], %parallel_loop3A_966 {add = true, strides = array<i32>} : memref<8x1024xf32, #tpu.memory_space<vmem>>, vector<1x16xf32>,
        %parallel_loop3A_967 = arith.addi %mul3A_520, %parallel_loop3A_566 : i32
        %parallel_loop3A_968 = arith.index_cast %parallel_loop3A_967 : i32 to index
        %parallel_loop3A_969 = arith.constant 640 : index
        %parallel_loop3A_970 = tpu.vector_load %arg7[%parallel_loop3A_968, %parallel_loop3A_969] {strides = array<i32>} : memref<32x1024xf32, #tpu.memory_space<vmem>>, vector<1x16xf32>,
        %parallel_loop3A_971 = vector.shape_cast %parallel_loop3A_970 : vector<1x16xf32> to vector<16xf32>
        %parallel_loop3A_972 = arith.index_cast %parallel_loop3A_566 : i32 to index
        %parallel_loop3A_973 = arith.constant 640 : index
        %parallel_loop3A_974 = tpu.vector_load %arg11[%parallel_loop3A_972, %parallel_loop3A_973] {strides = array<i32>} : memref<8x1024xf32, #tpu.memory_space<vmem>>, vector<1x16xf32>,
        %parallel_loop3A_975 = vector.shape_cast %parallel_loop3A_974 : vector<1x16xf32> to vector<16xf32>
        %parallel_loop3A_976 = vector.shape_cast %parallel_loop3A_971 : vector<16xf32> to vector<1x16xf32>
        tpu.vector_store %arg11[%parallel_loop3A_972, %parallel_loop3A_973], %parallel_loop3A_976 {add = true, strides = array<i32>} : memref<8x1024xf32, #tpu.memory_space<vmem>>, vector<1x16xf32>,
        %parallel_loop3A_977 = arith.addi %mul3A_520, %parallel_loop3A_566 : i32
        %parallel_loop3A_978 = arith.index_cast %parallel_loop3A_977 : i32 to index
        %parallel_loop3A_979 = arith.constant 656 : index
        %parallel_loop3A_980 = tpu.vector_load %arg7[%parallel_loop3A_978, %parallel_loop3A_979] {strides = array<i32>} : memref<32x1024xf32, #tpu.memory_space<vmem>>, vector<1x16xf32>,
        %parallel_loop3A_981 = vector.shape_cast %parallel_loop3A_980 : vector<1x16xf32> to vector<16xf32>
        %parallel_loop3A_982 = arith.index_cast %parallel_loop3A_566 : i32 to index
        %parallel_loop3A_983 = arith.constant 656 : index
        %parallel_loop3A_984 = tpu.vector_load %arg11[%parallel_loop3A_982, %parallel_loop3A_983] {strides = array<i32>} : memref<8x1024xf32, #tpu.memory_space<vmem>>, vector<1x16xf32>,
        %parallel_loop3A_985 = vector.shape_cast %parallel_loop3A_984 : vector<1x16xf32> to vector<16xf32>
        %parallel_loop3A_986 = vector.shape_cast %parallel_loop3A_981 : vector<16xf32> to vector<1x16xf32>
        tpu.vector_store %arg11[%parallel_loop3A_982, %parallel_loop3A_983], %parallel_loop3A_986 {add = true, strides = array<i32>} : memref<8x1024xf32, #tpu.memory_space<vmem>>, vector<1x16xf32>,
        %parallel_loop3A_987 = arith.addi %mul3A_520, %parallel_loop3A_566 : i32
        %parallel_loop3A_988 = arith.index_cast %parallel_loop3A_987 : i32 to index
        %parallel_loop3A_989 = arith.constant 672 : index
        %parallel_loop3A_990 = tpu.vector_load %arg7[%parallel_loop3A_988, %parallel_loop3A_989] {strides = array<i32>} : memref<32x1024xf32, #tpu.memory_space<vmem>>, vector<1x16xf32>,
        %parallel_loop3A_991 = vector.shape_cast %parallel_loop3A_990 : vector<1x16xf32> to vector<16xf32>
        %parallel_loop3A_992 = arith.index_cast %parallel_loop3A_566 : i32 to index
        %parallel_loop3A_993 = arith.constant 672 : index
        %parallel_loop3A_994 = tpu.vector_load %arg11[%parallel_loop3A_992, %parallel_loop3A_993] {strides = array<i32>} : memref<8x1024xf32, #tpu.memory_space<vmem>>, vector<1x16xf32>,
        %parallel_loop3A_995 = vector.shape_cast %parallel_loop3A_994 : vector<1x16xf32> to vector<16xf32>
        %parallel_loop3A_996 = vector.shape_cast %parallel_loop3A_991 : vector<16xf32> to vector<1x16xf32>
        tpu.vector_store %arg11[%parallel_loop3A_992, %parallel_loop3A_993], %parallel_loop3A_996 {add = true, strides = array<i32>} : memref<8x1024xf32, #tpu.memory_space<vmem>>, vector<1x16xf32>,
        %parallel_loop3A_997 = arith.addi %mul3A_520, %parallel_loop3A_566 : i32
        %parallel_loop3A_998 = arith.index_cast %parallel_loop3A_997 : i32 to index
        %parallel_loop3A_999 = arith.constant 688 : index
        %parallel_loop3A_1000 = tpu.vector_load %arg7[%parallel_loop3A_998, %parallel_loop3A_999] {strides = array<i32>} : memref<32x1024xf32, #tpu.memory_space<vmem>>, vector<1x16xf32>,
        %parallel_loop3A_1001 = vector.shape_cast %parallel_loop3A_1000 : vector<1x16xf32> to vector<16xf32>
        %parallel_loop3A_1002 = arith.index_cast %parallel_loop3A_566 : i32 to index
        %parallel_loop3A_1003 = arith.constant 688 : index
        %parallel_loop3A_1004 = tpu.vector_load %arg11[%parallel_loop3A_1002, %parallel_loop3A_1003] {strides = array<i32>} : memref<8x1024xf32, #tpu.memory_space<vmem>>, vector<1x16xf32>,
        %parallel_loop3A_1005 = vector.shape_cast %parallel_loop3A_1004 : vector<1x16xf32> to vector<16xf32>
        %parallel_loop3A_1006 = vector.shape_cast %parallel_loop3A_1001 : vector<16xf32> to vector<1x16xf32>
        tpu.vector_store %arg11[%parallel_loop3A_1002, %parallel_loop3A_1003], %parallel_loop3A_1006 {add = true, strides = array<i32>} : memref<8x1024xf32, #tpu.memory_space<vmem>>, vector<1x16xf32>,
        %parallel_loop3A_1007 = arith.addi %mul3A_520, %parallel_loop3A_566 : i32
        %parallel_loop3A_1008 = arith.index_cast %parallel_loop3A_1007 : i32 to index
        %parallel_loop3A_1009 = arith.constant 704 : index
        %parallel_loop3A_1010 = tpu.vector_load %arg7[%parallel_loop3A_1008, %parallel_loop3A_1009] {strides = array<i32>} : memref<32x1024xf32, #tpu.memory_space<vmem>>, vector<1x16xf32>,
        %parallel_loop3A_1011 = vector.shape_cast %parallel_loop3A_1010 : vector<1x16xf32> to vector<16xf32>
        %parallel_loop3A_1012 = arith.index_cast %parallel_loop3A_566 : i32 to index
        %parallel_loop3A_1013 = arith.constant 704 : index
        %parallel_loop3A_1014 = tpu.vector_load %arg11[%parallel_loop3A_1012, %parallel_loop3A_1013] {strides = array<i32>} : memref<8x1024xf32, #tpu.memory_space<vmem>>, vector<1x16xf32>,
        %parallel_loop3A_1015 = vector.shape_cast %parallel_loop3A_1014 : vector<1x16xf32> to vector<16xf32>
        %parallel_loop3A_1016 = vector.shape_cast %parallel_loop3A_1011 : vector<16xf32> to vector<1x16xf32>
        tpu.vector_store %arg11[%parallel_loop3A_1012, %parallel_loop3A_1013], %parallel_loop3A_1016 {add = true, strides = array<i32>} : memref<8x1024xf32, #tpu.memory_space<vmem>>, vector<1x16xf32>,
        %parallel_loop3A_1017 = arith.addi %mul3A_520, %parallel_loop3A_566 : i32
        %parallel_loop3A_1018 = arith.index_cast %parallel_loop3A_1017 : i32 to index
        %parallel_loop3A_1019 = arith.constant 720 : index
        %parallel_loop3A_1020 = tpu.vector_load %arg7[%parallel_loop3A_1018, %parallel_loop3A_1019] {strides = array<i32>} : memref<32x1024xf32, #tpu.memory_space<vmem>>, vector<1x16xf32>,
        %parallel_loop3A_1021 = vector.shape_cast %parallel_loop3A_1020 : vector<1x16xf32> to vector<16xf32>
        %parallel_loop3A_1022 = arith.index_cast %parallel_loop3A_566 : i32 to index
        %parallel_loop3A_1023 = arith.constant 720 : index
        %parallel_loop3A_1024 = tpu.vector_load %arg11[%parallel_loop3A_1022, %parallel_loop3A_1023] {strides = array<i32>} : memref<8x1024xf32, #tpu.memory_space<vmem>>, vector<1x16xf32>,
        %parallel_loop3A_1025 = vector.shape_cast %parallel_loop3A_1024 : vector<1x16xf32> to vector<16xf32>
        %parallel_loop3A_1026 = vector.shape_cast %parallel_loop3A_1021 : vector<16xf32> to vector<1x16xf32>
        tpu.vector_store %arg11[%parallel_loop3A_1022, %parallel_loop3A_1023], %parallel_loop3A_1026 {add = true, strides = array<i32>} : memref<8x1024xf32, #tpu.memory_space<vmem>>, vector<1x16xf32>,
        %parallel_loop3A_1027 = arith.addi %mul3A_520, %parallel_loop3A_566 : i32
        %parallel_loop3A_1028 = arith.index_cast %parallel_loop3A_1027 : i32 to index
        %parallel_loop3A_1029 = arith.constant 736 : index
        %parallel_loop3A_1030 = tpu.vector_load %arg7[%parallel_loop3A_1028, %parallel_loop3A_1029] {strides = array<i32>} : memref<32x1024xf32, #tpu.memory_space<vmem>>, vector<1x16xf32>,
        %parallel_loop3A_1031 = vector.shape_cast %parallel_loop3A_1030 : vector<1x16xf32> to vector<16xf32>
        %parallel_loop3A_1032 = arith.index_cast %parallel_loop3A_566 : i32 to index
        %parallel_loop3A_1033 = arith.constant 736 : index
        %parallel_loop3A_1034 = tpu.vector_load %arg11[%parallel_loop3A_1032, %parallel_loop3A_1033] {strides = array<i32>} : memref<8x1024xf32, #tpu.memory_space<vmem>>, vector<1x16xf32>,
        %parallel_loop3A_1035 = vector.shape_cast %parallel_loop3A_1034 : vector<1x16xf32> to vector<16xf32>
        %parallel_loop3A_1036 = vector.shape_cast %parallel_loop3A_1031 : vector<16xf32> to vector<1x16xf32>
        tpu.vector_store %arg11[%parallel_loop3A_1032, %parallel_loop3A_1033], %parallel_loop3A_1036 {add = true, strides = array<i32>} : memref<8x1024xf32, #tpu.memory_space<vmem>>, vector<1x16xf32>,
        %parallel_loop3A_1037 = arith.addi %mul3A_520, %parallel_loop3A_566 : i32
        %parallel_loop3A_1038 = arith.index_cast %parallel_loop3A_1037 : i32 to index
        %parallel_loop3A_1039 = arith.constant 752 : index
        %parallel_loop3A_1040 = tpu.vector_load %arg7[%parallel_loop3A_1038, %parallel_loop3A_1039] {strides = array<i32>} : memref<32x1024xf32, #tpu.memory_space<vmem>>, vector<1x16xf32>,
        %parallel_loop3A_1041 = vector.shape_cast %parallel_loop3A_1040 : vector<1x16xf32> to vector<16xf32>
        %parallel_loop3A_1042 = arith.index_cast %parallel_loop3A_566 : i32 to index
        %parallel_loop3A_1043 = arith.constant 752 : index
        %parallel_loop3A_1044 = tpu.vector_load %arg11[%parallel_loop3A_1042, %parallel_loop3A_1043] {strides = array<i32>} : memref<8x1024xf32, #tpu.memory_space<vmem>>, vector<1x16xf32>,
        %parallel_loop3A_1045 = vector.shape_cast %parallel_loop3A_1044 : vector<1x16xf32> to vector<16xf32>
        %parallel_loop3A_1046 = vector.shape_cast %parallel_loop3A_1041 : vector<16xf32> to vector<1x16xf32>
        tpu.vector_store %arg11[%parallel_loop3A_1042, %parallel_loop3A_1043], %parallel_loop3A_1046 {add = true, strides = array<i32>} : memref<8x1024xf32, #tpu.memory_space<vmem>>, vector<1x16xf32>,
        %parallel_loop3A_1047 = arith.addi %mul3A_520, %parallel_loop3A_566 : i32
        %parallel_loop3A_1048 = arith.index_cast %parallel_loop3A_1047 : i32 to index
        %parallel_loop3A_1049 = arith.constant 768 : index
        %parallel_loop3A_1050 = tpu.vector_load %arg7[%parallel_loop3A_1048, %parallel_loop3A_1049] {strides = array<i32>} : memref<32x1024xf32, #tpu.memory_space<vmem>>, vector<1x16xf32>,
        %parallel_loop3A_1051 = vector.shape_cast %parallel_loop3A_1050 : vector<1x16xf32> to vector<16xf32>
        %parallel_loop3A_1052 = arith.index_cast %parallel_loop3A_566 : i32 to index
        %parallel_loop3A_1053 = arith.constant 768 : index
        %parallel_loop3A_1054 = tpu.vector_load %arg11[%parallel_loop3A_1052, %parallel_loop3A_1053] {strides = array<i32>} : memref<8x1024xf32, #tpu.memory_space<vmem>>, vector<1x16xf32>,
        %parallel_loop3A_1055 = vector.shape_cast %parallel_loop3A_1054 : vector<1x16xf32> to vector<16xf32>
        %parallel_loop3A_1056 = vector.shape_cast %parallel_loop3A_1051 : vector<16xf32> to vector<1x16xf32>
        tpu.vector_store %arg11[%parallel_loop3A_1052, %parallel_loop3A_1053], %parallel_loop3A_1056 {add = true, strides = array<i32>} : memref<8x1024xf32, #tpu.memory_space<vmem>>, vector<1x16xf32>,
        %parallel_loop3A_1057 = arith.addi %mul3A_520, %parallel_loop3A_566 : i32
        %parallel_loop3A_1058 = arith.index_cast %parallel_loop3A_1057 : i32 to index
        %parallel_loop3A_1059 = arith.constant 784 : index
        %parallel_loop3A_1060 = tpu.vector_load %arg7[%parallel_loop3A_1058, %parallel_loop3A_1059] {strides = array<i32>} : memref<32x1024xf32, #tpu.memory_space<vmem>>, vector<1x16xf32>,
        %parallel_loop3A_1061 = vector.shape_cast %parallel_loop3A_1060 : vector<1x16xf32> to vector<16xf32>
        %parallel_loop3A_1062 = arith.index_cast %parallel_loop3A_566 : i32 to index
        %parallel_loop3A_1063 = arith.constant 784 : index
        %parallel_loop3A_1064 = tpu.vector_load %arg11[%parallel_loop3A_1062, %parallel_loop3A_1063] {strides = array<i32>} : memref<8x1024xf32, #tpu.memory_space<vmem>>, vector<1x16xf32>,
        %parallel_loop3A_1065 = vector.shape_cast %parallel_loop3A_1064 : vector<1x16xf32> to vector<16xf32>
        %parallel_loop3A_1066 = vector.shape_cast %parallel_loop3A_1061 : vector<16xf32> to vector<1x16xf32>
        tpu.vector_store %arg11[%parallel_loop3A_1062, %parallel_loop3A_1063], %parallel_loop3A_1066 {add = true, strides = array<i32>} : memref<8x1024xf32, #tpu.memory_space<vmem>>, vector<1x16xf32>,
        %parallel_loop3A_1067 = arith.addi %mul3A_520, %parallel_loop3A_566 : i32
        %parallel_loop3A_1068 = arith.index_cast %parallel_loop3A_1067 : i32 to index
        %parallel_loop3A_1069 = arith.constant 800 : index
        %parallel_loop3A_1070 = tpu.vector_load %arg7[%parallel_loop3A_1068, %parallel_loop3A_1069] {strides = array<i32>} : memref<32x1024xf32, #tpu.memory_space<vmem>>, vector<1x16xf32>,
        %parallel_loop3A_1071 = vector.shape_cast %parallel_loop3A_1070 : vector<1x16xf32> to vector<16xf32>
        %parallel_loop3A_1072 = arith.index_cast %parallel_loop3A_566 : i32 to index
        %parallel_loop3A_1073 = arith.constant 800 : index
        %parallel_loop3A_1074 = tpu.vector_load %arg11[%parallel_loop3A_1072, %parallel_loop3A_1073] {strides = array<i32>} : memref<8x1024xf32, #tpu.memory_space<vmem>>, vector<1x16xf32>,
        %parallel_loop3A_1075 = vector.shape_cast %parallel_loop3A_1074 : vector<1x16xf32> to vector<16xf32>
        %parallel_loop3A_1076 = vector.shape_cast %parallel_loop3A_1071 : vector<16xf32> to vector<1x16xf32>
        tpu.vector_store %arg11[%parallel_loop3A_1072, %parallel_loop3A_1073], %parallel_loop3A_1076 {add = true, strides = array<i32>} : memref<8x1024xf32, #tpu.memory_space<vmem>>, vector<1x16xf32>,
        %parallel_loop3A_1077 = arith.addi %mul3A_520, %parallel_loop3A_566 : i32
        %parallel_loop3A_1078 = arith.index_cast %parallel_loop3A_1077 : i32 to index
        %parallel_loop3A_1079 = arith.constant 816 : index
        %parallel_loop3A_1080 = tpu.vector_load %arg7[%parallel_loop3A_1078, %parallel_loop3A_1079] {strides = array<i32>} : memref<32x1024xf32, #tpu.memory_space<vmem>>, vector<1x16xf32>,
        %parallel_loop3A_1081 = vector.shape_cast %parallel_loop3A_1080 : vector<1x16xf32> to vector<16xf32>
        %parallel_loop3A_1082 = arith.index_cast %parallel_loop3A_566 : i32 to index
        %parallel_loop3A_1083 = arith.constant 816 : index
        %parallel_loop3A_1084 = tpu.vector_load %arg11[%parallel_loop3A_1082, %parallel_loop3A_1083] {strides = array<i32>} : memref<8x1024xf32, #tpu.memory_space<vmem>>, vector<1x16xf32>,
        %parallel_loop3A_1085 = vector.shape_cast %parallel_loop3A_1084 : vector<1x16xf32> to vector<16xf32>
        %parallel_loop3A_1086 = vector.shape_cast %parallel_loop3A_1081 : vector<16xf32> to vector<1x16xf32>
        tpu.vector_store %arg11[%parallel_loop3A_1082, %parallel_loop3A_1083], %parallel_loop3A_1086 {add = true, strides = array<i32>} : memref<8x1024xf32, #tpu.memory_space<vmem>>, vector<1x16xf32>,
        %parallel_loop3A_1087 = arith.addi %mul3A_520, %parallel_loop3A_566 : i32
        %parallel_loop3A_1088 = arith.index_cast %parallel_loop3A_1087 : i32 to index
        %parallel_loop3A_1089 = arith.constant 832 : index
        %parallel_loop3A_1090 = tpu.vector_load %arg7[%parallel_loop3A_1088, %parallel_loop3A_1089] {strides = array<i32>} : memref<32x1024xf32, #tpu.memory_space<vmem>>, vector<1x16xf32>,
        %parallel_loop3A_1091 = vector.shape_cast %parallel_loop3A_1090 : vector<1x16xf32> to vector<16xf32>
        %parallel_loop3A_1092 = arith.index_cast %parallel_loop3A_566 : i32 to index
        %parallel_loop3A_1093 = arith.constant 832 : index
        %parallel_loop3A_1094 = tpu.vector_load %arg11[%parallel_loop3A_1092, %parallel_loop3A_1093] {strides = array<i32>} : memref<8x1024xf32, #tpu.memory_space<vmem>>, vector<1x16xf32>,
        %parallel_loop3A_1095 = vector.shape_cast %parallel_loop3A_1094 : vector<1x16xf32> to vector<16xf32>
        %parallel_loop3A_1096 = vector.shape_cast %parallel_loop3A_1091 : vector<16xf32> to vector<1x16xf32>
        tpu.vector_store %arg11[%parallel_loop3A_1092, %parallel_loop3A_1093], %parallel_loop3A_1096 {add = true, strides = array<i32>} : memref<8x1024xf32, #tpu.memory_space<vmem>>, vector<1x16xf32>,
        %parallel_loop3A_1097 = arith.addi %mul3A_520, %parallel_loop3A_566 : i32
        %parallel_loop3A_1098 = arith.index_cast %parallel_loop3A_1097 : i32 to index
        %parallel_loop3A_1099 = arith.constant 848 : index
        %parallel_loop3A_1100 = tpu.vector_load %arg7[%parallel_loop3A_1098, %parallel_loop3A_1099] {strides = array<i32>} : memref<32x1024xf32, #tpu.memory_space<vmem>>, vector<1x16xf32>,
        %parallel_loop3A_1101 = vector.shape_cast %parallel_loop3A_1100 : vector<1x16xf32> to vector<16xf32>
        %parallel_loop3A_1102 = arith.index_cast %parallel_loop3A_566 : i32 to index
        %parallel_loop3A_1103 = arith.constant 848 : index
        %parallel_loop3A_1104 = tpu.vector_load %arg11[%parallel_loop3A_1102, %parallel_loop3A_1103] {strides = array<i32>} : memref<8x1024xf32, #tpu.memory_space<vmem>>, vector<1x16xf32>,
        %parallel_loop3A_1105 = vector.shape_cast %parallel_loop3A_1104 : vector<1x16xf32> to vector<16xf32>
        %parallel_loop3A_1106 = vector.shape_cast %parallel_loop3A_1101 : vector<16xf32> to vector<1x16xf32>
        tpu.vector_store %arg11[%parallel_loop3A_1102, %parallel_loop3A_1103], %parallel_loop3A_1106 {add = true, strides = array<i32>} : memref<8x1024xf32, #tpu.memory_space<vmem>>, vector<1x16xf32>,
        %parallel_loop3A_1107 = arith.addi %mul3A_520, %parallel_loop3A_566 : i32
        %parallel_loop3A_1108 = arith.index_cast %parallel_loop3A_1107 : i32 to index
        %parallel_loop3A_1109 = arith.constant 864 : index
        %parallel_loop3A_1110 = tpu.vector_load %arg7[%parallel_loop3A_1108, %parallel_loop3A_1109] {strides = array<i32>} : memref<32x1024xf32, #tpu.memory_space<vmem>>, vector<1x16xf32>,
        %parallel_loop3A_1111 = vector.shape_cast %parallel_loop3A_1110 : vector<1x16xf32> to vector<16xf32>
        %parallel_loop3A_1112 = arith.index_cast %parallel_loop3A_566 : i32 to index
        %parallel_loop3A_1113 = arith.constant 864 : index
        %parallel_loop3A_1114 = tpu.vector_load %arg11[%parallel_loop3A_1112, %parallel_loop3A_1113] {strides = array<i32>} : memref<8x1024xf32, #tpu.memory_space<vmem>>, vector<1x16xf32>,
        %parallel_loop3A_1115 = vector.shape_cast %parallel_loop3A_1114 : vector<1x16xf32> to vector<16xf32>
        %parallel_loop3A_1116 = vector.shape_cast %parallel_loop3A_1111 : vector<16xf32> to vector<1x16xf32>
        tpu.vector_store %arg11[%parallel_loop3A_1112, %parallel_loop3A_1113], %parallel_loop3A_1116 {add = true, strides = array<i32>} : memref<8x1024xf32, #tpu.memory_space<vmem>>, vector<1x16xf32>,
        %parallel_loop3A_1117 = arith.addi %mul3A_520, %parallel_loop3A_566 : i32
        %parallel_loop3A_1118 = arith.index_cast %parallel_loop3A_1117 : i32 to index
        %parallel_loop3A_1119 = arith.constant 880 : index
        %parallel_loop3A_1120 = tpu.vector_load %arg7[%parallel_loop3A_1118, %parallel_loop3A_1119] {strides = array<i32>} : memref<32x1024xf32, #tpu.memory_space<vmem>>, vector<1x16xf32>,
        %parallel_loop3A_1121 = vector.shape_cast %parallel_loop3A_1120 : vector<1x16xf32> to vector<16xf32>
        %parallel_loop3A_1122 = arith.index_cast %parallel_loop3A_566 : i32 to index
        %parallel_loop3A_1123 = arith.constant 880 : index
        %parallel_loop3A_1124 = tpu.vector_load %arg11[%parallel_loop3A_1122, %parallel_loop3A_1123] {strides = array<i32>} : memref<8x1024xf32, #tpu.memory_space<vmem>>, vector<1x16xf32>,
        %parallel_loop3A_1125 = vector.shape_cast %parallel_loop3A_1124 : vector<1x16xf32> to vector<16xf32>
        %parallel_loop3A_1126 = vector.shape_cast %parallel_loop3A_1121 : vector<16xf32> to vector<1x16xf32>
        tpu.vector_store %arg11[%parallel_loop3A_1122, %parallel_loop3A_1123], %parallel_loop3A_1126 {add = true, strides = array<i32>} : memref<8x1024xf32, #tpu.memory_space<vmem>>, vector<1x16xf32>,
        %parallel_loop3A_1127 = arith.addi %mul3A_520, %parallel_loop3A_566 : i32
        %parallel_loop3A_1128 = arith.index_cast %parallel_loop3A_1127 : i32 to index
        %parallel_loop3A_1129 = arith.constant 896 : index
        %parallel_loop3A_1130 = tpu.vector_load %arg7[%parallel_loop3A_1128, %parallel_loop3A_1129] {strides = array<i32>} : memref<32x1024xf32, #tpu.memory_space<vmem>>, vector<1x16xf32>,
        %parallel_loop3A_1131 = vector.shape_cast %parallel_loop3A_1130 : vector<1x16xf32> to vector<16xf32>
        %parallel_loop3A_1132 = arith.index_cast %parallel_loop3A_566 : i32 to index
        %parallel_loop3A_1133 = arith.constant 896 : index
        %parallel_loop3A_1134 = tpu.vector_load %arg11[%parallel_loop3A_1132, %parallel_loop3A_1133] {strides = array<i32>} : memref<8x1024xf32, #tpu.memory_space<vmem>>, vector<1x16xf32>,
        %parallel_loop3A_1135 = vector.shape_cast %parallel_loop3A_1134 : vector<1x16xf32> to vector<16xf32>
        %parallel_loop3A_1136 = vector.shape_cast %parallel_loop3A_1131 : vector<16xf32> to vector<1x16xf32>
        tpu.vector_store %arg11[%parallel_loop3A_1132, %parallel_loop3A_1133], %parallel_loop3A_1136 {add = true, strides = array<i32>} : memref<8x1024xf32, #tpu.memory_space<vmem>>, vector<1x16xf32>,
        %parallel_loop3A_1137 = arith.addi %mul3A_520, %parallel_loop3A_566 : i32
        %parallel_loop3A_1138 = arith.index_cast %parallel_loop3A_1137 : i32 to index
        %parallel_loop3A_1139 = arith.constant 912 : index
        %parallel_loop3A_1140 = tpu.vector_load %arg7[%parallel_loop3A_1138, %parallel_loop3A_1139] {strides = array<i32>} : memref<32x1024xf32, #tpu.memory_space<vmem>>, vector<1x16xf32>,
        %parallel_loop3A_1141 = vector.shape_cast %parallel_loop3A_1140 : vector<1x16xf32> to vector<16xf32>
        %parallel_loop3A_1142 = arith.index_cast %parallel_loop3A_566 : i32 to index
        %parallel_loop3A_1143 = arith.constant 912 : index
        %parallel_loop3A_1144 = tpu.vector_load %arg11[%parallel_loop3A_1142, %parallel_loop3A_1143] {strides = array<i32>} : memref<8x1024xf32, #tpu.memory_space<vmem>>, vector<1x16xf32>,
        %parallel_loop3A_1145 = vector.shape_cast %parallel_loop3A_1144 : vector<1x16xf32> to vector<16xf32>
        %parallel_loop3A_1146 = vector.shape_cast %parallel_loop3A_1141 : vector<16xf32> to vector<1x16xf32>
        tpu.vector_store %arg11[%parallel_loop3A_1142, %parallel_loop3A_1143], %parallel_loop3A_1146 {add = true, strides = array<i32>} : memref<8x1024xf32, #tpu.memory_space<vmem>>, vector<1x16xf32>,
        %parallel_loop3A_1147 = arith.addi %mul3A_520, %parallel_loop3A_566 : i32
        %parallel_loop3A_1148 = arith.index_cast %parallel_loop3A_1147 : i32 to index
        %parallel_loop3A_1149 = arith.constant 928 : index
        %parallel_loop3A_1150 = tpu.vector_load %arg7[%parallel_loop3A_1148, %parallel_loop3A_1149] {strides = array<i32>} : memref<32x1024xf32, #tpu.memory_space<vmem>>, vector<1x16xf32>,
        %parallel_loop3A_1151 = vector.shape_cast %parallel_loop3A_1150 : vector<1x16xf32> to vector<16xf32>
        %parallel_loop3A_1152 = arith.index_cast %parallel_loop3A_566 : i32 to index
        %parallel_loop3A_1153 = arith.constant 928 : index
        %parallel_loop3A_1154 = tpu.vector_load %arg11[%parallel_loop3A_1152, %parallel_loop3A_1153] {strides = array<i32>} : memref<8x1024xf32, #tpu.memory_space<vmem>>, vector<1x16xf32>,
        %parallel_loop3A_1155 = vector.shape_cast %parallel_loop3A_1154 : vector<1x16xf32> to vector<16xf32>
        %parallel_loop3A_1156 = vector.shape_cast %parallel_loop3A_1151 : vector<16xf32> to vector<1x16xf32>
        tpu.vector_store %arg11[%parallel_loop3A_1152, %parallel_loop3A_1153], %parallel_loop3A_1156 {add = true, strides = array<i32>} : memref<8x1024xf32, #tpu.memory_space<vmem>>, vector<1x16xf32>,
        %parallel_loop3A_1157 = arith.addi %mul3A_520, %parallel_loop3A_566 : i32
        %parallel_loop3A_1158 = arith.index_cast %parallel_loop3A_1157 : i32 to index
        %parallel_loop3A_1159 = arith.constant 944 : index
        %parallel_loop3A_1160 = tpu.vector_load %arg7[%parallel_loop3A_1158, %parallel_loop3A_1159] {strides = array<i32>} : memref<32x1024xf32, #tpu.memory_space<vmem>>, vector<1x16xf32>,
        %parallel_loop3A_1161 = vector.shape_cast %parallel_loop3A_1160 : vector<1x16xf32> to vector<16xf32>
        %parallel_loop3A_1162 = arith.index_cast %parallel_loop3A_566 : i32 to index
        %parallel_loop3A_1163 = arith.constant 944 : index
        %parallel_loop3A_1164 = tpu.vector_load %arg11[%parallel_loop3A_1162, %parallel_loop3A_1163] {strides = array<i32>} : memref<8x1024xf32, #tpu.memory_space<vmem>>, vector<1x16xf32>,
        %parallel_loop3A_1165 = vector.shape_cast %parallel_loop3A_1164 : vector<1x16xf32> to vector<16xf32>
        %parallel_loop3A_1166 = vector.shape_cast %parallel_loop3A_1161 : vector<16xf32> to vector<1x16xf32>
        tpu.vector_store %arg11[%parallel_loop3A_1162, %parallel_loop3A_1163], %parallel_loop3A_1166 {add = true, strides = array<i32>} : memref<8x1024xf32, #tpu.memory_space<vmem>>, vector<1x16xf32>,
        %parallel_loop3A_1167 = arith.addi %mul3A_520, %parallel_loop3A_566 : i32
        %parallel_loop3A_1168 = arith.index_cast %parallel_loop3A_1167 : i32 to index
        %parallel_loop3A_1169 = arith.constant 960 : index
        %parallel_loop3A_1170 = tpu.vector_load %arg7[%parallel_loop3A_1168, %parallel_loop3A_1169] {strides = array<i32>} : memref<32x1024xf32, #tpu.memory_space<vmem>>, vector<1x16xf32>,
        %parallel_loop3A_1171 = vector.shape_cast %parallel_loop3A_1170 : vector<1x16xf32> to vector<16xf32>
        %parallel_loop3A_1172 = arith.index_cast %parallel_loop3A_566 : i32 to index
        %parallel_loop3A_1173 = arith.constant 960 : index
        %parallel_loop3A_1174 = tpu.vector_load %arg11[%parallel_loop3A_1172, %parallel_loop3A_1173] {strides = array<i32>} : memref<8x1024xf32, #tpu.memory_space<vmem>>, vector<1x16xf32>,
        %parallel_loop3A_1175 = vector.shape_cast %parallel_loop3A_1174 : vector<1x16xf32> to vector<16xf32>
        %parallel_loop3A_1176 = vector.shape_cast %parallel_loop3A_1171 : vector<16xf32> to vector<1x16xf32>
        tpu.vector_store %arg11[%parallel_loop3A_1172, %parallel_loop3A_1173], %parallel_loop3A_1176 {add = true, strides = array<i32>} : memref<8x1024xf32, #tpu.memory_space<vmem>>, vector<1x16xf32>,
        %parallel_loop3A_1177 = arith.addi %mul3A_520, %parallel_loop3A_566 : i32
        %parallel_loop3A_1178 = arith.index_cast %parallel_loop3A_1177 : i32 to index
        %parallel_loop3A_1179 = arith.constant 976 : index
        %parallel_loop3A_1180 = tpu.vector_load %arg7[%parallel_loop3A_1178, %parallel_loop3A_1179] {strides = array<i32>} : memref<32x1024xf32, #tpu.memory_space<vmem>>, vector<1x16xf32>,
        %parallel_loop3A_1181 = vector.shape_cast %parallel_loop3A_1180 : vector<1x16xf32> to vector<16xf32>
        %parallel_loop3A_1182 = arith.index_cast %parallel_loop3A_566 : i32 to index
        %parallel_loop3A_1183 = arith.constant 976 : index
        %parallel_loop3A_1184 = tpu.vector_load %arg11[%parallel_loop3A_1182, %parallel_loop3A_1183] {strides = array<i32>} : memref<8x1024xf32, #tpu.memory_space<vmem>>, vector<1x16xf32>,
        %parallel_loop3A_1185 = vector.shape_cast %parallel_loop3A_1184 : vector<1x16xf32> to vector<16xf32>
        %parallel_loop3A_1186 = vector.shape_cast %parallel_loop3A_1181 : vector<16xf32> to vector<1x16xf32>
        tpu.vector_store %arg11[%parallel_loop3A_1182, %parallel_loop3A_1183], %parallel_loop3A_1186 {add = true, strides = array<i32>} : memref<8x1024xf32, #tpu.memory_space<vmem>>, vector<1x16xf32>,
        %parallel_loop3A_1187 = arith.addi %mul3A_520, %parallel_loop3A_566 : i32
        %parallel_loop3A_1188 = arith.index_cast %parallel_loop3A_1187 : i32 to index
        %parallel_loop3A_1189 = arith.constant 992 : index
        %parallel_loop3A_1190 = tpu.vector_load %arg7[%parallel_loop3A_1188, %parallel_loop3A_1189] {strides = array<i32>} : memref<32x1024xf32, #tpu.memory_space<vmem>>, vector<1x16xf32>,
        %parallel_loop3A_1191 = vector.shape_cast %parallel_loop3A_1190 : vector<1x16xf32> to vector<16xf32>
        %parallel_loop3A_1192 = arith.index_cast %parallel_loop3A_566 : i32 to index
        %parallel_loop3A_1193 = arith.constant 992 : index
        %parallel_loop3A_1194 = tpu.vector_load %arg11[%parallel_loop3A_1192, %parallel_loop3A_1193] {strides = array<i32>} : memref<8x1024xf32, #tpu.memory_space<vmem>>, vector<1x16xf32>,
        %parallel_loop3A_1195 = vector.shape_cast %parallel_loop3A_1194 : vector<1x16xf32> to vector<16xf32>
        %parallel_loop3A_1196 = vector.shape_cast %parallel_loop3A_1191 : vector<16xf32> to vector<1x16xf32>
        tpu.vector_store %arg11[%parallel_loop3A_1192, %parallel_loop3A_1193], %parallel_loop3A_1196 {add = true, strides = array<i32>} : memref<8x1024xf32, #tpu.memory_space<vmem>>, vector<1x16xf32>,
        %parallel_loop3A_1197 = arith.addi %mul3A_520, %parallel_loop3A_566 : i32
        %parallel_loop3A_1198 = arith.index_cast %parallel_loop3A_1197 : i32 to index
        %parallel_loop3A_1199 = arith.constant 1008 : index
        %parallel_loop3A_1200 = tpu.vector_load %arg7[%parallel_loop3A_1198, %parallel_loop3A_1199] {strides = array<i32>} : memref<32x1024xf32, #tpu.memory_space<vmem>>, vector<1x16xf32>,
        %parallel_loop3A_1201 = vector.shape_cast %parallel_loop3A_1200 : vector<1x16xf32> to vector<16xf32>
        %parallel_loop3A_1202 = arith.index_cast %parallel_loop3A_566 : i32 to index
        %parallel_loop3A_1203 = arith.constant 1008 : index
        %parallel_loop3A_1204 = tpu.vector_load %arg11[%parallel_loop3A_1202, %parallel_loop3A_1203] {strides = array<i32>} : memref<8x1024xf32, #tpu.memory_space<vmem>>, vector<1x16xf32>,
        %parallel_loop3A_1205 = vector.shape_cast %parallel_loop3A_1204 : vector<1x16xf32> to vector<16xf32>
        %parallel_loop3A_1206 = vector.shape_cast %parallel_loop3A_1201 : vector<16xf32> to vector<1x16xf32>
        tpu.vector_store %arg11[%parallel_loop3A_1202, %parallel_loop3A_1203], %parallel_loop3A_1206 {add = true, strides = array<i32>} : memref<8x1024xf32, #tpu.memory_space<vmem>>, vector<1x16xf32>,
      } {sc.loop_unroll_factor = 1 : i64, sc.parallel_access}
      %eq3A_538 = arith.constant 15 : i32
      %eq3A_539 = arith.cmpi eq, %add3A_433, %eq3A_538 : i32
      %convert_element_type3A_540 = arith.extui %eq3A_539 : i1 to i32
      %cond3A_541 = arith.constant 0 : i32
      %cond3A_542 = arith.cmpi ne, %convert_element_type3A_540, %cond3A_541 : i32
      scf.if %cond3A_542 {
        %add3A_566 = arith.constant 32 : i32
        %add3A_567 = arith.addi %mul3A_2, %add3A_566 : i32
        %dma_start3A_568 = arith.constant 0 : i32
        %dma_start3A_569 = tpu.memref_slice %arg4[%add3A_567, %dma_start3A_568] : memref<2048x1024xf32, #tpu.memory_space<hbm>> -> memref<32x1024xf32, #tpu.memory_space<hbm>>
        %dma_start3A_570 = arith.constant 0 : i32
        %dma_start3A_571 = tpu.memref_slice %arg4[%add3A_567, %dma_start3A_570] : memref<2048x1024xf32, #tpu.memory_space<hbm>> -> memref<32x1024xf32, #tpu.memory_space<hbm>>
        tpu.enqueue_dma source(%dma_start3A_571 : memref<32x1024xf32, #tpu.memory_space<hbm>>) target(%arg7 : memref<32x1024xf32, #tpu.memory_space<vmem>>) target_semaphore(%arg20 : memref<!tpu.dma_semaphore, #tpu.memory_space<semaphore_mem>>)
      } else {
      }
      %mul3A_543 = arith.constant 2048 : i32
      %mul3A_544 = arith.muli %select_n3A_497, %mul3A_543 : i32
      %add3A_545 = arith.addi %mul3A_544, %mul3A_2 : i32
      %add3A_546 = arith.addi %add3A_545, %add3A_518 : i32
      %dma_start3A_547 = arith.constant 0 : i32
      %dma_start3A_548 = tpu.memref_slice %arg5[%add3A_546, %dma_start3A_547] : memref<8192x1024xf32, #tpu.memory_space<hbm>> -> memref<8x1024xf32, #tpu.memory_space<hbm>>
      %dma_start3A_549 = arith.constant 0 : i32
      %dma_start3A_550 = tpu.memref_slice %arg5[%add3A_546, %dma_start3A_549] : memref<8192x1024xf32, #tpu.memory_space<hbm>> -> memref<8x1024xf32, #tpu.memory_space<hbm>>
      tpu.enqueue_dma source(%arg11 : memref<8x1024xf32, #tpu.memory_space<vmem>>) target(%dma_start3A_550 : memref<8x1024xf32, #tpu.memory_space<hbm>>) target_semaphore(%arg19 : memref<!tpu.dma_semaphore, #tpu.memory_space<semaphore_mem>>)
      %ge3A_551 = arith.constant 1 : i32
      %ge3A_552 = arith.cmpi sge, %add3A_433, %ge3A_551 : i32
      %convert_element_type3A_553 = arith.extui %ge3A_552 : i1 to i32
      %cond3A_554 = arith.constant 0 : i32
      %cond3A_555 = arith.cmpi ne, %convert_element_type3A_553, %cond3A_554 : i32
      scf.if %cond3A_555 {
        %dma_wait3A_566 = arith.constant 0 : i32
        %dma_wait3A_567 = arith.constant 0 : i32
        %dma_wait3A_568 = tpu.memref_slice %arg5[%dma_wait3A_566, %dma_wait3A_567] : memref<8192x1024xf32, #tpu.memory_space<hbm>> -> memref<8x1024xf32, #tpu.memory_space<hbm>>
        %dma_wait3A_569 = arith.constant 0 : i32
        %dma_wait3A_570 = arith.constant 0 : i32
        %dma_wait3A_571 = tpu.memref_slice %arg5[%dma_wait3A_569, %dma_wait3A_570] : memref<8192x1024xf32, #tpu.memory_space<hbm>> -> memref<8x1024xf32, #tpu.memory_space<hbm>>
        tpu.wait_dma2 semaphore(%arg18 : memref<!tpu.dma_semaphore, #tpu.memory_space<semaphore_mem>>) src(%arg10 : memref<8x1024xf32, #tpu.memory_space<vmem>>) dst(%dma_wait3A_571 : memref<8x1024xf32, #tpu.memory_space<hbm>>)
      } else {
      }
      %add3A_556 = arith.constant 4 : i32
      %add3A_557 = arith.addi %add3A_433, %add3A_556 : i32
      %sub3A_558 = arith.constant 1 : i32
      %sub3A_559 = arith.subi %add3A_557, %sub3A_558 : i32
      %lt3A_560 = arith.constant 32 : i32
      %lt3A_561 = arith.cmpi slt, %sub3A_559, %lt3A_560 : i32
      %convert_element_type3A_562 = arith.extui %lt3A_561 : i1 to i32
      %cond3A_563 = arith.constant 0 : i32
      %cond3A_564 = arith.cmpi ne, %convert_element_type3A_562, %cond3A_563 : i32
      scf.if %cond3A_564 {
        %add3A_566 = arith.constant 4 : i32
        %add3A_567 = arith.addi %add3A_433, %add3A_566 : i32
        %sub3A_568 = arith.constant 1 : i32
        %sub3A_569 = arith.subi %add3A_567, %sub3A_568 : i32
        %jit3A_570 = arith.constant 16 : i32
        %div3A_571 = arith.divsi %sub3A_569, %jit3A_570 : i32
        %sign3A_572 = arith.constant 0 : i32
        %sign3A_573 = arith.cmpi sgt, %sub3A_569, %sign3A_572 : i32
        %sign3A_574 = arith.extui %sign3A_573 : i1 to i32
        %sign3A_575 = arith.constant 0 : i32
        %sign3A_576 = arith.cmpi slt, %sub3A_569, %sign3A_575 : i32
        %sign3A_577 = arith.extui %sign3A_576 : i1 to i32
        %sign3A_578 = arith.subi %sign3A_574, %sign3A_577 : i32
        %sign3A_579 = arith.constant 0 : i32
        %sign3A_580 = arith.cmpi sgt, %jit3A_570, %sign3A_579 : i32
        %sign3A_581 = arith.extui %sign3A_580 : i1 to i32
        %sign3A_582 = arith.constant 0 : i32
        %sign3A_583 = arith.cmpi slt, %jit3A_570, %sign3A_582 : i32
        %sign3A_584 = arith.extui %sign3A_583 : i1 to i32
        %sign3A_585 = arith.subi %sign3A_581, %sign3A_584 : i32
        %ne3A_586 = arith.cmpi ne, %sign3A_578, %sign3A_585 : i32
        %rem3A_587 = arith.remsi %sub3A_569, %jit3A_570 : i32
        %ne3A_588 = arith.constant 0 : i32
        %ne3A_589 = arith.cmpi ne, %rem3A_587, %ne3A_588 : i32
        %and3A_590 = arith.andi %ne3A_586, %ne3A_589 : i1
        %sub3A_591 = arith.constant 1 : i32
        %sub3A_592 = arith.subi %div3A_571, %sub3A_591 : i32
        %select_n3A_593 = arith.select %and3A_590, %sub3A_592, %div3A_571 : i32
        %jit3A_594 = arith.constant 16 : i32
        %eq3A_595 = arith.constant 0 : i32
        %eq3A_596 = arith.cmpi eq, %jit3A_594, %eq3A_595 : i32
        %jit3A_597 = arith.constant 1 : i32
        %select_n3A_598 = arith.select %eq3A_596, %jit3A_597, %jit3A_594 : i32
        %rem3A_599 = arith.remsi %sub3A_569, %select_n3A_598 : i32
        %ne3A_600 = arith.constant 0 : i32
        %ne3A_601 = arith.cmpi ne, %rem3A_599, %ne3A_600 : i32
        %lt3A_602 = arith.constant 0 : i32
        %lt3A_603 = arith.cmpi slt, %rem3A_599, %lt3A_602 : i32
        %lt3A_604 = arith.constant 0 : i32
        %lt3A_605 = arith.cmpi slt, %select_n3A_598, %lt3A_604 : i32
        %ne3A_606 = arith.xori %lt3A_603, %lt3A_605 : i1
        %and3A_607 = arith.andi %ne3A_606, %ne3A_601 : i1
        %add3A_608 = arith.addi %rem3A_599, %select_n3A_598 : i32
        %select_n3A_609 = arith.select %and3A_607, %add3A_608, %rem3A_599 : i32
        %jit3A_610 = arith.constant 4 : i32
        %div3A_611 = arith.divsi %select_n3A_609, %jit3A_610 : i32
        %sign3A_612 = arith.constant 0 : i32
        %sign3A_613 = arith.cmpi sgt, %select_n3A_609, %sign3A_612 : i32
        %sign3A_614 = arith.extui %sign3A_613 : i1 to i32
        %sign3A_615 = arith.constant 0 : i32
        %sign3A_616 = arith.cmpi slt, %select_n3A_609, %sign3A_615 : i32
        %sign3A_617 = arith.extui %sign3A_616 : i1 to i32
        %sign3A_618 = arith.subi %sign3A_614, %sign3A_617 : i32
        %sign3A_619 = arith.constant 0 : i32
        %sign3A_620 = arith.cmpi sgt, %jit3A_610, %sign3A_619 : i32
        %sign3A_621 = arith.extui %sign3A_620 : i1 to i32
        %sign3A_622 = arith.constant 0 : i32
        %sign3A_623 = arith.cmpi slt, %jit3A_610, %sign3A_622 : i32
        %sign3A_624 = arith.extui %sign3A_623 : i1 to i32
        %sign3A_625 = arith.subi %sign3A_621, %sign3A_624 : i32
        %ne3A_626 = arith.cmpi ne, %sign3A_618, %sign3A_625 : i32
        %rem3A_627 = arith.remsi %select_n3A_609, %jit3A_610 : i32
        %ne3A_628 = arith.constant 0 : i32
        %ne3A_629 = arith.cmpi ne, %rem3A_627, %ne3A_628 : i32
        %and3A_630 = arith.andi %ne3A_626, %ne3A_629 : i1
        %sub3A_631 = arith.constant 1 : i32
        %sub3A_632 = arith.subi %div3A_611, %sub3A_631 : i32
        %select_n3A_633 = arith.select %and3A_630, %sub3A_632, %div3A_611 : i32
        %jit3A_634 = arith.constant 4 : i32
        %eq3A_635 = arith.constant 0 : i32
        %eq3A_636 = arith.cmpi eq, %jit3A_634, %eq3A_635 : i32
        %jit3A_637 = arith.constant 1 : i32
        %select_n3A_638 = arith.select %eq3A_636, %jit3A_637, %jit3A_634 : i32
        %rem3A_639 = arith.remsi %sub3A_569, %select_n3A_638 : i32
        %ne3A_640 = arith.constant 0 : i32
        %ne3A_641 = arith.cmpi ne, %rem3A_639, %ne3A_640 : i32
        %lt3A_642 = arith.constant 0 : i32
        %lt3A_643 = arith.cmpi slt, %rem3A_639, %lt3A_642 : i32
        %lt3A_644 = arith.constant 0 : i32
        %lt3A_645 = arith.cmpi slt, %select_n3A_638, %lt3A_644 : i32
        %ne3A_646 = arith.xori %lt3A_643, %lt3A_645 : i1
        %and3A_647 = arith.andi %ne3A_646, %ne3A_641 : i1
        %add3A_648 = arith.addi %rem3A_639, %select_n3A_638 : i32
        %select_n3A_649 = arith.select %and3A_647, %add3A_648, %rem3A_639 : i32
        %mul3A_650 = arith.constant 32 : i32
        %mul3A_651 = arith.muli %select_n3A_593, %mul3A_650 : i32
        %mul3A_652 = arith.constant 8 : i32
        %mul3A_653 = arith.muli %select_n3A_649, %mul3A_652 : i32
        %add3A_654 = arith.addi %mul3A_651, %mul3A_653 : i32
        %mul3A_655 = arith.constant 8 : i32
        %mul3A_656 = arith.muli %select_n3A_649, %mul3A_655 : i32
        %dma_start3A_657 = tpu.memref_slice %arg6[%select_n3A_633, %add3A_654] : memref<4x64xi32, #tpu.memory_space<vmem>> -> memref<1x8xi32, #tpu.memory_space<vmem>>
        %dma_start3A_658 = tpu.memref_squeeze %dma_start3A_657 : memref<1x8xi32, #tpu.memory_space<vmem>> -> memref<8xi32, #tpu.memory_space<vmem>>
        %dma_start3A_659 = arith.constant 0 : i32
        %dma_start3A_660 = arith.constant 0 : i32
        %dma_start3A_661 = tpu.memref_slice %arg3[%dma_start3A_659, %dma_start3A_660] : memref<100000x1024xf32, #tpu.memory_space<hbm>> -> memref<100000x1024xf32, #tpu.memory_space<hbm>>
        tpu.enqueue_indirect_dma source(%dma_start3A_661 : memref<100000x1024xf32, #tpu.memory_space<hbm>>) target(%arg10 : memref<8x1024xf32, #tpu.memory_space<vmem>>) offsets(%dma_start3A_658 : memref<8xi32, #tpu.memory_space<vmem>>) semaphore(%arg14 : memref<!tpu.dma_semaphore, #tpu.memory_space<semaphore_mem>>)
      } else {
      }
      %scan3A_565 = arith.constant 0 : i32
      scf.yield %scan3A_565 : i32
    }
    %scan3A_32 = arith.constant 8 : i32
    %dma_wait3A = arith.constant 0 : i32
    %dma_wait3A_33 = arith.constant 0 : i32
    %dma_wait3A_34 = tpu.memref_slice %arg5[%dma_wait3A, %dma_wait3A_33] : memref<8192x1024xf32, #tpu.memory_space<hbm>> -> memref<8x1024xf32, #tpu.memory_space<hbm>>
    %dma_wait3A_35 = arith.constant 0 : i32
    %dma_wait3A_36 = arith.constant 0 : i32
    %dma_wait3A_37 = tpu.memref_slice %arg5[%dma_wait3A_35, %dma_wait3A_36] : memref<8192x1024xf32, #tpu.memory_space<hbm>> -> memref<8x1024xf32, #tpu.memory_space<hbm>>
    tpu.wait_dma2 semaphore(%arg19 : memref<!tpu.dma_semaphore, #tpu.memory_space<semaphore_mem>>) src(%arg11 : memref<8x1024xf32, #tpu.memory_space<vmem>>) dst(%dma_wait3A_37 : memref<8x1024xf32, #tpu.memory_space<hbm>>)
    return
  }
}

</mosaic_0001>

<sc_bundles>
// kernel: _embed.3.cloned.1.call-start
scs
__scs_entry_jumppad:
0x0: {  	(pc) =	sbr.rel $0x88, $3  }
0x1: {  	(tag) =	ssettag $0x0;
	lr =	simm.s32 $0x1  }
0x2: {  	[smem:$0x3F9E] =	sst lr;
	_ =	strace $0xD0000000  }
0x3: {  	_ = 	snop  }
0x4: {  	_ = 	snop  }
0x5: {  	_ = 	snop  }
0x6: {  	_ = 	snop  }
0x7: {  	_ = 	snop  }
__scs_overlays_trampoline_lowered:
0x8: {  	[smem:$0x3FAD] =	sst s0  }
0x9: {  	[smem:$0x3FAE] =	sst s1  }
0xa: {  	[smem:$0x3FAF] =	sst s2  }
0xb: {  	[smem:$0x3FB0] =	sst s3  }
0xc: {  	[smem:$0x3FB1] =	sst s4  }
0xd: {  	[smem:$0x3FB2] =	sst s5  }
0xe: {  	[smem:$0x3FB3] =	sst s6  }
0xf: {  	[smem:$0x3FB4] =	sst s7  }
0x10: {  	[smem:$0x3FB5] =	sst s8  }
0x11: {  	[smem:$0x3FB6] =	sst s9;
	s0 =	simm.s32 @!p0 $0x0  }
0x12: {  	s1 =	sld [smem:$0x3F9C];
	s0 =	simm.s32 @p0 $0x1  }
0x13: {  	[smem:$0x3FB7] =	sst s0;
	s0 =	simm.s32 @!p1 $0x0  }
0x14: {  	s2 =	sld [smem:$0x3F9B];
	s0 =	simm.s32 @p1 $0x1  }
0x15: {  	[smem:$0x3FB8] =	sst s0;
	s0 =	simm.s32 @!p2 $0x0  }
0x16: {  	s3 =	sld [smem:$0x3FDB];
	s0 =	simm.s32 @p2 $0x1  }
0x17: {  	s4 =	simm.s32 $0x1BF5;
	[smem:$0x3FBA] =	sst s0  }
0x18: {  	s0 =	sld [smem:$0x3F9D];
	_ =	swait.ge [sflag:s4], $0x0  }
0x19: {  	s7 =	sld [smem:$0x3F9E]  }
0x1a: {  	s8 =	sadd.s32 $0xFFFFE003, lr  }
0x1b: {  	s9 =	sadd.s32 $0xFFFFFEF7, lr;
	s5 =	simm.s32 $0xFFFFFFFF;
	p2 =	slt.u32 s8, $0xFFFFF086  }
0x1c: {  	p1 =	slt.u32 s9, $0xF7A;
	s5 =	simm.s32 @!p2 $0x0  }
0x1d: {  	s5 =	simm.s32 @p1 $0x1;
	p0 =	seq.s32 s7, s2  }
0x1e: {  	s7 =	smul.u32 @!p0 $0xF7A, s2;
	p2 =	seq.s32 @!p0 s5, $0x0  }
0x1f: {  	s9 =	smul.u32 $0xF7A, s1;
	s8 =	simm.s32 @!p0 $0x1BF5;
	p2 =	por !p2, p0  }
0x20: {  	[sflag:s8] =	ssyncset.s32 @!p0 $0xFFFFF086;
	s6 =	sadd.s32 @!p0 s3, s7;
	s7 =	simm.s32 @!p0 $0x108  }
0x21: {  	s3 =	sadd.s32 s3, s9;
	s6 =	sadd.s32 @!p0 $0x88, s6;
	s7 =	simm.s32 @p2 $0x1082  }
0x22: {  	[simem:s7], [sflag:s8] =	dma.local @!p0 [hbm:s6], $0xF7A  }
0x23: {  	s9 =	sor.u32 $0xD0000000, s2;
	s6 =	simm.s32 $0x108;
	_ =	swait.ge @!p0 [sflag:s8], $0x0  }
0x24: {  	s3 =	sadd.s32 $0x88, s3;
	s6 =	simm.s32 @!p1 $0x1082;
	[sflag:s4] =	ssyncset.s32 $0xFFFFF086  }
0x25: {  	[simem:s6], [sflag:s4] =	dma.local [hbm:s3], $0xF7A  }
0x26: {  	[smem:$0x3F9E] =	sst s1;
	(tag) =	ssettag s2;
	_ =	strace s9  }
0x27: {  	s1 =	sld [smem:$0x3FAE]  }
0x28: {  	s2 =	sld [smem:$0x3FAF]  }
0x29: {  	s4 =	sld [smem:$0x3FB1]  }
0x2a: {  	p0 =	seq.s32 s5, $0x0;
	s5 =	sld [smem:$0x3FB2]  }
0x2b: {  	s6 =	sld [smem:$0x3FB3]  }
0x2c: {  	s7 =	sld [smem:$0x3FB4]  }
0x2d: {  	s3 =	simm.s32 $0x108;
	s8 =	sld [smem:$0x3FB5]  }
0x2e: {  	s3 =	simm.s32 @!p0 $0x1082;
	s9 =	sld [smem:$0x3FB6]  }
0x2f: {  	lr =	sadd.s32 s0, s3;
	s0 =	sld [smem:$0x3FAD]  }
0x30: {  	s3 =	sld [smem:$0x3FB0]  }
0x31: {  	[smem:$0x3FB9] =	sst s10  }
0x32: {  	s10 =	sld [smem:$0x3FB7];
	_ =	sdelay $0x3  }
0x33: {  	p0 =	seq.s32 s10, $0x1;
	s10 =	sld [smem:$0x3FB9];
	_ =	sdelay $0x3  }
0x34: {  	[smem:$0x3FB9] =	sst s10  }
0x35: {  	s10 =	sld [smem:$0x3FB8];
	_ =	sdelay $0x3  }
0x36: {  	p1 =	seq.s32 s10, $0x1;
	s10 =	sld [smem:$0x3FB9];
	_ =	sdelay $0x3  }
0x37: {  	[smem:$0x3FB9] =	sst s10  }
0x38: {  	s10 =	sld [smem:$0x3FBA]  }
0x39: {  	_ = 	snop;
	(pc) =	sbr.ind lr, $3  }
0x3a: {  	_ = 	snop  }
0x3b: {  	_ = 	snop  }
0x3c: {  	p2 =	seq.s32 s10, $0x1;
	s10 =	sld [smem:$0x3FB9]  }
0x3d: {  	_ =	shalt  }
0x3e: {  	_ =	shalt  }
0x3f: {  	_ =	shalt  }
0x40: {  	_ =	shalt  }
0x41: {  	_ =	shalt  }
0x42: {  	_ =	shalt  }
0x43: {  	_ =	shalt  }
0x44: {  	_ =	shalt  }
0x45: {  	_ =	shalt  }
0x46: {  	_ =	shalt  }
0x47: {  	_ =	shalt  }
0x48: {  	_ =	shalt  }
0x49: {  	_ =	shalt  }
0x4a: {  	_ =	shalt  }
0x4b: {  	_ =	shalt  }
0x4c: {  	_ =	shalt  }
0x4d: {  	_ =	shalt  }
0x4e: {  	_ =	shalt  }
0x4f: {  	_ =	shalt  }
0x50: {  	_ =	shalt  }
0x51: {  	_ =	shalt  }
0x52: {  	_ =	shalt  }
0x53: {  	_ =	shalt  }
0x54: {  	_ =	shalt  }
0x55: {  	_ =	shalt  }
0x56: {  	_ =	shalt  }
0x57: {  	_ =	shalt  }
0x58: {  	_ =	shalt  }
0x59: {  	_ =	shalt  }
0x5a: {  	_ =	shalt  }
0x5b: {  	_ =	shalt  }
0x5c: {  	_ =	shalt  }
0x5d: {  	_ =	shalt  }
0x5e: {  	_ =	shalt  }
0x5f: {  	_ =	shalt  }
0x60: {  	_ =	shalt  }
0x61: {  	_ =	shalt  }
0x62: {  	_ =	shalt  }
0x63: {  	_ =	shalt  }
0x64: {  	_ =	shalt  }
0x65: {  	_ =	shalt  }
0x66: {  	_ =	shalt  }
0x67: {  	_ =	shalt  }
0x68: {  	_ =	shalt  }
0x69: {  	_ =	shalt  }
0x6a: {  	_ =	shalt  }
0x6b: {  	_ =	shalt  }
0x6c: {  	_ =	shalt  }
0x6d: {  	_ =	shalt  }
0x6e: {  	_ =	shalt  }
0x6f: {  	_ =	shalt  }
0x70: {  	_ =	shalt  }
0x71: {  	_ =	shalt  }
0x72: {  	_ =	shalt  }
0x73: {  	_ =	shalt  }
0x74: {  	_ =	shalt  }
0x75: {  	_ =	shalt  }
0x76: {  	_ =	shalt  }
0x77: {  	_ =	shalt  }
0x78: {  	_ =	shalt  }
0x79: {  	_ =	shalt  }
0x7a: {  	_ =	shalt  }
0x7b: {  	_ =	shalt  }
0x7c: {  	_ =	shalt  }
0x7d: {  	_ =	shalt  }
0x7e: {  	_ =	shalt  }
0x7f: {  	_ =	shalt  }
0x80: {  	_ =	shalt  }
0x81: {  	_ =	shalt  }
0x82: {  	_ =	shalt  }
0x83: {  	_ =	shalt  }
0x84: {  	_ =	shalt  }
0x85: {  	_ =	shalt  }
0x86: {  	_ =	shalt  }
0x87: {  	_ =	shalt  }
.Lfunc_end0:
.L_simem_size_0:
called_computation_lowered:
.L_overlay_start_0:
0x88: {  	s2 =	sld [smem:$0x3FD9]  }
0x89: {  	s3 =	sld [smem:$0x3FFE];
	_ =	sdelay $0x1  }
0x8a: {  	s1 =	srdreg.scid  }
0x8b: {  	s0 =	sand.u32 $0x1, s1  }
0x8c: {  	s18 =	sshll.u32 s0, $0xA;
	s2 =	sadd.s32 s3, s2  }
0x8d: {  	s2 =	sadd.s32 s2, s18  }
0x8e: {  	[smem:$0x3FC5] =	sst s2  }
0x8f: {  	_ = 	snop  }
0x90: {  	s2 =	sld [smem:$0x3FC9]  }
0x91: {  	s19 =	sld [smem:$0x3FC8]  }
0x92: {  	s4 =	sld [smem:$0x3FC7]  }
0x93: {  	s5 =	sld [smem:$0x3FD0];
	(tm) =	ssettm $0x1  }
0x94: {  	s6 =	sld [smem:$0x3FFB];
	_ =	sdelay $0x3  }
0x95: {  	_ =	strace s6  }
0x96: {  	s6 =	sld [smem:$0x3FFC];
	_ =	sdelay $0x3  }
0x97: {  	_ =	strace s6  }
0x98: {  	s6 =	sld [smem:$0x3FFD];
	_ =	sdelay $0x3  }
0x99: {  	_ =	strace s6  }
0x9a: {  	_ =	strace $0x8FFFFFFF  }
0x9b: {  	s20 =	sld [smem:$0x3FDB];
	_ =	sdelay $0x1  }
0x9c: {  	s7 =	simm.s32 $_scs_section_size  }
0x9d: {  	s8 =	simm.s32 $_size__tile_overlayer_lowered;
	s9 =	simm.s32 $_tile_overlayer_lowered  }
0x9e: {  	s23 =	simm.s32 $0x1BFF;
	s22 =	sshll.u32 s9, $0x1;
	s6 =	sadd.s32 s7, s20  }
0x9f: {  	s10 =	simm.s32 $0x0;
	s21 =	sshll.u32 s8, $0x1;
	s8 =	sadd.s32 s22, s6  }
0xa0: {  	[timem:s10], [sflag:s23] =	dma.local [hbm:s8], s21  }
0xa1: {  	_ =	swait.ge [sflag:s23], s21  }
0xa2: {  	s7 =	ssub.s32 $0x0, s21;
	[sflag:s23] =	ssyncset.done $0x0  }
0xa3: {  	[sflag:s23] =	ssyncadd.s32 s7;
	_ =	sdelay $0x1  }
0xa4: {  	s24 =	simm.s32 $0x1B8B  }
0xa5: {  	_ =	swait.ge [sflag:s24], $0x1  }
0xa6: {  	[sflag:s24] =	ssyncset.done $0x0  }
0xa7: {  	s25 =	simm.s32 $0x1B8E;
	[sflag:s24] =	ssyncadd.s32 $0xFFFFFFFF  }
0xa8: {  	s26 =	simm.s32 $execute0_lowered;
	[smem:$0x3FD2] =	sst s25  }
0xa9: {  	s7 =	sshll.u32 s26, $0x1;
	_ =	strace $0x80000046;
	[dreg:$0x1] =	wrdreg $0xFFFFFFFF  }
0xaa: {  	s28 =	simm.s32 $_size_execute0_lowered;
	s6 =	sadd.s32 s6, s7;
	[dreg:$0x0] =	wrdreg $0x0  }
0xab: {  	s7 =	sshll.u32 s28, $0x1;
	[dreg:$0x2] =	wrdreg s6  }
0xac: {  	[dreg:$0x3] =	wrdreg s7  }
0xad: {  	[dreg:$0x4] =	wrdreg $0xC0  }
0xae: {  	_ =	task [dreg:s10], $0x5FFFF  }
0xaf: {  	[dreg:$0x1] =	wrdreg $0xFFFFFFFF  }
0xb0: {  	[dreg:$0x0] =	wrdreg $0x60  }
0xb1: {  	[dreg:$0x2] =	wrdreg s2  }
0xb2: {  	[dreg:$0x3] =	wrdreg s19  }
0xb3: {  	[dreg:$0x4] =	wrdreg s4  }
0xb4: {  	[dreg:$0x5] =	wrdreg s5  }
0xb5: {  	[dreg:$0x6] =	wrdreg $0x9  }
0xb6: {  	_ =	task.clear_ibuf [dreg:s10], $0x7FFFF;
	_ =	strace $0x90000046  }
0xb7: {  	s29 =	simm.s32 $0x9;
	_ =	strace $0x80000048  }
0xb8: {  	_ =	swait.ge [sflag:s29], $0x1  }
0xb9: {  	[sflag:s29] =	ssyncadd.s32 $0xFFFFFFFF  }
0xba: {  	_ =	strace $0x90000048  }
0xbb: {  	_ =	sfence  }
0xbc: {  	s30 =	sld [smem:$0x0];
	_ =	sdelay $0x2  }
0xbd: {  	s31 =	sshll.u32 s1, $0xD;
	s1 =	sshrl.u32 s1, $0x2  }
0xbe: {  	s3 =	sand.u32 $0x4000, s31;
	s1 =	sadd.s32 s1, s30  }
0xbf: {  	s0 =	sor.u32 s3, s0;
	s1 =	sshll.u32 s1, $0x11  }
0xc0: {  	s0 =	sor.u32 s1, s0  }
0xc1: {  	s0 =	sadd.s32 $0x8F2B, s0  }
0xc2: {  	[sflag:s0] =	ssyncadd.remote.s32 $0x1  }
0xc3: {  	_ =	sfence.sel $0xFFFF  }
0xc4: {  	[dreg:$0x0] =	wrdreg $0xFFFFFFFF;
	(pc) =	sbr.abs _section_cstart, $3  }
0xc5: {  	[dreg:$0x1] =	wrdreg $0xFFFFFFFF  }
0xc6: {  	_ =	task.clear_ibuf [dreg:s10], $0x2FFFF;
	_ =	strace $0x9FFFFFFF  }
0xc7: {  	(tm) =	ssettm $0x7FFFFFFF  }
tec
execute0_lowered:
.L_overlay_start_1:
0x0: {  	(tag) =	ssettag $0x1  }
0x1: {  	s0 =	rddreg [dreg:$0x0]  }
0x2: {  	s1 =	rddreg [dreg:$0x1]  }
0x3: {  	s2 =	rddreg [dreg:$0x2]  }
0x4: {  	s3 =	rddreg [dreg:$0x3]  }
0x5: {  	s5 =	srdreg.scid;
	s6 =	stileid.u32  }
0x6: {  	s4 =	simm.s32 $0x0;
	s15 =	simm.s32 $0x8200;
	s19 =	simm.s32 $0xA200  }
0x7: {  	s23 =	simm.s32 $0xC200;
	s28 =	simm.s32 $0x1;
	s29 =	simm.s32 $0xE200  }
0x8: {  	s30 =	simm.s32 $0xEA00;
	s31 =	simm.s32 $0xF200;
	s14 =	simm.s32 $0x5  }
0x9: {  	s16 =	simm.s32 $0x3;
	s17 =	simm.s32 $0x6;
	s18 =	simm.s32 $0x4  }
0xa: {  	s20 =	simm.s32 $0x7;
	s12 =	simm.s32 $0x0;
	s5 =	sand.u32 $0x1, s5  }
0xb: {  	s6 =	sshll.u32 s6, $0x1;
	[smem:$0x7FF] =	sst s4;
	s9 =	sadd.s32 $0x200, s1  }
0xc: {  	s10 =	sadd.s32 $0x300, s1;
	s7 =	ssub.s32 $0x2, s5;
	s6 =	sor.u32 s5, s6  }
0xd: {  	_ =	strace $0x80000047;
	s8 =	sshrl.u32 s7, $0x1;
	s5 =	sshll.u32 s6, $0x6  }
.Ltmp0:
0xe: {  	s25 =	sshll.u32 s6, $0xD;
	s0 =	sadd.s32 s0, s5;
	(pc) =	sbr.rel .LBB2_1-.Ltmp0, $4  }
0xf: {  	s7 =	ssub.s32 s7, s8;
	s8 =	sadd.s32 $0x100, s1;
	[dreg:$0x5] =	wrdreg s0  }
0x10: {  	v0 =	vlaneseq.u32;
	s0 =	sadd.s32 s2, s25;
	s26 =	smax.u32 s7, $0x1;
	s25 =	simm.s32 $0xD200  }
0x11: {  	v1 =	vshrl.u32 v0, $0x3;
	v0 =	vand.u32 $0x7, v0;
	s2 =	simm.s32 $0x2;
	[dreg:$0x6] =	wrdreg s0;
	s11 =	sadd.s32 $0x1000, s0  }
0x12: {  	vm0 =	vmmov $0xffff;
	[tilespmem:$0x1FFF0] =	vst v0;
	v1 =	vmul.u32 $0x8, v1;
	[dreg:$0x7] =	wrdreg s26;
	s26 =	simm.s32 $0xDA00;
	s0 =	simm.s32 $0xFA00  }
.LBB2_12:
0x13: {  	s7 =	simm.s32 $0x8  }
0x14: {  	_ =	swait.ge [sflag:s7], $0x2000  }
0x15: {  	s12 =	rddreg [dreg:$0x8]  }
0x16: {  	s6 =	rddreg [dreg:$0x7];
	s12 =	sadd.s32 $0x1, s12  }
0x17: {  	p0 =	sne.s32 s12, s6  }
.Ltmp1:
0x18: {  	_ = 	snop;
	(pc) =	sbr.rel @!p0 .LBB2_13-.Ltmp1, $3  }
0x19: {  	_ =	sdelay $0x1  }
0x1a: {  	[sflag:s7] =	ssyncset.done $0x0  }
0x1b: {  	[sflag:s7] =	ssyncadd.s32 $0xFFFFE000  }
.LBB2_1:
0x1c: {  	[dreg:$0x8] =	wrdreg s12  }
0x1d: {  	s6 =	rddreg [dreg:$0x5];
	s21 =	simm.s32 $0xA  }
0x1e: {  	[tilespmem:s4], [sflag:$0xA] =	stream.linear.gather [hbm4b:s6+s4], $0x200, $0x38;
	[tilespmem:$0x10200] =	vst v63  }
0x1f: {  	_ =	swait.ge [sflag:s21], $0x200  }
0x20: {  	[sflag:s21] =	ssyncset.done $0x0  }
0x21: {  	s7 =	simm.s32 $0x200;
	s22 =	rddreg [dreg:$0x6];
	[sflag:s21] =	ssyncadd.s32 $0xFFFFFE00  }
0x22: {  	[tilespmem:s7], [sflag:$0x9] =	stream.linear.gather [hbm4b:s22+s4], $0x8000, $0x38;
	[tilespmem:$0x10200] =	vst v63  }
0x23: {  	v2 =	vld.msk [tilespmem:$0x0], $0xff;
	_ =	sdelay $0x2  }
0x24: {  	v0 =	vld [tilespmem:$0x1FFF0];
	_ =	sdelay $0x1  }
0x25: {  	v3 =	vshll.u32 v2, $0x3  }
0x26: {  	v2 =	vand.u32 $0x7, v2;
	v3 =	vand.u32 $0xFFFFFFC0, v3  }
0x27: {  	v2 =	vor.u32 v2, v3  }
0x28: {  	v2 =	vperm.xlane v2, v0;
	_ =	sdelay $0x1  }
0x29: {  	v2 =	vadd.s32 v1, v2;
	_ =	sdelay $0x4  }
0x2a: {  	[tilespmem:s15], [sflag:$0x1] =	stream.indirect_vreg.gather [hbm4b:s1+s4], $0x80, v2, vm0, $0xb8;
	[tilespmem:$0x10200] =	vst v63  }
0x2b: {  	s24 =	simm.s32 $0x8A00  }
0x2c: {  	[tilespmem:s24], [sflag:$0x1] =	stream.indirect_vreg.gather [hbm4b:s8+s4], $0x80, v2, vm0, $0xb8;
	[tilespmem:$0x10200] =	vst v63  }
0x2d: {  	s7 =	simm.s32 $0x9200  }
0x2e: {  	[tilespmem:s7], [sflag:$0x1] =	stream.indirect_vreg.gather [hbm4b:s9+s4], $0x80, v2, vm0, $0xb8;
	[tilespmem:$0x10200] =	vst v63  }
0x2f: {  	s12 =	simm.s32 $0x9A00  }
0x30: {  	[tilespmem:s12], [sflag:$0x1] =	stream.indirect_vreg.gather [hbm4b:s10+s4], $0x80, v2, vm0, $0xb8;
	[tilespmem:$0x10200] =	vst v63  }
0x31: {  	v2 =	vld.msk [tilespmem:$0x8], $0xff;
	_ =	sdelay $0x4  }
0x32: {  	v3 =	vshll.u32 v2, $0x3  }
0x33: {  	v2 =	vand.u32 $0x7, v2;
	v3 =	vand.u32 $0xFFFFFFC0, v3  }
0x34: {  	v2 =	vor.u32 v2, v3  }
0x35: {  	v2 =	vperm.xlane v2, v0;
	_ =	sdelay $0x1  }
0x36: {  	v2 =	vadd.s32 v1, v2;
	_ =	sdelay $0x4  }
0x37: {  	[tilespmem:s19], [sflag:$0x2] =	stream.indirect_vreg.gather [hbm4b:s1+s4], $0x80, v2, vm0, $0xb8;
	[tilespmem:$0x10200] =	vst v63  }
0x38: {  	s13 =	simm.s32 $0xAA00  }
0x39: {  	[tilespmem:s13], [sflag:$0x2] =	stream.indirect_vreg.gather [hbm4b:s8+s4], $0x80, v2, vm0, $0xb8;
	[tilespmem:$0x10200] =	vst v63  }
0x3a: {  	s21 =	simm.s32 $0xB200  }
0x3b: {  	[tilespmem:s21], [sflag:$0x2] =	stream.indirect_vreg.gather [hbm4b:s9+s4], $0x80, v2, vm0, $0xb8;
	[tilespmem:$0x10200] =	vst v63  }
0x3c: {  	s22 =	simm.s32 $0xBA00  }
0x3d: {  	[tilespmem:s22], [sflag:$0x2] =	stream.indirect_vreg.gather [hbm4b:s10+s4], $0x80, v2, vm0, $0xb8;
	[tilespmem:$0x10200] =	vst v63  }
0x3e: {  	v2 =	vld.msk [tilespmem:$0x10], $0xff;
	_ =	sdelay $0x4  }
0x3f: {  	v3 =	vshll.u32 v2, $0x3  }
0x40: {  	v2 =	vand.u32 $0x7, v2;
	v3 =	vand.u32 $0xFFFFFFC0, v3  }
0x41: {  	v2 =	vor.u32 v2, v3  }
0x42: {  	v2 =	vperm.xlane v2, v0;
	_ =	sdelay $0x1  }
0x43: {  	v2 =	vadd.s32 v1, v2;
	_ =	sdelay $0x4  }
0x44: {  	[tilespmem:s23], [sflag:$0x3] =	stream.indirect_vreg.gather [hbm4b:s1+s4], $0x80, v2, vm0, $0xb8;
	[tilespmem:$0x10200] =	vst v63  }
0x45: {  	s24 =	simm.s32 $0xCA00  }
0x46: {  	[tilespmem:s24], [sflag:$0x3] =	stream.indirect_vreg.gather [hbm4b:s8+s4], $0x80, v2, vm0, $0xb8;
	[tilespmem:$0x10200] =	vst v63  }
0x47: {  	_ = 	snop  }
0x48: {  	[tilespmem:s25], [sflag:$0x3] =	stream.indirect_vreg.gather [hbm4b:s9+s4], $0x80, v2, vm0, $0xb8;
	[tilespmem:$0x10200] =	vst v63  }
0x49: {  	s6 =	simm.s32 $0x0  }
0x4a: {  	[tilespmem:s26], [sflag:$0x3] =	stream.indirect_vreg.gather [hbm4b:s10+s4], $0x80, v2, vm0, $0xb8;
	[tilespmem:$0x10200] =	vst v63  }
.LBB2_2:
0x4b: {  	_ =	swait.ge [sflag:s28], $0x2000;
	s7 =	sor.u32 $0x4, s6  }
0x4c: {  	[sflag:s28] =	ssyncset.done $0x0;
	p0 =	seq.s32 s7, $0x4  }
0x4d: {  	[sflag:s28] =	ssyncadd.s32 $0xFFFFE000;
	s7 =	simm.s32 @p0 $0x9  }
0x4e: {  	_ =	swait.ge @p0 [sflag:s7], $0x8000  }
0x4f: {  	s12 =	sshll.u32 s6, $0x2;
	[sflag:s7] =	ssyncset.done @p0 $0x0  }
0x50: {  	s13 =	simm.s32 $0x0;
	[sflag:s7] =	ssyncadd.s32 @p0 $0xFFFF8000;
	s7 =	simm.s32 $0x200  }
.LBB2_3:
0x51: {  	p0 =	sne.s32 s7, $0xE00;
	v2 =	vld [tilespmem:s13+$0x1E70]  }
0x52: {  	v3 =	vld [tilespmem:s13+$0x200]  }
0x53: {  	v4 =	vld [tilespmem:s13+$0x210]  }
0x54: {  	v5 =	vld [tilespmem:s13+$0x220]  }
0x55: {  	v6 =	vld [tilespmem:s13+$0x230]  }
0x56: {  	[tilespmem:s13+$0x9E70] =	vst.add.f32.msk $0xffff, v2  }
0x57: {  	v2 =	vld [tilespmem:s13+$0x240]  }
0x58: {  	v7 =	vld [tilespmem:s13+$0x250]  }
0x59: {  	v8 =	vld [tilespmem:s13+$0x260]  }
0x5a: {  	v9 =	vld [tilespmem:s13+$0x270]  }
0x5b: {  	v10 =	vld [tilespmem:s13+$0x600]  }
0x5c: {  	v11 =	vld [tilespmem:s13+$0x610]  }
0x5d: {  	v12 =	vld [tilespmem:s13+$0x620]  }
0x5e: {  	v13 =	vld [tilespmem:s13+$0x630]  }
0x5f: {  	v14 =	vld [tilespmem:s13+$0x640]  }
0x60: {  	v15 =	vld [tilespmem:s13+$0x650]  }
0x61: {  	v16 =	vld [tilespmem:s13+$0x660]  }
0x62: {  	v17 =	vld [tilespmem:s13+$0x670]  }
0x63: {  	v18 =	vld [tilespmem:s13+$0xA00]  }
0x64: {  	v19 =	vld [tilespmem:s13+$0xA10]  }
0x65: {  	v20 =	vld [tilespmem:s13+$0xA20]  }
0x66: {  	v21 =	vld [tilespmem:s13+$0xA30]  }
0x67: {  	v22 =	vld [tilespmem:s13+$0xA40]  }
0x68: {  	v23 =	vld [tilespmem:s13+$0xA50]  }
0x69: {  	v24 =	vld [tilespmem:s13+$0xA60]  }
0x6a: {  	v25 =	vld [tilespmem:s13+$0xA70]  }
0x6b: {  	v26 =	vld [tilespmem:s13+$0xE00]  }
0x6c: {  	v27 =	vld [tilespmem:s13+$0xE10]  }
0x6d: {  	v28 =	vld [tilespmem:s13+$0xE20]  }
0x6e: {  	v29 =	vld [tilespmem:s13+$0xE30]  }
0x6f: {  	v30 =	vld [tilespmem:s13+$0xE40]  }
0x70: {  	v31 =	vld [tilespmem:s13+$0xE50]  }
0x71: {  	v32 =	vld [tilespmem:s13+$0xE60]  }
0x72: {  	v33 =	vld [tilespmem:s13+$0xE70]  }
0x73: {  	v34 =	vld [tilespmem:s13+$0x1200]  }
0x74: {  	v35 =	vld [tilespmem:s13+$0x1210]  }
0x75: {  	v36 =	vld [tilespmem:s13+$0x1220]  }
0x76: {  	v37 =	vld [tilespmem:s13+$0x1230]  }
0x77: {  	v38 =	vld [tilespmem:s13+$0x1240]  }
0x78: {  	v39 =	vld [tilespmem:s13+$0x1250]  }
0x79: {  	v40 =	vld [tilespmem:s13+$0x1260]  }
0x7a: {  	v41 =	vld [tilespmem:s13+$0x1270]  }
0x7b: {  	v42 =	vld [tilespmem:s13+$0x1600]  }
0x7c: {  	v43 =	vld [tilespmem:s13+$0x1610]  }
0x7d: {  	v44 =	vld [tilespmem:s13+$0x1620]  }
0x7e: {  	v45 =	vld [tilespmem:s13+$0x1630]  }
0x7f: {  	v46 =	vld [tilespmem:s13+$0x1640]  }
0x80: {  	v47 =	vld [tilespmem:s13+$0x1650]  }
0x81: {  	v48 =	vld [tilespmem:s13+$0x1660]  }
0x82: {  	v49 =	vld [tilespmem:s13+$0x1670]  }
0x83: {  	v50 =	vld [tilespmem:s13+$0x1A00]  }
0x84: {  	v51 =	vld [tilespmem:s13+$0x1A10]  }
0x85: {  	v52 =	vld [tilespmem:s13+$0x1A20]  }
0x86: {  	v53 =	vld [tilespmem:s13+$0x1A30]  }
0x87: {  	v54 =	vld [tilespmem:s13+$0x1A40]  }
0x88: {  	v55 =	vld [tilespmem:s13+$0x1A50]  }
0x89: {  	v56 =	vld [tilespmem:s13+$0x1A60]  }
0x8a: {  	v57 =	vld [tilespmem:s13+$0x1A70]  }
0x8b: {  	v58 =	vld [tilespmem:s13+$0x1E00]  }
0x8c: {  	v59 =	vld [tilespmem:s13+$0x1E10]  }
0x8d: {  	v60 =	vld [tilespmem:s13+$0x1E20]  }
0x8e: {  	v61 =	vld [tilespmem:s13+$0x1E30]  }
0x8f: {  	v62 =	vld [tilespmem:s13+$0x1E40]  }
0x90: {  	v63 =	vld [tilespmem:s13+$0x1E50]  }
0x91: {  	v0 =	vld [tilespmem:s13+$0x1E60]  }
0x92: {  	[tilespmem:s13+$0x8200] =	vst.add.f32.msk $0xffff, v3  }
0x93: {  	[tilespmem:s13+$0x8210] =	vst.add.f32.msk $0xffff, v4  }
0x94: {  	[tilespmem:s13+$0x8220] =	vst.add.f32.msk $0xffff, v5  }
0x95: {  	[tilespmem:s13+$0x8230] =	vst.add.f32.msk $0xffff, v6  }
0x96: {  	[tilespmem:s13+$0x8240] =	vst.add.f32.msk $0xffff, v2  }
0x97: {  	[tilespmem:s13+$0x8250] =	vst.add.f32.msk $0xffff, v7  }
0x98: {  	[tilespmem:s13+$0x8260] =	vst.add.f32.msk $0xffff, v8  }
0x99: {  	[tilespmem:s13+$0x8270] =	vst.add.f32.msk $0xffff, v9  }
0x9a: {  	[tilespmem:s13+$0x8600] =	vst.add.f32.msk $0xffff, v10  }
0x9b: {  	[tilespmem:s13+$0x8610] =	vst.add.f32.msk $0xffff, v11  }
0x9c: {  	[tilespmem:s13+$0x8620] =	vst.add.f32.msk $0xffff, v12  }
0x9d: {  	[tilespmem:s13+$0x8630] =	vst.add.f32.msk $0xffff, v13  }
0x9e: {  	[tilespmem:s13+$0x8640] =	vst.add.f32.msk $0xffff, v14  }
0x9f: {  	[tilespmem:s13+$0x8650] =	vst.add.f32.msk $0xffff, v15  }
0xa0: {  	[tilespmem:s13+$0x8660] =	vst.add.f32.msk $0xffff, v16  }
0xa1: {  	[tilespmem:s13+$0x8670] =	vst.add.f32.msk $0xffff, v17  }
0xa2: {  	[tilespmem:s13+$0x8A00] =	vst.add.f32.msk $0xffff, v18  }
0xa3: {  	[tilespmem:s13+$0x8A10] =	vst.add.f32.msk $0xffff, v19  }
0xa4: {  	[tilespmem:s13+$0x8A20] =	vst.add.f32.msk $0xffff, v20  }
0xa5: {  	[tilespmem:s13+$0x8A30] =	vst.add.f32.msk $0xffff, v21  }
0xa6: {  	[tilespmem:s13+$0x8A40] =	vst.add.f32.msk $0xffff, v22  }
0xa7: {  	[tilespmem:s13+$0x8A50] =	vst.add.f32.msk $0xffff, v23  }
0xa8: {  	[tilespmem:s13+$0x8A60] =	vst.add.f32.msk $0xffff, v24  }
0xa9: {  	[tilespmem:s13+$0x8A70] =	vst.add.f32.msk $0xffff, v25  }
0xaa: {  	[tilespmem:s13+$0x8E00] =	vst.add.f32.msk $0xffff, v26  }
0xab: {  	[tilespmem:s13+$0x8E10] =	vst.add.f32.msk $0xffff, v27  }
0xac: {  	[tilespmem:s13+$0x8E20] =	vst.add.f32.msk $0xffff, v28  }
0xad: {  	[tilespmem:s13+$0x8E30] =	vst.add.f32.msk $0xffff, v29  }
0xae: {  	[tilespmem:s13+$0x8E40] =	vst.add.f32.msk $0xffff, v30  }
0xaf: {  	[tilespmem:s13+$0x8E50] =	vst.add.f32.msk $0xffff, v31  }
0xb0: {  	[tilespmem:s13+$0x8E60] =	vst.add.f32.msk $0xffff, v32  }
0xb1: {  	[tilespmem:s13+$0x8E70] =	vst.add.f32.msk $0xffff, v33  }
0xb2: {  	[tilespmem:s13+$0x9200] =	vst.add.f32.msk $0xffff, v34  }
0xb3: {  	[tilespmem:s13+$0x9210] =	vst.add.f32.msk $0xffff, v35  }
0xb4: {  	[tilespmem:s13+$0x9220] =	vst.add.f32.msk $0xffff, v36  }
0xb5: {  	[tilespmem:s13+$0x9230] =	vst.add.f32.msk $0xffff, v37  }
0xb6: {  	[tilespmem:s13+$0x9240] =	vst.add.f32.msk $0xffff, v38  }
0xb7: {  	[tilespmem:s13+$0x9250] =	vst.add.f32.msk $0xffff, v39  }
0xb8: {  	[tilespmem:s13+$0x9260] =	vst.add.f32.msk $0xffff, v40  }
0xb9: {  	[tilespmem:s13+$0x9270] =	vst.add.f32.msk $0xffff, v41  }
0xba: {  	[tilespmem:s13+$0x9600] =	vst.add.f32.msk $0xffff, v42  }
0xbb: {  	[tilespmem:s13+$0x9610] =	vst.add.f32.msk $0xffff, v43  }
0xbc: {  	[tilespmem:s13+$0x9620] =	vst.add.f32.msk $0xffff, v44  }
0xbd: {  	[tilespmem:s13+$0x9630] =	vst.add.f32.msk $0xffff, v45  }
0xbe: {  	[tilespmem:s13+$0x9640] =	vst.add.f32.msk $0xffff, v46  }
0xbf: {  	[tilespmem:s13+$0x9650] =	vst.add.f32.msk $0xffff, v47  }
0xc0: {  	[tilespmem:s13+$0x9660] =	vst.add.f32.msk $0xffff, v48  }
0xc1: {  	[tilespmem:s13+$0x9670] =	vst.add.f32.msk $0xffff, v49  }
0xc2: {  	[tilespmem:s13+$0x9A00] =	vst.add.f32.msk $0xffff, v50  }
0xc3: {  	[tilespmem:s13+$0x9A10] =	vst.add.f32.msk $0xffff, v51  }
0xc4: {  	[tilespmem:s13+$0x9A20] =	vst.add.f32.msk $0xffff, v52  }
0xc5: {  	[tilespmem:s13+$0x9A30] =	vst.add.f32.msk $0xffff, v53  }
0xc6: {  	[tilespmem:s13+$0x9A40] =	vst.add.f32.msk $0xffff, v54  }
0xc7: {  	[tilespmem:s13+$0x9A50] =	vst.add.f32.msk $0xffff, v55  }
0xc8: {  	[tilespmem:s13+$0x9A60] =	vst.add.f32.msk $0xffff, v56  }
0xc9: {  	[tilespmem:s13+$0x9A70] =	vst.add.f32.msk $0xffff, v57  }
0xca: {  	[tilespmem:s13+$0x9E00] =	vst.add.f32.msk $0xffff, v58  }
0xcb: {  	[tilespmem:s13+$0x9E10] =	vst.add.f32.msk $0xffff, v59  }
.Ltmp2:
0xcc: {  	[tilespmem:s13+$0x9E20] =	vst.add.f32.msk $0xffff, v60;
	(pc) =	sbr.rel @p0 .LBB2_3-.Ltmp2, $4  }
0xcd: {  	[tilespmem:s13+$0x9E30] =	vst.add.f32.msk $0xffff, v61  }
0xce: {  	[tilespmem:s13+$0x9E40] =	vst.add.f32.msk $0xffff, v62  }
0xcf: {  	[tilespmem:s13+$0x9E50] =	vst.add.f32.msk $0xffff, v63  }
0xd0: {  	[tilespmem:s13+$0x9E60] =	vst.add.f32.msk $0xffff, v0;
	s13 =	sshra.s32 s7, $0x2;
	s7 =	sadd.s32 $0x200, s7  }
0xd1: {  	v0 =	vld [tilespmem:s13+$0x1E70]  }
0xd2: {  	v2 =	vld [tilespmem:s13+$0x200]  }
0xd3: {  	v3 =	vld [tilespmem:s13+$0x210]  }
0xd4: {  	v4 =	vld [tilespmem:s13+$0x220]  }
0xd5: {  	v5 =	vld [tilespmem:s13+$0x230]  }
0xd6: {  	v6 =	vld [tilespmem:s13+$0x250]  }
0xd7: {  	v7 =	vld [tilespmem:s13+$0x260]  }
0xd8: {  	v8 =	vld [tilespmem:s13+$0x270]  }
0xd9: {  	v9 =	vld [tilespmem:s13+$0x600]  }
0xda: {  	v10 =	vld [tilespmem:s13+$0x610]  }
0xdb: {  	v11 =	vld [tilespmem:s13+$0x620]  }
0xdc: {  	v12 =	vld [tilespmem:s13+$0x630]  }
0xdd: {  	v13 =	vld [tilespmem:s13+$0x640]  }
0xde: {  	v14 =	vld [tilespmem:s13+$0x650]  }
0xdf: {  	v15 =	vld [tilespmem:s13+$0x660]  }
0xe0: {  	v16 =	vld [tilespmem:s13+$0x670]  }
0xe1: {  	v17 =	vld [tilespmem:s13+$0xA00]  }
0xe2: {  	v18 =	vld [tilespmem:s13+$0xA10]  }
0xe3: {  	v19 =	vld [tilespmem:s13+$0xA20]  }
0xe4: {  	v20 =	vld [tilespmem:s13+$0xA30]  }
0xe5: {  	v21 =	vld [tilespmem:s13+$0xA40]  }
0xe6: {  	v22 =	vld [tilespmem:s13+$0xA50]  }
0xe7: {  	v23 =	vld [tilespmem:s13+$0xA60]  }
0xe8: {  	v24 =	vld [tilespmem:s13+$0xA70]  }
0xe9: {  	v25 =	vld [tilespmem:s13+$0xE00]  }
0xea: {  	v26 =	vld [tilespmem:s13+$0xE10]  }
0xeb: {  	v27 =	vld [tilespmem:s13+$0xE20]  }
0xec: {  	v28 =	vld [tilespmem:s13+$0xE30]  }
0xed: {  	v29 =	vld [tilespmem:s13+$0xE40]  }
0xee: {  	v30 =	vld [tilespmem:s13+$0xE50]  }
0xef: {  	v31 =	vld [tilespmem:s13+$0xE60]  }
0xf0: {  	v32 =	vld [tilespmem:s13+$0xE70]  }
0xf1: {  	v33 =	vld [tilespmem:s13+$0x1200]  }
0xf2: {  	v34 =	vld [tilespmem:s13+$0x1210]  }
0xf3: {  	v35 =	vld [tilespmem:s13+$0x1220]  }
0xf4: {  	v36 =	vld [tilespmem:s13+$0x1230]  }
0xf5: {  	v37 =	vld [tilespmem:s13+$0x1240]  }
0xf6: {  	v38 =	vld [tilespmem:s13+$0x1250]  }
0xf7: {  	v39 =	vld [tilespmem:s13+$0x1260]  }
0xf8: {  	v40 =	vld [tilespmem:s13+$0x1270]  }
0xf9: {  	v41 =	vld [tilespmem:s13+$0x1600]  }
0xfa: {  	v42 =	vld [tilespmem:s13+$0x1610]  }
0xfb: {  	v43 =	vld [tilespmem:s13+$0x1620]  }
0xfc: {  	v44 =	vld [tilespmem:s13+$0x1630]  }
0xfd: {  	v45 =	vld [tilespmem:s13+$0x1640]  }
0xfe: {  	v46 =	vld [tilespmem:s13+$0x1650]  }
0xff: {  	v47 =	vld [tilespmem:s13+$0x1660]  }
0x100: {  	v48 =	vld [tilespmem:s13+$0x1670]  }
0x101: {  	v49 =	vld [tilespmem:s13+$0x1A00]  }
0x102: {  	v50 =	vld [tilespmem:s13+$0x1A10]  }
0x103: {  	v51 =	vld [tilespmem:s13+$0x1A20]  }
0x104: {  	v52 =	vld [tilespmem:s13+$0x1A30]  }
0x105: {  	v53 =	vld [tilespmem:s13+$0x1A40]  }
0x106: {  	v54 =	vld [tilespmem:s13+$0x1A50]  }
0x107: {  	v55 =	vld [tilespmem:s13+$0x1A60]  }
0x108: {  	v56 =	vld [tilespmem:s13+$0x1A70]  }
0x109: {  	v57 =	vld [tilespmem:s13+$0x1E00]  }
0x10a: {  	v58 =	vld [tilespmem:s13+$0x1E10]  }
0x10b: {  	v59 =	vld [tilespmem:s13+$0x1E20]  }
0x10c: {  	v60 =	vld [tilespmem:s13+$0x1E30]  }
0x10d: {  	v61 =	vld [tilespmem:s13+$0x1E40]  }
0x10e: {  	v62 =	vld [tilespmem:s13+$0x1E50]  }
0x10f: {  	v63 =	vld [tilespmem:s13+$0x1E60]  }
0x110: {  	[tilespmem:s13+$0x9E70] =	vst.add.f32.msk $0xffff, v0  }
0x111: {  	v0 =	vld [tilespmem:s13+$0x240]  }
0x112: {  	[tilespmem:s13+$0x8200] =	vst.add.f32.msk $0xffff, v2  }
0x113: {  	[tilespmem:s13+$0x8210] =	vst.add.f32.msk $0xffff, v3  }
0x114: {  	[tilespmem:s13+$0x8220] =	vst.add.f32.msk $0xffff, v4  }
0x115: {  	[tilespmem:s13+$0x8230] =	vst.add.f32.msk $0xffff, v5  }
0x116: {  	[tilespmem:s13+$0x8250] =	vst.add.f32.msk $0xffff, v6  }
0x117: {  	[tilespmem:s13+$0x8260] =	vst.add.f32.msk $0xffff, v7  }
0x118: {  	[tilespmem:s13+$0x8270] =	vst.add.f32.msk $0xffff, v8  }
0x119: {  	[tilespmem:s13+$0x8600] =	vst.add.f32.msk $0xffff, v9  }
0x11a: {  	[tilespmem:s13+$0x8610] =	vst.add.f32.msk $0xffff, v10  }
0x11b: {  	[tilespmem:s13+$0x8620] =	vst.add.f32.msk $0xffff, v11  }
0x11c: {  	[tilespmem:s13+$0x8630] =	vst.add.f32.msk $0xffff, v12  }
0x11d: {  	[tilespmem:s13+$0x8640] =	vst.add.f32.msk $0xffff, v13  }
0x11e: {  	[tilespmem:s13+$0x8650] =	vst.add.f32.msk $0xffff, v14  }
0x11f: {  	[tilespmem:s13+$0x8660] =	vst.add.f32.msk $0xffff, v15  }
0x120: {  	[tilespmem:s13+$0x8670] =	vst.add.f32.msk $0xffff, v16  }
0x121: {  	[tilespmem:s13+$0x8A00] =	vst.add.f32.msk $0xffff, v17  }
0x122: {  	[tilespmem:s13+$0x8A10] =	vst.add.f32.msk $0xffff, v18  }
0x123: {  	[tilespmem:s13+$0x8A20] =	vst.add.f32.msk $0xffff, v19  }
0x124: {  	[tilespmem:s13+$0x8A30] =	vst.add.f32.msk $0xffff, v20  }
0x125: {  	[tilespmem:s13+$0x8A40] =	vst.add.f32.msk $0xffff, v21  }
0x126: {  	[tilespmem:s13+$0x8A50] =	vst.add.f32.msk $0xffff, v22  }
0x127: {  	[tilespmem:s13+$0x8A60] =	vst.add.f32.msk $0xffff, v23  }
0x128: {  	[tilespmem:s13+$0x8A70] =	vst.add.f32.msk $0xffff, v24  }
0x129: {  	[tilespmem:s13+$0x8E00] =	vst.add.f32.msk $0xffff, v25  }
0x12a: {  	[tilespmem:s13+$0x8E10] =	vst.add.f32.msk $0xffff, v26  }
0x12b: {  	[tilespmem:s13+$0x8E20] =	vst.add.f32.msk $0xffff, v27  }
0x12c: {  	[tilespmem:s13+$0x8E30] =	vst.add.f32.msk $0xffff, v28  }
0x12d: {  	[tilespmem:s13+$0x8E40] =	vst.add.f32.msk $0xffff, v29  }
0x12e: {  	[tilespmem:s13+$0x8E50] =	vst.add.f32.msk $0xffff, v30  }
0x12f: {  	[tilespmem:s13+$0x8E60] =	vst.add.f32.msk $0xffff, v31  }
0x130: {  	[tilespmem:s13+$0x8E70] =	vst.add.f32.msk $0xffff, v32  }
0x131: {  	[tilespmem:s13+$0x9200] =	vst.add.f32.msk $0xffff, v33  }
0x132: {  	[tilespmem:s13+$0x9210] =	vst.add.f32.msk $0xffff, v34  }
0x133: {  	[tilespmem:s13+$0x9220] =	vst.add.f32.msk $0xffff, v35  }
0x134: {  	[tilespmem:s13+$0x9230] =	vst.add.f32.msk $0xffff, v36  }
0x135: {  	[tilespmem:s13+$0x9240] =	vst.add.f32.msk $0xffff, v37  }
0x136: {  	[tilespmem:s13+$0x9250] =	vst.add.f32.msk $0xffff, v38  }
0x137: {  	[tilespmem:s13+$0x9260] =	vst.add.f32.msk $0xffff, v39  }
0x138: {  	[tilespmem:s13+$0x9270] =	vst.add.f32.msk $0xffff, v40  }
0x139: {  	[tilespmem:s13+$0x9600] =	vst.add.f32.msk $0xffff, v41  }
0x13a: {  	[tilespmem:s13+$0x9610] =	vst.add.f32.msk $0xffff, v42  }
0x13b: {  	[tilespmem:s13+$0x9620] =	vst.add.f32.msk $0xffff, v43  }
0x13c: {  	[tilespmem:s13+$0x9630] =	vst.add.f32.msk $0xffff, v44  }
0x13d: {  	[tilespmem:s13+$0x9640] =	vst.add.f32.msk $0xffff, v45  }
0x13e: {  	[tilespmem:s13+$0x9650] =	vst.add.f32.msk $0xffff, v46  }
0x13f: {  	[tilespmem:s13+$0x9660] =	vst.add.f32.msk $0xffff, v47  }
0x140: {  	[tilespmem:s13+$0x9670] =	vst.add.f32.msk $0xffff, v48  }
0x141: {  	[tilespmem:s13+$0x9A00] =	vst.add.f32.msk $0xffff, v49  }
0x142: {  	[tilespmem:s13+$0x9A10] =	vst.add.f32.msk $0xffff, v50  }
0x143: {  	[tilespmem:s13+$0x9A20] =	vst.add.f32.msk $0xffff, v51  }
0x144: {  	[tilespmem:s13+$0x9A30] =	vst.add.f32.msk $0xffff, v52  }
0x145: {  	[tilespmem:s13+$0x9A40] =	vst.add.f32.msk $0xffff, v53  }
0x146: {  	[tilespmem:s13+$0x9A50] =	vst.add.f32.msk $0xffff, v54  }
0x147: {  	[tilespmem:s13+$0x9A60] =	vst.add.f32.msk $0xffff, v55  }
0x148: {  	[tilespmem:s13+$0x9A70] =	vst.add.f32.msk $0xffff, v56  }
0x149: {  	[tilespmem:s13+$0x9E00] =	vst.add.f32.msk $0xffff, v57  }
0x14a: {  	[tilespmem:s13+$0x9E10] =	vst.add.f32.msk $0xffff, v58  }
0x14b: {  	[tilespmem:s13+$0x9E20] =	vst.add.f32.msk $0xffff, v59  }
0x14c: {  	s7 =	sshll.u32 s6, $0xB;
	[tilespmem:s13+$0x9E30] =	vst.add.f32.msk $0xffff, v60  }
0x14d: {  	s21 =	sshll.u32 s6, $0xA;
	s7 =	sand.u32 $0x1800, s7;
	[tilespmem:s13+$0x9E40] =	vst.add.f32.msk $0xffff, v61  }
0x14e: {  	s21 =	sand.u32 $0x1000, s21;
	s22 =	sor.u32 s5, s7;
	[tilespmem:s13+$0x9E50] =	vst.add.f32.msk $0xffff, v62  }
0x14f: {  	s21 =	sadd.s32 s3, s21;
	s22 =	sshll.u32 s22, $0x7;
	[tilespmem:s13+$0x9E60] =	vst.add.f32.msk $0xffff, v63  }
0x150: {  	p0 =	seq.s32 s6, $0x0;
	s22 =	sadd.s32 s22, s21;
	[tilespmem:s13+$0x8240] =	vst.add.f32.msk $0xffff, v0  }
0x151: {  	[hbm4b:s22+s4] =	stream.linear.scatter [tilespmem:s15], [sflag:$0x5], $0x2000, $0x38;
	[tilespmem:$0x10200] =	vst v63  }
0x152: {  	s24 =	sshll.u32 s6, $0x7;
	s13 =	sshll.u32 s6, $0x3;
	s22 =	simm.s32 @!p0 $0x8  }
0x153: {  	s24 =	sand.u32 $0x180, s24;
	s21 =	sand.u32 $0x20, s13;
	_ =	swait.ge @!p0 [sflag:s22], $0x2000  }
0x154: {  	s24 =	sor.u32 s21, s24;
	[sflag:s22] =	ssyncset.done @!p0 $0x0  }
0x155: {  	s24 =	sor.u32 $0x18, s24;
	[sflag:s22] =	ssyncadd.s32 @!p0 $0xFFFFE000  }
0x156: {  	v0 =	vld.msk [tilespmem:s24+$0x0], $0xff;
	_ =	sdelay $0x4  }
0x157: {  	v2 =	vshll.u32 v0, $0x3  }
0x158: {  	v0 =	vand.u32 $0x7, v0;
	v2 =	vand.u32 $0xFFFFFFC0, v2  }
0x159: {  	v0 =	vor.u32 v0, v2;
	v2 =	vld [tilespmem:$0x1FFF0];
	_ =	sdelay $0x4  }
0x15a: {  	v0 =	vperm.xlane v0, v2;
	_ =	sdelay $0x1  }
0x15b: {  	v0 =	vadd.s32 v1, v0;
	_ =	sdelay $0x3  }
0x15c: {  	s24 =	simm.s32 $0x0  }
0x15d: {  	[tilespmem:s29], [sflag:$0x4] =	stream.indirect_vreg.gather [hbm4b:s1+s24], $0x80, v0, vm0, $0xb8;
	[tilespmem:$0x10200] =	vst v63  }
0x15e: {  	_ = 	snop  }
0x15f: {  	[tilespmem:s30], [sflag:$0x4] =	stream.indirect_vreg.gather [hbm4b:s8+s24], $0x80, v0, vm0, $0xb8;
	[tilespmem:$0x10200] =	vst v63  }
0x160: {  	_ = 	snop  }
0x161: {  	[tilespmem:s31], [sflag:$0x4] =	stream.indirect_vreg.gather [hbm4b:s9+s24], $0x80, v0, vm0, $0xb8;
	[tilespmem:$0x10200] =	vst v63  }
0x162: {  	_ = 	snop  }
0x163: {  	[tilespmem:s0], [sflag:$0x4] =	stream.indirect_vreg.gather [hbm4b:s10+s24], $0x80, v0, vm0, $0xb8;
	[tilespmem:$0x10200] =	vst v63  }
0x164: {  	_ =	swait.ge [sflag:s2], $0x2000  }
0x165: {  	[sflag:s2] =	ssyncset.done $0x0  }
0x166: {  	s22 =	simm.s32 $0x0;
	s24 =	simm.s32 $0x200;
	[sflag:s2] =	ssyncadd.s32 $0xFFFFE000  }
.LBB2_5:
0x167: {  	p0 =	sne.s32 s24, $0xE00;
	v0 =	vld [tilespmem:s22+$0x3E70]  }
0x168: {  	v2 =	vld [tilespmem:s22+$0x2200]  }
0x169: {  	v3 =	vld [tilespmem:s22+$0x2210]  }
0x16a: {  	v4 =	vld [tilespmem:s22+$0x2220]  }
0x16b: {  	v5 =	vld [tilespmem:s22+$0x2230]  }
0x16c: {  	[tilespmem:s22+$0xBE70] =	vst.add.f32.msk $0xffff, v0  }
0x16d: {  	v0 =	vld [tilespmem:s22+$0x2240]  }
0x16e: {  	v6 =	vld [tilespmem:s22+$0x2250]  }
0x16f: {  	v7 =	vld [tilespmem:s22+$0x2260]  }
0x170: {  	v8 =	vld [tilespmem:s22+$0x2270]  }
0x171: {  	v9 =	vld [tilespmem:s22+$0x2600]  }
0x172: {  	v10 =	vld [tilespmem:s22+$0x2610]  }
0x173: {  	v11 =	vld [tilespmem:s22+$0x2620]  }
0x174: {  	v12 =	vld [tilespmem:s22+$0x2630]  }
0x175: {  	v13 =	vld [tilespmem:s22+$0x2640]  }
0x176: {  	v14 =	vld [tilespmem:s22+$0x2650]  }
0x177: {  	v15 =	vld [tilespmem:s22+$0x2660]  }
0x178: {  	v16 =	vld [tilespmem:s22+$0x2670]  }
0x179: {  	v17 =	vld [tilespmem:s22+$0x2A00]  }
0x17a: {  	v18 =	vld [tilespmem:s22+$0x2A10]  }
0x17b: {  	v19 =	vld [tilespmem:s22+$0x2A20]  }
0x17c: {  	v20 =	vld [tilespmem:s22+$0x2A30]  }
0x17d: {  	v21 =	vld [tilespmem:s22+$0x2A40]  }
0x17e: {  	v22 =	vld [tilespmem:s22+$0x2A50]  }
0x17f: {  	v23 =	vld [tilespmem:s22+$0x2A60]  }
0x180: {  	v24 =	vld [tilespmem:s22+$0x2A70]  }
0x181: {  	v25 =	vld [tilespmem:s22+$0x2E00]  }
0x182: {  	v26 =	vld [tilespmem:s22+$0x2E10]  }
0x183: {  	v27 =	vld [tilespmem:s22+$0x2E20]  }
0x184: {  	v28 =	vld [tilespmem:s22+$0x2E30]  }
0x185: {  	v29 =	vld [tilespmem:s22+$0x2E40]  }
0x186: {  	v30 =	vld [tilespmem:s22+$0x2E50]  }
0x187: {  	v31 =	vld [tilespmem:s22+$0x2E60]  }
0x188: {  	v32 =	vld [tilespmem:s22+$0x2E70]  }
0x189: {  	v33 =	vld [tilespmem:s22+$0x3200]  }
0x18a: {  	v34 =	vld [tilespmem:s22+$0x3210]  }
0x18b: {  	v35 =	vld [tilespmem:s22+$0x3220]  }
0x18c: {  	v36 =	vld [tilespmem:s22+$0x3230]  }
0x18d: {  	v37 =	vld [tilespmem:s22+$0x3240]  }
0x18e: {  	v38 =	vld [tilespmem:s22+$0x3250]  }
0x18f: {  	v39 =	vld [tilespmem:s22+$0x3260]  }
0x190: {  	v40 =	vld [tilespmem:s22+$0x3270]  }
0x191: {  	v41 =	vld [tilespmem:s22+$0x3600]  }
0x192: {  	v42 =	vld [tilespmem:s22+$0x3610]  }
0x193: {  	v43 =	vld [tilespmem:s22+$0x3620]  }
0x194: {  	v44 =	vld [tilespmem:s22+$0x3630]  }
0x195: {  	v45 =	vld [tilespmem:s22+$0x3640]  }
0x196: {  	v46 =	vld [tilespmem:s22+$0x3650]  }
0x197: {  	v47 =	vld [tilespmem:s22+$0x3660]  }
0x198: {  	v48 =	vld [tilespmem:s22+$0x3670]  }
0x199: {  	v49 =	vld [tilespmem:s22+$0x3A00]  }
0x19a: {  	v50 =	vld [tilespmem:s22+$0x3A10]  }
0x19b: {  	v51 =	vld [tilespmem:s22+$0x3A20]  }
0x19c: {  	v52 =	vld [tilespmem:s22+$0x3A30]  }
0x19d: {  	v53 =	vld [tilespmem:s22+$0x3A40]  }
0x19e: {  	v54 =	vld [tilespmem:s22+$0x3A50]  }
0x19f: {  	v55 =	vld [tilespmem:s22+$0x3A60]  }
0x1a0: {  	v56 =	vld [tilespmem:s22+$0x3A70]  }
0x1a1: {  	v57 =	vld [tilespmem:s22+$0x3E00]  }
0x1a2: {  	v58 =	vld [tilespmem:s22+$0x3E10]  }
0x1a3: {  	v59 =	vld [tilespmem:s22+$0x3E20]  }
0x1a4: {  	v60 =	vld [tilespmem:s22+$0x3E30]  }
0x1a5: {  	v61 =	vld [tilespmem:s22+$0x3E40]  }
0x1a6: {  	v62 =	vld [tilespmem:s22+$0x3E50]  }
0x1a7: {  	v63 =	vld [tilespmem:s22+$0x3E60]  }
0x1a8: {  	[tilespmem:s22+$0xA200] =	vst.add.f32.msk $0xffff, v2  }
0x1a9: {  	[tilespmem:s22+$0xA210] =	vst.add.f32.msk $0xffff, v3  }
0x1aa: {  	[tilespmem:s22+$0xA220] =	vst.add.f32.msk $0xffff, v4  }
0x1ab: {  	[tilespmem:s22+$0xA230] =	vst.add.f32.msk $0xffff, v5  }
0x1ac: {  	[tilespmem:s22+$0xA240] =	vst.add.f32.msk $0xffff, v0  }
0x1ad: {  	[tilespmem:s22+$0xA250] =	vst.add.f32.msk $0xffff, v6  }
0x1ae: {  	[tilespmem:s22+$0xA260] =	vst.add.f32.msk $0xffff, v7  }
0x1af: {  	[tilespmem:s22+$0xA270] =	vst.add.f32.msk $0xffff, v8  }
0x1b0: {  	[tilespmem:s22+$0xA600] =	vst.add.f32.msk $0xffff, v9  }
0x1b1: {  	[tilespmem:s22+$0xA610] =	vst.add.f32.msk $0xffff, v10  }
0x1b2: {  	[tilespmem:s22+$0xA620] =	vst.add.f32.msk $0xffff, v11  }
0x1b3: {  	[tilespmem:s22+$0xA630] =	vst.add.f32.msk $0xffff, v12  }
0x1b4: {  	[tilespmem:s22+$0xA640] =	vst.add.f32.msk $0xffff, v13  }
0x1b5: {  	[tilespmem:s22+$0xA650] =	vst.add.f32.msk $0xffff, v14  }
0x1b6: {  	[tilespmem:s22+$0xA660] =	vst.add.f32.msk $0xffff, v15  }
0x1b7: {  	[tilespmem:s22+$0xA670] =	vst.add.f32.msk $0xffff, v16  }
0x1b8: {  	[tilespmem:s22+$0xAA00] =	vst.add.f32.msk $0xffff, v17  }
0x1b9: {  	[tilespmem:s22+$0xAA10] =	vst.add.f32.msk $0xffff, v18  }
0x1ba: {  	[tilespmem:s22+$0xAA20] =	vst.add.f32.msk $0xffff, v19  }
0x1bb: {  	[tilespmem:s22+$0xAA30] =	vst.add.f32.msk $0xffff, v20  }
0x1bc: {  	[tilespmem:s22+$0xAA40] =	vst.add.f32.msk $0xffff, v21  }
0x1bd: {  	[tilespmem:s22+$0xAA50] =	vst.add.f32.msk $0xffff, v22  }
0x1be: {  	[tilespmem:s22+$0xAA60] =	vst.add.f32.msk $0xffff, v23  }
0x1bf: {  	[tilespmem:s22+$0xAA70] =	vst.add.f32.msk $0xffff, v24  }
0x1c0: {  	[tilespmem:s22+$0xAE00] =	vst.add.f32.msk $0xffff, v25  }
0x1c1: {  	[tilespmem:s22+$0xAE10] =	vst.add.f32.msk $0xffff, v26  }
0x1c2: {  	[tilespmem:s22+$0xAE20] =	vst.add.f32.msk $0xffff, v27  }
0x1c3: {  	[tilespmem:s22+$0xAE30] =	vst.add.f32.msk $0xffff, v28  }
0x1c4: {  	[tilespmem:s22+$0xAE40] =	vst.add.f32.msk $0xffff, v29  }
0x1c5: {  	[tilespmem:s22+$0xAE50] =	vst.add.f32.msk $0xffff, v30  }
0x1c6: {  	[tilespmem:s22+$0xAE60] =	vst.add.f32.msk $0xffff, v31  }
0x1c7: {  	[tilespmem:s22+$0xAE70] =	vst.add.f32.msk $0xffff, v32  }
0x1c8: {  	[tilespmem:s22+$0xB200] =	vst.add.f32.msk $0xffff, v33  }
0x1c9: {  	[tilespmem:s22+$0xB210] =	vst.add.f32.msk $0xffff, v34  }
0x1ca: {  	[tilespmem:s22+$0xB220] =	vst.add.f32.msk $0xffff, v35  }
0x1cb: {  	[tilespmem:s22+$0xB230] =	vst.add.f32.msk $0xffff, v36  }
0x1cc: {  	[tilespmem:s22+$0xB240] =	vst.add.f32.msk $0xffff, v37  }
0x1cd: {  	[tilespmem:s22+$0xB250] =	vst.add.f32.msk $0xffff, v38  }
0x1ce: {  	[tilespmem:s22+$0xB260] =	vst.add.f32.msk $0xffff, v39  }
0x1cf: {  	[tilespmem:s22+$0xB270] =	vst.add.f32.msk $0xffff, v40  }
0x1d0: {  	[tilespmem:s22+$0xB600] =	vst.add.f32.msk $0xffff, v41  }
0x1d1: {  	[tilespmem:s22+$0xB610] =	vst.add.f32.msk $0xffff, v42  }
0x1d2: {  	[tilespmem:s22+$0xB620] =	vst.add.f32.msk $0xffff, v43  }
0x1d3: {  	[tilespmem:s22+$0xB630] =	vst.add.f32.msk $0xffff, v44  }
0x1d4: {  	[tilespmem:s22+$0xB640] =	vst.add.f32.msk $0xffff, v45  }
0x1d5: {  	[tilespmem:s22+$0xB650] =	vst.add.f32.msk $0xffff, v46  }
0x1d6: {  	[tilespmem:s22+$0xB660] =	vst.add.f32.msk $0xffff, v47  }
0x1d7: {  	[tilespmem:s22+$0xB670] =	vst.add.f32.msk $0xffff, v48  }
0x1d8: {  	[tilespmem:s22+$0xBA00] =	vst.add.f32.msk $0xffff, v49  }
0x1d9: {  	[tilespmem:s22+$0xBA10] =	vst.add.f32.msk $0xffff, v50  }
0x1da: {  	[tilespmem:s22+$0xBA20] =	vst.add.f32.msk $0xffff, v51  }
0x1db: {  	[tilespmem:s22+$0xBA30] =	vst.add.f32.msk $0xffff, v52  }
0x1dc: {  	[tilespmem:s22+$0xBA40] =	vst.add.f32.msk $0xffff, v53  }
0x1dd: {  	[tilespmem:s22+$0xBA50] =	vst.add.f32.msk $0xffff, v54  }
0x1de: {  	[tilespmem:s22+$0xBA60] =	vst.add.f32.msk $0xffff, v55  }
0x1df: {  	[tilespmem:s22+$0xBA70] =	vst.add.f32.msk $0xffff, v56  }
0x1e0: {  	[tilespmem:s22+$0xBE00] =	vst.add.f32.msk $0xffff, v57  }
0x1e1: {  	[tilespmem:s22+$0xBE10] =	vst.add.f32.msk $0xffff, v58  }
.Ltmp3:
0x1e2: {  	[tilespmem:s22+$0xBE20] =	vst.add.f32.msk $0xffff, v59;
	(pc) =	sbr.rel @p0 .LBB2_5-.Ltmp3, $4  }
0x1e3: {  	[tilespmem:s22+$0xBE30] =	vst.add.f32.msk $0xffff, v60  }
0x1e4: {  	[tilespmem:s22+$0xBE40] =	vst.add.f32.msk $0xffff, v61  }
0x1e5: {  	[tilespmem:s22+$0xBE50] =	vst.add.f32.msk $0xffff, v62  }
0x1e6: {  	[tilespmem:s22+$0xBE60] =	vst.add.f32.msk $0xffff, v63;
	s22 =	sshra.s32 s24, $0x2;
	s24 =	sadd.s32 $0x200, s24  }
0x1e7: {  	v0 =	vld [tilespmem:s22+$0x3E70]  }
0x1e8: {  	v2 =	vld [tilespmem:s22+$0x2200]  }
0x1e9: {  	v3 =	vld [tilespmem:s22+$0x2210]  }
0x1ea: {  	v4 =	vld [tilespmem:s22+$0x2220]  }
0x1eb: {  	v5 =	vld [tilespmem:s22+$0x2230]  }
0x1ec: {  	v6 =	vld [tilespmem:s22+$0x2250]  }
0x1ed: {  	v7 =	vld [tilespmem:s22+$0x2260]  }
0x1ee: {  	v8 =	vld [tilespmem:s22+$0x2270]  }
0x1ef: {  	v9 =	vld [tilespmem:s22+$0x2600]  }
0x1f0: {  	v10 =	vld [tilespmem:s22+$0x2610]  }
0x1f1: {  	v11 =	vld [tilespmem:s22+$0x2620]  }
0x1f2: {  	v12 =	vld [tilespmem:s22+$0x2630]  }
0x1f3: {  	v13 =	vld [tilespmem:s22+$0x2640]  }
0x1f4: {  	v14 =	vld [tilespmem:s22+$0x2650]  }
0x1f5: {  	v15 =	vld [tilespmem:s22+$0x2660]  }
0x1f6: {  	v16 =	vld [tilespmem:s22+$0x2670]  }
0x1f7: {  	v17 =	vld [tilespmem:s22+$0x2A00]  }
0x1f8: {  	v18 =	vld [tilespmem:s22+$0x2A10]  }
0x1f9: {  	v19 =	vld [tilespmem:s22+$0x2A20]  }
0x1fa: {  	v20 =	vld [tilespmem:s22+$0x2A30]  }
0x1fb: {  	v21 =	vld [tilespmem:s22+$0x2A40]  }
0x1fc: {  	v22 =	vld [tilespmem:s22+$0x2A50]  }
0x1fd: {  	v23 =	vld [tilespmem:s22+$0x2A60]  }
0x1fe: {  	v24 =	vld [tilespmem:s22+$0x2A70]  }
0x1ff: {  	v25 =	vld [tilespmem:s22+$0x2E00]  }
0x200: {  	v26 =	vld [tilespmem:s22+$0x2E10]  }
0x201: {  	v27 =	vld [tilespmem:s22+$0x2E20]  }
0x202: {  	v28 =	vld [tilespmem:s22+$0x2E30]  }
0x203: {  	v29 =	vld [tilespmem:s22+$0x2E40]  }
0x204: {  	v30 =	vld [tilespmem:s22+$0x2E50]  }
0x205: {  	v31 =	vld [tilespmem:s22+$0x2E60]  }
0x206: {  	v32 =	vld [tilespmem:s22+$0x2E70]  }
0x207: {  	v33 =	vld [tilespmem:s22+$0x3200]  }
0x208: {  	v34 =	vld [tilespmem:s22+$0x3210]  }
0x209: {  	v35 =	vld [tilespmem:s22+$0x3220]  }
0x20a: {  	v36 =	vld [tilespmem:s22+$0x3230]  }
0x20b: {  	v37 =	vld [tilespmem:s22+$0x3240]  }
0x20c: {  	v38 =	vld [tilespmem:s22+$0x3250]  }
0x20d: {  	v39 =	vld [tilespmem:s22+$0x3260]  }
0x20e: {  	v40 =	vld [tilespmem:s22+$0x3270]  }
0x20f: {  	v41 =	vld [tilespmem:s22+$0x3600]  }
0x210: {  	v42 =	vld [tilespmem:s22+$0x3610]  }
0x211: {  	v43 =	vld [tilespmem:s22+$0x3620]  }
0x212: {  	v44 =	vld [tilespmem:s22+$0x3630]  }
0x213: {  	v45 =	vld [tilespmem:s22+$0x3640]  }
0x214: {  	v46 =	vld [tilespmem:s22+$0x3650]  }
0x215: {  	v47 =	vld [tilespmem:s22+$0x3660]  }
0x216: {  	v48 =	vld [tilespmem:s22+$0x3670]  }
0x217: {  	v49 =	vld [tilespmem:s22+$0x3A00]  }
0x218: {  	v50 =	vld [tilespmem:s22+$0x3A10]  }
0x219: {  	v51 =	vld [tilespmem:s22+$0x3A20]  }
0x21a: {  	v52 =	vld [tilespmem:s22+$0x3A30]  }
0x21b: {  	v53 =	vld [tilespmem:s22+$0x3A40]  }
0x21c: {  	v54 =	vld [tilespmem:s22+$0x3A50]  }
0x21d: {  	v55 =	vld [tilespmem:s22+$0x3A60]  }
0x21e: {  	v56 =	vld [tilespmem:s22+$0x3A70]  }
0x21f: {  	v57 =	vld [tilespmem:s22+$0x3E00]  }
0x220: {  	v58 =	vld [tilespmem:s22+$0x3E10]  }
0x221: {  	v59 =	vld [tilespmem:s22+$0x3E20]  }
0x222: {  	v60 =	vld [tilespmem:s22+$0x3E30]  }
0x223: {  	v61 =	vld [tilespmem:s22+$0x3E40]  }
0x224: {  	v62 =	vld [tilespmem:s22+$0x3E50]  }
0x225: {  	v63 =	vld [tilespmem:s22+$0x3E60]  }
0x226: {  	[tilespmem:s22+$0xBE70] =	vst.add.f32.msk $0xffff, v0  }
0x227: {  	v0 =	vld [tilespmem:s22+$0x2240]  }
0x228: {  	[tilespmem:s22+$0xA200] =	vst.add.f32.msk $0xffff, v2  }
0x229: {  	[tilespmem:s22+$0xA210] =	vst.add.f32.msk $0xffff, v3  }
0x22a: {  	[tilespmem:s22+$0xA220] =	vst.add.f32.msk $0xffff, v4  }
0x22b: {  	[tilespmem:s22+$0xA230] =	vst.add.f32.msk $0xffff, v5  }
0x22c: {  	[tilespmem:s22+$0xA250] =	vst.add.f32.msk $0xffff, v6  }
0x22d: {  	[tilespmem:s22+$0xA260] =	vst.add.f32.msk $0xffff, v7  }
0x22e: {  	[tilespmem:s22+$0xA270] =	vst.add.f32.msk $0xffff, v8  }
0x22f: {  	[tilespmem:s22+$0xA600] =	vst.add.f32.msk $0xffff, v9  }
0x230: {  	[tilespmem:s22+$0xA610] =	vst.add.f32.msk $0xffff, v10  }
0x231: {  	[tilespmem:s22+$0xA620] =	vst.add.f32.msk $0xffff, v11  }
0x232: {  	[tilespmem:s22+$0xA630] =	vst.add.f32.msk $0xffff, v12  }
0x233: {  	[tilespmem:s22+$0xA640] =	vst.add.f32.msk $0xffff, v13  }
0x234: {  	[tilespmem:s22+$0xA650] =	vst.add.f32.msk $0xffff, v14  }
0x235: {  	[tilespmem:s22+$0xA660] =	vst.add.f32.msk $0xffff, v15  }
0x236: {  	[tilespmem:s22+$0xA670] =	vst.add.f32.msk $0xffff, v16  }
0x237: {  	[tilespmem:s22+$0xAA00] =	vst.add.f32.msk $0xffff, v17  }
0x238: {  	[tilespmem:s22+$0xAA10] =	vst.add.f32.msk $0xffff, v18  }
0x239: {  	[tilespmem:s22+$0xAA20] =	vst.add.f32.msk $0xffff, v19  }
0x23a: {  	[tilespmem:s22+$0xAA30] =	vst.add.f32.msk $0xffff, v20  }
0x23b: {  	[tilespmem:s22+$0xAA40] =	vst.add.f32.msk $0xffff, v21  }
0x23c: {  	[tilespmem:s22+$0xAA50] =	vst.add.f32.msk $0xffff, v22  }
0x23d: {  	[tilespmem:s22+$0xAA60] =	vst.add.f32.msk $0xffff, v23  }
0x23e: {  	[tilespmem:s22+$0xAA70] =	vst.add.f32.msk $0xffff, v24  }
0x23f: {  	[tilespmem:s22+$0xAE00] =	vst.add.f32.msk $0xffff, v25  }
0x240: {  	[tilespmem:s22+$0xAE10] =	vst.add.f32.msk $0xffff, v26  }
0x241: {  	[tilespmem:s22+$0xAE20] =	vst.add.f32.msk $0xffff, v27  }
0x242: {  	[tilespmem:s22+$0xAE30] =	vst.add.f32.msk $0xffff, v28  }
0x243: {  	[tilespmem:s22+$0xAE40] =	vst.add.f32.msk $0xffff, v29  }
0x244: {  	[tilespmem:s22+$0xAE50] =	vst.add.f32.msk $0xffff, v30  }
0x245: {  	[tilespmem:s22+$0xAE60] =	vst.add.f32.msk $0xffff, v31  }
0x246: {  	[tilespmem:s22+$0xAE70] =	vst.add.f32.msk $0xffff, v32  }
0x247: {  	[tilespmem:s22+$0xB200] =	vst.add.f32.msk $0xffff, v33  }
0x248: {  	[tilespmem:s22+$0xB210] =	vst.add.f32.msk $0xffff, v34  }
0x249: {  	[tilespmem:s22+$0xB220] =	vst.add.f32.msk $0xffff, v35  }
0x24a: {  	[tilespmem:s22+$0xB230] =	vst.add.f32.msk $0xffff, v36  }
0x24b: {  	[tilespmem:s22+$0xB240] =	vst.add.f32.msk $0xffff, v37  }
0x24c: {  	[tilespmem:s22+$0xB250] =	vst.add.f32.msk $0xffff, v38  }
0x24d: {  	[tilespmem:s22+$0xB260] =	vst.add.f32.msk $0xffff, v39  }
0x24e: {  	[tilespmem:s22+$0xB270] =	vst.add.f32.msk $0xffff, v40  }
0x24f: {  	[tilespmem:s22+$0xB600] =	vst.add.f32.msk $0xffff, v41  }
0x250: {  	[tilespmem:s22+$0xB610] =	vst.add.f32.msk $0xffff, v42  }
0x251: {  	[tilespmem:s22+$0xB620] =	vst.add.f32.msk $0xffff, v43  }
0x252: {  	[tilespmem:s22+$0xB630] =	vst.add.f32.msk $0xffff, v44  }
0x253: {  	[tilespmem:s22+$0xB640] =	vst.add.f32.msk $0xffff, v45  }
0x254: {  	[tilespmem:s22+$0xB650] =	vst.add.f32.msk $0xffff, v46  }
0x255: {  	[tilespmem:s22+$0xB660] =	vst.add.f32.msk $0xffff, v47  }
0x256: {  	[tilespmem:s22+$0xB670] =	vst.add.f32.msk $0xffff, v48  }
0x257: {  	[tilespmem:s22+$0xBA00] =	vst.add.f32.msk $0xffff, v49  }
0x258: {  	[tilespmem:s22+$0xBA10] =	vst.add.f32.msk $0xffff, v50  }
0x259: {  	[tilespmem:s22+$0xBA20] =	vst.add.f32.msk $0xffff, v51  }
0x25a: {  	[tilespmem:s22+$0xBA30] =	vst.add.f32.msk $0xffff, v52  }
0x25b: {  	[tilespmem:s22+$0xBA40] =	vst.add.f32.msk $0xffff, v53  }
0x25c: {  	[tilespmem:s22+$0xBA50] =	vst.add.f32.msk $0xffff, v54  }
0x25d: {  	[tilespmem:s22+$0xBA60] =	vst.add.f32.msk $0xffff, v55  }
0x25e: {  	[tilespmem:s22+$0xBA70] =	vst.add.f32.msk $0xffff, v56  }
0x25f: {  	[tilespmem:s22+$0xBE00] =	vst.add.f32.msk $0xffff, v57  }
0x260: {  	[tilespmem:s22+$0xBE10] =	vst.add.f32.msk $0xffff, v58  }
0x261: {  	[tilespmem:s22+$0xBE20] =	vst.add.f32.msk $0xffff, v59  }
0x262: {  	s21 =	sor.u32 s7, s21;
	[tilespmem:s22+$0xBE30] =	vst.add.f32.msk $0xffff, v60  }
0x263: {  	s21 =	sor.u32 s5, s21;
	[tilespmem:s22+$0xBE40] =	vst.add.f32.msk $0xffff, v61  }
0x264: {  	s21 =	sshll.u32 s21, $0x7;
	[tilespmem:s22+$0xBE50] =	vst.add.f32.msk $0xffff, v62  }
0x265: {  	p0 =	seq.s32 s6, $0x7;
	s24 =	sor.u32 $0x400, s21;
	[tilespmem:s22+$0xBE60] =	vst.add.f32.msk $0xffff, v63  }
0x266: {  	s24 =	sadd.s32 s3, s24;
	[tilespmem:s22+$0xA240] =	vst.add.f32.msk $0xffff, v0;
	s22 =	sadd.s32 @!p0 $0x4, s12  }
0x267: {  	[hbm4b:s24+s4] =	stream.linear.scatter [tilespmem:s19], [sflag:$0x6], $0x2000, $0x38;
	[tilespmem:$0x10200] =	vst v63  }
0x268: {  	s24 =	sshll.u32 @!p0 s22, $0x1;
	s22 =	sshll.u32 @!p0 s22, $0x5;
	_ =	swait.ge [sflag:s14], $0x2000  }
0x269: {  	s24 =	sand.u32 @!p0 $0x60, s24;
	s22 =	sand.u32 @!p0 $0x180, s22;
	[sflag:s14] =	ssyncset.done $0x0  }
0x26a: {  	s22 =	sor.u32 @!p0 s24, s22;
	[sflag:s14] =	ssyncadd.s32 $0xFFFFE000  }
0x26b: {  	v0 =	vld.msk @!p0 [tilespmem:s22+$0x0], $0xff;
	_ =	sdelay $0x4  }
0x26c: {  	v2 =	vshll.u32 @!p0 v0, $0x3  }
0x26d: {  	v3 =	vlaneseq.u32 @!p0;
	v0 =	vand.u32 @!p0 $0x7, v0;
	v2 =	vand.u32 @!p0 $0xFFFFFFC0, v2  }
0x26e: {  	v0 =	vor.u32 @!p0 v0, v2;
	v2 =	vand.u32 @!p0 $0x7, v3;
	v3 =	vshrl.u32 @!p0 v3, $0x3  }
0x26f: {  	v0 =	vperm.xlane @!p0 v0, v2;
	v2 =	vmul.u32 @!p0 $0x8, v3;
	_ =	sdelay $0x1  }
0x270: {  	v0 =	vadd.s32 @!p0 v2, v0;
	_ =	sdelay $0x3  }
0x271: {  	vm1 =	vmmov @!p0 $0xffff;
	s24 =	simm.s32 @!p0 $0x8200;
	s22 =	simm.s32 @!p0 $0x0  }
0x272: {  	[tilespmem:s24], [sflag:$0x1] =	stream.indirect_vreg.gather @!p0 [hbm4b:s1+s22], $0x80, v0, vm1, $0xb8;
	[tilespmem:$0x10200] =	vst v63  }
0x273: {  	s24 =	simm.s32 @!p0 $0x8A00  }
0x274: {  	[tilespmem:s24], [sflag:$0x1] =	stream.indirect_vreg.gather @!p0 [hbm4b:s8+s22], $0x80, v0, vm1, $0xb8;
	[tilespmem:$0x10200] =	vst v63  }
0x275: {  	s24 =	simm.s32 @!p0 $0x9200  }
0x276: {  	[tilespmem:s24], [sflag:$0x1] =	stream.indirect_vreg.gather @!p0 [hbm4b:s9+s22], $0x80, v0, vm1, $0xb8;
	[tilespmem:$0x10200] =	vst v63  }
0x277: {  	s24 =	simm.s32 @!p0 $0x9A00  }
0x278: {  	[tilespmem:s24], [sflag:$0x1] =	stream.indirect_vreg.gather @!p0 [hbm4b:s10+s22], $0x80, v0, vm1, $0xb8;
	[tilespmem:$0x10200] =	vst v63  }
0x279: {  	_ =	swait.ge [sflag:s16], $0x2000  }
0x27a: {  	[sflag:s16] =	ssyncset.done $0x0  }
0x27b: {  	s22 =	simm.s32 $0x0;
	s24 =	simm.s32 $0x200;
	[sflag:s16] =	ssyncadd.s32 $0xFFFFE000  }
.LBB2_7:
0x27c: {  	p1 =	sne.s32 s24, $0xE00;
	v0 =	vld [tilespmem:s22+$0x5E70]  }
0x27d: {  	v2 =	vld [tilespmem:s22+$0x4200]  }
0x27e: {  	v3 =	vld [tilespmem:s22+$0x4210]  }
0x27f: {  	v4 =	vld [tilespmem:s22+$0x4220]  }
0x280: {  	v5 =	vld [tilespmem:s22+$0x4230]  }
0x281: {  	[tilespmem:s22+$0xDE70] =	vst.add.f32.msk $0xffff, v0  }
0x282: {  	v0 =	vld [tilespmem:s22+$0x4240]  }
0x283: {  	v6 =	vld [tilespmem:s22+$0x4250]  }
0x284: {  	v7 =	vld [tilespmem:s22+$0x4260]  }
0x285: {  	v8 =	vld [tilespmem:s22+$0x4270]  }
0x286: {  	v9 =	vld [tilespmem:s22+$0x4600]  }
0x287: {  	v10 =	vld [tilespmem:s22+$0x4610]  }
0x288: {  	v11 =	vld [tilespmem:s22+$0x4620]  }
0x289: {  	v12 =	vld [tilespmem:s22+$0x4630]  }
0x28a: {  	v13 =	vld [tilespmem:s22+$0x4640]  }
0x28b: {  	v14 =	vld [tilespmem:s22+$0x4650]  }
0x28c: {  	v15 =	vld [tilespmem:s22+$0x4660]  }
0x28d: {  	v16 =	vld [tilespmem:s22+$0x4670]  }
0x28e: {  	v17 =	vld [tilespmem:s22+$0x4A00]  }
0x28f: {  	v18 =	vld [tilespmem:s22+$0x4A10]  }
0x290: {  	v19 =	vld [tilespmem:s22+$0x4A20]  }
0x291: {  	v20 =	vld [tilespmem:s22+$0x4A30]  }
0x292: {  	v21 =	vld [tilespmem:s22+$0x4A40]  }
0x293: {  	v22 =	vld [tilespmem:s22+$0x4A50]  }
0x294: {  	v23 =	vld [tilespmem:s22+$0x4A60]  }
0x295: {  	v24 =	vld [tilespmem:s22+$0x4A70]  }
0x296: {  	v25 =	vld [tilespmem:s22+$0x4E00]  }
0x297: {  	v26 =	vld [tilespmem:s22+$0x4E10]  }
0x298: {  	v27 =	vld [tilespmem:s22+$0x4E20]  }
0x299: {  	v28 =	vld [tilespmem:s22+$0x4E30]  }
0x29a: {  	v29 =	vld [tilespmem:s22+$0x4E40]  }
0x29b: {  	v30 =	vld [tilespmem:s22+$0x4E50]  }
0x29c: {  	v31 =	vld [tilespmem:s22+$0x4E60]  }
0x29d: {  	v32 =	vld [tilespmem:s22+$0x4E70]  }
0x29e: {  	v33 =	vld [tilespmem:s22+$0x5200]  }
0x29f: {  	v34 =	vld [tilespmem:s22+$0x5210]  }
0x2a0: {  	v35 =	vld [tilespmem:s22+$0x5220]  }
0x2a1: {  	v36 =	vld [tilespmem:s22+$0x5230]  }
0x2a2: {  	v37 =	vld [tilespmem:s22+$0x5240]  }
0x2a3: {  	v38 =	vld [tilespmem:s22+$0x5250]  }
0x2a4: {  	v39 =	vld [tilespmem:s22+$0x5260]  }
0x2a5: {  	v40 =	vld [tilespmem:s22+$0x5270]  }
0x2a6: {  	v41 =	vld [tilespmem:s22+$0x5600]  }
0x2a7: {  	v42 =	vld [tilespmem:s22+$0x5610]  }
0x2a8: {  	v43 =	vld [tilespmem:s22+$0x5620]  }
0x2a9: {  	v44 =	vld [tilespmem:s22+$0x5630]  }
0x2aa: {  	v45 =	vld [tilespmem:s22+$0x5640]  }
0x2ab: {  	v46 =	vld [tilespmem:s22+$0x5650]  }
0x2ac: {  	v47 =	vld [tilespmem:s22+$0x5660]  }
0x2ad: {  	v48 =	vld [tilespmem:s22+$0x5670]  }
0x2ae: {  	v49 =	vld [tilespmem:s22+$0x5A00]  }
0x2af: {  	v50 =	vld [tilespmem:s22+$0x5A10]  }
0x2b0: {  	v51 =	vld [tilespmem:s22+$0x5A20]  }
0x2b1: {  	v52 =	vld [tilespmem:s22+$0x5A30]  }
0x2b2: {  	v53 =	vld [tilespmem:s22+$0x5A40]  }
0x2b3: {  	v54 =	vld [tilespmem:s22+$0x5A50]  }
0x2b4: {  	v55 =	vld [tilespmem:s22+$0x5A60]  }
0x2b5: {  	v56 =	vld [tilespmem:s22+$0x5A70]  }
0x2b6: {  	v57 =	vld [tilespmem:s22+$0x5E00]  }
0x2b7: {  	v58 =	vld [tilespmem:s22+$0x5E10]  }
0x2b8: {  	v59 =	vld [tilespmem:s22+$0x5E20]  }
0x2b9: {  	v60 =	vld [tilespmem:s22+$0x5E30]  }
0x2ba: {  	v61 =	vld [tilespmem:s22+$0x5E40]  }
0x2bb: {  	v62 =	vld [tilespmem:s22+$0x5E50]  }
0x2bc: {  	v63 =	vld [tilespmem:s22+$0x5E60]  }
0x2bd: {  	[tilespmem:s22+$0xC200] =	vst.add.f32.msk $0xffff, v2  }
0x2be: {  	[tilespmem:s22+$0xC210] =	vst.add.f32.msk $0xffff, v3  }
0x2bf: {  	[tilespmem:s22+$0xC220] =	vst.add.f32.msk $0xffff, v4  }
0x2c0: {  	[tilespmem:s22+$0xC230] =	vst.add.f32.msk $0xffff, v5  }
0x2c1: {  	[tilespmem:s22+$0xC240] =	vst.add.f32.msk $0xffff, v0  }
0x2c2: {  	[tilespmem:s22+$0xC250] =	vst.add.f32.msk $0xffff, v6  }
0x2c3: {  	[tilespmem:s22+$0xC260] =	vst.add.f32.msk $0xffff, v7  }
0x2c4: {  	[tilespmem:s22+$0xC270] =	vst.add.f32.msk $0xffff, v8  }
0x2c5: {  	[tilespmem:s22+$0xC600] =	vst.add.f32.msk $0xffff, v9  }
0x2c6: {  	[tilespmem:s22+$0xC610] =	vst.add.f32.msk $0xffff, v10  }
0x2c7: {  	[tilespmem:s22+$0xC620] =	vst.add.f32.msk $0xffff, v11  }
0x2c8: {  	[tilespmem:s22+$0xC630] =	vst.add.f32.msk $0xffff, v12  }
0x2c9: {  	[tilespmem:s22+$0xC640] =	vst.add.f32.msk $0xffff, v13  }
0x2ca: {  	[tilespmem:s22+$0xC650] =	vst.add.f32.msk $0xffff, v14  }
0x2cb: {  	[tilespmem:s22+$0xC660] =	vst.add.f32.msk $0xffff, v15  }
0x2cc: {  	[tilespmem:s22+$0xC670] =	vst.add.f32.msk $0xffff, v16  }
0x2cd: {  	[tilespmem:s22+$0xCA00] =	vst.add.f32.msk $0xffff, v17  }
0x2ce: {  	[tilespmem:s22+$0xCA10] =	vst.add.f32.msk $0xffff, v18  }
0x2cf: {  	[tilespmem:s22+$0xCA20] =	vst.add.f32.msk $0xffff, v19  }
0x2d0: {  	[tilespmem:s22+$0xCA30] =	vst.add.f32.msk $0xffff, v20  }
0x2d1: {  	[tilespmem:s22+$0xCA40] =	vst.add.f32.msk $0xffff, v21  }
0x2d2: {  	[tilespmem:s22+$0xCA50] =	vst.add.f32.msk $0xffff, v22  }
0x2d3: {  	[tilespmem:s22+$0xCA60] =	vst.add.f32.msk $0xffff, v23  }
0x2d4: {  	[tilespmem:s22+$0xCA70] =	vst.add.f32.msk $0xffff, v24  }
0x2d5: {  	[tilespmem:s22+$0xCE00] =	vst.add.f32.msk $0xffff, v25  }
0x2d6: {  	[tilespmem:s22+$0xCE10] =	vst.add.f32.msk $0xffff, v26  }
0x2d7: {  	[tilespmem:s22+$0xCE20] =	vst.add.f32.msk $0xffff, v27  }
0x2d8: {  	[tilespmem:s22+$0xCE30] =	vst.add.f32.msk $0xffff, v28  }
0x2d9: {  	[tilespmem:s22+$0xCE40] =	vst.add.f32.msk $0xffff, v29  }
0x2da: {  	[tilespmem:s22+$0xCE50] =	vst.add.f32.msk $0xffff, v30  }
0x2db: {  	[tilespmem:s22+$0xCE60] =	vst.add.f32.msk $0xffff, v31  }
0x2dc: {  	[tilespmem:s22+$0xCE70] =	vst.add.f32.msk $0xffff, v32  }
0x2dd: {  	[tilespmem:s22+$0xD200] =	vst.add.f32.msk $0xffff, v33  }
0x2de: {  	[tilespmem:s22+$0xD210] =	vst.add.f32.msk $0xffff, v34  }
0x2df: {  	[tilespmem:s22+$0xD220] =	vst.add.f32.msk $0xffff, v35  }
0x2e0: {  	[tilespmem:s22+$0xD230] =	vst.add.f32.msk $0xffff, v36  }
0x2e1: {  	[tilespmem:s22+$0xD240] =	vst.add.f32.msk $0xffff, v37  }
0x2e2: {  	[tilespmem:s22+$0xD250] =	vst.add.f32.msk $0xffff, v38  }
0x2e3: {  	[tilespmem:s22+$0xD260] =	vst.add.f32.msk $0xffff, v39  }
0x2e4: {  	[tilespmem:s22+$0xD270] =	vst.add.f32.msk $0xffff, v40  }
0x2e5: {  	[tilespmem:s22+$0xD600] =	vst.add.f32.msk $0xffff, v41  }
0x2e6: {  	[tilespmem:s22+$0xD610] =	vst.add.f32.msk $0xffff, v42  }
0x2e7: {  	[tilespmem:s22+$0xD620] =	vst.add.f32.msk $0xffff, v43  }
0x2e8: {  	[tilespmem:s22+$0xD630] =	vst.add.f32.msk $0xffff, v44  }
0x2e9: {  	[tilespmem:s22+$0xD640] =	vst.add.f32.msk $0xffff, v45  }
0x2ea: {  	[tilespmem:s22+$0xD650] =	vst.add.f32.msk $0xffff, v46  }
0x2eb: {  	[tilespmem:s22+$0xD660] =	vst.add.f32.msk $0xffff, v47  }
0x2ec: {  	[tilespmem:s22+$0xD670] =	vst.add.f32.msk $0xffff, v48  }
0x2ed: {  	[tilespmem:s22+$0xDA00] =	vst.add.f32.msk $0xffff, v49  }
0x2ee: {  	[tilespmem:s22+$0xDA10] =	vst.add.f32.msk $0xffff, v50  }
0x2ef: {  	[tilespmem:s22+$0xDA20] =	vst.add.f32.msk $0xffff, v51  }
0x2f0: {  	[tilespmem:s22+$0xDA30] =	vst.add.f32.msk $0xffff, v52  }
0x2f1: {  	[tilespmem:s22+$0xDA40] =	vst.add.f32.msk $0xffff, v53  }
0x2f2: {  	[tilespmem:s22+$0xDA50] =	vst.add.f32.msk $0xffff, v54  }
0x2f3: {  	[tilespmem:s22+$0xDA60] =	vst.add.f32.msk $0xffff, v55  }
0x2f4: {  	[tilespmem:s22+$0xDA70] =	vst.add.f32.msk $0xffff, v56  }
0x2f5: {  	[tilespmem:s22+$0xDE00] =	vst.add.f32.msk $0xffff, v57  }
0x2f6: {  	[tilespmem:s22+$0xDE10] =	vst.add.f32.msk $0xffff, v58  }
.Ltmp4:
0x2f7: {  	[tilespmem:s22+$0xDE20] =	vst.add.f32.msk $0xffff, v59;
	(pc) =	sbr.rel @p1 .LBB2_7-.Ltmp4, $4  }
0x2f8: {  	[tilespmem:s22+$0xDE30] =	vst.add.f32.msk $0xffff, v60  }
0x2f9: {  	[tilespmem:s22+$0xDE40] =	vst.add.f32.msk $0xffff, v61  }
0x2fa: {  	[tilespmem:s22+$0xDE50] =	vst.add.f32.msk $0xffff, v62  }
0x2fb: {  	[tilespmem:s22+$0xDE60] =	vst.add.f32.msk $0xffff, v63;
	s22 =	sshra.s32 s24, $0x2;
	s24 =	sadd.s32 $0x200, s24  }
0x2fc: {  	v0 =	vld [tilespmem:s22+$0x5E70]  }
0x2fd: {  	v2 =	vld [tilespmem:s22+$0x4200]  }
0x2fe: {  	v3 =	vld [tilespmem:s22+$0x4210]  }
0x2ff: {  	v4 =	vld [tilespmem:s22+$0x4220]  }
0x300: {  	v5 =	vld [tilespmem:s22+$0x4230]  }
0x301: {  	v6 =	vld [tilespmem:s22+$0x4250]  }
0x302: {  	v7 =	vld [tilespmem:s22+$0x4260]  }
0x303: {  	v8 =	vld [tilespmem:s22+$0x4270]  }
0x304: {  	v9 =	vld [tilespmem:s22+$0x4600]  }
0x305: {  	v10 =	vld [tilespmem:s22+$0x4610]  }
0x306: {  	v11 =	vld [tilespmem:s22+$0x4620]  }
0x307: {  	v12 =	vld [tilespmem:s22+$0x4630]  }
0x308: {  	v13 =	vld [tilespmem:s22+$0x4640]  }
0x309: {  	v14 =	vld [tilespmem:s22+$0x4650]  }
0x30a: {  	v15 =	vld [tilespmem:s22+$0x4660]  }
0x30b: {  	v16 =	vld [tilespmem:s22+$0x4670]  }
0x30c: {  	v17 =	vld [tilespmem:s22+$0x4A00]  }
0x30d: {  	v18 =	vld [tilespmem:s22+$0x4A10]  }
0x30e: {  	v19 =	vld [tilespmem:s22+$0x4A20]  }
0x30f: {  	v20 =	vld [tilespmem:s22+$0x4A30]  }
0x310: {  	v21 =	vld [tilespmem:s22+$0x4A40]  }
0x311: {  	v22 =	vld [tilespmem:s22+$0x4A50]  }
0x312: {  	v23 =	vld [tilespmem:s22+$0x4A60]  }
0x313: {  	v24 =	vld [tilespmem:s22+$0x4A70]  }
0x314: {  	v25 =	vld [tilespmem:s22+$0x4E00]  }
0x315: {  	v26 =	vld [tilespmem:s22+$0x4E10]  }
0x316: {  	v27 =	vld [tilespmem:s22+$0x4E20]  }
0x317: {  	v28 =	vld [tilespmem:s22+$0x4E30]  }
0x318: {  	v29 =	vld [tilespmem:s22+$0x4E40]  }
0x319: {  	v30 =	vld [tilespmem:s22+$0x4E50]  }
0x31a: {  	v31 =	vld [tilespmem:s22+$0x4E60]  }
0x31b: {  	v32 =	vld [tilespmem:s22+$0x4E70]  }
0x31c: {  	v33 =	vld [tilespmem:s22+$0x5200]  }
0x31d: {  	v34 =	vld [tilespmem:s22+$0x5210]  }
0x31e: {  	v35 =	vld [tilespmem:s22+$0x5220]  }
0x31f: {  	v36 =	vld [tilespmem:s22+$0x5230]  }
0x320: {  	v37 =	vld [tilespmem:s22+$0x5240]  }
0x321: {  	v38 =	vld [tilespmem:s22+$0x5250]  }
0x322: {  	v39 =	vld [tilespmem:s22+$0x5260]  }
0x323: {  	v40 =	vld [tilespmem:s22+$0x5270]  }
0x324: {  	v41 =	vld [tilespmem:s22+$0x5600]  }
0x325: {  	v42 =	vld [tilespmem:s22+$0x5610]  }
0x326: {  	v43 =	vld [tilespmem:s22+$0x5620]  }
0x327: {  	v44 =	vld [tilespmem:s22+$0x5630]  }
0x328: {  	v45 =	vld [tilespmem:s22+$0x5640]  }
0x329: {  	v46 =	vld [tilespmem:s22+$0x5650]  }
0x32a: {  	v47 =	vld [tilespmem:s22+$0x5660]  }
0x32b: {  	v48 =	vld [tilespmem:s22+$0x5670]  }
0x32c: {  	v49 =	vld [tilespmem:s22+$0x5A00]  }
0x32d: {  	v50 =	vld [tilespmem:s22+$0x5A10]  }
0x32e: {  	v51 =	vld [tilespmem:s22+$0x5A20]  }
0x32f: {  	v52 =	vld [tilespmem:s22+$0x5A30]  }
0x330: {  	v53 =	vld [tilespmem:s22+$0x5A40]  }
0x331: {  	v54 =	vld [tilespmem:s22+$0x5A50]  }
0x332: {  	v55 =	vld [tilespmem:s22+$0x5A60]  }
0x333: {  	v56 =	vld [tilespmem:s22+$0x5A70]  }
0x334: {  	v57 =	vld [tilespmem:s22+$0x5E00]  }
0x335: {  	v58 =	vld [tilespmem:s22+$0x5E10]  }
0x336: {  	v59 =	vld [tilespmem:s22+$0x5E20]  }
0x337: {  	v60 =	vld [tilespmem:s22+$0x5E30]  }
0x338: {  	v61 =	vld [tilespmem:s22+$0x5E40]  }
0x339: {  	v62 =	vld [tilespmem:s22+$0x5E50]  }
0x33a: {  	v63 =	vld [tilespmem:s22+$0x5E60]  }
0x33b: {  	[tilespmem:s22+$0xDE70] =	vst.add.f32.msk $0xffff, v0  }
0x33c: {  	v0 =	vld [tilespmem:s22+$0x4240]  }
0x33d: {  	[tilespmem:s22+$0xC200] =	vst.add.f32.msk $0xffff, v2  }
0x33e: {  	[tilespmem:s22+$0xC210] =	vst.add.f32.msk $0xffff, v3  }
0x33f: {  	[tilespmem:s22+$0xC220] =	vst.add.f32.msk $0xffff, v4  }
0x340: {  	[tilespmem:s22+$0xC230] =	vst.add.f32.msk $0xffff, v5  }
0x341: {  	[tilespmem:s22+$0xC250] =	vst.add.f32.msk $0xffff, v6  }
0x342: {  	[tilespmem:s22+$0xC260] =	vst.add.f32.msk $0xffff, v7  }
0x343: {  	[tilespmem:s22+$0xC270] =	vst.add.f32.msk $0xffff, v8  }
0x344: {  	[tilespmem:s22+$0xC600] =	vst.add.f32.msk $0xffff, v9  }
0x345: {  	[tilespmem:s22+$0xC610] =	vst.add.f32.msk $0xffff, v10  }
0x346: {  	[tilespmem:s22+$0xC620] =	vst.add.f32.msk $0xffff, v11  }
0x347: {  	[tilespmem:s22+$0xC630] =	vst.add.f32.msk $0xffff, v12  }
0x348: {  	[tilespmem:s22+$0xC640] =	vst.add.f32.msk $0xffff, v13  }
0x349: {  	[tilespmem:s22+$0xC650] =	vst.add.f32.msk $0xffff, v14  }
0x34a: {  	[tilespmem:s22+$0xC660] =	vst.add.f32.msk $0xffff, v15  }
0x34b: {  	[tilespmem:s22+$0xC670] =	vst.add.f32.msk $0xffff, v16  }
0x34c: {  	[tilespmem:s22+$0xCA00] =	vst.add.f32.msk $0xffff, v17  }
0x34d: {  	[tilespmem:s22+$0xCA10] =	vst.add.f32.msk $0xffff, v18  }
0x34e: {  	[tilespmem:s22+$0xCA20] =	vst.add.f32.msk $0xffff, v19  }
0x34f: {  	[tilespmem:s22+$0xCA30] =	vst.add.f32.msk $0xffff, v20  }
0x350: {  	[tilespmem:s22+$0xCA40] =	vst.add.f32.msk $0xffff, v21  }
0x351: {  	[tilespmem:s22+$0xCA50] =	vst.add.f32.msk $0xffff, v22  }
0x352: {  	[tilespmem:s22+$0xCA60] =	vst.add.f32.msk $0xffff, v23  }
0x353: {  	[tilespmem:s22+$0xCA70] =	vst.add.f32.msk $0xffff, v24  }
0x354: {  	[tilespmem:s22+$0xCE00] =	vst.add.f32.msk $0xffff, v25  }
0x355: {  	[tilespmem:s22+$0xCE10] =	vst.add.f32.msk $0xffff, v26  }
0x356: {  	[tilespmem:s22+$0xCE20] =	vst.add.f32.msk $0xffff, v27  }
0x357: {  	[tilespmem:s22+$0xCE30] =	vst.add.f32.msk $0xffff, v28  }
0x358: {  	[tilespmem:s22+$0xCE40] =	vst.add.f32.msk $0xffff, v29  }
0x359: {  	[tilespmem:s22+$0xCE50] =	vst.add.f32.msk $0xffff, v30  }
0x35a: {  	[tilespmem:s22+$0xCE60] =	vst.add.f32.msk $0xffff, v31  }
0x35b: {  	[tilespmem:s22+$0xCE70] =	vst.add.f32.msk $0xffff, v32  }
0x35c: {  	[tilespmem:s22+$0xD200] =	vst.add.f32.msk $0xffff, v33  }
0x35d: {  	[tilespmem:s22+$0xD210] =	vst.add.f32.msk $0xffff, v34  }
0x35e: {  	[tilespmem:s22+$0xD220] =	vst.add.f32.msk $0xffff, v35  }
0x35f: {  	[tilespmem:s22+$0xD230] =	vst.add.f32.msk $0xffff, v36  }
0x360: {  	[tilespmem:s22+$0xD240] =	vst.add.f32.msk $0xffff, v37  }
0x361: {  	[tilespmem:s22+$0xD250] =	vst.add.f32.msk $0xffff, v38  }
0x362: {  	[tilespmem:s22+$0xD260] =	vst.add.f32.msk $0xffff, v39  }
0x363: {  	[tilespmem:s22+$0xD270] =	vst.add.f32.msk $0xffff, v40  }
0x364: {  	[tilespmem:s22+$0xD600] =	vst.add.f32.msk $0xffff, v41  }
0x365: {  	[tilespmem:s22+$0xD610] =	vst.add.f32.msk $0xffff, v42  }
0x366: {  	[tilespmem:s22+$0xD620] =	vst.add.f32.msk $0xffff, v43  }
0x367: {  	[tilespmem:s22+$0xD630] =	vst.add.f32.msk $0xffff, v44  }
0x368: {  	[tilespmem:s22+$0xD640] =	vst.add.f32.msk $0xffff, v45  }
0x369: {  	[tilespmem:s22+$0xD650] =	vst.add.f32.msk $0xffff, v46  }
0x36a: {  	[tilespmem:s22+$0xD660] =	vst.add.f32.msk $0xffff, v47  }
0x36b: {  	[tilespmem:s22+$0xD670] =	vst.add.f32.msk $0xffff, v48  }
0x36c: {  	[tilespmem:s22+$0xDA00] =	vst.add.f32.msk $0xffff, v49  }
0x36d: {  	[tilespmem:s22+$0xDA10] =	vst.add.f32.msk $0xffff, v50  }
0x36e: {  	[tilespmem:s22+$0xDA20] =	vst.add.f32.msk $0xffff, v51  }
0x36f: {  	[tilespmem:s22+$0xDA30] =	vst.add.f32.msk $0xffff, v52  }
0x370: {  	[tilespmem:s22+$0xDA40] =	vst.add.f32.msk $0xffff, v53  }
0x371: {  	[tilespmem:s22+$0xDA50] =	vst.add.f32.msk $0xffff, v54  }
0x372: {  	[tilespmem:s22+$0xDA60] =	vst.add.f32.msk $0xffff, v55  }
0x373: {  	[tilespmem:s22+$0xDA70] =	vst.add.f32.msk $0xffff, v56  }
0x374: {  	[tilespmem:s22+$0xDE00] =	vst.add.f32.msk $0xffff, v57  }
0x375: {  	[tilespmem:s22+$0xDE10] =	vst.add.f32.msk $0xffff, v58  }
0x376: {  	[tilespmem:s22+$0xDE20] =	vst.add.f32.msk $0xffff, v59  }
0x377: {  	[tilespmem:s22+$0xDE30] =	vst.add.f32.msk $0xffff, v60  }
0x378: {  	[tilespmem:s22+$0xDE40] =	vst.add.f32.msk $0xffff, v61  }
0x379: {  	[tilespmem:s22+$0xDE50] =	vst.add.f32.msk $0xffff, v62  }
0x37a: {  	s21 =	sor.u32 $0x800, s21;
	[tilespmem:s22+$0xDE60] =	vst.add.f32.msk $0xffff, v63  }
0x37b: {  	s21 =	sadd.s32 s3, s21;
	[tilespmem:s22+$0xC240] =	vst.add.f32.msk $0xffff, v0  }
0x37c: {  	[hbm4b:s21+s4] =	stream.linear.scatter [tilespmem:s23], [sflag:$0x7], $0x2000, $0x38;
	[tilespmem:$0x10200] =	vst v63  }
0x37d: {  	s21 =	sadd.s32 @!p0 $0x5, s12  }
0x37e: {  	s22 =	sshll.u32 @!p0 s21, $0x1;
	s21 =	sshll.u32 @!p0 s21, $0x5  }
0x37f: {  	_ =	swait.ge [sflag:s17], $0x2000;
	s22 =	sand.u32 @!p0 $0x60, s22;
	s21 =	sand.u32 @!p0 $0x180, s21  }
0x380: {  	[sflag:s17] =	ssyncset.done $0x0;
	s21 =	sor.u32 @!p0 s22, s21  }
0x381: {  	[sflag:s17] =	ssyncadd.s32 $0xFFFFE000;
	s21 =	sor.u32 @!p0 $0x8, s21  }
0x382: {  	v0 =	vld.msk @!p0 [tilespmem:s21+$0x0], $0xff;
	_ =	sdelay $0x4  }
0x383: {  	v2 =	vshll.u32 @!p0 v0, $0x3  }
0x384: {  	v3 =	vlaneseq.u32 @!p0;
	v0 =	vand.u32 @!p0 $0x7, v0;
	v2 =	vand.u32 @!p0 $0xFFFFFFC0, v2  }
0x385: {  	v0 =	vor.u32 @!p0 v0, v2;
	v2 =	vand.u32 @!p0 $0x7, v3;
	v3 =	vshrl.u32 @!p0 v3, $0x3  }
0x386: {  	v0 =	vperm.xlane @!p0 v0, v2;
	v2 =	vmul.u32 @!p0 $0x8, v3;
	_ =	sdelay $0x1  }
0x387: {  	v0 =	vadd.s32 @!p0 v2, v0;
	_ =	sdelay $0x3  }
0x388: {  	s22 =	simm.s32 @!p0 $0xA200;
	s21 =	simm.s32 @!p0 $0x0  }
0x389: {  	[tilespmem:s22], [sflag:$0x2] =	stream.indirect_vreg.gather @!p0 [hbm4b:s1+s21], $0x80, v0, vm1, $0xb8;
	[tilespmem:$0x10200] =	vst v63  }
0x38a: {  	s22 =	simm.s32 @!p0 $0xAA00  }
0x38b: {  	[tilespmem:s22], [sflag:$0x2] =	stream.indirect_vreg.gather @!p0 [hbm4b:s8+s21], $0x80, v0, vm1, $0xb8;
	[tilespmem:$0x10200] =	vst v63  }
0x38c: {  	s22 =	simm.s32 @!p0 $0xB200  }
0x38d: {  	[tilespmem:s22], [sflag:$0x2] =	stream.indirect_vreg.gather @!p0 [hbm4b:s9+s21], $0x80, v0, vm1, $0xb8;
	[tilespmem:$0x10200] =	vst v63  }
0x38e: {  	s22 =	simm.s32 @!p0 $0xBA00  }
0x38f: {  	[tilespmem:s22], [sflag:$0x2] =	stream.indirect_vreg.gather @!p0 [hbm4b:s10+s21], $0x80, v0, vm1, $0xb8;
	[tilespmem:$0x10200] =	vst v63  }
0x390: {  	_ =	swait.ge [sflag:s18], $0x2000  }
0x391: {  	[sflag:s18] =	ssyncset.done $0x0  }
0x392: {  	s21 =	simm.s32 $0x0;
	s22 =	simm.s32 $0x200;
	[sflag:s18] =	ssyncadd.s32 $0xFFFFE000  }
.LBB2_9:
0x393: {  	p1 =	sne.s32 s22, $0xE00;
	v0 =	vld [tilespmem:s21+$0x7E70]  }
0x394: {  	v2 =	vld [tilespmem:s21+$0x6200]  }
0x395: {  	v3 =	vld [tilespmem:s21+$0x6210]  }
0x396: {  	v4 =	vld [tilespmem:s21+$0x6220]  }
0x397: {  	v5 =	vld [tilespmem:s21+$0x6230]  }
0x398: {  	[tilespmem:s21+$0xFE70] =	vst.add.f32.msk $0xffff, v0  }
0x399: {  	v0 =	vld [tilespmem:s21+$0x6240]  }
0x39a: {  	v6 =	vld [tilespmem:s21+$0x6250]  }
0x39b: {  	v7 =	vld [tilespmem:s21+$0x6260]  }
0x39c: {  	v8 =	vld [tilespmem:s21+$0x6270]  }
0x39d: {  	v9 =	vld [tilespmem:s21+$0x6600]  }
0x39e: {  	v10 =	vld [tilespmem:s21+$0x6610]  }
0x39f: {  	v11 =	vld [tilespmem:s21+$0x6620]  }
0x3a0: {  	v12 =	vld [tilespmem:s21+$0x6630]  }
0x3a1: {  	v13 =	vld [tilespmem:s21+$0x6640]  }
0x3a2: {  	v14 =	vld [tilespmem:s21+$0x6650]  }
0x3a3: {  	v15 =	vld [tilespmem:s21+$0x6660]  }
0x3a4: {  	v16 =	vld [tilespmem:s21+$0x6670]  }
0x3a5: {  	v17 =	vld [tilespmem:s21+$0x6A00]  }
0x3a6: {  	v18 =	vld [tilespmem:s21+$0x6A10]  }
0x3a7: {  	v19 =	vld [tilespmem:s21+$0x6A20]  }
0x3a8: {  	v20 =	vld [tilespmem:s21+$0x6A30]  }
0x3a9: {  	v21 =	vld [tilespmem:s21+$0x6A40]  }
0x3aa: {  	v22 =	vld [tilespmem:s21+$0x6A50]  }
0x3ab: {  	v23 =	vld [tilespmem:s21+$0x6A60]  }
0x3ac: {  	v24 =	vld [tilespmem:s21+$0x6A70]  }
0x3ad: {  	v25 =	vld [tilespmem:s21+$0x6E00]  }
0x3ae: {  	v26 =	vld [tilespmem:s21+$0x6E10]  }
0x3af: {  	v27 =	vld [tilespmem:s21+$0x6E20]  }
0x3b0: {  	v28 =	vld [tilespmem:s21+$0x6E30]  }
0x3b1: {  	v29 =	vld [tilespmem:s21+$0x6E40]  }
0x3b2: {  	v30 =	vld [tilespmem:s21+$0x6E50]  }
0x3b3: {  	v31 =	vld [tilespmem:s21+$0x6E60]  }
0x3b4: {  	v32 =	vld [tilespmem:s21+$0x6E70]  }
0x3b5: {  	v33 =	vld [tilespmem:s21+$0x7200]  }
0x3b6: {  	v34 =	vld [tilespmem:s21+$0x7210]  }
0x3b7: {  	v35 =	vld [tilespmem:s21+$0x7220]  }
0x3b8: {  	v36 =	vld [tilespmem:s21+$0x7230]  }
0x3b9: {  	v37 =	vld [tilespmem:s21+$0x7240]  }
0x3ba: {  	v38 =	vld [tilespmem:s21+$0x7250]  }
0x3bb: {  	v39 =	vld [tilespmem:s21+$0x7260]  }
0x3bc: {  	v40 =	vld [tilespmem:s21+$0x7270]  }
0x3bd: {  	v41 =	vld [tilespmem:s21+$0x7600]  }
0x3be: {  	v42 =	vld [tilespmem:s21+$0x7610]  }
0x3bf: {  	v43 =	vld [tilespmem:s21+$0x7620]  }
0x3c0: {  	v44 =	vld [tilespmem:s21+$0x7630]  }
0x3c1: {  	v45 =	vld [tilespmem:s21+$0x7640]  }
0x3c2: {  	v46 =	vld [tilespmem:s21+$0x7650]  }
0x3c3: {  	v47 =	vld [tilespmem:s21+$0x7660]  }
0x3c4: {  	v48 =	vld [tilespmem:s21+$0x7670]  }
0x3c5: {  	v49 =	vld [tilespmem:s21+$0x7A00]  }
0x3c6: {  	v50 =	vld [tilespmem:s21+$0x7A10]  }
0x3c7: {  	v51 =	vld [tilespmem:s21+$0x7A20]  }
0x3c8: {  	v52 =	vld [tilespmem:s21+$0x7A30]  }
0x3c9: {  	v53 =	vld [tilespmem:s21+$0x7A40]  }
0x3ca: {  	v54 =	vld [tilespmem:s21+$0x7A50]  }
0x3cb: {  	v55 =	vld [tilespmem:s21+$0x7A60]  }
0x3cc: {  	v56 =	vld [tilespmem:s21+$0x7A70]  }
0x3cd: {  	v57 =	vld [tilespmem:s21+$0x7E00]  }
0x3ce: {  	v58 =	vld [tilespmem:s21+$0x7E10]  }
0x3cf: {  	v59 =	vld [tilespmem:s21+$0x7E20]  }
0x3d0: {  	v60 =	vld [tilespmem:s21+$0x7E30]  }
0x3d1: {  	v61 =	vld [tilespmem:s21+$0x7E40]  }
0x3d2: {  	v62 =	vld [tilespmem:s21+$0x7E50]  }
0x3d3: {  	v63 =	vld [tilespmem:s21+$0x7E60]  }
0x3d4: {  	[tilespmem:s21+$0xE200] =	vst.add.f32.msk $0xffff, v2  }
0x3d5: {  	[tilespmem:s21+$0xE210] =	vst.add.f32.msk $0xffff, v3  }
0x3d6: {  	[tilespmem:s21+$0xE220] =	vst.add.f32.msk $0xffff, v4  }
0x3d7: {  	[tilespmem:s21+$0xE230] =	vst.add.f32.msk $0xffff, v5  }
0x3d8: {  	[tilespmem:s21+$0xE240] =	vst.add.f32.msk $0xffff, v0  }
0x3d9: {  	[tilespmem:s21+$0xE250] =	vst.add.f32.msk $0xffff, v6  }
0x3da: {  	[tilespmem:s21+$0xE260] =	vst.add.f32.msk $0xffff, v7  }
0x3db: {  	[tilespmem:s21+$0xE270] =	vst.add.f32.msk $0xffff, v8  }
0x3dc: {  	[tilespmem:s21+$0xE600] =	vst.add.f32.msk $0xffff, v9  }
0x3dd: {  	[tilespmem:s21+$0xE610] =	vst.add.f32.msk $0xffff, v10  }
0x3de: {  	[tilespmem:s21+$0xE620] =	vst.add.f32.msk $0xffff, v11  }
0x3df: {  	[tilespmem:s21+$0xE630] =	vst.add.f32.msk $0xffff, v12  }
0x3e0: {  	[tilespmem:s21+$0xE640] =	vst.add.f32.msk $0xffff, v13  }
0x3e1: {  	[tilespmem:s21+$0xE650] =	vst.add.f32.msk $0xffff, v14  }
0x3e2: {  	[tilespmem:s21+$0xE660] =	vst.add.f32.msk $0xffff, v15  }
0x3e3: {  	[tilespmem:s21+$0xE670] =	vst.add.f32.msk $0xffff, v16  }
0x3e4: {  	[tilespmem:s21+$0xEA00] =	vst.add.f32.msk $0xffff, v17  }
0x3e5: {  	[tilespmem:s21+$0xEA10] =	vst.add.f32.msk $0xffff, v18  }
0x3e6: {  	[tilespmem:s21+$0xEA20] =	vst.add.f32.msk $0xffff, v19  }
0x3e7: {  	[tilespmem:s21+$0xEA30] =	vst.add.f32.msk $0xffff, v20  }
0x3e8: {  	[tilespmem:s21+$0xEA40] =	vst.add.f32.msk $0xffff, v21  }
0x3e9: {  	[tilespmem:s21+$0xEA50] =	vst.add.f32.msk $0xffff, v22  }
0x3ea: {  	[tilespmem:s21+$0xEA60] =	vst.add.f32.msk $0xffff, v23  }
0x3eb: {  	[tilespmem:s21+$0xEA70] =	vst.add.f32.msk $0xffff, v24  }
0x3ec: {  	[tilespmem:s21+$0xEE00] =	vst.add.f32.msk $0xffff, v25  }
0x3ed: {  	[tilespmem:s21+$0xEE10] =	vst.add.f32.msk $0xffff, v26  }
0x3ee: {  	[tilespmem:s21+$0xEE20] =	vst.add.f32.msk $0xffff, v27  }
0x3ef: {  	[tilespmem:s21+$0xEE30] =	vst.add.f32.msk $0xffff, v28  }
0x3f0: {  	[tilespmem:s21+$0xEE40] =	vst.add.f32.msk $0xffff, v29  }
0x3f1: {  	[tilespmem:s21+$0xEE50] =	vst.add.f32.msk $0xffff, v30  }
0x3f2: {  	[tilespmem:s21+$0xEE60] =	vst.add.f32.msk $0xffff, v31  }
0x3f3: {  	[tilespmem:s21+$0xEE70] =	vst.add.f32.msk $0xffff, v32  }
0x3f4: {  	[tilespmem:s21+$0xF200] =	vst.add.f32.msk $0xffff, v33  }
0x3f5: {  	[tilespmem:s21+$0xF210] =	vst.add.f32.msk $0xffff, v34  }
0x3f6: {  	[tilespmem:s21+$0xF220] =	vst.add.f32.msk $0xffff, v35  }
0x3f7: {  	[tilespmem:s21+$0xF230] =	vst.add.f32.msk $0xffff, v36  }
0x3f8: {  	[tilespmem:s21+$0xF240] =	vst.add.f32.msk $0xffff, v37  }
0x3f9: {  	[tilespmem:s21+$0xF250] =	vst.add.f32.msk $0xffff, v38  }
0x3fa: {  	[tilespmem:s21+$0xF260] =	vst.add.f32.msk $0xffff, v39  }
0x3fb: {  	[tilespmem:s21+$0xF270] =	vst.add.f32.msk $0xffff, v40  }
0x3fc: {  	[tilespmem:s21+$0xF600] =	vst.add.f32.msk $0xffff, v41  }
0x3fd: {  	[tilespmem:s21+$0xF610] =	vst.add.f32.msk $0xffff, v42  }
0x3fe: {  	[tilespmem:s21+$0xF620] =	vst.add.f32.msk $0xffff, v43  }
0x3ff: {  	[tilespmem:s21+$0xF630] =	vst.add.f32.msk $0xffff, v44  }
0x400: {  	[tilespmem:s21+$0xF640] =	vst.add.f32.msk $0xffff, v45  }
0x401: {  	[tilespmem:s21+$0xF650] =	vst.add.f32.msk $0xffff, v46  }
0x402: {  	[tilespmem:s21+$0xF660] =	vst.add.f32.msk $0xffff, v47  }
0x403: {  	[tilespmem:s21+$0xF670] =	vst.add.f32.msk $0xffff, v48  }
0x404: {  	[tilespmem:s21+$0xFA00] =	vst.add.f32.msk $0xffff, v49  }
0x405: {  	[tilespmem:s21+$0xFA10] =	vst.add.f32.msk $0xffff, v50  }
0x406: {  	[tilespmem:s21+$0xFA20] =	vst.add.f32.msk $0xffff, v51  }
0x407: {  	[tilespmem:s21+$0xFA30] =	vst.add.f32.msk $0xffff, v52  }
0x408: {  	[tilespmem:s21+$0xFA40] =	vst.add.f32.msk $0xffff, v53  }
0x409: {  	[tilespmem:s21+$0xFA50] =	vst.add.f32.msk $0xffff, v54  }
0x40a: {  	[tilespmem:s21+$0xFA60] =	vst.add.f32.msk $0xffff, v55  }
0x40b: {  	[tilespmem:s21+$0xFA70] =	vst.add.f32.msk $0xffff, v56  }
0x40c: {  	[tilespmem:s21+$0xFE00] =	vst.add.f32.msk $0xffff, v57  }
0x40d: {  	[tilespmem:s21+$0xFE10] =	vst.add.f32.msk $0xffff, v58  }
.Ltmp5:
0x40e: {  	[tilespmem:s21+$0xFE20] =	vst.add.f32.msk $0xffff, v59;
	(pc) =	sbr.rel @p1 .LBB2_9-.Ltmp5, $4  }
0x40f: {  	[tilespmem:s21+$0xFE30] =	vst.add.f32.msk $0xffff, v60  }
0x410: {  	[tilespmem:s21+$0xFE40] =	vst.add.f32.msk $0xffff, v61  }
0x411: {  	[tilespmem:s21+$0xFE50] =	vst.add.f32.msk $0xffff, v62  }
0x412: {  	[tilespmem:s21+$0xFE60] =	vst.add.f32.msk $0xffff, v63;
	s21 =	sshra.s32 s22, $0x2;
	s22 =	sadd.s32 $0x200, s22  }
0x413: {  	v0 =	vld [tilespmem:s21+$0x7E70]  }
0x414: {  	v2 =	vld [tilespmem:s21+$0x6200]  }
0x415: {  	v3 =	vld [tilespmem:s21+$0x6210]  }
0x416: {  	v4 =	vld [tilespmem:s21+$0x6220]  }
0x417: {  	v5 =	vld [tilespmem:s21+$0x6230]  }
0x418: {  	v6 =	vld [tilespmem:s21+$0x6250]  }
0x419: {  	v7 =	vld [tilespmem:s21+$0x6260]  }
0x41a: {  	v8 =	vld [tilespmem:s21+$0x6270]  }
0x41b: {  	v9 =	vld [tilespmem:s21+$0x6600]  }
0x41c: {  	v10 =	vld [tilespmem:s21+$0x6610]  }
0x41d: {  	v11 =	vld [tilespmem:s21+$0x6620]  }
0x41e: {  	v12 =	vld [tilespmem:s21+$0x6630]  }
0x41f: {  	v13 =	vld [tilespmem:s21+$0x6640]  }
0x420: {  	v14 =	vld [tilespmem:s21+$0x6650]  }
0x421: {  	v15 =	vld [tilespmem:s21+$0x6660]  }
0x422: {  	v16 =	vld [tilespmem:s21+$0x6670]  }
0x423: {  	v17 =	vld [tilespmem:s21+$0x6A00]  }
0x424: {  	v18 =	vld [tilespmem:s21+$0x6A10]  }
0x425: {  	v19 =	vld [tilespmem:s21+$0x6A20]  }
0x426: {  	v20 =	vld [tilespmem:s21+$0x6A30]  }
0x427: {  	v21 =	vld [tilespmem:s21+$0x6A40]  }
0x428: {  	v22 =	vld [tilespmem:s21+$0x6A50]  }
0x429: {  	v23 =	vld [tilespmem:s21+$0x6A60]  }
0x42a: {  	v24 =	vld [tilespmem:s21+$0x6A70]  }
0x42b: {  	v25 =	vld [tilespmem:s21+$0x6E00]  }
0x42c: {  	v26 =	vld [tilespmem:s21+$0x6E10]  }
0x42d: {  	v27 =	vld [tilespmem:s21+$0x6E20]  }
0x42e: {  	v28 =	vld [tilespmem:s21+$0x6E30]  }
0x42f: {  	v29 =	vld [tilespmem:s21+$0x6E40]  }
0x430: {  	v30 =	vld [tilespmem:s21+$0x6E50]  }
0x431: {  	v31 =	vld [tilespmem:s21+$0x6E60]  }
0x432: {  	v32 =	vld [tilespmem:s21+$0x6E70]  }
0x433: {  	v33 =	vld [tilespmem:s21+$0x7200]  }
0x434: {  	v34 =	vld [tilespmem:s21+$0x7210]  }
0x435: {  	v35 =	vld [tilespmem:s21+$0x7220]  }
0x436: {  	v36 =	vld [tilespmem:s21+$0x7230]  }
0x437: {  	v37 =	vld [tilespmem:s21+$0x7240]  }
0x438: {  	v38 =	vld [tilespmem:s21+$0x7250]  }
0x439: {  	v39 =	vld [tilespmem:s21+$0x7260]  }
0x43a: {  	v40 =	vld [tilespmem:s21+$0x7270]  }
0x43b: {  	v41 =	vld [tilespmem:s21+$0x7600]  }
0x43c: {  	v42 =	vld [tilespmem:s21+$0x7610]  }
0x43d: {  	v43 =	vld [tilespmem:s21+$0x7620]  }
0x43e: {  	v44 =	vld [tilespmem:s21+$0x7630]  }
0x43f: {  	v45 =	vld [tilespmem:s21+$0x7640]  }
0x440: {  	v46 =	vld [tilespmem:s21+$0x7650]  }
0x441: {  	v47 =	vld [tilespmem:s21+$0x7660]  }
0x442: {  	v48 =	vld [tilespmem:s21+$0x7670]  }
0x443: {  	v49 =	vld [tilespmem:s21+$0x7A00]  }
0x444: {  	v50 =	vld [tilespmem:s21+$0x7A10]  }
0x445: {  	v51 =	vld [tilespmem:s21+$0x7A20]  }
0x446: {  	v52 =	vld [tilespmem:s21+$0x7A30]  }
0x447: {  	v53 =	vld [tilespmem:s21+$0x7A40]  }
0x448: {  	v54 =	vld [tilespmem:s21+$0x7A50]  }
0x449: {  	v55 =	vld [tilespmem:s21+$0x7A60]  }
0x44a: {  	v56 =	vld [tilespmem:s21+$0x7A70]  }
0x44b: {  	v57 =	vld [tilespmem:s21+$0x7E00]  }
0x44c: {  	v58 =	vld [tilespmem:s21+$0x7E10]  }
0x44d: {  	v59 =	vld [tilespmem:s21+$0x7E20]  }
0x44e: {  	v60 =	vld [tilespmem:s21+$0x7E30]  }
0x44f: {  	v61 =	vld [tilespmem:s21+$0x7E40]  }
0x450: {  	v62 =	vld [tilespmem:s21+$0x7E50]  }
0x451: {  	v63 =	vld [tilespmem:s21+$0x7E60]  }
0x452: {  	[tilespmem:s21+$0xFE70] =	vst.add.f32.msk $0xffff, v0  }
0x453: {  	v0 =	vld [tilespmem:s21+$0x6240]  }
0x454: {  	[tilespmem:s21+$0xE200] =	vst.add.f32.msk $0xffff, v2  }
0x455: {  	[tilespmem:s21+$0xE210] =	vst.add.f32.msk $0xffff, v3  }
0x456: {  	[tilespmem:s21+$0xE220] =	vst.add.f32.msk $0xffff, v4  }
0x457: {  	[tilespmem:s21+$0xE230] =	vst.add.f32.msk $0xffff, v5  }
0x458: {  	[tilespmem:s21+$0xE250] =	vst.add.f32.msk $0xffff, v6  }
0x459: {  	[tilespmem:s21+$0xE260] =	vst.add.f32.msk $0xffff, v7  }
0x45a: {  	[tilespmem:s21+$0xE270] =	vst.add.f32.msk $0xffff, v8  }
0x45b: {  	[tilespmem:s21+$0xE600] =	vst.add.f32.msk $0xffff, v9  }
0x45c: {  	[tilespmem:s21+$0xE610] =	vst.add.f32.msk $0xffff, v10  }
0x45d: {  	[tilespmem:s21+$0xE620] =	vst.add.f32.msk $0xffff, v11  }
0x45e: {  	[tilespmem:s21+$0xE630] =	vst.add.f32.msk $0xffff, v12  }
0x45f: {  	[tilespmem:s21+$0xE640] =	vst.add.f32.msk $0xffff, v13  }
0x460: {  	[tilespmem:s21+$0xE650] =	vst.add.f32.msk $0xffff, v14  }
0x461: {  	[tilespmem:s21+$0xE660] =	vst.add.f32.msk $0xffff, v15  }
0x462: {  	[tilespmem:s21+$0xE670] =	vst.add.f32.msk $0xffff, v16  }
0x463: {  	[tilespmem:s21+$0xEA00] =	vst.add.f32.msk $0xffff, v17  }
0x464: {  	[tilespmem:s21+$0xEA10] =	vst.add.f32.msk $0xffff, v18  }
0x465: {  	[tilespmem:s21+$0xEA20] =	vst.add.f32.msk $0xffff, v19  }
0x466: {  	[tilespmem:s21+$0xEA30] =	vst.add.f32.msk $0xffff, v20  }
0x467: {  	[tilespmem:s21+$0xEA40] =	vst.add.f32.msk $0xffff, v21  }
0x468: {  	[tilespmem:s21+$0xEA50] =	vst.add.f32.msk $0xffff, v22  }
0x469: {  	[tilespmem:s21+$0xEA60] =	vst.add.f32.msk $0xffff, v23  }
0x46a: {  	[tilespmem:s21+$0xEA70] =	vst.add.f32.msk $0xffff, v24  }
0x46b: {  	[tilespmem:s21+$0xEE00] =	vst.add.f32.msk $0xffff, v25  }
0x46c: {  	[tilespmem:s21+$0xEE10] =	vst.add.f32.msk $0xffff, v26  }
0x46d: {  	[tilespmem:s21+$0xEE20] =	vst.add.f32.msk $0xffff, v27  }
0x46e: {  	[tilespmem:s21+$0xEE30] =	vst.add.f32.msk $0xffff, v28  }
0x46f: {  	[tilespmem:s21+$0xEE40] =	vst.add.f32.msk $0xffff, v29  }
0x470: {  	[tilespmem:s21+$0xEE50] =	vst.add.f32.msk $0xffff, v30  }
0x471: {  	[tilespmem:s21+$0xEE60] =	vst.add.f32.msk $0xffff, v31  }
0x472: {  	[tilespmem:s21+$0xEE70] =	vst.add.f32.msk $0xffff, v32  }
0x473: {  	[tilespmem:s21+$0xF200] =	vst.add.f32.msk $0xffff, v33  }
0x474: {  	[tilespmem:s21+$0xF210] =	vst.add.f32.msk $0xffff, v34  }
0x475: {  	[tilespmem:s21+$0xF220] =	vst.add.f32.msk $0xffff, v35  }
0x476: {  	[tilespmem:s21+$0xF230] =	vst.add.f32.msk $0xffff, v36  }
0x477: {  	[tilespmem:s21+$0xF240] =	vst.add.f32.msk $0xffff, v37  }
0x478: {  	[tilespmem:s21+$0xF250] =	vst.add.f32.msk $0xffff, v38  }
0x479: {  	[tilespmem:s21+$0xF260] =	vst.add.f32.msk $0xffff, v39  }
0x47a: {  	[tilespmem:s21+$0xF270] =	vst.add.f32.msk $0xffff, v40  }
0x47b: {  	[tilespmem:s21+$0xF600] =	vst.add.f32.msk $0xffff, v41  }
0x47c: {  	[tilespmem:s21+$0xF610] =	vst.add.f32.msk $0xffff, v42  }
0x47d: {  	[tilespmem:s21+$0xF620] =	vst.add.f32.msk $0xffff, v43  }
0x47e: {  	[tilespmem:s21+$0xF630] =	vst.add.f32.msk $0xffff, v44  }
0x47f: {  	[tilespmem:s21+$0xF640] =	vst.add.f32.msk $0xffff, v45  }
0x480: {  	[tilespmem:s21+$0xF650] =	vst.add.f32.msk $0xffff, v46  }
0x481: {  	[tilespmem:s21+$0xF660] =	vst.add.f32.msk $0xffff, v47  }
0x482: {  	[tilespmem:s21+$0xF670] =	vst.add.f32.msk $0xffff, v48  }
0x483: {  	[tilespmem:s21+$0xFA00] =	vst.add.f32.msk $0xffff, v49  }
0x484: {  	[tilespmem:s21+$0xFA10] =	vst.add.f32.msk $0xffff, v50  }
0x485: {  	[tilespmem:s21+$0xFA20] =	vst.add.f32.msk $0xffff, v51  }
0x486: {  	[tilespmem:s21+$0xFA30] =	vst.add.f32.msk $0xffff, v52  }
0x487: {  	[tilespmem:s21+$0xFA40] =	vst.add.f32.msk $0xffff, v53  }
0x488: {  	[tilespmem:s21+$0xFA50] =	vst.add.f32.msk $0xffff, v54  }
0x489: {  	[tilespmem:s21+$0xFA60] =	vst.add.f32.msk $0xffff, v55  }
0x48a: {  	[tilespmem:s21+$0xFA70] =	vst.add.f32.msk $0xffff, v56  }
0x48b: {  	[tilespmem:s21+$0xFE00] =	vst.add.f32.msk $0xffff, v57  }
0x48c: {  	[tilespmem:s21+$0xFE10] =	vst.add.f32.msk $0xffff, v58  }
0x48d: {  	[tilespmem:s21+$0xFE20] =	vst.add.f32.msk $0xffff, v59  }
0x48e: {  	[tilespmem:s21+$0xFE30] =	vst.add.f32.msk $0xffff, v60  }
0x48f: {  	s13 =	sor.u32 $0x18, s13;
	[tilespmem:s21+$0xFE40] =	vst.add.f32.msk $0xffff, v61  }
0x490: {  	s7 =	sor.u32 s13, s7;
	[tilespmem:s21+$0xFE50] =	vst.add.f32.msk $0xffff, v62  }
0x491: {  	p1 =	sne.s32 s6, $0x3;
	s7 =	sadd.s32 s5, s7;
	[tilespmem:s21+$0xFE60] =	vst.add.f32.msk $0xffff, v63  }
0x492: {  	s22 =	simm.s32 @!p1 $0x200;
	s7 =	sshll.u32 s7, $0x7;
	[tilespmem:s21+$0xE240] =	vst.add.f32.msk $0xffff, v0;
	s21 =	simm.s32 @!p1 $0x0  }
0x493: {  	[tilespmem:s22], [sflag:$0x9] =	stream.linear.gather @!p1 [hbm4b:s11+s21], $0x8000, $0x38;
	[tilespmem:$0x10200] =	vst v63  }
.Ltmp6:
0x494: {  	s7 =	sadd.s32 s3, s7;
	(pc) =	sbr.rel @p0 .LBB2_12-.Ltmp6, $4  }
0x495: {  	[hbm4b:s7+s4] =	stream.linear.scatter [tilespmem:s29], [sflag:$0x8], $0x2000, $0x38;
	[tilespmem:$0x10200] =	vst v63  }
0x496: {  	_ =	swait.ge [sflag:s20], $0x2000  }
0x497: {  	[sflag:s20] =	ssyncset.done $0x0  }
0x498: {  	[sflag:s20] =	ssyncadd.s32 $0xFFFFE000  }
0x499: {  	s7 =	sadd.s32 $0x6, s12  }
0x49a: {  	s12 =	sshll.u32 s7, $0x1;
	s7 =	sshll.u32 s7, $0x5  }
0x49b: {  	s12 =	sand.u32 $0x60, s12;
	s7 =	sand.u32 $0x180, s7  }
0x49c: {  	s7 =	sor.u32 s12, s7  }
0x49d: {  	s7 =	sor.u32 $0x10, s7  }
0x49e: {  	v0 =	vld.msk [tilespmem:s7+$0x0], $0xff;
	_ =	sdelay $0x4  }
0x49f: {  	v2 =	vshll.u32 v0, $0x3  }
0x4a0: {  	v0 =	vand.u32 $0x7, v0;
	v2 =	vand.u32 $0xFFFFFFC0, v2  }
0x4a1: {  	v0 =	vor.u32 v0, v2;
	v2 =	vld [tilespmem:$0x1FFF0];
	_ =	sdelay $0x4  }
0x4a2: {  	v0 =	vperm.xlane v0, v2;
	_ =	sdelay $0x1  }
0x4a3: {  	v0 =	vadd.s32 v1, v0;
	_ =	sdelay $0x4  }
0x4a4: {  	[tilespmem:s23], [sflag:$0x3] =	stream.indirect_vreg.gather [hbm4b:s1+s4], $0x80, v0, vm0, $0xb8;
	[tilespmem:$0x10200] =	vst v63  }
0x4a5: {  	s24 =	simm.s32 $0xCA00  }
0x4a6: {  	[tilespmem:s24], [sflag:$0x3] =	stream.indirect_vreg.gather [hbm4b:s8+s4], $0x80, v0, vm0, $0xb8;
	[tilespmem:$0x10200] =	vst v63  }
.Ltmp7:
0x4a7: {  	_ = 	snop;
	(pc) =	sbr.rel .LBB2_2-.Ltmp7, $4  }
0x4a8: {  	_ = 	snop  }
0x4a9: {  	[tilespmem:s25], [sflag:$0x3] =	stream.indirect_vreg.gather [hbm4b:s9+s4], $0x80, v0, vm0, $0xb8;
	[tilespmem:$0x10200] =	vst v63  }
0x4aa: {  	s6 =	sadd.s32 $0x1, s6  }
0x4ab: {  	[tilespmem:s26], [sflag:$0x3] =	stream.indirect_vreg.gather [hbm4b:s10+s4], $0x80, v0, vm0, $0xb8;
	[tilespmem:$0x10200] =	vst v63  }
.LBB2_13:
0x4ac: {  	_ =	sfence.sel $0x180000  }
0x4ad: {  	[bflag:$0x0] =	sbarrier.arrive $0xFFFF  }
0x4ae: {  	_ =	strace $0x90000047  }
0x4af: {  	s0 =	stileid.u32;
	[bflag:$0x2] =	sbarrier.arrive $0xFFFF  }
0x4b0: {  	p0 =	sne.s32 s0, $0x0;
	s0 =	rddreg [dreg:$0x4]  }
0x4b1: {  	s0 =	sadd.s32 @!p0 $0x100000, s0  }
0x4b2: {  	[sflag:s0] =	ssyncadd.tile.s32 @!p0 $0x1;
	_ =	shalt  }
.Lfunc_end2:
_tile_overlayer_lowered:
.L_overlay_start_2:
0x4b3: {  	(tag) =	ssettag $0x2  }
0x4b4: {  	s0 =	rddreg [dreg:$0x0];
	s2 =	stileid.u32  }
0x4b5: {  	s1 =	rddreg [dreg:$0x1];
	p0 =	sne.s32 s2, $0x0  }
0x4b6: {  	s3 =	rddreg [dreg:$0x2];
	[bflag:$0x3] =	sbarrier.arrive $0xFFFF;
	s2 =	simm.s32 @!p0 $0x1C0A  }
0x4b7: {  	[timem:s3], [sflag:s2] =	dma.local @!p0 [hbm:s0], s1  }
0x4b8: {  	s0 =	simm.s32 @!p0 $0xA  }
0x4b9: {  	_ =	swait.ge @!p0 [sflag:s0], s1  }
0x4ba: {  	s1 =	ssub.s32 @!p0 $0x0, s1;
	[sflag:s0] =	ssyncset.done @!p0 $0x0  }
0x4bb: {  	[sflag:s0] =	ssyncadd.s32 @!p0 s1  }
0x4bc: {  	[bflag:$0x3] =	sbarrier.arrive $0xFFFF  }
0x4bd: {  	_ =	shalt  }

</sc_bundles>
